<compile_context>
chip_gen: v7x
topology: tpu7x:2x2x1
jax: 0.10.2.dev20260603
libtpu: 0.0.44.dev20260713+nightly
codegen_flags: <defaults>
</compile_context>

<pallas_src>
import functools

import jax
import jax.numpy as jnp
from jax import lax
from jax.experimental import pallas as pl
from jax.experimental.pallas import tpu as pltpu
from jax.experimental.pallas import tpu_sc as plsc

_V = 50003
_ES = 32
_DL = 64
_E = 800000

_NC, _NS = 2, 16
_NW = _NC * _NS
_EPW = 25088
_EPAD = _NW * _EPW
_ER = _EPAD // 128
_RPW = _ER // _NW
_VPAD = 50176
_VPT = _VPAD // _NS

_BE = 2048
_BR = _BE // 4
_NEB = _EPAD // _BE
_BV = 6272
_NVB = _VPAD // _BV

_mesh = plsc.VectorSubcoreMesh(
    core_axis_name="c", subcore_axis_name="s", num_cores=_NC, num_subcores=_NS
)
_sc_params = pltpu.CompilerParams(use_tc_tiling_on_sc=False,
                                  needs_layout_passes=False)


def _wid():
    return lax.axis_index("s") * _NC + lax.axis_index("c")


def _make_gather(table_map, ch, dtype=jnp.bfloat16):
    n_out = len(table_map)
    n_uniq = max(table_map) + 1
    nch = _EPW // ch
    assert nch % 2 == 0 and ch % 8 == 0
    scratch = []
    for _u in range(n_uniq):
        scratch.append(pltpu.VMEM_SHARED((_VPAD, _ES), dtype))
    for _p in range(2):
        for _ in range(n_out):
            scratch.append(pltpu.VMEM((ch,), jnp.int32))
    for _p in range(2):
        for _ in range(n_out):
            scratch.append(pltpu.VMEM((ch, _ES), dtype))
    for _s in range(4):
        scratch.append(pltpu.SemaphoreType.DMA)
    out_type = [jax.ShapeDtypeStruct((_EPAD, _ES), dtype)] * n_out

    @functools.partial(pl.kernel, out_type=out_type, mesh=_mesh,
                       scratch_types=scratch, compiler_params=_sc_params)
    def k(*refs):
        tabs = refs[:n_uniq]
        idxs = refs[n_uniq:n_uniq + n_out]
        outs = refs[n_uniq + n_out:n_uniq + 2 * n_out]
        o = n_uniq + 2 * n_out
        stab = refs[o:o + n_uniq]
        o += n_uniq
        ib = (refs[o:o + n_out], refs[o + n_out:o + 2 * n_out])
        o += 2 * n_out
        rb = (refs[o:o + n_out], refs[o + n_out:o + 2 * n_out])
        o += 2 * n_out
        sg = refs[o:o + 2]
        so = refs[o + 2:o + 4]
        s = lax.axis_index("s")
        w = _wid()

        for u in range(n_uniq):
            pltpu.sync_copy(tabs[u].at[pl.ds(s * _VPT, _VPT)],
                            stab[u].at[pl.ds(s * _VPT, _VPT)])
        plsc.subcore_barrier()

        def load(c, p):
            for t in range(n_out):
                pltpu.sync_copy(idxs[t].at[pl.ds(w * _EPW + c * ch, ch)],
                                ib[p][t])

        def fire(p):
            for t in range(n_out):
                pltpu.make_async_copy(stab[table_map[t]].at[ib[p][t]],
                                      rb[p][t], sg[p]).start()

        def draing(p):
            for t in range(n_out):
                pltpu.make_async_copy(stab[table_map[t]].at[ib[p][t]],
                                      rb[p][t], sg[p]).wait()

        def outw(c, p, start):
            base = w * _EPW + c * ch
            for t in range(n_out):
                d = pltpu.make_async_copy(rb[p][t],
                                          outs[t].at[pl.ds(base, ch)], so[p])
                if start:
                    d.start()
                else:
                    d.wait()

        load(0, 0)
        fire(0)
        load(1, 1)
        fire(1)
        draing(0)
        outw(0, 0, True)

        def body(j, cr):
            ca = 2 * j + 2
            load(ca, 0)
            outw(ca - 2, 0, False)
            fire(0)
            draing(1)
            outw(ca - 1, 1, True)
            cb = 2 * j + 3
            load(cb, 1)
            outw(cb - 2, 1, False)
            fire(1)
            draing(0)
            outw(cb - 1, 0, True)
            return cr

        lax.fori_loop(0, (nch - 2) // 2, body, 0)
        cl = nch - 1
        draing(1)
        outw(cl, 1, True)
        outw(cl - 1, 0, False)
        outw(cl, 1, False)

    return k


_GCH = 224


_gather3 = _make_gather((0, 1, 0), _GCH)
_gather2 = _make_gather((0, 0), _GCH)


@functools.partial(
    pl.kernel,
    out_type=jax.ShapeDtypeStruct((_NW, _VPAD), jnp.float32),
    mesh=_mesh,
    compiler_params=_sc_params,
    scratch_types=[
        pltpu.VMEM((_VPAD,), jnp.float32),
        pltpu.VMEM((_RPW, 128), jnp.int32),
        pltpu.VMEM((_RPW, 128), jnp.int32),
    ],
)
def _present(subj_hbm, obj_hbm, out_hbm, mask, sbuf, obuf):
    w = _wid()
    zeros16 = jnp.zeros((16,), jnp.float32)
    ones16 = jnp.ones((16,), jnp.float32)

    def zbody(i, c):
        off = pl.multiple_of(i * 128, 128)
        for u in range(8):
            mask[pl.ds(off + u * 16, 16)] = zeros16
        return c

    lax.fori_loop(0, _VPAD // 128, zbody, 0)

    pltpu.sync_copy(subj_hbm.at[pl.ds(w * _RPW, _RPW)], sbuf)
    pltpu.sync_copy(obj_hbm.at[pl.ds(w * _RPW, _RPW)], obuf)

    def sbody(r, c):
        for u in range(8):
            iv = sbuf[r, pl.ds(u * 16, 16)]
            plsc.store_scatter(mask, [iv], ones16)
            jv = obuf[r, pl.ds(u * 16, 16)]
            plsc.store_scatter(mask, [jv], ones16)
        return c

    lax.fori_loop(0, _RPW, sbody, 0)
    pltpu.sync_copy(mask, out_hbm.at[w])


_SCH = 256
_SKR = _SCH // 128
_SNCH = _EPW // _SCH


@functools.partial(
    pl.kernel,
    out_type=jax.ShapeDtypeStruct((_NC, _VPAD, _ES), jnp.float32),
    mesh=_mesh,
    compiler_params=_sc_params,
    scratch_types=[
        pltpu.VMEM((_SCH,), jnp.int32),
        pltpu.VMEM((_SCH,), jnp.int32),
        pltpu.VMEM((_SCH, _ES), jnp.float32),
        pltpu.VMEM((_SCH, _ES), jnp.float32),
        pltpu.VMEM((196, _ES), jnp.float32),
        pltpu.VMEM_SHARED((_VPAD, _ES), jnp.float32),
        pltpu.SemaphoreType.DMA,
        pltpu.SemaphoreType.DMA,
    ],
)
def _scatter(msg_hbm, obj_hbm, out_hbm, ib0, ib1, mb0, mb1, zb, shared,
             sem0, sem1):
    c = lax.axis_index("c")
    s = lax.axis_index("s")
    w = _wid()
    ib = (ib0, ib1)
    mb = (mb0, mb1)
    sems = (sem0, sem1)
    zeros16 = jnp.zeros((16,), jnp.float32)

    def zvbody(i, cr):
        zb[i, pl.ds(0, 16)] = zeros16
        zb[i, pl.ds(16, 16)] = zeros16
        return cr

    lax.fori_loop(0, 196, zvbody, 0)

    def zsbody(i, cr):
        pltpu.sync_copy(zb, shared.at[pl.ds(s * _VPT + i * 196, 196)])
        return cr

    lax.fori_loop(0, _VPT // 196, zsbody, 0)
    plsc.subcore_barrier()

    def load(ci, p):
        pltpu.sync_copy(obj_hbm.at[pl.ds(w * _EPW + ci * _SCH, _SCH)], ib[p])
        pltpu.sync_copy(msg_hbm.at[pl.ds(w * _EPW + ci * _SCH, _SCH)], mb[p])

    def fire(ci, p):
        pltpu.async_copy(mb[p], shared.at[ib[p]], sems[p], add=True)

    def drain(p):
        pltpu.make_async_copy(mb[p], shared.at[ib[p]], sems[p]).wait()

    load(0, 0)
    fire(0, 0)
    load(1, 1)
    fire(1, 1)
    drain(0)
    load(2, 0)
    fire(2, 0)

    def body(j, cr):
        ca = 2 * j + 3
        drain(1)
        load(ca, 1)
        fire(ca, 1)
        cb = 2 * j + 4
        drain(0)
        load(cb, 0)
        fire(cb, 0)
        return cr

    lax.fori_loop(0, (_SNCH - 4) // 2, body, 0)
    cl = _SNCH - 1
    drain(1)
    load(cl, 1)
    fire(cl, 1)
    drain(0)
    drain(1)
    plsc.subcore_barrier()

    def fbody(i, cr):
        off = s * _VPT + i * 196
        pltpu.sync_copy(shared.at[pl.ds(off, 196)],
                        out_hbm.at[c, pl.ds(off, 196)])
        return cr

    lax.fori_loop(0, _VPT // 196, fbody, 0)


def _gelu(x):
    return x * 0.5 * (1.0 + lax.erf(x * 0.7071067811865476))


def _mlp1_body(gs, ge, go, w1a, w1b, w1c, b1, w2, b2, out):
    pre = (jnp.dot(gs[...], w1a[...], preferred_element_type=jnp.float32)
           + jnp.dot(ge[...], w1b[...], preferred_element_type=jnp.float32)
           + jnp.dot(go[...], w1c[...], preferred_element_type=jnp.float32)
           + b1[...])
    h = _gelu(pre).astype(jnp.bfloat16)
    out[...] = (jnp.dot(h, w2[...], preferred_element_type=jnp.float32)
                + b2[...])


def _mlp1(gs, ge, go, w1a, w1b, w1c, b1, w2, b2):
    eb = pl.BlockSpec((_BR, 128), lambda i: (i, 0))
    full = lambda shape: pl.BlockSpec(shape, lambda i: tuple(0 for _ in shape))
    return pl.pallas_call(
        _mlp1_body,
        grid=(_NEB,),
        in_specs=[eb, eb, eb, full((128, 256)), full((128, 256)),
                  full((128, 256)), full((1, 256)), full((256, 128)),
                  full((1, 128))],
        out_specs=eb,
        out_shape=jax.ShapeDtypeStruct((_EPAD // 4, 128), jnp.float32),
    )(gs, ge, go, w1a, w1b, w1c, b1, w2, b2)


def _mlp2_body(gs, ge, go, w1a, w1b, w1c, b1, out):
    i = pl.program_id(0)
    pre = (jnp.dot(gs[...], w1a[...], preferred_element_type=jnp.float32)
           + jnp.dot(ge[...], w1b[...], preferred_element_type=jnp.float32)
           + jnp.dot(go[...], w1c[...], preferred_element_type=jnp.float32)
           + b1[...])
    h = _gelu(pre)
    edge = ((i * _BR + lax.broadcasted_iota(jnp.int32, (_BR, 256), 0)) * 4
            + lax.broadcasted_iota(jnp.int32, (_BR, 256), 1) // 64)
    h = jnp.where(edge < _E, h, 0.0)
    part = jnp.sum(h, axis=0, keepdims=True)

    @pl.when(i == 0)
    def _():
        out[...] = jnp.zeros_like(out)

    out[...] += part


def _mlp2(gs, ge, go, w1a, w1b, w1c, b1):
    eb = pl.BlockSpec((_BR, 128), lambda i: (i, 0))
    full = lambda shape: pl.BlockSpec(shape, lambda i: tuple(0 for _ in shape))
    return pl.pallas_call(
        _mlp2_body,
        grid=(_NEB,),
        in_specs=[eb, eb, eb, full((128, 256)), full((128, 256)),
                  full((128, 256)), full((1, 256))],
        out_specs=pl.BlockSpec((1, 256), lambda i: (0, 0)),
        out_shape=jax.ShapeDtypeStruct((1, 256), jnp.float32),
    )(gs, ge, go, w1a, w1b, w1c, b1)


def _prep2_body(sym, d0, d1, out):
    i = pl.program_id(0)
    row = i * _BV + lax.broadcasted_iota(jnp.int32, (_BV, 1), 0)
    out[...] = jnp.where(row < _V, sym[...] + d0[...] + d1[...],
                         0.0).astype(jnp.bfloat16)


def _prep2(sym, d0, d1):
    vb = pl.BlockSpec((_BV, _ES), lambda i: (i, 0))
    return pl.pallas_call(
        _prep2_body,
        grid=(_NVB,),
        in_specs=[vb, vb, vb],
        out_specs=vb,
        out_shape=jax.ShapeDtypeStruct((_VPAD, _ES), jnp.bfloat16),
    )(sym, d0, d1)


def _final_body(pmask, sym, d0, d1, sumh2, w21, b21, wl, bl, out,
                acc, cnt):
    i = pl.program_id(0)
    row = i * _BV + lax.broadcasted_iota(jnp.int32, (1, _BV), 1)
    rowmask = (row < _V).astype(jnp.float32)
    seen = jnp.max(pmask[...], axis=0, keepdims=True)
    pm = jnp.where(seen > 0.0, 1.0, 0.0) * rowmask
    part = (jnp.dot(pm, sym[...], preferred_element_type=jnp.float32)
            + jnp.dot(rowmask, d0[...] + d1[...],
                      preferred_element_type=jnp.float32))

    @pl.when(i == 0)
    def _():
        acc[...] = jnp.zeros_like(acc)
        cnt[...] = jnp.zeros_like(cnt)

    acc[...] += part
    cnt[...] += jnp.sum(pm).reshape(1, 1)

    @pl.when(i == _NVB - 1)
    def _():
        s4 = sumh2[...]
        sh = (s4[:, 0:64] + s4[:, 64:128] + s4[:, 128:192]
              + s4[:, 192:256])
        msg2 = (jnp.dot(sh, w21[...], preferred_element_type=jnp.float32)
                + float(_E) * b21[...])
        mean = (acc[...] + msg2) / cnt[...]
        out[...] = (jnp.dot(mean, wl[...],
                            preferred_element_type=jnp.float32) + bl[...])


def _final(pmask, sym, d0, d1, sumh2, w21, b21, wl, bl):
    vb = pl.BlockSpec((_BV, _ES), lambda i: (i, 0))
    full = lambda shape: pl.BlockSpec(shape, lambda i: tuple(0 for _ in shape))
    return pl.pallas_call(
        _final_body,
        grid=(_NVB,),
        in_specs=[pl.BlockSpec((_NW, _BV), lambda i: (0, i)), vb, vb, vb,
                  full((1, 256)), full((64, _ES)), full((1, _ES)),
                  full((_ES, _DL)), full((1, _DL))],
        out_specs=pl.BlockSpec((1, _DL), lambda i: (0, 0)),
        out_shape=jax.ShapeDtypeStruct((1, _DL), jnp.float32),
        scratch_shapes=[pltpu.VMEM((1, _ES), jnp.float32),
                        pltpu.VMEM((1, 1), jnp.float32)],
    )(pmask, sym, d0, d1, sumh2, w21, b21, wl, bl)


def kernel(facts, sym_emb, edge_emb, W1_0, b1_0, W2_0, b2_0,
           W1_1, b1_1, W2_1, b2_1, Wl, bl):
    pad_e = _EPAD - _E
    subj = jnp.concatenate([facts[:, 0], jnp.full((pad_e,), _V, jnp.int32)])
    pred = jnp.concatenate([facts[:, 1], jnp.full((pad_e,), _V, jnp.int32)])
    obj = jnp.concatenate([facts[:, 2], jnp.full((pad_e,), _V, jnp.int32)])
    subj2d = subj.reshape(_ER, 128)
    obj2d = obj.reshape(_ER, 128)

    zpad = jnp.zeros((_VPAD - _V, _ES), jnp.float32)
    sym_p = jnp.concatenate([sym_emb, zpad], axis=0)
    edge_p = jnp.concatenate([edge_emb, zpad], axis=0)

    b1_0r = b1_0.reshape(1, 64)
    b2_0r = b2_0.reshape(1, _ES)
    b1_1r = b1_1.reshape(1, 64)
    b2_1r = b2_1.reshape(1, _ES)
    blr = bl.reshape(1, _DL)

    sym_bf = sym_p.astype(jnp.bfloat16)
    edge_bf = edge_p.astype(jnp.bfloat16)
    eye4 = jnp.eye(4, dtype=jnp.bfloat16)

    def bd(wm):
        return jnp.kron(eye4, wm.astype(jnp.bfloat16))

    w1a0, w1b0, w1c0 = (bd(W1_0[:_ES]), bd(W1_0[_ES:2 * _ES]),
                        bd(W1_0[2 * _ES:]))
    w1a1, w1b1, w1c1 = (bd(W1_1[:_ES]), bd(W1_1[_ES:2 * _ES]),
                        bd(W1_1[2 * _ES:]))
    w2bd0 = bd(W2_0)
    b1t0 = jnp.tile(b1_0, 4).reshape(1, 256)
    b1t1 = jnp.tile(b1_1, 4).reshape(1, 256)
    b2t0 = jnp.tile(b2_0, 4).reshape(1, 128)

    gs1, ge, go1 = _gather3(sym_bf, edge_bf, subj, pred, obj)
    pmask = _present(subj2d, obj2d)
    r4 = lambda x: x.reshape(_EPAD // 4, 128)
    msg1 = _mlp1(r4(gs1), r4(ge), r4(go1), w1a0, w1b0, w1c0, b1t0,
                 w2bd0, b2t0)
    delta = _scatter(msg1.reshape(_EPAD, _ES), obj)
    nodes2 = _prep2(sym_p, delta[0], delta[1])
    gs2, go2 = _gather2(nodes2, subj, obj)
    sumh2 = _mlp2(r4(gs2), r4(ge), r4(go2), w1a1, w1b1, w1c1, b1t1)
    return _final(pmask, sym_p, delta[0], delta[1], sumh2, W2_1, b2_1r,
                  Wl, blr)

# --- scband reference (transcript-rebuilt; emitter-appended) ---
"""Pipeline reference for scband-symbolic-gnn-63024350101869 (READ-ONLY COPY).

The authoritative reference and input builder live on the scoring server;
editing this copy changes nothing except your own understanding.
"""

import jax, jax.numpy as jnp
import numpy as np

V = 50003  # sym_vocab + 3
ES = 32    # sym_embed_dim
DL = 64    # d_latent
E = 800000 # n_facts
NV = 50000 # max sym id in facts (< V so the %V in torch is a no-op)

def setup_inputs(seed: int = 0):
    key = jax.random.key(seed)
    ks = jax.random.split(key, 14)
    s1 = float(1.0 / np.sqrt(ES * 3)); s2 = float(1.0 / np.sqrt(ES * 2)); sl = float(1.0 / np.sqrt(ES))
    inp = {}
    inp["facts"] = jax.random.randint(ks[0], (E, 3), 0, NV, dtype=jnp.int32)
    inp["sym_emb"] = jax.random.normal(ks[1], (V, ES), dtype=jnp.float32)
    inp["edge_emb"] = jax.random.normal(ks[2], (V, ES), dtype=jnp.float32)
    inp["W1_0"] = jax.random.uniform(ks[3], (ES * 3, ES * 2), jnp.float32, -s1, s1)
    inp["b1_0"] = jax.random.uniform(ks[4], (ES * 2,), jnp.float32, -s1, s1)
    inp["W2_0"] = jax.random.uniform(ks[5], (ES * 2, ES), jnp.float32, -s2, s2)
    inp["b2_0"] = jax.random.uniform(ks[6], (ES,), jnp.float32, -s2, s2)
    inp["W1_1"] = jax.random.uniform(ks[7], (ES * 3, ES * 2), jnp.float32, -s1, s1)
    inp["b1_1"] = jax.random.uniform(ks[8], (ES * 2,), jnp.float32, -s1, s1)
    inp["W2_1"] = jax.random.uniform(ks[9], (ES * 2, ES), jnp.float32, -s2, s2)
    inp["b2_1"] = jax.random.uniform(ks[10], (ES,), jnp.float32, -s2, s2)
    inp["Wl"] = jax.random.uniform(ks[11], (ES, DL), jnp.float32, -sl, sl)
    inp["bl"] = jax.random.uniform(ks[12], (DL,), jnp.float32, -sl, sl)
    return inp

def reference(facts, sym_emb, edge_emb, W1_0, b1_0, W2_0, b2_0, W1_1, b1_1, W2_1, b2_1, Wl, bl):
    # facts[:,0]=subj, facts[:,1]=pred, facts[:,2]=obj; all ids < V so the torch `% num_embeddings` is identity.
    subj = facts[:, 0]; pred = facts[:, 1]; obj = facts[:, 2]
    # which node ids actually appear (the torch dict only holds these; mean is over them)
    present = jnp.zeros((V,), dtype=bool).at[subj].set(True).at[obj].set(True)
    e_emb = jnp.take(edge_emb, pred, axis=0)  # edge embedding gather (recomputed per layer in torch, identical values)
    nodes = sym_emb  # full table; non-present rows are masked out of the final mean
    for (W1, b1, W2, b2) in ((W1_0, b1_0, W2_0, b2_0), (W1_1, b1_1, W2_1, b2_1)):
        # messages use PRE-layer node states (torch reads `nodes`, writes `new_nodes`), so the
        # sequential python loop is exactly a vectorized gather -> MLP -> scatter-add.
        h = jnp.concatenate([jnp.take(nodes, subj, axis=0), e_emb, jnp.take(nodes, obj, axis=0)], axis=1)
        h = jax.nn.gelu(h @ W1 + b1, approximate=False)  # torch nn.GELU() is exact erf gelu
        msg = h @ W2 + b2
        nodes = nodes + jnp.zeros_like(nodes).at[obj].add(msg)
    cnt = jnp.sum(present).astype(jnp.float32)
    mean = jnp.sum(jnp.where(present[:, None], nodes, 0.0), axis=0) / cnt
    return (mean @ Wl + bl)[None, :]

if __name__ == "__main__":
    import jax
    _d = setup_inputs()
    print(jax.jit(kernel)(*tuple(_d.values())))

</pallas_src>

<mosaic_0001>
#map = affine_map<(d0, d1) -> (0, 0)>
#map1 = affine_map<(d0, d1) -> (0)>
module attributes {stable_mosaic.version = 14 : i64} {
  func.func @k(%arg0: i32, %arg1: i32, %arg2: memref<50176x32xbf16, #tpu.memory_space<hbm>>, %arg3: memref<802816xi32, #tpu.memory_space<hbm>>, %arg4: memref<802816xi32, #tpu.memory_space<hbm>>, %arg5: memref<802816x32xbf16, #tpu.memory_space<hbm>>, %arg6: memref<802816x32xbf16, #tpu.memory_space<hbm>>, %arg7: memref<50176x32xbf16, #tpu.memory_space<vmem_shared>>, %arg8: memref<224xi32, #tpu.memory_space<vmem>>, %arg9: memref<224xi32, #tpu.memory_space<vmem>>, %arg10: memref<224xi32, #tpu.memory_space<vmem>>, %arg11: memref<224xi32, #tpu.memory_space<vmem>>, %arg12: memref<224x32xbf16, #tpu.memory_space<vmem>>, %arg13: memref<224x32xbf16, #tpu.memory_space<vmem>>, %arg14: memref<224x32xbf16, #tpu.memory_space<vmem>>, %arg15: memref<224x32xbf16, #tpu.memory_space<vmem>>, %arg16: memref<!tpu.dma_semaphore, #tpu.memory_space<semaphore_mem>>, %arg17: memref<!tpu.dma_semaphore, #tpu.memory_space<semaphore_mem>>, %arg18: memref<!tpu.dma_semaphore, #tpu.memory_space<semaphore_mem>>, %arg19: memref<!tpu.dma_semaphore, #tpu.memory_space<semaphore_mem>>) attributes {dimension_semantics = [#tpu.dimension_semantics<core_parallel>, #tpu.dimension_semantics<subcore_parallel>], iteration_bounds = array<i64: 2, 16>, scalar_prefetch = 0 : i64, scratch_operands = 13 : i64, tpu.core_type = #tpu.core_type<sc_vector_subcore>, window_params = [{transform_indices = #map}, {transform_indices = #map1}, {transform_indices = #map1}, {transform_indices = #map}, {transform_indices = #map}]} {
    %mul3A = arith.constant 2 : i32
    %mul3A_0 = arith.muli %arg1, %mul3A : i32
    %add3A = arith.addi %mul3A_0, %arg0 : i32
    %mul3A_1 = arith.constant 3136 : i32
    %mul3A_2 = arith.muli %arg1, %mul3A_1 : i32
    %mul3A_3 = arith.constant 3136 : i32
    %mul3A_4 = arith.muli %arg1, %mul3A_3 : i32
    "tpu.region"() ({
      %run_scoped3A = tpu.sem_alloc : memref<!tpu.dma_semaphore, #tpu.memory_space<semaphore_mem>>
      %dma_start3A_96 = arith.constant 0 : i32
      %dma_start3A_97 = tpu.memref_slice %arg7[%mul3A_4, %dma_start3A_96] : memref<50176x32xbf16, #tpu.memory_space<vmem_shared>> -> memref<3136x32xbf16, #tpu.memory_space<vmem_shared>>
      %dma_start3A_98 = arith.constant 0 : i32
      %dma_start3A_99 = tpu.memref_slice %arg2[%mul3A_2, %dma_start3A_98] : memref<50176x32xbf16, #tpu.memory_space<hbm>> -> memref<3136x32xbf16, #tpu.memory_space<hbm>>
      tpu.enqueue_dma source(%dma_start3A_99 : memref<3136x32xbf16, #tpu.memory_space<hbm>>) target(%dma_start3A_97 : memref<3136x32xbf16, #tpu.memory_space<vmem_shared>>) target_semaphore(%run_scoped3A : memref<!tpu.dma_semaphore, #tpu.memory_space<semaphore_mem>>)
      %dma_wait3A_100 = arith.constant 0 : i32
      %dma_wait3A_101 = tpu.memref_slice %arg7[%mul3A_4, %dma_wait3A_100] : memref<50176x32xbf16, #tpu.memory_space<vmem_shared>> -> memref<3136x32xbf16, #tpu.memory_space<vmem_shared>>
      %dma_wait3A_102 = arith.constant 0 : i32
      %dma_wait3A_103 = tpu.memref_slice %arg2[%mul3A_2, %dma_wait3A_102] : memref<50176x32xbf16, #tpu.memory_space<hbm>> -> memref<3136x32xbf16, #tpu.memory_space<hbm>>
      tpu.wait_dma2 semaphore(%run_scoped3A : memref<!tpu.dma_semaphore, #tpu.memory_space<semaphore_mem>>) src(%dma_wait3A_103 : memref<3136x32xbf16, #tpu.memory_space<hbm>>) dst(%dma_wait3A_101 : memref<3136x32xbf16, #tpu.memory_space<vmem_shared>>)
      tpu.yield
    }) : () -> ()
    %barrier3A = arith.constant 0 : index
    tpu.barrier barrier_id(%barrier3A)
    %mul3A_5 = arith.constant 25088 : i32
    %mul3A_6 = arith.muli %add3A, %mul3A_5 : i32
    %add3A_7 = arith.constant 0 : i32
    %add3A_8 = arith.addi %mul3A_6, %add3A_7 : i32
    "tpu.region"() ({
      %run_scoped3A = tpu.sem_alloc : memref<!tpu.dma_semaphore, #tpu.memory_space<semaphore_mem>>
      %dma_start3A_96 = tpu.memref_slice %arg3[%add3A_8] : memref<802816xi32, #tpu.memory_space<hbm>> -> memref<224xi32, #tpu.memory_space<hbm>>
      %dma_start3A_97 = tpu.memref_slice %arg3[%add3A_8] : memref<802816xi32, #tpu.memory_space<hbm>> -> memref<224xi32, #tpu.memory_space<hbm>>
      tpu.enqueue_dma source(%dma_start3A_97 : memref<224xi32, #tpu.memory_space<hbm>>) target(%arg8 : memref<224xi32, #tpu.memory_space<vmem>>) target_semaphore(%run_scoped3A : memref<!tpu.dma_semaphore, #tpu.memory_space<semaphore_mem>>)
      %dma_wait3A_98 = tpu.memref_slice %arg3[%add3A_8] : memref<802816xi32, #tpu.memory_space<hbm>> -> memref<224xi32, #tpu.memory_space<hbm>>
      %dma_wait3A_99 = tpu.memref_slice %arg3[%add3A_8] : memref<802816xi32, #tpu.memory_space<hbm>> -> memref<224xi32, #tpu.memory_space<hbm>>
      tpu.wait_dma2 semaphore(%run_scoped3A : memref<!tpu.dma_semaphore, #tpu.memory_space<semaphore_mem>>) src(%dma_wait3A_99 : memref<224xi32, #tpu.memory_space<hbm>>) dst(%arg8 : memref<224xi32, #tpu.memory_space<vmem>>)
      tpu.yield
    }) : () -> ()
    %mul3A_9 = arith.constant 25088 : i32
    %mul3A_10 = arith.muli %add3A, %mul3A_9 : i32
    %add3A_11 = arith.constant 0 : i32
    %add3A_12 = arith.addi %mul3A_10, %add3A_11 : i32
    "tpu.region"() ({
      %run_scoped3A = tpu.sem_alloc : memref<!tpu.dma_semaphore, #tpu.memory_space<semaphore_mem>>
      %dma_start3A_96 = tpu.memref_slice %arg4[%add3A_12] : memref<802816xi32, #tpu.memory_space<hbm>> -> memref<224xi32, #tpu.memory_space<hbm>>
      %dma_start3A_97 = tpu.memref_slice %arg4[%add3A_12] : memref<802816xi32, #tpu.memory_space<hbm>> -> memref<224xi32, #tpu.memory_space<hbm>>
      tpu.enqueue_dma source(%dma_start3A_97 : memref<224xi32, #tpu.memory_space<hbm>>) target(%arg9 : memref<224xi32, #tpu.memory_space<vmem>>) target_semaphore(%run_scoped3A : memref<!tpu.dma_semaphore, #tpu.memory_space<semaphore_mem>>)
      %dma_wait3A_98 = tpu.memref_slice %arg4[%add3A_12] : memref<802816xi32, #tpu.memory_space<hbm>> -> memref<224xi32, #tpu.memory_space<hbm>>
      %dma_wait3A_99 = tpu.memref_slice %arg4[%add3A_12] : memref<802816xi32, #tpu.memory_space<hbm>> -> memref<224xi32, #tpu.memory_space<hbm>>
      tpu.wait_dma2 semaphore(%run_scoped3A : memref<!tpu.dma_semaphore, #tpu.memory_space<semaphore_mem>>) src(%dma_wait3A_99 : memref<224xi32, #tpu.memory_space<hbm>>) dst(%arg9 : memref<224xi32, #tpu.memory_space<vmem>>)
      tpu.yield
    }) : () -> ()
    %dma_start3A = arith.constant 0 : i32
    %dma_start3A_13 = arith.constant 0 : i32
    %dma_start3A_14 = tpu.memref_slice %arg7[%dma_start3A, %dma_start3A_13] : memref<50176x32xbf16, #tpu.memory_space<vmem_shared>> -> memref<50176x32xbf16, #tpu.memory_space<vmem_shared>>
    tpu.enqueue_indirect_dma source(%dma_start3A_14 : memref<50176x32xbf16, #tpu.memory_space<vmem_shared>>) target(%arg12 : memref<224x32xbf16, #tpu.memory_space<vmem>>) offsets(%arg8 : memref<224xi32, #tpu.memory_space<vmem>>) semaphore(%arg16 : memref<!tpu.dma_semaphore, #tpu.memory_space<semaphore_mem>>)
    %dma_start3A_15 = arith.constant 0 : i32
    %dma_start3A_16 = arith.constant 0 : i32
    %dma_start3A_17 = tpu.memref_slice %arg7[%dma_start3A_15, %dma_start3A_16] : memref<50176x32xbf16, #tpu.memory_space<vmem_shared>> -> memref<50176x32xbf16, #tpu.memory_space<vmem_shared>>
    tpu.enqueue_indirect_dma source(%dma_start3A_17 : memref<50176x32xbf16, #tpu.memory_space<vmem_shared>>) target(%arg13 : memref<224x32xbf16, #tpu.memory_space<vmem>>) offsets(%arg9 : memref<224xi32, #tpu.memory_space<vmem>>) semaphore(%arg16 : memref<!tpu.dma_semaphore, #tpu.memory_space<semaphore_mem>>)
    %mul3A_18 = arith.constant 25088 : i32
    %mul3A_19 = arith.muli %add3A, %mul3A_18 : i32
    %add3A_20 = arith.constant 224 : i32
    %add3A_21 = arith.addi %mul3A_19, %add3A_20 : i32
    "tpu.region"() ({
      %run_scoped3A = tpu.sem_alloc : memref<!tpu.dma_semaphore, #tpu.memory_space<semaphore_mem>>
      %dma_start3A_96 = tpu.memref_slice %arg3[%add3A_21] : memref<802816xi32, #tpu.memory_space<hbm>> -> memref<224xi32, #tpu.memory_space<hbm>>
      %dma_start3A_97 = tpu.memref_slice %arg3[%add3A_21] : memref<802816xi32, #tpu.memory_space<hbm>> -> memref<224xi32, #tpu.memory_space<hbm>>
      tpu.enqueue_dma source(%dma_start3A_97 : memref<224xi32, #tpu.memory_space<hbm>>) target(%arg10 : memref<224xi32, #tpu.memory_space<vmem>>) target_semaphore(%run_scoped3A : memref<!tpu.dma_semaphore, #tpu.memory_space<semaphore_mem>>)
      %dma_wait3A_98 = tpu.memref_slice %arg3[%add3A_21] : memref<802816xi32, #tpu.memory_space<hbm>> -> memref<224xi32, #tpu.memory_space<hbm>>
      %dma_wait3A_99 = tpu.memref_slice %arg3[%add3A_21] : memref<802816xi32, #tpu.memory_space<hbm>> -> memref<224xi32, #tpu.memory_space<hbm>>
      tpu.wait_dma2 semaphore(%run_scoped3A : memref<!tpu.dma_semaphore, #tpu.memory_space<semaphore_mem>>) src(%dma_wait3A_99 : memref<224xi32, #tpu.memory_space<hbm>>) dst(%arg10 : memref<224xi32, #tpu.memory_space<vmem>>)
      tpu.yield
    }) : () -> ()
    %mul3A_22 = arith.constant 25088 : i32
    %mul3A_23 = arith.muli %add3A, %mul3A_22 : i32
    %add3A_24 = arith.constant 224 : i32
    %add3A_25 = arith.addi %mul3A_23, %add3A_24 : i32
    "tpu.region"() ({
      %run_scoped3A = tpu.sem_alloc : memref<!tpu.dma_semaphore, #tpu.memory_space<semaphore_mem>>
      %dma_start3A_96 = tpu.memref_slice %arg4[%add3A_25] : memref<802816xi32, #tpu.memory_space<hbm>> -> memref<224xi32, #tpu.memory_space<hbm>>
      %dma_start3A_97 = tpu.memref_slice %arg4[%add3A_25] : memref<802816xi32, #tpu.memory_space<hbm>> -> memref<224xi32, #tpu.memory_space<hbm>>
      tpu.enqueue_dma source(%dma_start3A_97 : memref<224xi32, #tpu.memory_space<hbm>>) target(%arg11 : memref<224xi32, #tpu.memory_space<vmem>>) target_semaphore(%run_scoped3A : memref<!tpu.dma_semaphore, #tpu.memory_space<semaphore_mem>>)
      %dma_wait3A_98 = tpu.memref_slice %arg4[%add3A_25] : memref<802816xi32, #tpu.memory_space<hbm>> -> memref<224xi32, #tpu.memory_space<hbm>>
      %dma_wait3A_99 = tpu.memref_slice %arg4[%add3A_25] : memref<802816xi32, #tpu.memory_space<hbm>> -> memref<224xi32, #tpu.memory_space<hbm>>
      tpu.wait_dma2 semaphore(%run_scoped3A : memref<!tpu.dma_semaphore, #tpu.memory_space<semaphore_mem>>) src(%dma_wait3A_99 : memref<224xi32, #tpu.memory_space<hbm>>) dst(%arg11 : memref<224xi32, #tpu.memory_space<vmem>>)
      tpu.yield
    }) : () -> ()
    %dma_start3A_26 = arith.constant 0 : i32
    %dma_start3A_27 = arith.constant 0 : i32
    %dma_start3A_28 = tpu.memref_slice %arg7[%dma_start3A_26, %dma_start3A_27] : memref<50176x32xbf16, #tpu.memory_space<vmem_shared>> -> memref<50176x32xbf16, #tpu.memory_space<vmem_shared>>
    tpu.enqueue_indirect_dma source(%dma_start3A_28 : memref<50176x32xbf16, #tpu.memory_space<vmem_shared>>) target(%arg14 : memref<224x32xbf16, #tpu.memory_space<vmem>>) offsets(%arg10 : memref<224xi32, #tpu.memory_space<vmem>>) semaphore(%arg17 : memref<!tpu.dma_semaphore, #tpu.memory_space<semaphore_mem>>)
    %dma_start3A_29 = arith.constant 0 : i32
    %dma_start3A_30 = arith.constant 0 : i32
    %dma_start3A_31 = tpu.memref_slice %arg7[%dma_start3A_29, %dma_start3A_30] : memref<50176x32xbf16, #tpu.memory_space<vmem_shared>> -> memref<50176x32xbf16, #tpu.memory_space<vmem_shared>>
    tpu.enqueue_indirect_dma source(%dma_start3A_31 : memref<50176x32xbf16, #tpu.memory_space<vmem_shared>>) target(%arg15 : memref<224x32xbf16, #tpu.memory_space<vmem>>) offsets(%arg11 : memref<224xi32, #tpu.memory_space<vmem>>) semaphore(%arg17 : memref<!tpu.dma_semaphore, #tpu.memory_space<semaphore_mem>>)
    %dma_wait3A = arith.constant 0 : i32
    %dma_wait3A_32 = arith.constant 0 : i32
    %dma_wait3A_33 = tpu.memref_slice %arg7[%dma_wait3A, %dma_wait3A_32] : memref<50176x32xbf16, #tpu.memory_space<vmem_shared>> -> memref<50176x32xbf16, #tpu.memory_space<vmem_shared>>
    tpu.wait_indirect_dma semaphore(%arg16 : memref<!tpu.dma_semaphore, #tpu.memory_space<semaphore_mem>>) src(%dma_wait3A_33 : memref<50176x32xbf16, #tpu.memory_space<vmem_shared>>) dst(%arg12 : memref<224x32xbf16, #tpu.memory_space<vmem>>)
    %dma_wait3A_34 = arith.constant 0 : i32
    %dma_wait3A_35 = arith.constant 0 : i32
    %dma_wait3A_36 = tpu.memref_slice %arg7[%dma_wait3A_34, %dma_wait3A_35] : memref<50176x32xbf16, #tpu.memory_space<vmem_shared>> -> memref<50176x32xbf16, #tpu.memory_space<vmem_shared>>
    tpu.wait_indirect_dma semaphore(%arg16 : memref<!tpu.dma_semaphore, #tpu.memory_space<semaphore_mem>>) src(%dma_wait3A_36 : memref<50176x32xbf16, #tpu.memory_space<vmem_shared>>) dst(%arg13 : memref<224x32xbf16, #tpu.memory_space<vmem>>)
    %mul3A_37 = arith.constant 25088 : i32
    %mul3A_38 = arith.muli %add3A, %mul3A_37 : i32
    %add3A_39 = arith.constant 0 : i32
    %add3A_40 = arith.addi %mul3A_38, %add3A_39 : i32
    %dma_start3A_41 = arith.constant 0 : i32
    %dma_start3A_42 = tpu.memref_slice %arg5[%add3A_40, %dma_start3A_41] : memref<802816x32xbf16, #tpu.memory_space<hbm>> -> memref<224x32xbf16, #tpu.memory_space<hbm>>
    %dma_start3A_43 = arith.constant 0 : i32
    %dma_start3A_44 = tpu.memref_slice %arg5[%add3A_40, %dma_start3A_43] : memref<802816x32xbf16, #tpu.memory_space<hbm>> -> memref<224x32xbf16, #tpu.memory_space<hbm>>
    tpu.enqueue_dma source(%arg12 : memref<224x32xbf16, #tpu.memory_space<vmem>>) target(%dma_start3A_44 : memref<224x32xbf16, #tpu.memory_space<hbm>>) target_semaphore(%arg18 : memref<!tpu.dma_semaphore, #tpu.memory_space<semaphore_mem>>)
    %dma_start3A_45 = arith.constant 0 : i32
    %dma_start3A_46 = tpu.memref_slice %arg6[%add3A_40, %dma_start3A_45] : memref<802816x32xbf16, #tpu.memory_space<hbm>> -> memref<224x32xbf16, #tpu.memory_space<hbm>>
    %dma_start3A_47 = arith.constant 0 : i32
    %dma_start3A_48 = tpu.memref_slice %arg6[%add3A_40, %dma_start3A_47] : memref<802816x32xbf16, #tpu.memory_space<hbm>> -> memref<224x32xbf16, #tpu.memory_space<hbm>>
    tpu.enqueue_dma source(%arg13 : memref<224x32xbf16, #tpu.memory_space<vmem>>) target(%dma_start3A_48 : memref<224x32xbf16, #tpu.memory_space<hbm>>) target_semaphore(%arg18 : memref<!tpu.dma_semaphore, #tpu.memory_space<semaphore_mem>>)
    %scan3A = arith.constant 0 : i32
    %scan3A_49 = arith.constant 0 : i32
    %scan3A_50 = arith.constant 55 : i32
    %scan3A_51 = arith.addi %scan3A_49, %scan3A_50 : i32
    %scan3A_52 = arith.constant 1 : i32
    scf.for %scan3A_96 = %scan3A_49 to %scan3A_51 step %scan3A_52  : i32 {
      %mul3A_97 = arith.constant 2 : i32
      %mul3A_98 = arith.muli %mul3A_97, %scan3A_96 : i32
      %add3A_99 = arith.constant 2 : i32
      %add3A_100 = arith.addi %mul3A_98, %add3A_99 : i32
      %mul3A_101 = arith.constant 25088 : i32
      %mul3A_102 = arith.muli %add3A, %mul3A_101 : i32
      %mul3A_103 = arith.constant 224 : i32
      %mul3A_104 = arith.muli %add3A_100, %mul3A_103 : i32
      %add3A_105 = arith.addi %mul3A_102, %mul3A_104 : i32
      "tpu.region"() ({
        %run_scoped3A = tpu.sem_alloc : memref<!tpu.dma_semaphore, #tpu.memory_space<semaphore_mem>>
        %dma_start3A_208 = tpu.memref_slice %arg3[%add3A_105] : memref<802816xi32, #tpu.memory_space<hbm>> -> memref<224xi32, #tpu.memory_space<hbm>>
        %dma_start3A_209 = tpu.memref_slice %arg3[%add3A_105] : memref<802816xi32, #tpu.memory_space<hbm>> -> memref<224xi32, #tpu.memory_space<hbm>>
        tpu.enqueue_dma source(%dma_start3A_209 : memref<224xi32, #tpu.memory_space<hbm>>) target(%arg8 : memref<224xi32, #tpu.memory_space<vmem>>) target_semaphore(%run_scoped3A : memref<!tpu.dma_semaphore, #tpu.memory_space<semaphore_mem>>)
        %dma_wait3A_210 = tpu.memref_slice %arg3[%add3A_105] : memref<802816xi32, #tpu.memory_space<hbm>> -> memref<224xi32, #tpu.memory_space<hbm>>
        %dma_wait3A_211 = tpu.memref_slice %arg3[%add3A_105] : memref<802816xi32, #tpu.memory_space<hbm>> -> memref<224xi32, #tpu.memory_space<hbm>>
        tpu.wait_dma2 semaphore(%run_scoped3A : memref<!tpu.dma_semaphore, #tpu.memory_space<semaphore_mem>>) src(%dma_wait3A_211 : memref<224xi32, #tpu.memory_space<hbm>>) dst(%arg8 : memref<224xi32, #tpu.memory_space<vmem>>)
        tpu.yield
      }) : () -> ()
      %mul3A_106 = arith.constant 25088 : i32
      %mul3A_107 = arith.muli %add3A, %mul3A_106 : i32
      %mul3A_108 = arith.constant 224 : i32
      %mul3A_109 = arith.muli %add3A_100, %mul3A_108 : i32
      %add3A_110 = arith.addi %mul3A_107, %mul3A_109 : i32
      "tpu.region"() ({
        %run_scoped3A = tpu.sem_alloc : memref<!tpu.dma_semaphore, #tpu.memory_space<semaphore_mem>>
        %dma_start3A_208 = tpu.memref_slice %arg4[%add3A_110] : memref<802816xi32, #tpu.memory_space<hbm>> -> memref<224xi32, #tpu.memory_space<hbm>>
        %dma_start3A_209 = tpu.memref_slice %arg4[%add3A_110] : memref<802816xi32, #tpu.memory_space<hbm>> -> memref<224xi32, #tpu.memory_space<hbm>>
        tpu.enqueue_dma source(%dma_start3A_209 : memref<224xi32, #tpu.memory_space<hbm>>) target(%arg9 : memref<224xi32, #tpu.memory_space<vmem>>) target_semaphore(%run_scoped3A : memref<!tpu.dma_semaphore, #tpu.memory_space<semaphore_mem>>)
        %dma_wait3A_210 = tpu.memref_slice %arg4[%add3A_110] : memref<802816xi32, #tpu.memory_space<hbm>> -> memref<224xi32, #tpu.memory_space<hbm>>
        %dma_wait3A_211 = tpu.memref_slice %arg4[%add3A_110] : memref<802816xi32, #tpu.memory_space<hbm>> -> memref<224xi32, #tpu.memory_space<hbm>>
        tpu.wait_dma2 semaphore(%run_scoped3A : memref<!tpu.dma_semaphore, #tpu.memory_space<semaphore_mem>>) src(%dma_wait3A_211 : memref<224xi32, #tpu.memory_space<hbm>>) dst(%arg9 : memref<224xi32, #tpu.memory_space<vmem>>)
        tpu.yield
      }) : () -> ()
      %sub3A = arith.constant 2 : i32
      %sub3A_111 = arith.subi %add3A_100, %sub3A : i32
      %mul3A_112 = arith.constant 25088 : i32
      %mul3A_113 = arith.muli %add3A, %mul3A_112 : i32
      %mul3A_114 = arith.constant 224 : i32
      %mul3A_115 = arith.muli %sub3A_111, %mul3A_114 : i32
      %add3A_116 = arith.addi %mul3A_113, %mul3A_115 : i32
      %dma_wait3A_117 = arith.constant 0 : i32
      %dma_wait3A_118 = tpu.memref_slice %arg5[%add3A_116, %dma_wait3A_117] : memref<802816x32xbf16, #tpu.memory_space<hbm>> -> memref<224x32xbf16, #tpu.memory_space<hbm>>
      %dma_wait3A_119 = arith.constant 0 : i32
      %dma_wait3A_120 = tpu.memref_slice %arg5[%add3A_116, %dma_wait3A_119] : memref<802816x32xbf16, #tpu.memory_space<hbm>> -> memref<224x32xbf16, #tpu.memory_space<hbm>>
      tpu.wait_dma2 semaphore(%arg18 : memref<!tpu.dma_semaphore, #tpu.memory_space<semaphore_mem>>) src(%arg12 : memref<224x32xbf16, #tpu.memory_space<vmem>>) dst(%dma_wait3A_120 : memref<224x32xbf16, #tpu.memory_space<hbm>>)
      %dma_wait3A_121 = arith.constant 0 : i32
      %dma_wait3A_122 = tpu.memref_slice %arg6[%add3A_116, %dma_wait3A_121] : memref<802816x32xbf16, #tpu.memory_space<hbm>> -> memref<224x32xbf16, #tpu.memory_space<hbm>>
      %dma_wait3A_123 = arith.constant 0 : i32
      %dma_wait3A_124 = tpu.memref_slice %arg6[%add3A_116, %dma_wait3A_123] : memref<802816x32xbf16, #tpu.memory_space<hbm>> -> memref<224x32xbf16, #tpu.memory_space<hbm>>
      tpu.wait_dma2 semaphore(%arg18 : memref<!tpu.dma_semaphore, #tpu.memory_space<semaphore_mem>>) src(%arg13 : memref<224x32xbf16, #tpu.memory_space<vmem>>) dst(%dma_wait3A_124 : memref<224x32xbf16, #tpu.memory_space<hbm>>)
      %dma_start3A_125 = arith.constant 0 : i32
      %dma_start3A_126 = arith.constant 0 : i32
      %dma_start3A_127 = tpu.memref_slice %arg7[%dma_start3A_125, %dma_start3A_126] : memref<50176x32xbf16, #tpu.memory_space<vmem_shared>> -> memref<50176x32xbf16, #tpu.memory_space<vmem_shared>>
      tpu.enqueue_indirect_dma source(%dma_start3A_127 : memref<50176x32xbf16, #tpu.memory_space<vmem_shared>>) target(%arg12 : memref<224x32xbf16, #tpu.memory_space<vmem>>) offsets(%arg8 : memref<224xi32, #tpu.memory_space<vmem>>) semaphore(%arg16 : memref<!tpu.dma_semaphore, #tpu.memory_space<semaphore_mem>>)
      %dma_start3A_128 = arith.constant 0 : i32
      %dma_start3A_129 = arith.constant 0 : i32
      %dma_start3A_130 = tpu.memref_slice %arg7[%dma_start3A_128, %dma_start3A_129] : memref<50176x32xbf16, #tpu.memory_space<vmem_shared>> -> memref<50176x32xbf16, #tpu.memory_space<vmem_shared>>
      tpu.enqueue_indirect_dma source(%dma_start3A_130 : memref<50176x32xbf16, #tpu.memory_space<vmem_shared>>) target(%arg13 : memref<224x32xbf16, #tpu.memory_space<vmem>>) offsets(%arg9 : memref<224xi32, #tpu.memory_space<vmem>>) semaphore(%arg16 : memref<!tpu.dma_semaphore, #tpu.memory_space<semaphore_mem>>)
      %dma_wait3A_131 = arith.constant 0 : i32
      %dma_wait3A_132 = arith.constant 0 : i32
      %dma_wait3A_133 = tpu.memref_slice %arg7[%dma_wait3A_131, %dma_wait3A_132] : memref<50176x32xbf16, #tpu.memory_space<vmem_shared>> -> memref<50176x32xbf16, #tpu.memory_space<vmem_shared>>
      tpu.wait_indirect_dma semaphore(%arg17 : memref<!tpu.dma_semaphore, #tpu.memory_space<semaphore_mem>>) src(%dma_wait3A_133 : memref<50176x32xbf16, #tpu.memory_space<vmem_shared>>) dst(%arg14 : memref<224x32xbf16, #tpu.memory_space<vmem>>)
      %dma_wait3A_134 = arith.constant 0 : i32
      %dma_wait3A_135 = arith.constant 0 : i32
      %dma_wait3A_136 = tpu.memref_slice %arg7[%dma_wait3A_134, %dma_wait3A_135] : memref<50176x32xbf16, #tpu.memory_space<vmem_shared>> -> memref<50176x32xbf16, #tpu.memory_space<vmem_shared>>
      tpu.wait_indirect_dma semaphore(%arg17 : memref<!tpu.dma_semaphore, #tpu.memory_space<semaphore_mem>>) src(%dma_wait3A_136 : memref<50176x32xbf16, #tpu.memory_space<vmem_shared>>) dst(%arg15 : memref<224x32xbf16, #tpu.memory_space<vmem>>)
      %sub3A_137 = arith.constant 1 : i32
      %sub3A_138 = arith.subi %add3A_100, %sub3A_137 : i32
      %mul3A_139 = arith.constant 25088 : i32
      %mul3A_140 = arith.muli %add3A, %mul3A_139 : i32
      %mul3A_141 = arith.constant 224 : i32
      %mul3A_142 = arith.muli %sub3A_138, %mul3A_141 : i32
      %add3A_143 = arith.addi %mul3A_140, %mul3A_142 : i32
      %dma_start3A_144 = arith.constant 0 : i32
      %dma_start3A_145 = tpu.memref_slice %arg5[%add3A_143, %dma_start3A_144] : memref<802816x32xbf16, #tpu.memory_space<hbm>> -> memref<224x32xbf16, #tpu.memory_space<hbm>>
      %dma_start3A_146 = arith.constant 0 : i32
      %dma_start3A_147 = tpu.memref_slice %arg5[%add3A_143, %dma_start3A_146] : memref<802816x32xbf16, #tpu.memory_space<hbm>> -> memref<224x32xbf16, #tpu.memory_space<hbm>>
      tpu.enqueue_dma source(%arg14 : memref<224x32xbf16, #tpu.memory_space<vmem>>) target(%dma_start3A_147 : memref<224x32xbf16, #tpu.memory_space<hbm>>) target_semaphore(%arg19 : memref<!tpu.dma_semaphore, #tpu.memory_space<semaphore_mem>>)
      %dma_start3A_148 = arith.constant 0 : i32
      %dma_start3A_149 = tpu.memref_slice %arg6[%add3A_143, %dma_start3A_148] : memref<802816x32xbf16, #tpu.memory_space<hbm>> -> memref<224x32xbf16, #tpu.memory_space<hbm>>
      %dma_start3A_150 = arith.constant 0 : i32
      %dma_start3A_151 = tpu.memref_slice %arg6[%add3A_143, %dma_start3A_150] : memref<802816x32xbf16, #tpu.memory_space<hbm>> -> memref<224x32xbf16, #tpu.memory_space<hbm>>
      tpu.enqueue_dma source(%arg15 : memref<224x32xbf16, #tpu.memory_space<vmem>>) target(%dma_start3A_151 : memref<224x32xbf16, #tpu.memory_space<hbm>>) target_semaphore(%arg19 : memref<!tpu.dma_semaphore, #tpu.memory_space<semaphore_mem>>)
      %mul3A_152 = arith.constant 2 : i32
      %mul3A_153 = arith.muli %mul3A_152, %scan3A_96 : i32
      %add3A_154 = arith.constant 3 : i32
      %add3A_155 = arith.addi %mul3A_153, %add3A_154 : i32
      %mul3A_156 = arith.constant 25088 : i32
      %mul3A_157 = arith.muli %add3A, %mul3A_156 : i32
      %mul3A_158 = arith.constant 224 : i32
      %mul3A_159 = arith.muli %add3A_155, %mul3A_158 : i32
      %add3A_160 = arith.addi %mul3A_157, %mul3A_159 : i32
      "tpu.region"() ({
        %run_scoped3A = tpu.sem_alloc : memref<!tpu.dma_semaphore, #tpu.memory_space<semaphore_mem>>
        %dma_start3A_208 = tpu.memref_slice %arg3[%add3A_160] : memref<802816xi32, #tpu.memory_space<hbm>> -> memref<224xi32, #tpu.memory_space<hbm>>
        %dma_start3A_209 = tpu.memref_slice %arg3[%add3A_160] : memref<802816xi32, #tpu.memory_space<hbm>> -> memref<224xi32, #tpu.memory_space<hbm>>
        tpu.enqueue_dma source(%dma_start3A_209 : memref<224xi32, #tpu.memory_space<hbm>>) target(%arg10 : memref<224xi32, #tpu.memory_space<vmem>>) target_semaphore(%run_scoped3A : memref<!tpu.dma_semaphore, #tpu.memory_space<semaphore_mem>>)
        %dma_wait3A_210 = tpu.memref_slice %arg3[%add3A_160] : memref<802816xi32, #tpu.memory_space<hbm>> -> memref<224xi32, #tpu.memory_space<hbm>>
        %dma_wait3A_211 = tpu.memref_slice %arg3[%add3A_160] : memref<802816xi32, #tpu.memory_space<hbm>> -> memref<224xi32, #tpu.memory_space<hbm>>
        tpu.wait_dma2 semaphore(%run_scoped3A : memref<!tpu.dma_semaphore, #tpu.memory_space<semaphore_mem>>) src(%dma_wait3A_211 : memref<224xi32, #tpu.memory_space<hbm>>) dst(%arg10 : memref<224xi32, #tpu.memory_space<vmem>>)
        tpu.yield
      }) : () -> ()
      %mul3A_161 = arith.constant 25088 : i32
      %mul3A_162 = arith.muli %add3A, %mul3A_161 : i32
      %mul3A_163 = arith.constant 224 : i32
      %mul3A_164 = arith.muli %add3A_155, %mul3A_163 : i32
      %add3A_165 = arith.addi %mul3A_162, %mul3A_164 : i32
      "tpu.region"() ({
        %run_scoped3A = tpu.sem_alloc : memref<!tpu.dma_semaphore, #tpu.memory_space<semaphore_mem>>
        %dma_start3A_208 = tpu.memref_slice %arg4[%add3A_165] : memref<802816xi32, #tpu.memory_space<hbm>> -> memref<224xi32, #tpu.memory_space<hbm>>
        %dma_start3A_209 = tpu.memref_slice %arg4[%add3A_165] : memref<802816xi32, #tpu.memory_space<hbm>> -> memref<224xi32, #tpu.memory_space<hbm>>
        tpu.enqueue_dma source(%dma_start3A_209 : memref<224xi32, #tpu.memory_space<hbm>>) target(%arg11 : memref<224xi32, #tpu.memory_space<vmem>>) target_semaphore(%run_scoped3A : memref<!tpu.dma_semaphore, #tpu.memory_space<semaphore_mem>>)
        %dma_wait3A_210 = tpu.memref_slice %arg4[%add3A_165] : memref<802816xi32, #tpu.memory_space<hbm>> -> memref<224xi32, #tpu.memory_space<hbm>>
        %dma_wait3A_211 = tpu.memref_slice %arg4[%add3A_165] : memref<802816xi32, #tpu.memory_space<hbm>> -> memref<224xi32, #tpu.memory_space<hbm>>
        tpu.wait_dma2 semaphore(%run_scoped3A : memref<!tpu.dma_semaphore, #tpu.memory_space<semaphore_mem>>) src(%dma_wait3A_211 : memref<224xi32, #tpu.memory_space<hbm>>) dst(%arg11 : memref<224xi32, #tpu.memory_space<vmem>>)
        tpu.yield
      }) : () -> ()
      %sub3A_166 = arith.constant 2 : i32
      %sub3A_167 = arith.subi %add3A_155, %sub3A_166 : i32
      %mul3A_168 = arith.constant 25088 : i32
      %mul3A_169 = arith.muli %add3A, %mul3A_168 : i32
      %mul3A_170 = arith.constant 224 : i32
      %mul3A_171 = arith.muli %sub3A_167, %mul3A_170 : i32
      %add3A_172 = arith.addi %mul3A_169, %mul3A_171 : i32
      %dma_wait3A_173 = arith.constant 0 : i32
      %dma_wait3A_174 = tpu.memref_slice %arg5[%add3A_172, %dma_wait3A_173] : memref<802816x32xbf16, #tpu.memory_space<hbm>> -> memref<224x32xbf16, #tpu.memory_space<hbm>>
      %dma_wait3A_175 = arith.constant 0 : i32
      %dma_wait3A_176 = tpu.memref_slice %arg5[%add3A_172, %dma_wait3A_175] : memref<802816x32xbf16, #tpu.memory_space<hbm>> -> memref<224x32xbf16, #tpu.memory_space<hbm>>
      tpu.wait_dma2 semaphore(%arg19 : memref<!tpu.dma_semaphore, #tpu.memory_space<semaphore_mem>>) src(%arg14 : memref<224x32xbf16, #tpu.memory_space<vmem>>) dst(%dma_wait3A_176 : memref<224x32xbf16, #tpu.memory_space<hbm>>)
      %dma_wait3A_177 = arith.constant 0 : i32
      %dma_wait3A_178 = tpu.memref_slice %arg6[%add3A_172, %dma_wait3A_177] : memref<802816x32xbf16, #tpu.memory_space<hbm>> -> memref<224x32xbf16, #tpu.memory_space<hbm>>
      %dma_wait3A_179 = arith.constant 0 : i32
      %dma_wait3A_180 = tpu.memref_slice %arg6[%add3A_172, %dma_wait3A_179] : memref<802816x32xbf16, #tpu.memory_space<hbm>> -> memref<224x32xbf16, #tpu.memory_space<hbm>>
      tpu.wait_dma2 semaphore(%arg19 : memref<!tpu.dma_semaphore, #tpu.memory_space<semaphore_mem>>) src(%arg15 : memref<224x32xbf16, #tpu.memory_space<vmem>>) dst(%dma_wait3A_180 : memref<224x32xbf16, #tpu.memory_space<hbm>>)
      %dma_start3A_181 = arith.constant 0 : i32
      %dma_start3A_182 = arith.constant 0 : i32
      %dma_start3A_183 = tpu.memref_slice %arg7[%dma_start3A_181, %dma_start3A_182] : memref<50176x32xbf16, #tpu.memory_space<vmem_shared>> -> memref<50176x32xbf16, #tpu.memory_space<vmem_shared>>
      tpu.enqueue_indirect_dma source(%dma_start3A_183 : memref<50176x32xbf16, #tpu.memory_space<vmem_shared>>) target(%arg14 : memref<224x32xbf16, #tpu.memory_space<vmem>>) offsets(%arg10 : memref<224xi32, #tpu.memory_space<vmem>>) semaphore(%arg17 : memref<!tpu.dma_semaphore, #tpu.memory_space<semaphore_mem>>)
      %dma_start3A_184 = arith.constant 0 : i32
      %dma_start3A_185 = arith.constant 0 : i32
      %dma_start3A_186 = tpu.memref_slice %arg7[%dma_start3A_184, %dma_start3A_185] : memref<50176x32xbf16, #tpu.memory_space<vmem_shared>> -> memref<50176x32xbf16, #tpu.memory_space<vmem_shared>>
      tpu.enqueue_indirect_dma source(%dma_start3A_186 : memref<50176x32xbf16, #tpu.memory_space<vmem_shared>>) target(%arg15 : memref<224x32xbf16, #tpu.memory_space<vmem>>) offsets(%arg11 : memref<224xi32, #tpu.memory_space<vmem>>) semaphore(%arg17 : memref<!tpu.dma_semaphore, #tpu.memory_space<semaphore_mem>>)
      %dma_wait3A_187 = arith.constant 0 : i32
      %dma_wait3A_188 = arith.constant 0 : i32
      %dma_wait3A_189 = tpu.memref_slice %arg7[%dma_wait3A_187, %dma_wait3A_188] : memref<50176x32xbf16, #tpu.memory_space<vmem_shared>> -> memref<50176x32xbf16, #tpu.memory_space<vmem_shared>>
      tpu.wait_indirect_dma semaphore(%arg16 : memref<!tpu.dma_semaphore, #tpu.memory_space<semaphore_mem>>) src(%dma_wait3A_189 : memref<50176x32xbf16, #tpu.memory_space<vmem_shared>>) dst(%arg12 : memref<224x32xbf16, #tpu.memory_space<vmem>>)
      %dma_wait3A_190 = arith.constant 0 : i32
      %dma_wait3A_191 = arith.constant 0 : i32
      %dma_wait3A_192 = tpu.memref_slice %arg7[%dma_wait3A_190, %dma_wait3A_191] : memref<50176x32xbf16, #tpu.memory_space<vmem_shared>> -> memref<50176x32xbf16, #tpu.memory_space<vmem_shared>>
      tpu.wait_indirect_dma semaphore(%arg16 : memref<!tpu.dma_semaphore, #tpu.memory_space<semaphore_mem>>) src(%dma_wait3A_192 : memref<50176x32xbf16, #tpu.memory_space<vmem_shared>>) dst(%arg13 : memref<224x32xbf16, #tpu.memory_space<vmem>>)
      %sub3A_193 = arith.constant 1 : i32
      %sub3A_194 = arith.subi %add3A_155, %sub3A_193 : i32
      %mul3A_195 = arith.constant 25088 : i32
      %mul3A_196 = arith.muli %add3A, %mul3A_195 : i32
      %mul3A_197 = arith.constant 224 : i32
      %mul3A_198 = arith.muli %sub3A_194, %mul3A_197 : i32
      %add3A_199 = arith.addi %mul3A_196, %mul3A_198 : i32
      %dma_start3A_200 = arith.constant 0 : i32
      %dma_start3A_201 = tpu.memref_slice %arg5[%add3A_199, %dma_start3A_200] : memref<802816x32xbf16, #tpu.memory_space<hbm>> -> memref<224x32xbf16, #tpu.memory_space<hbm>>
      %dma_start3A_202 = arith.constant 0 : i32
      %dma_start3A_203 = tpu.memref_slice %arg5[%add3A_199, %dma_start3A_202] : memref<802816x32xbf16, #tpu.memory_space<hbm>> -> memref<224x32xbf16, #tpu.memory_space<hbm>>
      tpu.enqueue_dma source(%arg12 : memref<224x32xbf16, #tpu.memory_space<vmem>>) target(%dma_start3A_203 : memref<224x32xbf16, #tpu.memory_space<hbm>>) target_semaphore(%arg18 : memref<!tpu.dma_semaphore, #tpu.memory_space<semaphore_mem>>)
      %dma_start3A_204 = arith.constant 0 : i32
      %dma_start3A_205 = tpu.memref_slice %arg6[%add3A_199, %dma_start3A_204] : memref<802816x32xbf16, #tpu.memory_space<hbm>> -> memref<224x32xbf16, #tpu.memory_space<hbm>>
      %dma_start3A_206 = arith.constant 0 : i32
      %dma_start3A_207 = tpu.memref_slice %arg6[%add3A_199, %dma_start3A_206] : memref<802816x32xbf16, #tpu.memory_space<hbm>> -> memref<224x32xbf16, #tpu.memory_space<hbm>>
      tpu.enqueue_dma source(%arg13 : memref<224x32xbf16, #tpu.memory_space<vmem>>) target(%dma_start3A_207 : memref<224x32xbf16, #tpu.memory_space<hbm>>) target_semaphore(%arg18 : memref<!tpu.dma_semaphore, #tpu.memory_space<semaphore_mem>>)
    }
    %scan3A_53 = arith.constant 55 : i32
    %dma_wait3A_54 = arith.constant 0 : i32
    %dma_wait3A_55 = arith.constant 0 : i32
    %dma_wait3A_56 = tpu.memref_slice %arg7[%dma_wait3A_54, %dma_wait3A_55] : memref<50176x32xbf16, #tpu.memory_space<vmem_shared>> -> memref<50176x32xbf16, #tpu.memory_space<vmem_shared>>
    tpu.wait_indirect_dma semaphore(%arg17 : memref<!tpu.dma_semaphore, #tpu.memory_space<semaphore_mem>>) src(%dma_wait3A_56 : memref<50176x32xbf16, #tpu.memory_space<vmem_shared>>) dst(%arg14 : memref<224x32xbf16, #tpu.memory_space<vmem>>)
    %dma_wait3A_57 = arith.constant 0 : i32
    %dma_wait3A_58 = arith.constant 0 : i32
    %dma_wait3A_59 = tpu.memref_slice %arg7[%dma_wait3A_57, %dma_wait3A_58] : memref<50176x32xbf16, #tpu.memory_space<vmem_shared>> -> memref<50176x32xbf16, #tpu.memory_space<vmem_shared>>
    tpu.wait_indirect_dma semaphore(%arg17 : memref<!tpu.dma_semaphore, #tpu.memory_space<semaphore_mem>>) src(%dma_wait3A_59 : memref<50176x32xbf16, #tpu.memory_space<vmem_shared>>) dst(%arg15 : memref<224x32xbf16, #tpu.memory_space<vmem>>)
    %mul3A_60 = arith.constant 25088 : i32
    %mul3A_61 = arith.muli %add3A, %mul3A_60 : i32
    %add3A_62 = arith.constant 24864 : i32
    %add3A_63 = arith.addi %mul3A_61, %add3A_62 : i32
    %dma_start3A_64 = arith.constant 0 : i32
    %dma_start3A_65 = tpu.memref_slice %arg5[%add3A_63, %dma_start3A_64] : memref<802816x32xbf16, #tpu.memory_space<hbm>> -> memref<224x32xbf16, #tpu.memory_space<hbm>>
    %dma_start3A_66 = arith.constant 0 : i32
    %dma_start3A_67 = tpu.memref_slice %arg5[%add3A_63, %dma_start3A_66] : memref<802816x32xbf16, #tpu.memory_space<hbm>> -> memref<224x32xbf16, #tpu.memory_space<hbm>>
    tpu.enqueue_dma source(%arg14 : memref<224x32xbf16, #tpu.memory_space<vmem>>) target(%dma_start3A_67 : memref<224x32xbf16, #tpu.memory_space<hbm>>) target_semaphore(%arg19 : memref<!tpu.dma_semaphore, #tpu.memory_space<semaphore_mem>>)
    %dma_start3A_68 = arith.constant 0 : i32
    %dma_start3A_69 = tpu.memref_slice %arg6[%add3A_63, %dma_start3A_68] : memref<802816x32xbf16, #tpu.memory_space<hbm>> -> memref<224x32xbf16, #tpu.memory_space<hbm>>
    %dma_start3A_70 = arith.constant 0 : i32
    %dma_start3A_71 = tpu.memref_slice %arg6[%add3A_63, %dma_start3A_70] : memref<802816x32xbf16, #tpu.memory_space<hbm>> -> memref<224x32xbf16, #tpu.memory_space<hbm>>
    tpu.enqueue_dma source(%arg15 : memref<224x32xbf16, #tpu.memory_space<vmem>>) target(%dma_start3A_71 : memref<224x32xbf16, #tpu.memory_space<hbm>>) target_semaphore(%arg19 : memref<!tpu.dma_semaphore, #tpu.memory_space<semaphore_mem>>)
    %mul3A_72 = arith.constant 25088 : i32
    %mul3A_73 = arith.muli %add3A, %mul3A_72 : i32
    %add3A_74 = arith.constant 24640 : i32
    %add3A_75 = arith.addi %mul3A_73, %add3A_74 : i32
    %dma_wait3A_76 = arith.constant 0 : i32
    %dma_wait3A_77 = tpu.memref_slice %arg5[%add3A_75, %dma_wait3A_76] : memref<802816x32xbf16, #tpu.memory_space<hbm>> -> memref<224x32xbf16, #tpu.memory_space<hbm>>
    %dma_wait3A_78 = arith.constant 0 : i32
    %dma_wait3A_79 = tpu.memref_slice %arg5[%add3A_75, %dma_wait3A_78] : memref<802816x32xbf16, #tpu.memory_space<hbm>> -> memref<224x32xbf16, #tpu.memory_space<hbm>>
    tpu.wait_dma2 semaphore(%arg18 : memref<!tpu.dma_semaphore, #tpu.memory_space<semaphore_mem>>) src(%arg12 : memref<224x32xbf16, #tpu.memory_space<vmem>>) dst(%dma_wait3A_79 : memref<224x32xbf16, #tpu.memory_space<hbm>>)
    %dma_wait3A_80 = arith.constant 0 : i32
    %dma_wait3A_81 = tpu.memref_slice %arg6[%add3A_75, %dma_wait3A_80] : memref<802816x32xbf16, #tpu.memory_space<hbm>> -> memref<224x32xbf16, #tpu.memory_space<hbm>>
    %dma_wait3A_82 = arith.constant 0 : i32
    %dma_wait3A_83 = tpu.memref_slice %arg6[%add3A_75, %dma_wait3A_82] : memref<802816x32xbf16, #tpu.memory_space<hbm>> -> memref<224x32xbf16, #tpu.memory_space<hbm>>
    tpu.wait_dma2 semaphore(%arg18 : memref<!tpu.dma_semaphore, #tpu.memory_space<semaphore_mem>>) src(%arg13 : memref<224x32xbf16, #tpu.memory_space<vmem>>) dst(%dma_wait3A_83 : memref<224x32xbf16, #tpu.memory_space<hbm>>)
    %mul3A_84 = arith.constant 25088 : i32
    %mul3A_85 = arith.muli %add3A, %mul3A_84 : i32
    %add3A_86 = arith.constant 24864 : i32
    %add3A_87 = arith.addi %mul3A_85, %add3A_86 : i32
    %dma_wait3A_88 = arith.constant 0 : i32
    %dma_wait3A_89 = tpu.memref_slice %arg5[%add3A_87, %dma_wait3A_88] : memref<802816x32xbf16, #tpu.memory_space<hbm>> -> memref<224x32xbf16, #tpu.memory_space<hbm>>
    %dma_wait3A_90 = arith.constant 0 : i32
    %dma_wait3A_91 = tpu.memref_slice %arg5[%add3A_87, %dma_wait3A_90] : memref<802816x32xbf16, #tpu.memory_space<hbm>> -> memref<224x32xbf16, #tpu.memory_space<hbm>>
    tpu.wait_dma2 semaphore(%arg19 : memref<!tpu.dma_semaphore, #tpu.memory_space<semaphore_mem>>) src(%arg14 : memref<224x32xbf16, #tpu.memory_space<vmem>>) dst(%dma_wait3A_91 : memref<224x32xbf16, #tpu.memory_space<hbm>>)
    %dma_wait3A_92 = arith.constant 0 : i32
    %dma_wait3A_93 = tpu.memref_slice %arg6[%add3A_87, %dma_wait3A_92] : memref<802816x32xbf16, #tpu.memory_space<hbm>> -> memref<224x32xbf16, #tpu.memory_space<hbm>>
    %dma_wait3A_94 = arith.constant 0 : i32
    %dma_wait3A_95 = tpu.memref_slice %arg6[%add3A_87, %dma_wait3A_94] : memref<802816x32xbf16, #tpu.memory_space<hbm>> -> memref<224x32xbf16, #tpu.memory_space<hbm>>
    tpu.wait_dma2 semaphore(%arg19 : memref<!tpu.dma_semaphore, #tpu.memory_space<semaphore_mem>>) src(%arg15 : memref<224x32xbf16, #tpu.memory_space<vmem>>) dst(%dma_wait3A_95 : memref<224x32xbf16, #tpu.memory_space<hbm>>)
    return
  }
}

#map = affine_map<(d0, d1) -> (0, 0)>
module attributes {stable_mosaic.version = 14 : i64} {
  func.func @_present(%arg0: i32, %arg1: i32, %arg2: memref<6272x128xi32, #tpu.memory_space<hbm>>, %arg3: memref<6272x128xi32, #tpu.memory_space<hbm>>, %arg4: memref<32x50176xf32, #tpu.memory_space<hbm>>, %arg5: memref<50176xf32, #tpu.memory_space<vmem>>, %arg6: memref<196x128xi32, #tpu.memory_space<vmem>>, %arg7: memref<196x128xi32, #tpu.memory_space<vmem>>) attributes {dimension_semantics = [#tpu.dimension_semantics<core_parallel>, #tpu.dimension_semantics<subcore_parallel>], iteration_bounds = array<i64: 2, 16>, scalar_prefetch = 0 : i64, scratch_operands = 3 : i64, tpu.core_type = #tpu.core_type<sc_vector_subcore>, window_params = [{transform_indices = #map}, {transform_indices = #map}, {transform_indices = #map}]} {
    %mul3A = arith.constant 2 : i32
    %mul3A_0 = arith.muli %arg1, %mul3A : i32
    %add3A = arith.addi %mul3A_0, %arg0 : i32
    %broadcast_in_dim3A = arith.constant 0.000000e+00 : f32
    %broadcast_in_dim3A_1 = vector.broadcast %broadcast_in_dim3A : f32 to vector<16xf32>
    %broadcast_in_dim3A_2 = arith.constant 1.000000e+00 : f32
    %broadcast_in_dim3A_3 = vector.broadcast %broadcast_in_dim3A_2 : f32 to vector<16xf32>
    %scan3A = arith.constant 0 : i32
    %scan3A_4 = arith.constant 0 : i32
    %scan3A_5 = arith.constant 392 : i32
    %scan3A_6 = arith.addi %scan3A_4, %scan3A_5 : i32
    %scan3A_7 = arith.constant 1 : i32
    scf.for %scan3A_19 = %scan3A_4 to %scan3A_6 step %scan3A_7  : i32 {
      %mul3A_20 = arith.constant 128 : i32
      %mul3A_21 = arith.muli %scan3A_19, %mul3A_20 : i32
      %multiple_of3A = tpu.assume_multiple %mul3A_21, 128 : i32
      %add3A_22 = arith.constant 0 : i32
      %add3A_23 = arith.addi %multiple_of3A, %add3A_22 : i32
      %swap3A = arith.index_cast %add3A_23 : i32 to index
      %swap3A_24 = tpu.vector_load %arg5[%swap3A] {strides = array<i32>} : memref<50176xf32, #tpu.memory_space<vmem>>, vector<16xf32>,
      tpu.vector_store %arg5[%swap3A], %broadcast_in_dim3A_1 {strides = array<i32>} : memref<50176xf32, #tpu.memory_space<vmem>>, vector<16xf32>,
      %add3A_25 = arith.constant 16 : i32
      %add3A_26 = arith.addi %multiple_of3A, %add3A_25 : i32
      %swap3A_27 = arith.index_cast %add3A_26 : i32 to index
      %swap3A_28 = tpu.vector_load %arg5[%swap3A_27] {strides = array<i32>} : memref<50176xf32, #tpu.memory_space<vmem>>, vector<16xf32>,
      tpu.vector_store %arg5[%swap3A_27], %broadcast_in_dim3A_1 {strides = array<i32>} : memref<50176xf32, #tpu.memory_space<vmem>>, vector<16xf32>,
      %add3A_29 = arith.constant 32 : i32
      %add3A_30 = arith.addi %multiple_of3A, %add3A_29 : i32
      %swap3A_31 = arith.index_cast %add3A_30 : i32 to index
      %swap3A_32 = tpu.vector_load %arg5[%swap3A_31] {strides = array<i32>} : memref<50176xf32, #tpu.memory_space<vmem>>, vector<16xf32>,
      tpu.vector_store %arg5[%swap3A_31], %broadcast_in_dim3A_1 {strides = array<i32>} : memref<50176xf32, #tpu.memory_space<vmem>>, vector<16xf32>,
      %add3A_33 = arith.constant 48 : i32
      %add3A_34 = arith.addi %multiple_of3A, %add3A_33 : i32
      %swap3A_35 = arith.index_cast %add3A_34 : i32 to index
      %swap3A_36 = tpu.vector_load %arg5[%swap3A_35] {strides = array<i32>} : memref<50176xf32, #tpu.memory_space<vmem>>, vector<16xf32>,
      tpu.vector_store %arg5[%swap3A_35], %broadcast_in_dim3A_1 {strides = array<i32>} : memref<50176xf32, #tpu.memory_space<vmem>>, vector<16xf32>,
      %add3A_37 = arith.constant 64 : i32
      %add3A_38 = arith.addi %multiple_of3A, %add3A_37 : i32
      %swap3A_39 = arith.index_cast %add3A_38 : i32 to index
      %swap3A_40 = tpu.vector_load %arg5[%swap3A_39] {strides = array<i32>} : memref<50176xf32, #tpu.memory_space<vmem>>, vector<16xf32>,
      tpu.vector_store %arg5[%swap3A_39], %broadcast_in_dim3A_1 {strides = array<i32>} : memref<50176xf32, #tpu.memory_space<vmem>>, vector<16xf32>,
      %add3A_41 = arith.constant 80 : i32
      %add3A_42 = arith.addi %multiple_of3A, %add3A_41 : i32
      %swap3A_43 = arith.index_cast %add3A_42 : i32 to index
      %swap3A_44 = tpu.vector_load %arg5[%swap3A_43] {strides = array<i32>} : memref<50176xf32, #tpu.memory_space<vmem>>, vector<16xf32>,
      tpu.vector_store %arg5[%swap3A_43], %broadcast_in_dim3A_1 {strides = array<i32>} : memref<50176xf32, #tpu.memory_space<vmem>>, vector<16xf32>,
      %add3A_45 = arith.constant 96 : i32
      %add3A_46 = arith.addi %multiple_of3A, %add3A_45 : i32
      %swap3A_47 = arith.index_cast %add3A_46 : i32 to index
      %swap3A_48 = tpu.vector_load %arg5[%swap3A_47] {strides = array<i32>} : memref<50176xf32, #tpu.memory_space<vmem>>, vector<16xf32>,
      tpu.vector_store %arg5[%swap3A_47], %broadcast_in_dim3A_1 {strides = array<i32>} : memref<50176xf32, #tpu.memory_space<vmem>>, vector<16xf32>,
      %add3A_49 = arith.constant 112 : i32
      %add3A_50 = arith.addi %multiple_of3A, %add3A_49 : i32
      %swap3A_51 = arith.index_cast %add3A_50 : i32 to index
      %swap3A_52 = tpu.vector_load %arg5[%swap3A_51] {strides = array<i32>} : memref<50176xf32, #tpu.memory_space<vmem>>, vector<16xf32>,
      tpu.vector_store %arg5[%swap3A_51], %broadcast_in_dim3A_1 {strides = array<i32>} : memref<50176xf32, #tpu.memory_space<vmem>>, vector<16xf32>,
    }
    %scan3A_8 = arith.constant 392 : i32
    %mul3A_9 = arith.constant 196 : i32
    %mul3A_10 = arith.muli %add3A, %mul3A_9 : i32
    "tpu.region"() ({
      %run_scoped3A = tpu.sem_alloc : memref<!tpu.dma_semaphore, #tpu.memory_space<semaphore_mem>>
      %dma_start3A = arith.constant 0 : i32
      %dma_start3A_19 = tpu.memref_slice %arg2[%mul3A_10, %dma_start3A] : memref<6272x128xi32, #tpu.memory_space<hbm>> -> memref<196x128xi32, #tpu.memory_space<hbm>>
      %dma_start3A_20 = arith.constant 0 : i32
      %dma_start3A_21 = tpu.memref_slice %arg2[%mul3A_10, %dma_start3A_20] : memref<6272x128xi32, #tpu.memory_space<hbm>> -> memref<196x128xi32, #tpu.memory_space<hbm>>
      tpu.enqueue_dma source(%dma_start3A_21 : memref<196x128xi32, #tpu.memory_space<hbm>>) target(%arg6 : memref<196x128xi32, #tpu.memory_space<vmem>>) target_semaphore(%run_scoped3A : memref<!tpu.dma_semaphore, #tpu.memory_space<semaphore_mem>>)
      %dma_wait3A = arith.constant 0 : i32
      %dma_wait3A_22 = tpu.memref_slice %arg2[%mul3A_10, %dma_wait3A] : memref<6272x128xi32, #tpu.memory_space<hbm>> -> memref<196x128xi32, #tpu.memory_space<hbm>>
      %dma_wait3A_23 = arith.constant 0 : i32
      %dma_wait3A_24 = tpu.memref_slice %arg2[%mul3A_10, %dma_wait3A_23] : memref<6272x128xi32, #tpu.memory_space<hbm>> -> memref<196x128xi32, #tpu.memory_space<hbm>>
      tpu.wait_dma2 semaphore(%run_scoped3A : memref<!tpu.dma_semaphore, #tpu.memory_space<semaphore_mem>>) src(%dma_wait3A_24 : memref<196x128xi32, #tpu.memory_space<hbm>>) dst(%arg6 : memref<196x128xi32, #tpu.memory_space<vmem>>)
      tpu.yield
    }) : () -> ()
    %mul3A_11 = arith.constant 196 : i32
    %mul3A_12 = arith.muli %add3A, %mul3A_11 : i32
    "tpu.region"() ({
      %run_scoped3A = tpu.sem_alloc : memref<!tpu.dma_semaphore, #tpu.memory_space<semaphore_mem>>
      %dma_start3A = arith.constant 0 : i32
      %dma_start3A_19 = tpu.memref_slice %arg3[%mul3A_12, %dma_start3A] : memref<6272x128xi32, #tpu.memory_space<hbm>> -> memref<196x128xi32, #tpu.memory_space<hbm>>
      %dma_start3A_20 = arith.constant 0 : i32
      %dma_start3A_21 = tpu.memref_slice %arg3[%mul3A_12, %dma_start3A_20] : memref<6272x128xi32, #tpu.memory_space<hbm>> -> memref<196x128xi32, #tpu.memory_space<hbm>>
      tpu.enqueue_dma source(%dma_start3A_21 : memref<196x128xi32, #tpu.memory_space<hbm>>) target(%arg7 : memref<196x128xi32, #tpu.memory_space<vmem>>) target_semaphore(%run_scoped3A : memref<!tpu.dma_semaphore, #tpu.memory_space<semaphore_mem>>)
      %dma_wait3A = arith.constant 0 : i32
      %dma_wait3A_22 = tpu.memref_slice %arg3[%mul3A_12, %dma_wait3A] : memref<6272x128xi32, #tpu.memory_space<hbm>> -> memref<196x128xi32, #tpu.memory_space<hbm>>
      %dma_wait3A_23 = arith.constant 0 : i32
      %dma_wait3A_24 = tpu.memref_slice %arg3[%mul3A_12, %dma_wait3A_23] : memref<6272x128xi32, #tpu.memory_space<hbm>> -> memref<196x128xi32, #tpu.memory_space<hbm>>
      tpu.wait_dma2 semaphore(%run_scoped3A : memref<!tpu.dma_semaphore, #tpu.memory_space<semaphore_mem>>) src(%dma_wait3A_24 : memref<196x128xi32, #tpu.memory_space<hbm>>) dst(%arg7 : memref<196x128xi32, #tpu.memory_space<vmem>>)
      tpu.yield
    }) : () -> ()
    %scan3A_13 = arith.constant 0 : i32
    %scan3A_14 = arith.constant 0 : i32
    %scan3A_15 = arith.constant 196 : i32
    %scan3A_16 = arith.addi %scan3A_14, %scan3A_15 : i32
    %scan3A_17 = arith.constant 1 : i32
    scf.for %scan3A_19 = %scan3A_14 to %scan3A_16 step %scan3A_17  : i32 {
      %get3A = arith.index_cast %scan3A_19 : i32 to index
      %get3A_20 = arith.constant 0 : index
      %get3A_21 = tpu.vector_load %arg6[%get3A, %get3A_20] {strides = array<i32>} : memref<196x128xi32, #tpu.memory_space<vmem>>, vector<16xi32>,
      tpu.vector_store_idx %arg5[%get3A_21], %broadcast_in_dim3A_3 : memref<50176xf32, #tpu.memory_space<vmem>>[vector<16xi32>], vector<16xf32>,
      %get3A_22 = arith.index_cast %scan3A_19 : i32 to index
      %get3A_23 = arith.constant 0 : index
      %get3A_24 = tpu.vector_load %arg7[%get3A_22, %get3A_23] {strides = array<i32>} : memref<196x128xi32, #tpu.memory_space<vmem>>, vector<16xi32>,
      tpu.vector_store_idx %arg5[%get3A_24], %broadcast_in_dim3A_3 : memref<50176xf32, #tpu.memory_space<vmem>>[vector<16xi32>], vector<16xf32>,
      %get3A_25 = arith.index_cast %scan3A_19 : i32 to index
      %get3A_26 = arith.constant 16 : index
      %get3A_27 = tpu.vector_load %arg6[%get3A_25, %get3A_26] {strides = array<i32>} : memref<196x128xi32, #tpu.memory_space<vmem>>, vector<16xi32>,
      tpu.vector_store_idx %arg5[%get3A_27], %broadcast_in_dim3A_3 : memref<50176xf32, #tpu.memory_space<vmem>>[vector<16xi32>], vector<16xf32>,
      %get3A_28 = arith.index_cast %scan3A_19 : i32 to index
      %get3A_29 = arith.constant 16 : index
      %get3A_30 = tpu.vector_load %arg7[%get3A_28, %get3A_29] {strides = array<i32>} : memref<196x128xi32, #tpu.memory_space<vmem>>, vector<16xi32>,
      tpu.vector_store_idx %arg5[%get3A_30], %broadcast_in_dim3A_3 : memref<50176xf32, #tpu.memory_space<vmem>>[vector<16xi32>], vector<16xf32>,
      %get3A_31 = arith.index_cast %scan3A_19 : i32 to index
      %get3A_32 = arith.constant 32 : index
      %get3A_33 = tpu.vector_load %arg6[%get3A_31, %get3A_32] {strides = array<i32>} : memref<196x128xi32, #tpu.memory_space<vmem>>, vector<16xi32>,
      tpu.vector_store_idx %arg5[%get3A_33], %broadcast_in_dim3A_3 : memref<50176xf32, #tpu.memory_space<vmem>>[vector<16xi32>], vector<16xf32>,
      %get3A_34 = arith.index_cast %scan3A_19 : i32 to index
      %get3A_35 = arith.constant 32 : index
      %get3A_36 = tpu.vector_load %arg7[%get3A_34, %get3A_35] {strides = array<i32>} : memref<196x128xi32, #tpu.memory_space<vmem>>, vector<16xi32>,
      tpu.vector_store_idx %arg5[%get3A_36], %broadcast_in_dim3A_3 : memref<50176xf32, #tpu.memory_space<vmem>>[vector<16xi32>], vector<16xf32>,
      %get3A_37 = arith.index_cast %scan3A_19 : i32 to index
      %get3A_38 = arith.constant 48 : index
      %get3A_39 = tpu.vector_load %arg6[%get3A_37, %get3A_38] {strides = array<i32>} : memref<196x128xi32, #tpu.memory_space<vmem>>, vector<16xi32>,
      tpu.vector_store_idx %arg5[%get3A_39], %broadcast_in_dim3A_3 : memref<50176xf32, #tpu.memory_space<vmem>>[vector<16xi32>], vector<16xf32>,
      %get3A_40 = arith.index_cast %scan3A_19 : i32 to index
      %get3A_41 = arith.constant 48 : index
      %get3A_42 = tpu.vector_load %arg7[%get3A_40, %get3A_41] {strides = array<i32>} : memref<196x128xi32, #tpu.memory_space<vmem>>, vector<16xi32>,
      tpu.vector_store_idx %arg5[%get3A_42], %broadcast_in_dim3A_3 : memref<50176xf32, #tpu.memory_space<vmem>>[vector<16xi32>], vector<16xf32>,
      %get3A_43 = arith.index_cast %scan3A_19 : i32 to index
      %get3A_44 = arith.constant 64 : index
      %get3A_45 = tpu.vector_load %arg6[%get3A_43, %get3A_44] {strides = array<i32>} : memref<196x128xi32, #tpu.memory_space<vmem>>, vector<16xi32>,
      tpu.vector_store_idx %arg5[%get3A_45], %broadcast_in_dim3A_3 : memref<50176xf32, #tpu.memory_space<vmem>>[vector<16xi32>], vector<16xf32>,
      %get3A_46 = arith.index_cast %scan3A_19 : i32 to index
      %get3A_47 = arith.constant 64 : index
      %get3A_48 = tpu.vector_load %arg7[%get3A_46, %get3A_47] {strides = array<i32>} : memref<196x128xi32, #tpu.memory_space<vmem>>, vector<16xi32>,
      tpu.vector_store_idx %arg5[%get3A_48], %broadcast_in_dim3A_3 : memref<50176xf32, #tpu.memory_space<vmem>>[vector<16xi32>], vector<16xf32>,
      %get3A_49 = arith.index_cast %scan3A_19 : i32 to index
      %get3A_50 = arith.constant 80 : index
      %get3A_51 = tpu.vector_load %arg6[%get3A_49, %get3A_50] {strides = array<i32>} : memref<196x128xi32, #tpu.memory_space<vmem>>, vector<16xi32>,
      tpu.vector_store_idx %arg5[%get3A_51], %broadcast_in_dim3A_3 : memref<50176xf32, #tpu.memory_space<vmem>>[vector<16xi32>], vector<16xf32>,
      %get3A_52 = arith.index_cast %scan3A_19 : i32 to index
      %get3A_53 = arith.constant 80 : index
      %get3A_54 = tpu.vector_load %arg7[%get3A_52, %get3A_53] {strides = array<i32>} : memref<196x128xi32, #tpu.memory_space<vmem>>, vector<16xi32>,
      tpu.vector_store_idx %arg5[%get3A_54], %broadcast_in_dim3A_3 : memref<50176xf32, #tpu.memory_space<vmem>>[vector<16xi32>], vector<16xf32>,
      %get3A_55 = arith.index_cast %scan3A_19 : i32 to index
      %get3A_56 = arith.constant 96 : index
      %get3A_57 = tpu.vector_load %arg6[%get3A_55, %get3A_56] {strides = array<i32>} : memref<196x128xi32, #tpu.memory_space<vmem>>, vector<16xi32>,
      tpu.vector_store_idx %arg5[%get3A_57], %broadcast_in_dim3A_3 : memref<50176xf32, #tpu.memory_space<vmem>>[vector<16xi32>], vector<16xf32>,
      %get3A_58 = arith.index_cast %scan3A_19 : i32 to index
      %get3A_59 = arith.constant 96 : index
      %get3A_60 = tpu.vector_load %arg7[%get3A_58, %get3A_59] {strides = array<i32>} : memref<196x128xi32, #tpu.memory_space<vmem>>, vector<16xi32>,
      tpu.vector_store_idx %arg5[%get3A_60], %broadcast_in_dim3A_3 : memref<50176xf32, #tpu.memory_space<vmem>>[vector<16xi32>], vector<16xf32>,
      %get3A_61 = arith.index_cast %scan3A_19 : i32 to index
      %get3A_62 = arith.constant 112 : index
      %get3A_63 = tpu.vector_load %arg6[%get3A_61, %get3A_62] {strides = array<i32>} : memref<196x128xi32, #tpu.memory_space<vmem>>, vector<16xi32>,
      tpu.vector_store_idx %arg5[%get3A_63], %broadcast_in_dim3A_3 : memref<50176xf32, #tpu.memory_space<vmem>>[vector<16xi32>], vector<16xf32>,
      %get3A_64 = arith.index_cast %scan3A_19 : i32 to index
      %get3A_65 = arith.constant 112 : index
      %get3A_66 = tpu.vector_load %arg7[%get3A_64, %get3A_65] {strides = array<i32>} : memref<196x128xi32, #tpu.memory_space<vmem>>, vector<16xi32>,
      tpu.vector_store_idx %arg5[%get3A_66], %broadcast_in_dim3A_3 : memref<50176xf32, #tpu.memory_space<vmem>>[vector<16xi32>], vector<16xf32>,
    }
    %scan3A_18 = arith.constant 196 : i32
    "tpu.region"() ({
      %run_scoped3A = tpu.sem_alloc : memref<!tpu.dma_semaphore, #tpu.memory_space<semaphore_mem>>
      %dma_start3A = arith.constant 0 : i32
      %dma_start3A_19 = tpu.memref_slice %arg4[%add3A, %dma_start3A] : memref<32x50176xf32, #tpu.memory_space<hbm>> -> memref<1x50176xf32, #tpu.memory_space<hbm>>
      %dma_start3A_20 = tpu.memref_squeeze %dma_start3A_19 : memref<1x50176xf32, #tpu.memory_space<hbm>> -> memref<50176xf32, #tpu.memory_space<hbm>>
      %dma_start3A_21 = arith.constant 0 : i32
      %dma_start3A_22 = tpu.memref_slice %arg4[%add3A, %dma_start3A_21] : memref<32x50176xf32, #tpu.memory_space<hbm>> -> memref<1x50176xf32, #tpu.memory_space<hbm>>
      %dma_start3A_23 = tpu.memref_squeeze %dma_start3A_22 : memref<1x50176xf32, #tpu.memory_space<hbm>> -> memref<50176xf32, #tpu.memory_space<hbm>>
      tpu.enqueue_dma source(%arg5 : memref<50176xf32, #tpu.memory_space<vmem>>) target(%dma_start3A_23 : memref<50176xf32, #tpu.memory_space<hbm>>) target_semaphore(%run_scoped3A : memref<!tpu.dma_semaphore, #tpu.memory_space<semaphore_mem>>)
      %dma_wait3A = arith.constant 0 : i32
      %dma_wait3A_24 = tpu.memref_slice %arg4[%add3A, %dma_wait3A] : memref<32x50176xf32, #tpu.memory_space<hbm>> -> memref<1x50176xf32, #tpu.memory_space<hbm>>
      %dma_wait3A_25 = tpu.memref_squeeze %dma_wait3A_24 : memref<1x50176xf32, #tpu.memory_space<hbm>> -> memref<50176xf32, #tpu.memory_space<hbm>>
      %dma_wait3A_26 = arith.constant 0 : i32
      %dma_wait3A_27 = tpu.memref_slice %arg4[%add3A, %dma_wait3A_26] : memref<32x50176xf32, #tpu.memory_space<hbm>> -> memref<1x50176xf32, #tpu.memory_space<hbm>>
      %dma_wait3A_28 = tpu.memref_squeeze %dma_wait3A_27 : memref<1x50176xf32, #tpu.memory_space<hbm>> -> memref<50176xf32, #tpu.memory_space<hbm>>
      tpu.wait_dma2 semaphore(%run_scoped3A : memref<!tpu.dma_semaphore, #tpu.memory_space<semaphore_mem>>) src(%arg5 : memref<50176xf32, #tpu.memory_space<vmem>>) dst(%dma_wait3A_28 : memref<50176xf32, #tpu.memory_space<hbm>>)
      tpu.yield
    }) : () -> ()
    return
  }
}

#map = affine_map<(d0, d1) -> (0, 0)>
#map1 = affine_map<(d0, d1) -> (0)>
module attributes {stable_mosaic.version = 14 : i64} {
  func.func @k(%arg0: i32, %arg1: i32, %arg2: memref<50176x32xbf16, #tpu.memory_space<hbm>>, %arg3: memref<50176x32xbf16, #tpu.memory_space<hbm>>, %arg4: memref<802816xi32, #tpu.memory_space<hbm>>, %arg5: memref<802816xi32, #tpu.memory_space<hbm>>, %arg6: memref<802816xi32, #tpu.memory_space<hbm>>, %arg7: memref<802816x32xbf16, #tpu.memory_space<hbm>>, %arg8: memref<802816x32xbf16, #tpu.memory_space<hbm>>, %arg9: memref<802816x32xbf16, #tpu.memory_space<hbm>>, %arg10: memref<50176x32xbf16, #tpu.memory_space<vmem_shared>>, %arg11: memref<50176x32xbf16, #tpu.memory_space<vmem_shared>>, %arg12: memref<224xi32, #tpu.memory_space<vmem>>, %arg13: memref<224xi32, #tpu.memory_space<vmem>>, %arg14: memref<224xi32, #tpu.memory_space<vmem>>, %arg15: memref<224xi32, #tpu.memory_space<vmem>>, %arg16: memref<224xi32, #tpu.memory_space<vmem>>, %arg17: memref<224xi32, #tpu.memory_space<vmem>>, %arg18: memref<224x32xbf16, #tpu.memory_space<vmem>>, %arg19: memref<224x32xbf16, #tpu.memory_space<vmem>>, %arg20: memref<224x32xbf16, #tpu.memory_space<vmem>>, %arg21: memref<224x32xbf16, #tpu.memory_space<vmem>>, %arg22: memref<224x32xbf16, #tpu.memory_space<vmem>>, %arg23: memref<224x32xbf16, #tpu.memory_space<vmem>>, %arg24: memref<!tpu.dma_semaphore, #tpu.memory_space<semaphore_mem>>, %arg25: memref<!tpu.dma_semaphore, #tpu.memory_space<semaphore_mem>>, %arg26: memref<!tpu.dma_semaphore, #tpu.memory_space<semaphore_mem>>, %arg27: memref<!tpu.dma_semaphore, #tpu.memory_space<semaphore_mem>>) attributes {dimension_semantics = [#tpu.dimension_semantics<core_parallel>, #tpu.dimension_semantics<subcore_parallel>], iteration_bounds = array<i64: 2, 16>, scalar_prefetch = 0 : i64, scratch_operands = 18 : i64, tpu.core_type = #tpu.core_type<sc_vector_subcore>, window_params = [{transform_indices = #map}, {transform_indices = #map}, {transform_indices = #map1}, {transform_indices = #map1}, {transform_indices = #map1}, {transform_indices = #map}, {transform_indices = #map}, {transform_indices = #map}]} {
    %mul3A = arith.constant 2 : i32
    %mul3A_0 = arith.muli %arg1, %mul3A : i32
    %add3A = arith.addi %mul3A_0, %arg0 : i32
    %mul3A_1 = arith.constant 3136 : i32
    %mul3A_2 = arith.muli %arg1, %mul3A_1 : i32
    %mul3A_3 = arith.constant 3136 : i32
    %mul3A_4 = arith.muli %arg1, %mul3A_3 : i32
    "tpu.region"() ({
      %run_scoped3A = tpu.sem_alloc : memref<!tpu.dma_semaphore, #tpu.memory_space<semaphore_mem>>
      %dma_start3A_136 = arith.constant 0 : i32
      %dma_start3A_137 = tpu.memref_slice %arg10[%mul3A_4, %dma_start3A_136] : memref<50176x32xbf16, #tpu.memory_space<vmem_shared>> -> memref<3136x32xbf16, #tpu.memory_space<vmem_shared>>
      %dma_start3A_138 = arith.constant 0 : i32
      %dma_start3A_139 = tpu.memref_slice %arg2[%mul3A_2, %dma_start3A_138] : memref<50176x32xbf16, #tpu.memory_space<hbm>> -> memref<3136x32xbf16, #tpu.memory_space<hbm>>
      tpu.enqueue_dma source(%dma_start3A_139 : memref<3136x32xbf16, #tpu.memory_space<hbm>>) target(%dma_start3A_137 : memref<3136x32xbf16, #tpu.memory_space<vmem_shared>>) target_semaphore(%run_scoped3A : memref<!tpu.dma_semaphore, #tpu.memory_space<semaphore_mem>>)
      %dma_wait3A_140 = arith.constant 0 : i32
      %dma_wait3A_141 = tpu.memref_slice %arg10[%mul3A_4, %dma_wait3A_140] : memref<50176x32xbf16, #tpu.memory_space<vmem_shared>> -> memref<3136x32xbf16, #tpu.memory_space<vmem_shared>>
      %dma_wait3A_142 = arith.constant 0 : i32
      %dma_wait3A_143 = tpu.memref_slice %arg2[%mul3A_2, %dma_wait3A_142] : memref<50176x32xbf16, #tpu.memory_space<hbm>> -> memref<3136x32xbf16, #tpu.memory_space<hbm>>
      tpu.wait_dma2 semaphore(%run_scoped3A : memref<!tpu.dma_semaphore, #tpu.memory_space<semaphore_mem>>) src(%dma_wait3A_143 : memref<3136x32xbf16, #tpu.memory_space<hbm>>) dst(%dma_wait3A_141 : memref<3136x32xbf16, #tpu.memory_space<vmem_shared>>)
      tpu.yield
    }) : () -> ()
    %mul3A_5 = arith.constant 3136 : i32
    %mul3A_6 = arith.muli %arg1, %mul3A_5 : i32
    %mul3A_7 = arith.constant 3136 : i32
    %mul3A_8 = arith.muli %arg1, %mul3A_7 : i32
    "tpu.region"() ({
      %run_scoped3A = tpu.sem_alloc : memref<!tpu.dma_semaphore, #tpu.memory_space<semaphore_mem>>
      %dma_start3A_136 = arith.constant 0 : i32
      %dma_start3A_137 = tpu.memref_slice %arg11[%mul3A_8, %dma_start3A_136] : memref<50176x32xbf16, #tpu.memory_space<vmem_shared>> -> memref<3136x32xbf16, #tpu.memory_space<vmem_shared>>
      %dma_start3A_138 = arith.constant 0 : i32
      %dma_start3A_139 = tpu.memref_slice %arg3[%mul3A_6, %dma_start3A_138] : memref<50176x32xbf16, #tpu.memory_space<hbm>> -> memref<3136x32xbf16, #tpu.memory_space<hbm>>
      tpu.enqueue_dma source(%dma_start3A_139 : memref<3136x32xbf16, #tpu.memory_space<hbm>>) target(%dma_start3A_137 : memref<3136x32xbf16, #tpu.memory_space<vmem_shared>>) target_semaphore(%run_scoped3A : memref<!tpu.dma_semaphore, #tpu.memory_space<semaphore_mem>>)
      %dma_wait3A_140 = arith.constant 0 : i32
      %dma_wait3A_141 = tpu.memref_slice %arg11[%mul3A_8, %dma_wait3A_140] : memref<50176x32xbf16, #tpu.memory_space<vmem_shared>> -> memref<3136x32xbf16, #tpu.memory_space<vmem_shared>>
      %dma_wait3A_142 = arith.constant 0 : i32
      %dma_wait3A_143 = tpu.memref_slice %arg3[%mul3A_6, %dma_wait3A_142] : memref<50176x32xbf16, #tpu.memory_space<hbm>> -> memref<3136x32xbf16, #tpu.memory_space<hbm>>
      tpu.wait_dma2 semaphore(%run_scoped3A : memref<!tpu.dma_semaphore, #tpu.memory_space<semaphore_mem>>) src(%dma_wait3A_143 : memref<3136x32xbf16, #tpu.memory_space<hbm>>) dst(%dma_wait3A_141 : memref<3136x32xbf16, #tpu.memory_space<vmem_shared>>)
      tpu.yield
    }) : () -> ()
    %barrier3A = arith.constant 0 : index
    tpu.barrier barrier_id(%barrier3A)
    %mul3A_9 = arith.constant 25088 : i32
    %mul3A_10 = arith.muli %add3A, %mul3A_9 : i32
    %add3A_11 = arith.constant 0 : i32
    %add3A_12 = arith.addi %mul3A_10, %add3A_11 : i32
    "tpu.region"() ({
      %run_scoped3A = tpu.sem_alloc : memref<!tpu.dma_semaphore, #tpu.memory_space<semaphore_mem>>
      %dma_start3A_136 = tpu.memref_slice %arg4[%add3A_12] : memref<802816xi32, #tpu.memory_space<hbm>> -> memref<224xi32, #tpu.memory_space<hbm>>
      %dma_start3A_137 = tpu.memref_slice %arg4[%add3A_12] : memref<802816xi32, #tpu.memory_space<hbm>> -> memref<224xi32, #tpu.memory_space<hbm>>
      tpu.enqueue_dma source(%dma_start3A_137 : memref<224xi32, #tpu.memory_space<hbm>>) target(%arg12 : memref<224xi32, #tpu.memory_space<vmem>>) target_semaphore(%run_scoped3A : memref<!tpu.dma_semaphore, #tpu.memory_space<semaphore_mem>>)
      %dma_wait3A_138 = tpu.memref_slice %arg4[%add3A_12] : memref<802816xi32, #tpu.memory_space<hbm>> -> memref<224xi32, #tpu.memory_space<hbm>>
      %dma_wait3A_139 = tpu.memref_slice %arg4[%add3A_12] : memref<802816xi32, #tpu.memory_space<hbm>> -> memref<224xi32, #tpu.memory_space<hbm>>
      tpu.wait_dma2 semaphore(%run_scoped3A : memref<!tpu.dma_semaphore, #tpu.memory_space<semaphore_mem>>) src(%dma_wait3A_139 : memref<224xi32, #tpu.memory_space<hbm>>) dst(%arg12 : memref<224xi32, #tpu.memory_space<vmem>>)
      tpu.yield
    }) : () -> ()
    %mul3A_13 = arith.constant 25088 : i32
    %mul3A_14 = arith.muli %add3A, %mul3A_13 : i32
    %add3A_15 = arith.constant 0 : i32
    %add3A_16 = arith.addi %mul3A_14, %add3A_15 : i32
    "tpu.region"() ({
      %run_scoped3A = tpu.sem_alloc : memref<!tpu.dma_semaphore, #tpu.memory_space<semaphore_mem>>
      %dma_start3A_136 = tpu.memref_slice %arg5[%add3A_16] : memref<802816xi32, #tpu.memory_space<hbm>> -> memref<224xi32, #tpu.memory_space<hbm>>
      %dma_start3A_137 = tpu.memref_slice %arg5[%add3A_16] : memref<802816xi32, #tpu.memory_space<hbm>> -> memref<224xi32, #tpu.memory_space<hbm>>
      tpu.enqueue_dma source(%dma_start3A_137 : memref<224xi32, #tpu.memory_space<hbm>>) target(%arg13 : memref<224xi32, #tpu.memory_space<vmem>>) target_semaphore(%run_scoped3A : memref<!tpu.dma_semaphore, #tpu.memory_space<semaphore_mem>>)
      %dma_wait3A_138 = tpu.memref_slice %arg5[%add3A_16] : memref<802816xi32, #tpu.memory_space<hbm>> -> memref<224xi32, #tpu.memory_space<hbm>>
      %dma_wait3A_139 = tpu.memref_slice %arg5[%add3A_16] : memref<802816xi32, #tpu.memory_space<hbm>> -> memref<224xi32, #tpu.memory_space<hbm>>
      tpu.wait_dma2 semaphore(%run_scoped3A : memref<!tpu.dma_semaphore, #tpu.memory_space<semaphore_mem>>) src(%dma_wait3A_139 : memref<224xi32, #tpu.memory_space<hbm>>) dst(%arg13 : memref<224xi32, #tpu.memory_space<vmem>>)
      tpu.yield
    }) : () -> ()
    %mul3A_17 = arith.constant 25088 : i32
    %mul3A_18 = arith.muli %add3A, %mul3A_17 : i32
    %add3A_19 = arith.constant 0 : i32
    %add3A_20 = arith.addi %mul3A_18, %add3A_19 : i32
    "tpu.region"() ({
      %run_scoped3A = tpu.sem_alloc : memref<!tpu.dma_semaphore, #tpu.memory_space<semaphore_mem>>
      %dma_start3A_136 = tpu.memref_slice %arg6[%add3A_20] : memref<802816xi32, #tpu.memory_space<hbm>> -> memref<224xi32, #tpu.memory_space<hbm>>
      %dma_start3A_137 = tpu.memref_slice %arg6[%add3A_20] : memref<802816xi32, #tpu.memory_space<hbm>> -> memref<224xi32, #tpu.memory_space<hbm>>
      tpu.enqueue_dma source(%dma_start3A_137 : memref<224xi32, #tpu.memory_space<hbm>>) target(%arg14 : memref<224xi32, #tpu.memory_space<vmem>>) target_semaphore(%run_scoped3A : memref<!tpu.dma_semaphore, #tpu.memory_space<semaphore_mem>>)
      %dma_wait3A_138 = tpu.memref_slice %arg6[%add3A_20] : memref<802816xi32, #tpu.memory_space<hbm>> -> memref<224xi32, #tpu.memory_space<hbm>>
      %dma_wait3A_139 = tpu.memref_slice %arg6[%add3A_20] : memref<802816xi32, #tpu.memory_space<hbm>> -> memref<224xi32, #tpu.memory_space<hbm>>
      tpu.wait_dma2 semaphore(%run_scoped3A : memref<!tpu.dma_semaphore, #tpu.memory_space<semaphore_mem>>) src(%dma_wait3A_139 : memref<224xi32, #tpu.memory_space<hbm>>) dst(%arg14 : memref<224xi32, #tpu.memory_space<vmem>>)
      tpu.yield
    }) : () -> ()
    %dma_start3A = arith.constant 0 : i32
    %dma_start3A_21 = arith.constant 0 : i32
    %dma_start3A_22 = tpu.memref_slice %arg10[%dma_start3A, %dma_start3A_21] : memref<50176x32xbf16, #tpu.memory_space<vmem_shared>> -> memref<50176x32xbf16, #tpu.memory_space<vmem_shared>>
    tpu.enqueue_indirect_dma source(%dma_start3A_22 : memref<50176x32xbf16, #tpu.memory_space<vmem_shared>>) target(%arg18 : memref<224x32xbf16, #tpu.memory_space<vmem>>) offsets(%arg12 : memref<224xi32, #tpu.memory_space<vmem>>) semaphore(%arg24 : memref<!tpu.dma_semaphore, #tpu.memory_space<semaphore_mem>>)
    %dma_start3A_23 = arith.constant 0 : i32
    %dma_start3A_24 = arith.constant 0 : i32
    %dma_start3A_25 = tpu.memref_slice %arg11[%dma_start3A_23, %dma_start3A_24] : memref<50176x32xbf16, #tpu.memory_space<vmem_shared>> -> memref<50176x32xbf16, #tpu.memory_space<vmem_shared>>
    tpu.enqueue_indirect_dma source(%dma_start3A_25 : memref<50176x32xbf16, #tpu.memory_space<vmem_shared>>) target(%arg19 : memref<224x32xbf16, #tpu.memory_space<vmem>>) offsets(%arg13 : memref<224xi32, #tpu.memory_space<vmem>>) semaphore(%arg24 : memref<!tpu.dma_semaphore, #tpu.memory_space<semaphore_mem>>)
    %dma_start3A_26 = arith.constant 0 : i32
    %dma_start3A_27 = arith.constant 0 : i32
    %dma_start3A_28 = tpu.memref_slice %arg10[%dma_start3A_26, %dma_start3A_27] : memref<50176x32xbf16, #tpu.memory_space<vmem_shared>> -> memref<50176x32xbf16, #tpu.memory_space<vmem_shared>>
    tpu.enqueue_indirect_dma source(%dma_start3A_28 : memref<50176x32xbf16, #tpu.memory_space<vmem_shared>>) target(%arg20 : memref<224x32xbf16, #tpu.memory_space<vmem>>) offsets(%arg14 : memref<224xi32, #tpu.memory_space<vmem>>) semaphore(%arg24 : memref<!tpu.dma_semaphore, #tpu.memory_space<semaphore_mem>>)
    %mul3A_29 = arith.constant 25088 : i32
    %mul3A_30 = arith.muli %add3A, %mul3A_29 : i32
    %add3A_31 = arith.constant 224 : i32
    %add3A_32 = arith.addi %mul3A_30, %add3A_31 : i32
    "tpu.region"() ({
      %run_scoped3A = tpu.sem_alloc : memref<!tpu.dma_semaphore, #tpu.memory_space<semaphore_mem>>
      %dma_start3A_136 = tpu.memref_slice %arg4[%add3A_32] : memref<802816xi32, #tpu.memory_space<hbm>> -> memref<224xi32, #tpu.memory_space<hbm>>
      %dma_start3A_137 = tpu.memref_slice %arg4[%add3A_32] : memref<802816xi32, #tpu.memory_space<hbm>> -> memref<224xi32, #tpu.memory_space<hbm>>
      tpu.enqueue_dma source(%dma_start3A_137 : memref<224xi32, #tpu.memory_space<hbm>>) target(%arg15 : memref<224xi32, #tpu.memory_space<vmem>>) target_semaphore(%run_scoped3A : memref<!tpu.dma_semaphore, #tpu.memory_space<semaphore_mem>>)
      %dma_wait3A_138 = tpu.memref_slice %arg4[%add3A_32] : memref<802816xi32, #tpu.memory_space<hbm>> -> memref<224xi32, #tpu.memory_space<hbm>>
      %dma_wait3A_139 = tpu.memref_slice %arg4[%add3A_32] : memref<802816xi32, #tpu.memory_space<hbm>> -> memref<224xi32, #tpu.memory_space<hbm>>
      tpu.wait_dma2 semaphore(%run_scoped3A : memref<!tpu.dma_semaphore, #tpu.memory_space<semaphore_mem>>) src(%dma_wait3A_139 : memref<224xi32, #tpu.memory_space<hbm>>) dst(%arg15 : memref<224xi32, #tpu.memory_space<vmem>>)
      tpu.yield
    }) : () -> ()
    %mul3A_33 = arith.constant 25088 : i32
    %mul3A_34 = arith.muli %add3A, %mul3A_33 : i32
    %add3A_35 = arith.constant 224 : i32
    %add3A_36 = arith.addi %mul3A_34, %add3A_35 : i32
    "tpu.region"() ({
      %run_scoped3A = tpu.sem_alloc : memref<!tpu.dma_semaphore, #tpu.memory_space<semaphore_mem>>
      %dma_start3A_136 = tpu.memref_slice %arg5[%add3A_36] : memref<802816xi32, #tpu.memory_space<hbm>> -> memref<224xi32, #tpu.memory_space<hbm>>
      %dma_start3A_137 = tpu.memref_slice %arg5[%add3A_36] : memref<802816xi32, #tpu.memory_space<hbm>> -> memref<224xi32, #tpu.memory_space<hbm>>
      tpu.enqueue_dma source(%dma_start3A_137 : memref<224xi32, #tpu.memory_space<hbm>>) target(%arg16 : memref<224xi32, #tpu.memory_space<vmem>>) target_semaphore(%run_scoped3A : memref<!tpu.dma_semaphore, #tpu.memory_space<semaphore_mem>>)
      %dma_wait3A_138 = tpu.memref_slice %arg5[%add3A_36] : memref<802816xi32, #tpu.memory_space<hbm>> -> memref<224xi32, #tpu.memory_space<hbm>>
      %dma_wait3A_139 = tpu.memref_slice %arg5[%add3A_36] : memref<802816xi32, #tpu.memory_space<hbm>> -> memref<224xi32, #tpu.memory_space<hbm>>
      tpu.wait_dma2 semaphore(%run_scoped3A : memref<!tpu.dma_semaphore, #tpu.memory_space<semaphore_mem>>) src(%dma_wait3A_139 : memref<224xi32, #tpu.memory_space<hbm>>) dst(%arg16 : memref<224xi32, #tpu.memory_space<vmem>>)
      tpu.yield
    }) : () -> ()
    %mul3A_37 = arith.constant 25088 : i32
    %mul3A_38 = arith.muli %add3A, %mul3A_37 : i32
    %add3A_39 = arith.constant 224 : i32
    %add3A_40 = arith.addi %mul3A_38, %add3A_39 : i32
    "tpu.region"() ({
      %run_scoped3A = tpu.sem_alloc : memref<!tpu.dma_semaphore, #tpu.memory_space<semaphore_mem>>
      %dma_start3A_136 = tpu.memref_slice %arg6[%add3A_40] : memref<802816xi32, #tpu.memory_space<hbm>> -> memref<224xi32, #tpu.memory_space<hbm>>
      %dma_start3A_137 = tpu.memref_slice %arg6[%add3A_40] : memref<802816xi32, #tpu.memory_space<hbm>> -> memref<224xi32, #tpu.memory_space<hbm>>
      tpu.enqueue_dma source(%dma_start3A_137 : memref<224xi32, #tpu.memory_space<hbm>>) target(%arg17 : memref<224xi32, #tpu.memory_space<vmem>>) target_semaphore(%run_scoped3A : memref<!tpu.dma_semaphore, #tpu.memory_space<semaphore_mem>>)
      %dma_wait3A_138 = tpu.memref_slice %arg6[%add3A_40] : memref<802816xi32, #tpu.memory_space<hbm>> -> memref<224xi32, #tpu.memory_space<hbm>>
      %dma_wait3A_139 = tpu.memref_slice %arg6[%add3A_40] : memref<802816xi32, #tpu.memory_space<hbm>> -> memref<224xi32, #tpu.memory_space<hbm>>
      tpu.wait_dma2 semaphore(%run_scoped3A : memref<!tpu.dma_semaphore, #tpu.memory_space<semaphore_mem>>) src(%dma_wait3A_139 : memref<224xi32, #tpu.memory_space<hbm>>) dst(%arg17 : memref<224xi32, #tpu.memory_space<vmem>>)
      tpu.yield
    }) : () -> ()
    %dma_start3A_41 = arith.constant 0 : i32
    %dma_start3A_42 = arith.constant 0 : i32
    %dma_start3A_43 = tpu.memref_slice %arg10[%dma_start3A_41, %dma_start3A_42] : memref<50176x32xbf16, #tpu.memory_space<vmem_shared>> -> memref<50176x32xbf16, #tpu.memory_space<vmem_shared>>
    tpu.enqueue_indirect_dma source(%dma_start3A_43 : memref<50176x32xbf16, #tpu.memory_space<vmem_shared>>) target(%arg21 : memref<224x32xbf16, #tpu.memory_space<vmem>>) offsets(%arg15 : memref<224xi32, #tpu.memory_space<vmem>>) semaphore(%arg25 : memref<!tpu.dma_semaphore, #tpu.memory_space<semaphore_mem>>)
    %dma_start3A_44 = arith.constant 0 : i32
    %dma_start3A_45 = arith.constant 0 : i32
    %dma_start3A_46 = tpu.memref_slice %arg11[%dma_start3A_44, %dma_start3A_45] : memref<50176x32xbf16, #tpu.memory_space<vmem_shared>> -> memref<50176x32xbf16, #tpu.memory_space<vmem_shared>>
    tpu.enqueue_indirect_dma source(%dma_start3A_46 : memref<50176x32xbf16, #tpu.memory_space<vmem_shared>>) target(%arg22 : memref<224x32xbf16, #tpu.memory_space<vmem>>) offsets(%arg16 : memref<224xi32, #tpu.memory_space<vmem>>) semaphore(%arg25 : memref<!tpu.dma_semaphore, #tpu.memory_space<semaphore_mem>>)
    %dma_start3A_47 = arith.constant 0 : i32
    %dma_start3A_48 = arith.constant 0 : i32
    %dma_start3A_49 = tpu.memref_slice %arg10[%dma_start3A_47, %dma_start3A_48] : memref<50176x32xbf16, #tpu.memory_space<vmem_shared>> -> memref<50176x32xbf16, #tpu.memory_space<vmem_shared>>
    tpu.enqueue_indirect_dma source(%dma_start3A_49 : memref<50176x32xbf16, #tpu.memory_space<vmem_shared>>) target(%arg23 : memref<224x32xbf16, #tpu.memory_space<vmem>>) offsets(%arg17 : memref<224xi32, #tpu.memory_space<vmem>>) semaphore(%arg25 : memref<!tpu.dma_semaphore, #tpu.memory_space<semaphore_mem>>)
    %dma_wait3A = arith.constant 0 : i32
    %dma_wait3A_50 = arith.constant 0 : i32
    %dma_wait3A_51 = tpu.memref_slice %arg10[%dma_wait3A, %dma_wait3A_50] : memref<50176x32xbf16, #tpu.memory_space<vmem_shared>> -> memref<50176x32xbf16, #tpu.memory_space<vmem_shared>>
    tpu.wait_indirect_dma semaphore(%arg24 : memref<!tpu.dma_semaphore, #tpu.memory_space<semaphore_mem>>) src(%dma_wait3A_51 : memref<50176x32xbf16, #tpu.memory_space<vmem_shared>>) dst(%arg18 : memref<224x32xbf16, #tpu.memory_space<vmem>>)
    %dma_wait3A_52 = arith.constant 0 : i32
    %dma_wait3A_53 = arith.constant 0 : i32
    %dma_wait3A_54 = tpu.memref_slice %arg11[%dma_wait3A_52, %dma_wait3A_53] : memref<50176x32xbf16, #tpu.memory_space<vmem_shared>> -> memref<50176x32xbf16, #tpu.memory_space<vmem_shared>>
    tpu.wait_indirect_dma semaphore(%arg24 : memref<!tpu.dma_semaphore, #tpu.memory_space<semaphore_mem>>) src(%dma_wait3A_54 : memref<50176x32xbf16, #tpu.memory_space<vmem_shared>>) dst(%arg19 : memref<224x32xbf16, #tpu.memory_space<vmem>>)
    %dma_wait3A_55 = arith.constant 0 : i32
    %dma_wait3A_56 = arith.constant 0 : i32
    %dma_wait3A_57 = tpu.memref_slice %arg10[%dma_wait3A_55, %dma_wait3A_56] : memref<50176x32xbf16, #tpu.memory_space<vmem_shared>> -> memref<50176x32xbf16, #tpu.memory_space<vmem_shared>>
    tpu.wait_indirect_dma semaphore(%arg24 : memref<!tpu.dma_semaphore, #tpu.memory_space<semaphore_mem>>) src(%dma_wait3A_57 : memref<50176x32xbf16, #tpu.memory_space<vmem_shared>>) dst(%arg20 : memref<224x32xbf16, #tpu.memory_space<vmem>>)
    %mul3A_58 = arith.constant 25088 : i32
    %mul3A_59 = arith.muli %add3A, %mul3A_58 : i32
    %add3A_60 = arith.constant 0 : i32
    %add3A_61 = arith.addi %mul3A_59, %add3A_60 : i32
    %dma_start3A_62 = arith.constant 0 : i32
    %dma_start3A_63 = tpu.memref_slice %arg7[%add3A_61, %dma_start3A_62] : memref<802816x32xbf16, #tpu.memory_space<hbm>> -> memref<224x32xbf16, #tpu.memory_space<hbm>>
    %dma_start3A_64 = arith.constant 0 : i32
    %dma_start3A_65 = tpu.memref_slice %arg7[%add3A_61, %dma_start3A_64] : memref<802816x32xbf16, #tpu.memory_space<hbm>> -> memref<224x32xbf16, #tpu.memory_space<hbm>>
    tpu.enqueue_dma source(%arg18 : memref<224x32xbf16, #tpu.memory_space<vmem>>) target(%dma_start3A_65 : memref<224x32xbf16, #tpu.memory_space<hbm>>) target_semaphore(%arg26 : memref<!tpu.dma_semaphore, #tpu.memory_space<semaphore_mem>>)
    %dma_start3A_66 = arith.constant 0 : i32
    %dma_start3A_67 = tpu.memref_slice %arg8[%add3A_61, %dma_start3A_66] : memref<802816x32xbf16, #tpu.memory_space<hbm>> -> memref<224x32xbf16, #tpu.memory_space<hbm>>
    %dma_start3A_68 = arith.constant 0 : i32
    %dma_start3A_69 = tpu.memref_slice %arg8[%add3A_61, %dma_start3A_68] : memref<802816x32xbf16, #tpu.memory_space<hbm>> -> memref<224x32xbf16, #tpu.memory_space<hbm>>
    tpu.enqueue_dma source(%arg19 : memref<224x32xbf16, #tpu.memory_space<vmem>>) target(%dma_start3A_69 : memref<224x32xbf16, #tpu.memory_space<hbm>>) target_semaphore(%arg26 : memref<!tpu.dma_semaphore, #tpu.memory_space<semaphore_mem>>)
    %dma_start3A_70 = arith.constant 0 : i32
    %dma_start3A_71 = tpu.memref_slice %arg9[%add3A_61, %dma_start3A_70] : memref<802816x32xbf16, #tpu.memory_space<hbm>> -> memref<224x32xbf16, #tpu.memory_space<hbm>>
    %dma_start3A_72 = arith.constant 0 : i32
    %dma_start3A_73 = tpu.memref_slice %arg9[%add3A_61, %dma_start3A_72] : memref<802816x32xbf16, #tpu.memory_space<hbm>> -> memref<224x32xbf16, #tpu.memory_space<hbm>>
    tpu.enqueue_dma source(%arg20 : memref<224x32xbf16, #tpu.memory_space<vmem>>) target(%dma_start3A_73 : memref<224x32xbf16, #tpu.memory_space<hbm>>) target_semaphore(%arg26 : memref<!tpu.dma_semaphore, #tpu.memory_space<semaphore_mem>>)
    %scan3A = arith.constant 0 : i32
    %scan3A_74 = arith.constant 0 : i32
    %scan3A_75 = arith.constant 55 : i32
    %scan3A_76 = arith.addi %scan3A_74, %scan3A_75 : i32
    %scan3A_77 = arith.constant 1 : i32
    scf.for %scan3A_136 = %scan3A_74 to %scan3A_76 step %scan3A_77  : i32 {
      %mul3A_137 = arith.constant 2 : i32
      %mul3A_138 = arith.muli %mul3A_137, %scan3A_136 : i32
      %add3A_139 = arith.constant 2 : i32
      %add3A_140 = arith.addi %mul3A_138, %add3A_139 : i32
      %mul3A_141 = arith.constant 25088 : i32
      %mul3A_142 = arith.muli %add3A, %mul3A_141 : i32
      %mul3A_143 = arith.constant 224 : i32
      %mul3A_144 = arith.muli %add3A_140, %mul3A_143 : i32
      %add3A_145 = arith.addi %mul3A_142, %mul3A_144 : i32
      "tpu.region"() ({
        %run_scoped3A = tpu.sem_alloc : memref<!tpu.dma_semaphore, #tpu.memory_space<semaphore_mem>>
        %dma_start3A_286 = tpu.memref_slice %arg4[%add3A_145] : memref<802816xi32, #tpu.memory_space<hbm>> -> memref<224xi32, #tpu.memory_space<hbm>>
        %dma_start3A_287 = tpu.memref_slice %arg4[%add3A_145] : memref<802816xi32, #tpu.memory_space<hbm>> -> memref<224xi32, #tpu.memory_space<hbm>>
        tpu.enqueue_dma source(%dma_start3A_287 : memref<224xi32, #tpu.memory_space<hbm>>) target(%arg12 : memref<224xi32, #tpu.memory_space<vmem>>) target_semaphore(%run_scoped3A : memref<!tpu.dma_semaphore, #tpu.memory_space<semaphore_mem>>)
        %dma_wait3A_288 = tpu.memref_slice %arg4[%add3A_145] : memref<802816xi32, #tpu.memory_space<hbm>> -> memref<224xi32, #tpu.memory_space<hbm>>
        %dma_wait3A_289 = tpu.memref_slice %arg4[%add3A_145] : memref<802816xi32, #tpu.memory_space<hbm>> -> memref<224xi32, #tpu.memory_space<hbm>>
        tpu.wait_dma2 semaphore(%run_scoped3A : memref<!tpu.dma_semaphore, #tpu.memory_space<semaphore_mem>>) src(%dma_wait3A_289 : memref<224xi32, #tpu.memory_space<hbm>>) dst(%arg12 : memref<224xi32, #tpu.memory_space<vmem>>)
        tpu.yield
      }) : () -> ()
      %mul3A_146 = arith.constant 25088 : i32
      %mul3A_147 = arith.muli %add3A, %mul3A_146 : i32
      %mul3A_148 = arith.constant 224 : i32
      %mul3A_149 = arith.muli %add3A_140, %mul3A_148 : i32
      %add3A_150 = arith.addi %mul3A_147, %mul3A_149 : i32
      "tpu.region"() ({
        %run_scoped3A = tpu.sem_alloc : memref<!tpu.dma_semaphore, #tpu.memory_space<semaphore_mem>>
        %dma_start3A_286 = tpu.memref_slice %arg5[%add3A_150] : memref<802816xi32, #tpu.memory_space<hbm>> -> memref<224xi32, #tpu.memory_space<hbm>>
        %dma_start3A_287 = tpu.memref_slice %arg5[%add3A_150] : memref<802816xi32, #tpu.memory_space<hbm>> -> memref<224xi32, #tpu.memory_space<hbm>>
        tpu.enqueue_dma source(%dma_start3A_287 : memref<224xi32, #tpu.memory_space<hbm>>) target(%arg13 : memref<224xi32, #tpu.memory_space<vmem>>) target_semaphore(%run_scoped3A : memref<!tpu.dma_semaphore, #tpu.memory_space<semaphore_mem>>)
        %dma_wait3A_288 = tpu.memref_slice %arg5[%add3A_150] : memref<802816xi32, #tpu.memory_space<hbm>> -> memref<224xi32, #tpu.memory_space<hbm>>
        %dma_wait3A_289 = tpu.memref_slice %arg5[%add3A_150] : memref<802816xi32, #tpu.memory_space<hbm>> -> memref<224xi32, #tpu.memory_space<hbm>>
        tpu.wait_dma2 semaphore(%run_scoped3A : memref<!tpu.dma_semaphore, #tpu.memory_space<semaphore_mem>>) src(%dma_wait3A_289 : memref<224xi32, #tpu.memory_space<hbm>>) dst(%arg13 : memref<224xi32, #tpu.memory_space<vmem>>)
        tpu.yield
      }) : () -> ()
      %mul3A_151 = arith.constant 25088 : i32
      %mul3A_152 = arith.muli %add3A, %mul3A_151 : i32
      %mul3A_153 = arith.constant 224 : i32
      %mul3A_154 = arith.muli %add3A_140, %mul3A_153 : i32
      %add3A_155 = arith.addi %mul3A_152, %mul3A_154 : i32
      "tpu.region"() ({
        %run_scoped3A = tpu.sem_alloc : memref<!tpu.dma_semaphore, #tpu.memory_space<semaphore_mem>>
        %dma_start3A_286 = tpu.memref_slice %arg6[%add3A_155] : memref<802816xi32, #tpu.memory_space<hbm>> -> memref<224xi32, #tpu.memory_space<hbm>>
        %dma_start3A_287 = tpu.memref_slice %arg6[%add3A_155] : memref<802816xi32, #tpu.memory_space<hbm>> -> memref<224xi32, #tpu.memory_space<hbm>>
        tpu.enqueue_dma source(%dma_start3A_287 : memref<224xi32, #tpu.memory_space<hbm>>) target(%arg14 : memref<224xi32, #tpu.memory_space<vmem>>) target_semaphore(%run_scoped3A : memref<!tpu.dma_semaphore, #tpu.memory_space<semaphore_mem>>)
        %dma_wait3A_288 = tpu.memref_slice %arg6[%add3A_155] : memref<802816xi32, #tpu.memory_space<hbm>> -> memref<224xi32, #tpu.memory_space<hbm>>
        %dma_wait3A_289 = tpu.memref_slice %arg6[%add3A_155] : memref<802816xi32, #tpu.memory_space<hbm>> -> memref<224xi32, #tpu.memory_space<hbm>>
        tpu.wait_dma2 semaphore(%run_scoped3A : memref<!tpu.dma_semaphore, #tpu.memory_space<semaphore_mem>>) src(%dma_wait3A_289 : memref<224xi32, #tpu.memory_space<hbm>>) dst(%arg14 : memref<224xi32, #tpu.memory_space<vmem>>)
        tpu.yield
      }) : () -> ()
      %sub3A = arith.constant 2 : i32
      %sub3A_156 = arith.subi %add3A_140, %sub3A : i32
      %mul3A_157 = arith.constant 25088 : i32
      %mul3A_158 = arith.muli %add3A, %mul3A_157 : i32
      %mul3A_159 = arith.constant 224 : i32
      %mul3A_160 = arith.muli %sub3A_156, %mul3A_159 : i32
      %add3A_161 = arith.addi %mul3A_158, %mul3A_160 : i32
      %dma_wait3A_162 = arith.constant 0 : i32
      %dma_wait3A_163 = tpu.memref_slice %arg7[%add3A_161, %dma_wait3A_162] : memref<802816x32xbf16, #tpu.memory_space<hbm>> -> memref<224x32xbf16, #tpu.memory_space<hbm>>
      %dma_wait3A_164 = arith.constant 0 : i32
      %dma_wait3A_165 = tpu.memref_slice %arg7[%add3A_161, %dma_wait3A_164] : memref<802816x32xbf16, #tpu.memory_space<hbm>> -> memref<224x32xbf16, #tpu.memory_space<hbm>>
      tpu.wait_dma2 semaphore(%arg26 : memref<!tpu.dma_semaphore, #tpu.memory_space<semaphore_mem>>) src(%arg18 : memref<224x32xbf16, #tpu.memory_space<vmem>>) dst(%dma_wait3A_165 : memref<224x32xbf16, #tpu.memory_space<hbm>>)
      %dma_wait3A_166 = arith.constant 0 : i32
      %dma_wait3A_167 = tpu.memref_slice %arg8[%add3A_161, %dma_wait3A_166] : memref<802816x32xbf16, #tpu.memory_space<hbm>> -> memref<224x32xbf16, #tpu.memory_space<hbm>>
      %dma_wait3A_168 = arith.constant 0 : i32
      %dma_wait3A_169 = tpu.memref_slice %arg8[%add3A_161, %dma_wait3A_168] : memref<802816x32xbf16, #tpu.memory_space<hbm>> -> memref<224x32xbf16, #tpu.memory_space<hbm>>
      tpu.wait_dma2 semaphore(%arg26 : memref<!tpu.dma_semaphore, #tpu.memory_space<semaphore_mem>>) src(%arg19 : memref<224x32xbf16, #tpu.memory_space<vmem>>) dst(%dma_wait3A_169 : memref<224x32xbf16, #tpu.memory_space<hbm>>)
      %dma_wait3A_170 = arith.constant 0 : i32
      %dma_wait3A_171 = tpu.memref_slice %arg9[%add3A_161, %dma_wait3A_170] : memref<802816x32xbf16, #tpu.memory_space<hbm>> -> memref<224x32xbf16, #tpu.memory_space<hbm>>
      %dma_wait3A_172 = arith.constant 0 : i32
      %dma_wait3A_173 = tpu.memref_slice %arg9[%add3A_161, %dma_wait3A_172] : memref<802816x32xbf16, #tpu.memory_space<hbm>> -> memref<224x32xbf16, #tpu.memory_space<hbm>>
      tpu.wait_dma2 semaphore(%arg26 : memref<!tpu.dma_semaphore, #tpu.memory_space<semaphore_mem>>) src(%arg20 : memref<224x32xbf16, #tpu.memory_space<vmem>>) dst(%dma_wait3A_173 : memref<224x32xbf16, #tpu.memory_space<hbm>>)
      %dma_start3A_174 = arith.constant 0 : i32
      %dma_start3A_175 = arith.constant 0 : i32
      %dma_start3A_176 = tpu.memref_slice %arg10[%dma_start3A_174, %dma_start3A_175] : memref<50176x32xbf16, #tpu.memory_space<vmem_shared>> -> memref<50176x32xbf16, #tpu.memory_space<vmem_shared>>
      tpu.enqueue_indirect_dma source(%dma_start3A_176 : memref<50176x32xbf16, #tpu.memory_space<vmem_shared>>) target(%arg18 : memref<224x32xbf16, #tpu.memory_space<vmem>>) offsets(%arg12 : memref<224xi32, #tpu.memory_space<vmem>>) semaphore(%arg24 : memref<!tpu.dma_semaphore, #tpu.memory_space<semaphore_mem>>)
      %dma_start3A_177 = arith.constant 0 : i32
      %dma_start3A_178 = arith.constant 0 : i32
      %dma_start3A_179 = tpu.memref_slice %arg11[%dma_start3A_177, %dma_start3A_178] : memref<50176x32xbf16, #tpu.memory_space<vmem_shared>> -> memref<50176x32xbf16, #tpu.memory_space<vmem_shared>>
      tpu.enqueue_indirect_dma source(%dma_start3A_179 : memref<50176x32xbf16, #tpu.memory_space<vmem_shared>>) target(%arg19 : memref<224x32xbf16, #tpu.memory_space<vmem>>) offsets(%arg13 : memref<224xi32, #tpu.memory_space<vmem>>) semaphore(%arg24 : memref<!tpu.dma_semaphore, #tpu.memory_space<semaphore_mem>>)
      %dma_start3A_180 = arith.constant 0 : i32
      %dma_start3A_181 = arith.constant 0 : i32
      %dma_start3A_182 = tpu.memref_slice %arg10[%dma_start3A_180, %dma_start3A_181] : memref<50176x32xbf16, #tpu.memory_space<vmem_shared>> -> memref<50176x32xbf16, #tpu.memory_space<vmem_shared>>
      tpu.enqueue_indirect_dma source(%dma_start3A_182 : memref<50176x32xbf16, #tpu.memory_space<vmem_shared>>) target(%arg20 : memref<224x32xbf16, #tpu.memory_space<vmem>>) offsets(%arg14 : memref<224xi32, #tpu.memory_space<vmem>>) semaphore(%arg24 : memref<!tpu.dma_semaphore, #tpu.memory_space<semaphore_mem>>)
      %dma_wait3A_183 = arith.constant 0 : i32
      %dma_wait3A_184 = arith.constant 0 : i32
      %dma_wait3A_185 = tpu.memref_slice %arg10[%dma_wait3A_183, %dma_wait3A_184] : memref<50176x32xbf16, #tpu.memory_space<vmem_shared>> -> memref<50176x32xbf16, #tpu.memory_space<vmem_shared>>
      tpu.wait_indirect_dma semaphore(%arg25 : memref<!tpu.dma_semaphore, #tpu.memory_space<semaphore_mem>>) src(%dma_wait3A_185 : memref<50176x32xbf16, #tpu.memory_space<vmem_shared>>) dst(%arg21 : memref<224x32xbf16, #tpu.memory_space<vmem>>)
      %dma_wait3A_186 = arith.constant 0 : i32
      %dma_wait3A_187 = arith.constant 0 : i32
      %dma_wait3A_188 = tpu.memref_slice %arg11[%dma_wait3A_186, %dma_wait3A_187] : memref<50176x32xbf16, #tpu.memory_space<vmem_shared>> -> memref<50176x32xbf16, #tpu.memory_space<vmem_shared>>
      tpu.wait_indirect_dma semaphore(%arg25 : memref<!tpu.dma_semaphore, #tpu.memory_space<semaphore_mem>>) src(%dma_wait3A_188 : memref<50176x32xbf16, #tpu.memory_space<vmem_shared>>) dst(%arg22 : memref<224x32xbf16, #tpu.memory_space<vmem>>)
      %dma_wait3A_189 = arith.constant 0 : i32
      %dma_wait3A_190 = arith.constant 0 : i32
      %dma_wait3A_191 = tpu.memref_slice %arg10[%dma_wait3A_189, %dma_wait3A_190] : memref<50176x32xbf16, #tpu.memory_space<vmem_shared>> -> memref<50176x32xbf16, #tpu.memory_space<vmem_shared>>
      tpu.wait_indirect_dma semaphore(%arg25 : memref<!tpu.dma_semaphore, #tpu.memory_space<semaphore_mem>>) src(%dma_wait3A_191 : memref<50176x32xbf16, #tpu.memory_space<vmem_shared>>) dst(%arg23 : memref<224x32xbf16, #tpu.memory_space<vmem>>)
      %sub3A_192 = arith.constant 1 : i32
      %sub3A_193 = arith.subi %add3A_140, %sub3A_192 : i32
      %mul3A_194 = arith.constant 25088 : i32
      %mul3A_195 = arith.muli %add3A, %mul3A_194 : i32
      %mul3A_196 = arith.constant 224 : i32
      %mul3A_197 = arith.muli %sub3A_193, %mul3A_196 : i32
      %add3A_198 = arith.addi %mul3A_195, %mul3A_197 : i32
      %dma_start3A_199 = arith.constant 0 : i32
      %dma_start3A_200 = tpu.memref_slice %arg7[%add3A_198, %dma_start3A_199] : memref<802816x32xbf16, #tpu.memory_space<hbm>> -> memref<224x32xbf16, #tpu.memory_space<hbm>>
      %dma_start3A_201 = arith.constant 0 : i32
      %dma_start3A_202 = tpu.memref_slice %arg7[%add3A_198, %dma_start3A_201] : memref<802816x32xbf16, #tpu.memory_space<hbm>> -> memref<224x32xbf16, #tpu.memory_space<hbm>>
      tpu.enqueue_dma source(%arg21 : memref<224x32xbf16, #tpu.memory_space<vmem>>) target(%dma_start3A_202 : memref<224x32xbf16, #tpu.memory_space<hbm>>) target_semaphore(%arg27 : memref<!tpu.dma_semaphore, #tpu.memory_space<semaphore_mem>>)
      %dma_start3A_203 = arith.constant 0 : i32
      %dma_start3A_204 = tpu.memref_slice %arg8[%add3A_198, %dma_start3A_203] : memref<802816x32xbf16, #tpu.memory_space<hbm>> -> memref<224x32xbf16, #tpu.memory_space<hbm>>
      %dma_start3A_205 = arith.constant 0 : i32
      %dma_start3A_206 = tpu.memref_slice %arg8[%add3A_198, %dma_start3A_205] : memref<802816x32xbf16, #tpu.memory_space<hbm>> -> memref<224x32xbf16, #tpu.memory_space<hbm>>
      tpu.enqueue_dma source(%arg22 : memref<224x32xbf16, #tpu.memory_space<vmem>>) target(%dma_start3A_206 : memref<224x32xbf16, #tpu.memory_space<hbm>>) target_semaphore(%arg27 : memref<!tpu.dma_semaphore, #tpu.memory_space<semaphore_mem>>)
      %dma_start3A_207 = arith.constant 0 : i32
      %dma_start3A_208 = tpu.memref_slice %arg9[%add3A_198, %dma_start3A_207] : memref<802816x32xbf16, #tpu.memory_space<hbm>> -> memref<224x32xbf16, #tpu.memory_space<hbm>>
      %dma_start3A_209 = arith.constant 0 : i32
      %dma_start3A_210 = tpu.memref_slice %arg9[%add3A_198, %dma_start3A_209] : memref<802816x32xbf16, #tpu.memory_space<hbm>> -> memref<224x32xbf16, #tpu.memory_space<hbm>>
      tpu.enqueue_dma source(%arg23 : memref<224x32xbf16, #tpu.memory_space<vmem>>) target(%dma_start3A_210 : memref<224x32xbf16, #tpu.memory_space<hbm>>) target_semaphore(%arg27 : memref<!tpu.dma_semaphore, #tpu.memory_space<semaphore_mem>>)
      %mul3A_211 = arith.constant 2 : i32
      %mul3A_212 = arith.muli %mul3A_211, %scan3A_136 : i32
      %add3A_213 = arith.constant 3 : i32
      %add3A_214 = arith.addi %mul3A_212, %add3A_213 : i32
      %mul3A_215 = arith.constant 25088 : i32
      %mul3A_216 = arith.muli %add3A, %mul3A_215 : i32
      %mul3A_217 = arith.constant 224 : i32
      %mul3A_218 = arith.muli %add3A_214, %mul3A_217 : i32
      %add3A_219 = arith.addi %mul3A_216, %mul3A_218 : i32
      "tpu.region"() ({
        %run_scoped3A = tpu.sem_alloc : memref<!tpu.dma_semaphore, #tpu.memory_space<semaphore_mem>>
        %dma_start3A_286 = tpu.memref_slice %arg4[%add3A_219] : memref<802816xi32, #tpu.memory_space<hbm>> -> memref<224xi32, #tpu.memory_space<hbm>>
        %dma_start3A_287 = tpu.memref_slice %arg4[%add3A_219] : memref<802816xi32, #tpu.memory_space<hbm>> -> memref<224xi32, #tpu.memory_space<hbm>>
        tpu.enqueue_dma source(%dma_start3A_287 : memref<224xi32, #tpu.memory_space<hbm>>) target(%arg15 : memref<224xi32, #tpu.memory_space<vmem>>) target_semaphore(%run_scoped3A : memref<!tpu.dma_semaphore, #tpu.memory_space<semaphore_mem>>)
        %dma_wait3A_288 = tpu.memref_slice %arg4[%add3A_219] : memref<802816xi32, #tpu.memory_space<hbm>> -> memref<224xi32, #tpu.memory_space<hbm>>
        %dma_wait3A_289 = tpu.memref_slice %arg4[%add3A_219] : memref<802816xi32, #tpu.memory_space<hbm>> -> memref<224xi32, #tpu.memory_space<hbm>>
        tpu.wait_dma2 semaphore(%run_scoped3A : memref<!tpu.dma_semaphore, #tpu.memory_space<semaphore_mem>>) src(%dma_wait3A_289 : memref<224xi32, #tpu.memory_space<hbm>>) dst(%arg15 : memref<224xi32, #tpu.memory_space<vmem>>)
        tpu.yield
      }) : () -> ()
      %mul3A_220 = arith.constant 25088 : i32
      %mul3A_221 = arith.muli %add3A, %mul3A_220 : i32
      %mul3A_222 = arith.constant 224 : i32
      %mul3A_223 = arith.muli %add3A_214, %mul3A_222 : i32
      %add3A_224 = arith.addi %mul3A_221, %mul3A_223 : i32
      "tpu.region"() ({
        %run_scoped3A = tpu.sem_alloc : memref<!tpu.dma_semaphore, #tpu.memory_space<semaphore_mem>>
        %dma_start3A_286 = tpu.memref_slice %arg5[%add3A_224] : memref<802816xi32, #tpu.memory_space<hbm>> -> memref<224xi32, #tpu.memory_space<hbm>>
        %dma_start3A_287 = tpu.memref_slice %arg5[%add3A_224] : memref<802816xi32, #tpu.memory_space<hbm>> -> memref<224xi32, #tpu.memory_space<hbm>>
        tpu.enqueue_dma source(%dma_start3A_287 : memref<224xi32, #tpu.memory_space<hbm>>) target(%arg16 : memref<224xi32, #tpu.memory_space<vmem>>) target_semaphore(%run_scoped3A : memref<!tpu.dma_semaphore, #tpu.memory_space<semaphore_mem>>)
        %dma_wait3A_288 = tpu.memref_slice %arg5[%add3A_224] : memref<802816xi32, #tpu.memory_space<hbm>> -> memref<224xi32, #tpu.memory_space<hbm>>
        %dma_wait3A_289 = tpu.memref_slice %arg5[%add3A_224] : memref<802816xi32, #tpu.memory_space<hbm>> -> memref<224xi32, #tpu.memory_space<hbm>>
        tpu.wait_dma2 semaphore(%run_scoped3A : memref<!tpu.dma_semaphore, #tpu.memory_space<semaphore_mem>>) src(%dma_wait3A_289 : memref<224xi32, #tpu.memory_space<hbm>>) dst(%arg16 : memref<224xi32, #tpu.memory_space<vmem>>)
        tpu.yield
      }) : () -> ()
      %mul3A_225 = arith.constant 25088 : i32
      %mul3A_226 = arith.muli %add3A, %mul3A_225 : i32
      %mul3A_227 = arith.constant 224 : i32
      %mul3A_228 = arith.muli %add3A_214, %mul3A_227 : i32
      %add3A_229 = arith.addi %mul3A_226, %mul3A_228 : i32
      "tpu.region"() ({
        %run_scoped3A = tpu.sem_alloc : memref<!tpu.dma_semaphore, #tpu.memory_space<semaphore_mem>>
        %dma_start3A_286 = tpu.memref_slice %arg6[%add3A_229] : memref<802816xi32, #tpu.memory_space<hbm>> -> memref<224xi32, #tpu.memory_space<hbm>>
        %dma_start3A_287 = tpu.memref_slice %arg6[%add3A_229] : memref<802816xi32, #tpu.memory_space<hbm>> -> memref<224xi32, #tpu.memory_space<hbm>>
        tpu.enqueue_dma source(%dma_start3A_287 : memref<224xi32, #tpu.memory_space<hbm>>) target(%arg17 : memref<224xi32, #tpu.memory_space<vmem>>) target_semaphore(%run_scoped3A : memref<!tpu.dma_semaphore, #tpu.memory_space<semaphore_mem>>)
        %dma_wait3A_288 = tpu.memref_slice %arg6[%add3A_229] : memref<802816xi32, #tpu.memory_space<hbm>> -> memref<224xi32, #tpu.memory_space<hbm>>
        %dma_wait3A_289 = tpu.memref_slice %arg6[%add3A_229] : memref<802816xi32, #tpu.memory_space<hbm>> -> memref<224xi32, #tpu.memory_space<hbm>>
        tpu.wait_dma2 semaphore(%run_scoped3A : memref<!tpu.dma_semaphore, #tpu.memory_space<semaphore_mem>>) src(%dma_wait3A_289 : memref<224xi32, #tpu.memory_space<hbm>>) dst(%arg17 : memref<224xi32, #tpu.memory_space<vmem>>)
        tpu.yield
      }) : () -> ()
      %sub3A_230 = arith.constant 2 : i32
      %sub3A_231 = arith.subi %add3A_214, %sub3A_230 : i32
      %mul3A_232 = arith.constant 25088 : i32
      %mul3A_233 = arith.muli %add3A, %mul3A_232 : i32
      %mul3A_234 = arith.constant 224 : i32
      %mul3A_235 = arith.muli %sub3A_231, %mul3A_234 : i32
      %add3A_236 = arith.addi %mul3A_233, %mul3A_235 : i32
      %dma_wait3A_237 = arith.constant 0 : i32
      %dma_wait3A_238 = tpu.memref_slice %arg7[%add3A_236, %dma_wait3A_237] : memref<802816x32xbf16, #tpu.memory_space<hbm>> -> memref<224x32xbf16, #tpu.memory_space<hbm>>
      %dma_wait3A_239 = arith.constant 0 : i32
      %dma_wait3A_240 = tpu.memref_slice %arg7[%add3A_236, %dma_wait3A_239] : memref<802816x32xbf16, #tpu.memory_space<hbm>> -> memref<224x32xbf16, #tpu.memory_space<hbm>>
      tpu.wait_dma2 semaphore(%arg27 : memref<!tpu.dma_semaphore, #tpu.memory_space<semaphore_mem>>) src(%arg21 : memref<224x32xbf16, #tpu.memory_space<vmem>>) dst(%dma_wait3A_240 : memref<224x32xbf16, #tpu.memory_space<hbm>>)
      %dma_wait3A_241 = arith.constant 0 : i32
      %dma_wait3A_242 = tpu.memref_slice %arg8[%add3A_236, %dma_wait3A_241] : memref<802816x32xbf16, #tpu.memory_space<hbm>> -> memref<224x32xbf16, #tpu.memory_space<hbm>>
      %dma_wait3A_243 = arith.constant 0 : i32
      %dma_wait3A_244 = tpu.memref_slice %arg8[%add3A_236, %dma_wait3A_243] : memref<802816x32xbf16, #tpu.memory_space<hbm>> -> memref<224x32xbf16, #tpu.memory_space<hbm>>
      tpu.wait_dma2 semaphore(%arg27 : memref<!tpu.dma_semaphore, #tpu.memory_space<semaphore_mem>>) src(%arg22 : memref<224x32xbf16, #tpu.memory_space<vmem>>) dst(%dma_wait3A_244 : memref<224x32xbf16, #tpu.memory_space<hbm>>)
      %dma_wait3A_245 = arith.constant 0 : i32
      %dma_wait3A_246 = tpu.memref_slice %arg9[%add3A_236, %dma_wait3A_245] : memref<802816x32xbf16, #tpu.memory_space<hbm>> -> memref<224x32xbf16, #tpu.memory_space<hbm>>
      %dma_wait3A_247 = arith.constant 0 : i32
      %dma_wait3A_248 = tpu.memref_slice %arg9[%add3A_236, %dma_wait3A_247] : memref<802816x32xbf16, #tpu.memory_space<hbm>> -> memref<224x32xbf16, #tpu.memory_space<hbm>>
      tpu.wait_dma2 semaphore(%arg27 : memref<!tpu.dma_semaphore, #tpu.memory_space<semaphore_mem>>) src(%arg23 : memref<224x32xbf16, #tpu.memory_space<vmem>>) dst(%dma_wait3A_248 : memref<224x32xbf16, #tpu.memory_space<hbm>>)
      %dma_start3A_249 = arith.constant 0 : i32
      %dma_start3A_250 = arith.constant 0 : i32
      %dma_start3A_251 = tpu.memref_slice %arg10[%dma_start3A_249, %dma_start3A_250] : memref<50176x32xbf16, #tpu.memory_space<vmem_shared>> -> memref<50176x32xbf16, #tpu.memory_space<vmem_shared>>
      tpu.enqueue_indirect_dma source(%dma_start3A_251 : memref<50176x32xbf16, #tpu.memory_space<vmem_shared>>) target(%arg21 : memref<224x32xbf16, #tpu.memory_space<vmem>>) offsets(%arg15 : memref<224xi32, #tpu.memory_space<vmem>>) semaphore(%arg25 : memref<!tpu.dma_semaphore, #tpu.memory_space<semaphore_mem>>)
      %dma_start3A_252 = arith.constant 0 : i32
      %dma_start3A_253 = arith.constant 0 : i32
      %dma_start3A_254 = tpu.memref_slice %arg11[%dma_start3A_252, %dma_start3A_253] : memref<50176x32xbf16, #tpu.memory_space<vmem_shared>> -> memref<50176x32xbf16, #tpu.memory_space<vmem_shared>>
      tpu.enqueue_indirect_dma source(%dma_start3A_254 : memref<50176x32xbf16, #tpu.memory_space<vmem_shared>>) target(%arg22 : memref<224x32xbf16, #tpu.memory_space<vmem>>) offsets(%arg16 : memref<224xi32, #tpu.memory_space<vmem>>) semaphore(%arg25 : memref<!tpu.dma_semaphore, #tpu.memory_space<semaphore_mem>>)
      %dma_start3A_255 = arith.constant 0 : i32
      %dma_start3A_256 = arith.constant 0 : i32
      %dma_start3A_257 = tpu.memref_slice %arg10[%dma_start3A_255, %dma_start3A_256] : memref<50176x32xbf16, #tpu.memory_space<vmem_shared>> -> memref<50176x32xbf16, #tpu.memory_space<vmem_shared>>
      tpu.enqueue_indirect_dma source(%dma_start3A_257 : memref<50176x32xbf16, #tpu.memory_space<vmem_shared>>) target(%arg23 : memref<224x32xbf16, #tpu.memory_space<vmem>>) offsets(%arg17 : memref<224xi32, #tpu.memory_space<vmem>>) semaphore(%arg25 : memref<!tpu.dma_semaphore, #tpu.memory_space<semaphore_mem>>)
      %dma_wait3A_258 = arith.constant 0 : i32
      %dma_wait3A_259 = arith.constant 0 : i32
      %dma_wait3A_260 = tpu.memref_slice %arg10[%dma_wait3A_258, %dma_wait3A_259] : memref<50176x32xbf16, #tpu.memory_space<vmem_shared>> -> memref<50176x32xbf16, #tpu.memory_space<vmem_shared>>
      tpu.wait_indirect_dma semaphore(%arg24 : memref<!tpu.dma_semaphore, #tpu.memory_space<semaphore_mem>>) src(%dma_wait3A_260 : memref<50176x32xbf16, #tpu.memory_space<vmem_shared>>) dst(%arg18 : memref<224x32xbf16, #tpu.memory_space<vmem>>)
      %dma_wait3A_261 = arith.constant 0 : i32
      %dma_wait3A_262 = arith.constant 0 : i32
      %dma_wait3A_263 = tpu.memref_slice %arg11[%dma_wait3A_261, %dma_wait3A_262] : memref<50176x32xbf16, #tpu.memory_space<vmem_shared>> -> memref<50176x32xbf16, #tpu.memory_space<vmem_shared>>
      tpu.wait_indirect_dma semaphore(%arg24 : memref<!tpu.dma_semaphore, #tpu.memory_space<semaphore_mem>>) src(%dma_wait3A_263 : memref<50176x32xbf16, #tpu.memory_space<vmem_shared>>) dst(%arg19 : memref<224x32xbf16, #tpu.memory_space<vmem>>)
      %dma_wait3A_264 = arith.constant 0 : i32
      %dma_wait3A_265 = arith.constant 0 : i32
      %dma_wait3A_266 = tpu.memref_slice %arg10[%dma_wait3A_264, %dma_wait3A_265] : memref<50176x32xbf16, #tpu.memory_space<vmem_shared>> -> memref<50176x32xbf16, #tpu.memory_space<vmem_shared>>
      tpu.wait_indirect_dma semaphore(%arg24 : memref<!tpu.dma_semaphore, #tpu.memory_space<semaphore_mem>>) src(%dma_wait3A_266 : memref<50176x32xbf16, #tpu.memory_space<vmem_shared>>) dst(%arg20 : memref<224x32xbf16, #tpu.memory_space<vmem>>)
      %sub3A_267 = arith.constant 1 : i32
      %sub3A_268 = arith.subi %add3A_214, %sub3A_267 : i32
      %mul3A_269 = arith.constant 25088 : i32
      %mul3A_270 = arith.muli %add3A, %mul3A_269 : i32
      %mul3A_271 = arith.constant 224 : i32
      %mul3A_272 = arith.muli %sub3A_268, %mul3A_271 : i32
      %add3A_273 = arith.addi %mul3A_270, %mul3A_272 : i32
      %dma_start3A_274 = arith.constant 0 : i32
      %dma_start3A_275 = tpu.memref_slice %arg7[%add3A_273, %dma_start3A_274] : memref<802816x32xbf16, #tpu.memory_space<hbm>> -> memref<224x32xbf16, #tpu.memory_space<hbm>>
      %dma_start3A_276 = arith.constant 0 : i32
      %dma_start3A_277 = tpu.memref_slice %arg7[%add3A_273, %dma_start3A_276] : memref<802816x32xbf16, #tpu.memory_space<hbm>> -> memref<224x32xbf16, #tpu.memory_space<hbm>>
      tpu.enqueue_dma source(%arg18 : memref<224x32xbf16, #tpu.memory_space<vmem>>) target(%dma_start3A_277 : memref<224x32xbf16, #tpu.memory_space<hbm>>) target_semaphore(%arg26 : memref<!tpu.dma_semaphore, #tpu.memory_space<semaphore_mem>>)
      %dma_start3A_278 = arith.constant 0 : i32
      %dma_start3A_279 = tpu.memref_slice %arg8[%add3A_273, %dma_start3A_278] : memref<802816x32xbf16, #tpu.memory_space<hbm>> -> memref<224x32xbf16, #tpu.memory_space<hbm>>
      %dma_start3A_280 = arith.constant 0 : i32
      %dma_start3A_281 = tpu.memref_slice %arg8[%add3A_273, %dma_start3A_280] : memref<802816x32xbf16, #tpu.memory_space<hbm>> -> memref<224x32xbf16, #tpu.memory_space<hbm>>
      tpu.enqueue_dma source(%arg19 : memref<224x32xbf16, #tpu.memory_space<vmem>>) target(%dma_start3A_281 : memref<224x32xbf16, #tpu.memory_space<hbm>>) target_semaphore(%arg26 : memref<!tpu.dma_semaphore, #tpu.memory_space<semaphore_mem>>)
      %dma_start3A_282 = arith.constant 0 : i32
      %dma_start3A_283 = tpu.memref_slice %arg9[%add3A_273, %dma_start3A_282] : memref<802816x32xbf16, #tpu.memory_space<hbm>> -> memref<224x32xbf16, #tpu.memory_space<hbm>>
      %dma_start3A_284 = arith.constant 0 : i32
      %dma_start3A_285 = tpu.memref_slice %arg9[%add3A_273, %dma_start3A_284] : memref<802816x32xbf16, #tpu.memory_space<hbm>> -> memref<224x32xbf16, #tpu.memory_space<hbm>>
      tpu.enqueue_dma source(%arg20 : memref<224x32xbf16, #tpu.memory_space<vmem>>) target(%dma_start3A_285 : memref<224x32xbf16, #tpu.memory_space<hbm>>) target_semaphore(%arg26 : memref<!tpu.dma_semaphore, #tpu.memory_space<semaphore_mem>>)
    }
    %scan3A_78 = arith.constant 55 : i32
    %dma_wait3A_79 = arith.constant 0 : i32
    %dma_wait3A_80 = arith.constant 0 : i32
    %dma_wait3A_81 = tpu.memref_slice %arg10[%dma_wait3A_79, %dma_wait3A_80] : memref<50176x32xbf16, #tpu.memory_space<vmem_shared>> -> memref<50176x32xbf16, #tpu.memory_space<vmem_shared>>
    tpu.wait_indirect_dma semaphore(%arg25 : memref<!tpu.dma_semaphore, #tpu.memory_space<semaphore_mem>>) src(%dma_wait3A_81 : memref<50176x32xbf16, #tpu.memory_space<vmem_shared>>) dst(%arg21 : memref<224x32xbf16, #tpu.memory_space<vmem>>)
    %dma_wait3A_82 = arith.constant 0 : i32
    %dma_wait3A_83 = arith.constant 0 : i32
    %dma_wait3A_84 = tpu.memref_slice %arg11[%dma_wait3A_82, %dma_wait3A_83] : memref<50176x32xbf16, #tpu.memory_space<vmem_shared>> -> memref<50176x32xbf16, #tpu.memory_space<vmem_shared>>
    tpu.wait_indirect_dma semaphore(%arg25 : memref<!tpu.dma_semaphore, #tpu.memory_space<semaphore_mem>>) src(%dma_wait3A_84 : memref<50176x32xbf16, #tpu.memory_space<vmem_shared>>) dst(%arg22 : memref<224x32xbf16, #tpu.memory_space<vmem>>)
    %dma_wait3A_85 = arith.constant 0 : i32
    %dma_wait3A_86 = arith.constant 0 : i32
    %dma_wait3A_87 = tpu.memref_slice %arg10[%dma_wait3A_85, %dma_wait3A_86] : memref<50176x32xbf16, #tpu.memory_space<vmem_shared>> -> memref<50176x32xbf16, #tpu.memory_space<vmem_shared>>
    tpu.wait_indirect_dma semaphore(%arg25 : memref<!tpu.dma_semaphore, #tpu.memory_space<semaphore_mem>>) src(%dma_wait3A_87 : memref<50176x32xbf16, #tpu.memory_space<vmem_shared>>) dst(%arg23 : memref<224x32xbf16, #tpu.memory_space<vmem>>)
    %mul3A_88 = arith.constant 25088 : i32
    %mul3A_89 = arith.muli %add3A, %mul3A_88 : i32
    %add3A_90 = arith.constant 24864 : i32
    %add3A_91 = arith.addi %mul3A_89, %add3A_90 : i32
    %dma_start3A_92 = arith.constant 0 : i32
    %dma_start3A_93 = tpu.memref_slice %arg7[%add3A_91, %dma_start3A_92] : memref<802816x32xbf16, #tpu.memory_space<hbm>> -> memref<224x32xbf16, #tpu.memory_space<hbm>>
    %dma_start3A_94 = arith.constant 0 : i32
    %dma_start3A_95 = tpu.memref_slice %arg7[%add3A_91, %dma_start3A_94] : memref<802816x32xbf16, #tpu.memory_space<hbm>> -> memref<224x32xbf16, #tpu.memory_space<hbm>>
    tpu.enqueue_dma source(%arg21 : memref<224x32xbf16, #tpu.memory_space<vmem>>) target(%dma_start3A_95 : memref<224x32xbf16, #tpu.memory_space<hbm>>) target_semaphore(%arg27 : memref<!tpu.dma_semaphore, #tpu.memory_space<semaphore_mem>>)
    %dma_start3A_96 = arith.constant 0 : i32
    %dma_start3A_97 = tpu.memref_slice %arg8[%add3A_91, %dma_start3A_96] : memref<802816x32xbf16, #tpu.memory_space<hbm>> -> memref<224x32xbf16, #tpu.memory_space<hbm>>
    %dma_start3A_98 = arith.constant 0 : i32
    %dma_start3A_99 = tpu.memref_slice %arg8[%add3A_91, %dma_start3A_98] : memref<802816x32xbf16, #tpu.memory_space<hbm>> -> memref<224x32xbf16, #tpu.memory_space<hbm>>
    tpu.enqueue_dma source(%arg22 : memref<224x32xbf16, #tpu.memory_space<vmem>>) target(%dma_start3A_99 : memref<224x32xbf16, #tpu.memory_space<hbm>>) target_semaphore(%arg27 : memref<!tpu.dma_semaphore, #tpu.memory_space<semaphore_mem>>)
    %dma_start3A_100 = arith.constant 0 : i32
    %dma_start3A_101 = tpu.memref_slice %arg9[%add3A_91, %dma_start3A_100] : memref<802816x32xbf16, #tpu.memory_space<hbm>> -> memref<224x32xbf16, #tpu.memory_space<hbm>>
    %dma_start3A_102 = arith.constant 0 : i32
    %dma_start3A_103 = tpu.memref_slice %arg9[%add3A_91, %dma_start3A_102] : memref<802816x32xbf16, #tpu.memory_space<hbm>> -> memref<224x32xbf16, #tpu.memory_space<hbm>>
    tpu.enqueue_dma source(%arg23 : memref<224x32xbf16, #tpu.memory_space<vmem>>) target(%dma_start3A_103 : memref<224x32xbf16, #tpu.memory_space<hbm>>) target_semaphore(%arg27 : memref<!tpu.dma_semaphore, #tpu.memory_space<semaphore_mem>>)
    %mul3A_104 = arith.constant 25088 : i32
    %mul3A_105 = arith.muli %add3A, %mul3A_104 : i32
    %add3A_106 = arith.constant 24640 : i32
    %add3A_107 = arith.addi %mul3A_105, %add3A_106 : i32
    %dma_wait3A_108 = arith.constant 0 : i32
    %dma_wait3A_109 = tpu.memref_slice %arg7[%add3A_107, %dma_wait3A_108] : memref<802816x32xbf16, #tpu.memory_space<hbm>> -> memref<224x32xbf16, #tpu.memory_space<hbm>>
    %dma_wait3A_110 = arith.constant 0 : i32
    %dma_wait3A_111 = tpu.memref_slice %arg7[%add3A_107, %dma_wait3A_110] : memref<802816x32xbf16, #tpu.memory_space<hbm>> -> memref<224x32xbf16, #tpu.memory_space<hbm>>
    tpu.wait_dma2 semaphore(%arg26 : memref<!tpu.dma_semaphore, #tpu.memory_space<semaphore_mem>>) src(%arg18 : memref<224x32xbf16, #tpu.memory_space<vmem>>) dst(%dma_wait3A_111 : memref<224x32xbf16, #tpu.memory_space<hbm>>)
    %dma_wait3A_112 = arith.constant 0 : i32
    %dma_wait3A_113 = tpu.memref_slice %arg8[%add3A_107, %dma_wait3A_112] : memref<802816x32xbf16, #tpu.memory_space<hbm>> -> memref<224x32xbf16, #tpu.memory_space<hbm>>
    %dma_wait3A_114 = arith.constant 0 : i32
    %dma_wait3A_115 = tpu.memref_slice %arg8[%add3A_107, %dma_wait3A_114] : memref<802816x32xbf16, #tpu.memory_space<hbm>> -> memref<224x32xbf16, #tpu.memory_space<hbm>>
    tpu.wait_dma2 semaphore(%arg26 : memref<!tpu.dma_semaphore, #tpu.memory_space<semaphore_mem>>) src(%arg19 : memref<224x32xbf16, #tpu.memory_space<vmem>>) dst(%dma_wait3A_115 : memref<224x32xbf16, #tpu.memory_space<hbm>>)
    %dma_wait3A_116 = arith.constant 0 : i32
    %dma_wait3A_117 = tpu.memref_slice %arg9[%add3A_107, %dma_wait3A_116] : memref<802816x32xbf16, #tpu.memory_space<hbm>> -> memref<224x32xbf16, #tpu.memory_space<hbm>>
    %dma_wait3A_118 = arith.constant 0 : i32
    %dma_wait3A_119 = tpu.memref_slice %arg9[%add3A_107, %dma_wait3A_118] : memref<802816x32xbf16, #tpu.memory_space<hbm>> -> memref<224x32xbf16, #tpu.memory_space<hbm>>
    tpu.wait_dma2 semaphore(%arg26 : memref<!tpu.dma_semaphore, #tpu.memory_space<semaphore_mem>>) src(%arg20 : memref<224x32xbf16, #tpu.memory_space<vmem>>) dst(%dma_wait3A_119 : memref<224x32xbf16, #tpu.memory_space<hbm>>)
    %mul3A_120 = arith.constant 25088 : i32
    %mul3A_121 = arith.muli %add3A, %mul3A_120 : i32
    %add3A_122 = arith.constant 24864 : i32
    %add3A_123 = arith.addi %mul3A_121, %add3A_122 : i32
    %dma_wait3A_124 = arith.constant 0 : i32
    %dma_wait3A_125 = tpu.memref_slice %arg7[%add3A_123, %dma_wait3A_124] : memref<802816x32xbf16, #tpu.memory_space<hbm>> -> memref<224x32xbf16, #tpu.memory_space<hbm>>
    %dma_wait3A_126 = arith.constant 0 : i32
    %dma_wait3A_127 = tpu.memref_slice %arg7[%add3A_123, %dma_wait3A_126] : memref<802816x32xbf16, #tpu.memory_space<hbm>> -> memref<224x32xbf16, #tpu.memory_space<hbm>>
    tpu.wait_dma2 semaphore(%arg27 : memref<!tpu.dma_semaphore, #tpu.memory_space<semaphore_mem>>) src(%arg21 : memref<224x32xbf16, #tpu.memory_space<vmem>>) dst(%dma_wait3A_127 : memref<224x32xbf16, #tpu.memory_space<hbm>>)
    %dma_wait3A_128 = arith.constant 0 : i32
    %dma_wait3A_129 = tpu.memref_slice %arg8[%add3A_123, %dma_wait3A_128] : memref<802816x32xbf16, #tpu.memory_space<hbm>> -> memref<224x32xbf16, #tpu.memory_space<hbm>>
    %dma_wait3A_130 = arith.constant 0 : i32
    %dma_wait3A_131 = tpu.memref_slice %arg8[%add3A_123, %dma_wait3A_130] : memref<802816x32xbf16, #tpu.memory_space<hbm>> -> memref<224x32xbf16, #tpu.memory_space<hbm>>
    tpu.wait_dma2 semaphore(%arg27 : memref<!tpu.dma_semaphore, #tpu.memory_space<semaphore_mem>>) src(%arg22 : memref<224x32xbf16, #tpu.memory_space<vmem>>) dst(%dma_wait3A_131 : memref<224x32xbf16, #tpu.memory_space<hbm>>)
    %dma_wait3A_132 = arith.constant 0 : i32
    %dma_wait3A_133 = tpu.memref_slice %arg9[%add3A_123, %dma_wait3A_132] : memref<802816x32xbf16, #tpu.memory_space<hbm>> -> memref<224x32xbf16, #tpu.memory_space<hbm>>
    %dma_wait3A_134 = arith.constant 0 : i32
    %dma_wait3A_135 = tpu.memref_slice %arg9[%add3A_123, %dma_wait3A_134] : memref<802816x32xbf16, #tpu.memory_space<hbm>> -> memref<224x32xbf16, #tpu.memory_space<hbm>>
    tpu.wait_dma2 semaphore(%arg27 : memref<!tpu.dma_semaphore, #tpu.memory_space<semaphore_mem>>) src(%arg23 : memref<224x32xbf16, #tpu.memory_space<vmem>>) dst(%dma_wait3A_135 : memref<224x32xbf16, #tpu.memory_space<hbm>>)
    return
  }
}

#map = affine_map<(d0, d1) -> (0, 0)>
#map1 = affine_map<(d0, d1) -> (0)>
#map2 = affine_map<(d0, d1) -> (0, 0, 0)>
module attributes {stable_mosaic.version = 14 : i64} {
  func.func @_scatter(%arg0: i32, %arg1: i32, %arg2: memref<802816x32xf32, #tpu.memory_space<hbm>>, %arg3: memref<802816xi32, #tpu.memory_space<hbm>>, %arg4: memref<2x50176x32xf32, #tpu.memory_space<hbm>>, %arg5: memref<256xi32, #tpu.memory_space<vmem>>, %arg6: memref<256xi32, #tpu.memory_space<vmem>>, %arg7: memref<256x32xf32, #tpu.memory_space<vmem>>, %arg8: memref<256x32xf32, #tpu.memory_space<vmem>>, %arg9: memref<196x32xf32, #tpu.memory_space<vmem>>, %arg10: memref<50176x32xf32, #tpu.memory_space<vmem_shared>>, %arg11: memref<!tpu.dma_semaphore, #tpu.memory_space<semaphore_mem>>, %arg12: memref<!tpu.dma_semaphore, #tpu.memory_space<semaphore_mem>>) attributes {dimension_semantics = [#tpu.dimension_semantics<core_parallel>, #tpu.dimension_semantics<subcore_parallel>], iteration_bounds = array<i64: 2, 16>, scalar_prefetch = 0 : i64, scratch_operands = 8 : i64, tpu.core_type = #tpu.core_type<sc_vector_subcore>, window_params = [{transform_indices = #map}, {transform_indices = #map1}, {transform_indices = #map2}]} {
    %mul3A = arith.constant 2 : i32
    %mul3A_0 = arith.muli %arg1, %mul3A : i32
    %add3A = arith.addi %mul3A_0, %arg0 : i32
    %broadcast_in_dim3A = arith.constant 0.000000e+00 : f32
    %broadcast_in_dim3A_1 = vector.broadcast %broadcast_in_dim3A : f32 to vector<16xf32>
    %scan3A = arith.constant 0 : i32
    %scan3A_2 = arith.constant 0 : i32
    %scan3A_3 = arith.constant 196 : i32
    %scan3A_4 = arith.addi %scan3A_2, %scan3A_3 : i32
    %scan3A_5 = arith.constant 1 : i32
    scf.for %scan3A_80 = %scan3A_2 to %scan3A_4 step %scan3A_5  : i32 {
      %swap3A = arith.index_cast %scan3A_80 : i32 to index
      %swap3A_81 = arith.constant 0 : index
      %swap3A_82 = tpu.vector_load %arg9[%swap3A, %swap3A_81] {strides = array<i32>} : memref<196x32xf32, #tpu.memory_space<vmem>>, vector<16xf32>,
      tpu.vector_store %arg9[%swap3A, %swap3A_81], %broadcast_in_dim3A_1 {strides = array<i32>} : memref<196x32xf32, #tpu.memory_space<vmem>>, vector<16xf32>,
      %swap3A_83 = arith.index_cast %scan3A_80 : i32 to index
      %swap3A_84 = arith.constant 16 : index
      %swap3A_85 = tpu.vector_load %arg9[%swap3A_83, %swap3A_84] {strides = array<i32>} : memref<196x32xf32, #tpu.memory_space<vmem>>, vector<16xf32>,
      tpu.vector_store %arg9[%swap3A_83, %swap3A_84], %broadcast_in_dim3A_1 {strides = array<i32>} : memref<196x32xf32, #tpu.memory_space<vmem>>, vector<16xf32>,
    }
    %scan3A_6 = arith.constant 196 : i32
    %scan3A_7 = arith.constant 0 : i32
    %scan3A_8 = arith.constant 0 : i32
    %scan3A_9 = arith.constant 16 : i32
    %scan3A_10 = arith.addi %scan3A_8, %scan3A_9 : i32
    %scan3A_11 = arith.constant 1 : i32
    scf.for %scan3A_80 = %scan3A_8 to %scan3A_10 step %scan3A_11  : i32 {
      %mul3A_81 = arith.constant 3136 : i32
      %mul3A_82 = arith.muli %arg1, %mul3A_81 : i32
      %mul3A_83 = arith.constant 196 : i32
      %mul3A_84 = arith.muli %scan3A_80, %mul3A_83 : i32
      %add3A_85 = arith.addi %mul3A_82, %mul3A_84 : i32
      "tpu.region"() ({
        %run_scoped3A = tpu.sem_alloc : memref<!tpu.dma_semaphore, #tpu.memory_space<semaphore_mem>>
        %dma_start3A_86 = arith.constant 0 : i32
        %dma_start3A_87 = tpu.memref_slice %arg10[%add3A_85, %dma_start3A_86] : memref<50176x32xf32, #tpu.memory_space<vmem_shared>> -> memref<196x32xf32, #tpu.memory_space<vmem_shared>>
        %dma_start3A_88 = arith.constant 0 : i32
        %dma_start3A_89 = tpu.memref_slice %arg10[%add3A_85, %dma_start3A_88] : memref<50176x32xf32, #tpu.memory_space<vmem_shared>> -> memref<196x32xf32, #tpu.memory_space<vmem_shared>>
        tpu.enqueue_dma source(%arg9 : memref<196x32xf32, #tpu.memory_space<vmem>>) target(%dma_start3A_89 : memref<196x32xf32, #tpu.memory_space<vmem_shared>>) target_semaphore(%run_scoped3A : memref<!tpu.dma_semaphore, #tpu.memory_space<semaphore_mem>>)
        %dma_wait3A_90 = arith.constant 0 : i32
        %dma_wait3A_91 = tpu.memref_slice %arg10[%add3A_85, %dma_wait3A_90] : memref<50176x32xf32, #tpu.memory_space<vmem_shared>> -> memref<196x32xf32, #tpu.memory_space<vmem_shared>>
        %dma_wait3A_92 = arith.constant 0 : i32
        %dma_wait3A_93 = tpu.memref_slice %arg10[%add3A_85, %dma_wait3A_92] : memref<50176x32xf32, #tpu.memory_space<vmem_shared>> -> memref<196x32xf32, #tpu.memory_space<vmem_shared>>
        tpu.wait_dma2 semaphore(%run_scoped3A : memref<!tpu.dma_semaphore, #tpu.memory_space<semaphore_mem>>) src(%arg9 : memref<196x32xf32, #tpu.memory_space<vmem>>) dst(%dma_wait3A_93 : memref<196x32xf32, #tpu.memory_space<vmem_shared>>)
        tpu.yield
      }) : () -> ()
    }
    %scan3A_12 = arith.constant 16 : i32
    %barrier3A = arith.constant 0 : index
    tpu.barrier barrier_id(%barrier3A)
    %mul3A_13 = arith.constant 25088 : i32
    %mul3A_14 = arith.muli %add3A, %mul3A_13 : i32
    %add3A_15 = arith.constant 0 : i32
    %add3A_16 = arith.addi %mul3A_14, %add3A_15 : i32
    "tpu.region"() ({
      %run_scoped3A = tpu.sem_alloc : memref<!tpu.dma_semaphore, #tpu.memory_space<semaphore_mem>>
      %dma_start3A_80 = tpu.memref_slice %arg3[%add3A_16] : memref<802816xi32, #tpu.memory_space<hbm>> -> memref<256xi32, #tpu.memory_space<hbm>>
      %dma_start3A_81 = tpu.memref_slice %arg3[%add3A_16] : memref<802816xi32, #tpu.memory_space<hbm>> -> memref<256xi32, #tpu.memory_space<hbm>>
      tpu.enqueue_dma source(%dma_start3A_81 : memref<256xi32, #tpu.memory_space<hbm>>) target(%arg5 : memref<256xi32, #tpu.memory_space<vmem>>) target_semaphore(%run_scoped3A : memref<!tpu.dma_semaphore, #tpu.memory_space<semaphore_mem>>)
      %dma_wait3A_82 = tpu.memref_slice %arg3[%add3A_16] : memref<802816xi32, #tpu.memory_space<hbm>> -> memref<256xi32, #tpu.memory_space<hbm>>
      %dma_wait3A_83 = tpu.memref_slice %arg3[%add3A_16] : memref<802816xi32, #tpu.memory_space<hbm>> -> memref<256xi32, #tpu.memory_space<hbm>>
      tpu.wait_dma2 semaphore(%run_scoped3A : memref<!tpu.dma_semaphore, #tpu.memory_space<semaphore_mem>>) src(%dma_wait3A_83 : memref<256xi32, #tpu.memory_space<hbm>>) dst(%arg5 : memref<256xi32, #tpu.memory_space<vmem>>)
      tpu.yield
    }) : () -> ()
    %mul3A_17 = arith.constant 25088 : i32
    %mul3A_18 = arith.muli %add3A, %mul3A_17 : i32
    %add3A_19 = arith.constant 0 : i32
    %add3A_20 = arith.addi %mul3A_18, %add3A_19 : i32
    "tpu.region"() ({
      %run_scoped3A = tpu.sem_alloc : memref<!tpu.dma_semaphore, #tpu.memory_space<semaphore_mem>>
      %dma_start3A_80 = arith.constant 0 : i32
      %dma_start3A_81 = tpu.memref_slice %arg2[%add3A_20, %dma_start3A_80] : memref<802816x32xf32, #tpu.memory_space<hbm>> -> memref<256x32xf32, #tpu.memory_space<hbm>>
      %dma_start3A_82 = arith.constant 0 : i32
      %dma_start3A_83 = tpu.memref_slice %arg2[%add3A_20, %dma_start3A_82] : memref<802816x32xf32, #tpu.memory_space<hbm>> -> memref<256x32xf32, #tpu.memory_space<hbm>>
      tpu.enqueue_dma source(%dma_start3A_83 : memref<256x32xf32, #tpu.memory_space<hbm>>) target(%arg7 : memref<256x32xf32, #tpu.memory_space<vmem>>) target_semaphore(%run_scoped3A : memref<!tpu.dma_semaphore, #tpu.memory_space<semaphore_mem>>)
      %dma_wait3A_84 = arith.constant 0 : i32
      %dma_wait3A_85 = tpu.memref_slice %arg2[%add3A_20, %dma_wait3A_84] : memref<802816x32xf32, #tpu.memory_space<hbm>> -> memref<256x32xf32, #tpu.memory_space<hbm>>
      %dma_wait3A_86 = arith.constant 0 : i32
      %dma_wait3A_87 = tpu.memref_slice %arg2[%add3A_20, %dma_wait3A_86] : memref<802816x32xf32, #tpu.memory_space<hbm>> -> memref<256x32xf32, #tpu.memory_space<hbm>>
      tpu.wait_dma2 semaphore(%run_scoped3A : memref<!tpu.dma_semaphore, #tpu.memory_space<semaphore_mem>>) src(%dma_wait3A_87 : memref<256x32xf32, #tpu.memory_space<hbm>>) dst(%arg7 : memref<256x32xf32, #tpu.memory_space<vmem>>)
      tpu.yield
    }) : () -> ()
    %dma_start3A = arith.constant 0 : i32
    %dma_start3A_21 = arith.constant 0 : i32
    %dma_start3A_22 = tpu.memref_slice %arg10[%dma_start3A, %dma_start3A_21] : memref<50176x32xf32, #tpu.memory_space<vmem_shared>> -> memref<50176x32xf32, #tpu.memory_space<vmem_shared>>
    tpu.enqueue_indirect_dma source(%arg7 : memref<256x32xf32, #tpu.memory_space<vmem>>) target(%dma_start3A_22 : memref<50176x32xf32, #tpu.memory_space<vmem_shared>>) offsets(%arg5 : memref<256xi32, #tpu.memory_space<vmem>>) semaphore(%arg11 : memref<!tpu.dma_semaphore, #tpu.memory_space<semaphore_mem>>) {add = true}
    %mul3A_23 = arith.constant 25088 : i32
    %mul3A_24 = arith.muli %add3A, %mul3A_23 : i32
    %add3A_25 = arith.constant 256 : i32
    %add3A_26 = arith.addi %mul3A_24, %add3A_25 : i32
    "tpu.region"() ({
      %run_scoped3A = tpu.sem_alloc : memref<!tpu.dma_semaphore, #tpu.memory_space<semaphore_mem>>
      %dma_start3A_80 = tpu.memref_slice %arg3[%add3A_26] : memref<802816xi32, #tpu.memory_space<hbm>> -> memref<256xi32, #tpu.memory_space<hbm>>
      %dma_start3A_81 = tpu.memref_slice %arg3[%add3A_26] : memref<802816xi32, #tpu.memory_space<hbm>> -> memref<256xi32, #tpu.memory_space<hbm>>
      tpu.enqueue_dma source(%dma_start3A_81 : memref<256xi32, #tpu.memory_space<hbm>>) target(%arg6 : memref<256xi32, #tpu.memory_space<vmem>>) target_semaphore(%run_scoped3A : memref<!tpu.dma_semaphore, #tpu.memory_space<semaphore_mem>>)
      %dma_wait3A_82 = tpu.memref_slice %arg3[%add3A_26] : memref<802816xi32, #tpu.memory_space<hbm>> -> memref<256xi32, #tpu.memory_space<hbm>>
      %dma_wait3A_83 = tpu.memref_slice %arg3[%add3A_26] : memref<802816xi32, #tpu.memory_space<hbm>> -> memref<256xi32, #tpu.memory_space<hbm>>
      tpu.wait_dma2 semaphore(%run_scoped3A : memref<!tpu.dma_semaphore, #tpu.memory_space<semaphore_mem>>) src(%dma_wait3A_83 : memref<256xi32, #tpu.memory_space<hbm>>) dst(%arg6 : memref<256xi32, #tpu.memory_space<vmem>>)
      tpu.yield
    }) : () -> ()
    %mul3A_27 = arith.constant 25088 : i32
    %mul3A_28 = arith.muli %add3A, %mul3A_27 : i32
    %add3A_29 = arith.constant 256 : i32
    %add3A_30 = arith.addi %mul3A_28, %add3A_29 : i32
    "tpu.region"() ({
      %run_scoped3A = tpu.sem_alloc : memref<!tpu.dma_semaphore, #tpu.memory_space<semaphore_mem>>
      %dma_start3A_80 = arith.constant 0 : i32
      %dma_start3A_81 = tpu.memref_slice %arg2[%add3A_30, %dma_start3A_80] : memref<802816x32xf32, #tpu.memory_space<hbm>> -> memref<256x32xf32, #tpu.memory_space<hbm>>
      %dma_start3A_82 = arith.constant 0 : i32
      %dma_start3A_83 = tpu.memref_slice %arg2[%add3A_30, %dma_start3A_82] : memref<802816x32xf32, #tpu.memory_space<hbm>> -> memref<256x32xf32, #tpu.memory_space<hbm>>
      tpu.enqueue_dma source(%dma_start3A_83 : memref<256x32xf32, #tpu.memory_space<hbm>>) target(%arg8 : memref<256x32xf32, #tpu.memory_space<vmem>>) target_semaphore(%run_scoped3A : memref<!tpu.dma_semaphore, #tpu.memory_space<semaphore_mem>>)
      %dma_wait3A_84 = arith.constant 0 : i32
      %dma_wait3A_85 = tpu.memref_slice %arg2[%add3A_30, %dma_wait3A_84] : memref<802816x32xf32, #tpu.memory_space<hbm>> -> memref<256x32xf32, #tpu.memory_space<hbm>>
      %dma_wait3A_86 = arith.constant 0 : i32
      %dma_wait3A_87 = tpu.memref_slice %arg2[%add3A_30, %dma_wait3A_86] : memref<802816x32xf32, #tpu.memory_space<hbm>> -> memref<256x32xf32, #tpu.memory_space<hbm>>
      tpu.wait_dma2 semaphore(%run_scoped3A : memref<!tpu.dma_semaphore, #tpu.memory_space<semaphore_mem>>) src(%dma_wait3A_87 : memref<256x32xf32, #tpu.memory_space<hbm>>) dst(%arg8 : memref<256x32xf32, #tpu.memory_space<vmem>>)
      tpu.yield
    }) : () -> ()
    %dma_start3A_31 = arith.constant 0 : i32
    %dma_start3A_32 = arith.constant 0 : i32
    %dma_start3A_33 = tpu.memref_slice %arg10[%dma_start3A_31, %dma_start3A_32] : memref<50176x32xf32, #tpu.memory_space<vmem_shared>> -> memref<50176x32xf32, #tpu.memory_space<vmem_shared>>
    tpu.enqueue_indirect_dma source(%arg8 : memref<256x32xf32, #tpu.memory_space<vmem>>) target(%dma_start3A_33 : memref<50176x32xf32, #tpu.memory_space<vmem_shared>>) offsets(%arg6 : memref<256xi32, #tpu.memory_space<vmem>>) semaphore(%arg12 : memref<!tpu.dma_semaphore, #tpu.memory_space<semaphore_mem>>) {add = true}
    %dma_wait3A = arith.constant 0 : i32
    %dma_wait3A_34 = arith.constant 0 : i32
    %dma_wait3A_35 = tpu.memref_slice %arg10[%dma_wait3A, %dma_wait3A_34] : memref<50176x32xf32, #tpu.memory_space<vmem_shared>> -> memref<50176x32xf32, #tpu.memory_space<vmem_shared>>
    tpu.wait_indirect_dma semaphore(%arg11 : memref<!tpu.dma_semaphore, #tpu.memory_space<semaphore_mem>>) src(%arg7 : memref<256x32xf32, #tpu.memory_space<vmem>>) dst(%dma_wait3A_35 : memref<50176x32xf32, #tpu.memory_space<vmem_shared>>)
    %mul3A_36 = arith.constant 25088 : i32
    %mul3A_37 = arith.muli %add3A, %mul3A_36 : i32
    %add3A_38 = arith.constant 512 : i32
    %add3A_39 = arith.addi %mul3A_37, %add3A_38 : i32
    "tpu.region"() ({
      %run_scoped3A = tpu.sem_alloc : memref<!tpu.dma_semaphore, #tpu.memory_space<semaphore_mem>>
      %dma_start3A_80 = tpu.memref_slice %arg3[%add3A_39] : memref<802816xi32, #tpu.memory_space<hbm>> -> memref<256xi32, #tpu.memory_space<hbm>>
      %dma_start3A_81 = tpu.memref_slice %arg3[%add3A_39] : memref<802816xi32, #tpu.memory_space<hbm>> -> memref<256xi32, #tpu.memory_space<hbm>>
      tpu.enqueue_dma source(%dma_start3A_81 : memref<256xi32, #tpu.memory_space<hbm>>) target(%arg5 : memref<256xi32, #tpu.memory_space<vmem>>) target_semaphore(%run_scoped3A : memref<!tpu.dma_semaphore, #tpu.memory_space<semaphore_mem>>)
      %dma_wait3A_82 = tpu.memref_slice %arg3[%add3A_39] : memref<802816xi32, #tpu.memory_space<hbm>> -> memref<256xi32, #tpu.memory_space<hbm>>
      %dma_wait3A_83 = tpu.memref_slice %arg3[%add3A_39] : memref<802816xi32, #tpu.memory_space<hbm>> -> memref<256xi32, #tpu.memory_space<hbm>>
      tpu.wait_dma2 semaphore(%run_scoped3A : memref<!tpu.dma_semaphore, #tpu.memory_space<semaphore_mem>>) src(%dma_wait3A_83 : memref<256xi32, #tpu.memory_space<hbm>>) dst(%arg5 : memref<256xi32, #tpu.memory_space<vmem>>)
      tpu.yield
    }) : () -> ()
    %mul3A_40 = arith.constant 25088 : i32
    %mul3A_41 = arith.muli %add3A, %mul3A_40 : i32
    %add3A_42 = arith.constant 512 : i32
    %add3A_43 = arith.addi %mul3A_41, %add3A_42 : i32
    "tpu.region"() ({
      %run_scoped3A = tpu.sem_alloc : memref<!tpu.dma_semaphore, #tpu.memory_space<semaphore_mem>>
      %dma_start3A_80 = arith.constant 0 : i32
      %dma_start3A_81 = tpu.memref_slice %arg2[%add3A_43, %dma_start3A_80] : memref<802816x32xf32, #tpu.memory_space<hbm>> -> memref<256x32xf32, #tpu.memory_space<hbm>>
      %dma_start3A_82 = arith.constant 0 : i32
      %dma_start3A_83 = tpu.memref_slice %arg2[%add3A_43, %dma_start3A_82] : memref<802816x32xf32, #tpu.memory_space<hbm>> -> memref<256x32xf32, #tpu.memory_space<hbm>>
      tpu.enqueue_dma source(%dma_start3A_83 : memref<256x32xf32, #tpu.memory_space<hbm>>) target(%arg7 : memref<256x32xf32, #tpu.memory_space<vmem>>) target_semaphore(%run_scoped3A : memref<!tpu.dma_semaphore, #tpu.memory_space<semaphore_mem>>)
      %dma_wait3A_84 = arith.constant 0 : i32
      %dma_wait3A_85 = tpu.memref_slice %arg2[%add3A_43, %dma_wait3A_84] : memref<802816x32xf32, #tpu.memory_space<hbm>> -> memref<256x32xf32, #tpu.memory_space<hbm>>
      %dma_wait3A_86 = arith.constant 0 : i32
      %dma_wait3A_87 = tpu.memref_slice %arg2[%add3A_43, %dma_wait3A_86] : memref<802816x32xf32, #tpu.memory_space<hbm>> -> memref<256x32xf32, #tpu.memory_space<hbm>>
      tpu.wait_dma2 semaphore(%run_scoped3A : memref<!tpu.dma_semaphore, #tpu.memory_space<semaphore_mem>>) src(%dma_wait3A_87 : memref<256x32xf32, #tpu.memory_space<hbm>>) dst(%arg7 : memref<256x32xf32, #tpu.memory_space<vmem>>)
      tpu.yield
    }) : () -> ()
    %dma_start3A_44 = arith.constant 0 : i32
    %dma_start3A_45 = arith.constant 0 : i32
    %dma_start3A_46 = tpu.memref_slice %arg10[%dma_start3A_44, %dma_start3A_45] : memref<50176x32xf32, #tpu.memory_space<vmem_shared>> -> memref<50176x32xf32, #tpu.memory_space<vmem_shared>>
    tpu.enqueue_indirect_dma source(%arg7 : memref<256x32xf32, #tpu.memory_space<vmem>>) target(%dma_start3A_46 : memref<50176x32xf32, #tpu.memory_space<vmem_shared>>) offsets(%arg5 : memref<256xi32, #tpu.memory_space<vmem>>) semaphore(%arg11 : memref<!tpu.dma_semaphore, #tpu.memory_space<semaphore_mem>>) {add = true}
    %scan3A_47 = arith.constant 0 : i32
    %scan3A_48 = arith.constant 0 : i32
    %scan3A_49 = arith.constant 47 : i32
    %scan3A_50 = arith.addi %scan3A_48, %scan3A_49 : i32
    %scan3A_51 = arith.constant 1 : i32
    scf.for %scan3A_80 = %scan3A_48 to %scan3A_50 step %scan3A_51  : i32 {
      %mul3A_81 = arith.constant 2 : i32
      %mul3A_82 = arith.muli %mul3A_81, %scan3A_80 : i32
      %add3A_83 = arith.constant 3 : i32
      %add3A_84 = arith.addi %mul3A_82, %add3A_83 : i32
      %dma_wait3A_85 = arith.constant 0 : i32
      %dma_wait3A_86 = arith.constant 0 : i32
      %dma_wait3A_87 = tpu.memref_slice %arg10[%dma_wait3A_85, %dma_wait3A_86] : memref<50176x32xf32, #tpu.memory_space<vmem_shared>> -> memref<50176x32xf32, #tpu.memory_space<vmem_shared>>
      tpu.wait_indirect_dma semaphore(%arg12 : memref<!tpu.dma_semaphore, #tpu.memory_space<semaphore_mem>>) src(%arg8 : memref<256x32xf32, #tpu.memory_space<vmem>>) dst(%dma_wait3A_87 : memref<50176x32xf32, #tpu.memory_space<vmem_shared>>)
      %mul3A_88 = arith.constant 25088 : i32
      %mul3A_89 = arith.muli %add3A, %mul3A_88 : i32
      %mul3A_90 = arith.constant 256 : i32
      %mul3A_91 = arith.muli %add3A_84, %mul3A_90 : i32
      %add3A_92 = arith.addi %mul3A_89, %mul3A_91 : i32
      "tpu.region"() ({
        %run_scoped3A = tpu.sem_alloc : memref<!tpu.dma_semaphore, #tpu.memory_space<semaphore_mem>>
        %dma_start3A_121 = tpu.memref_slice %arg3[%add3A_92] : memref<802816xi32, #tpu.memory_space<hbm>> -> memref<256xi32, #tpu.memory_space<hbm>>
        %dma_start3A_122 = tpu.memref_slice %arg3[%add3A_92] : memref<802816xi32, #tpu.memory_space<hbm>> -> memref<256xi32, #tpu.memory_space<hbm>>
        tpu.enqueue_dma source(%dma_start3A_122 : memref<256xi32, #tpu.memory_space<hbm>>) target(%arg6 : memref<256xi32, #tpu.memory_space<vmem>>) target_semaphore(%run_scoped3A : memref<!tpu.dma_semaphore, #tpu.memory_space<semaphore_mem>>)
        %dma_wait3A_123 = tpu.memref_slice %arg3[%add3A_92] : memref<802816xi32, #tpu.memory_space<hbm>> -> memref<256xi32, #tpu.memory_space<hbm>>
        %dma_wait3A_124 = tpu.memref_slice %arg3[%add3A_92] : memref<802816xi32, #tpu.memory_space<hbm>> -> memref<256xi32, #tpu.memory_space<hbm>>
        tpu.wait_dma2 semaphore(%run_scoped3A : memref<!tpu.dma_semaphore, #tpu.memory_space<semaphore_mem>>) src(%dma_wait3A_124 : memref<256xi32, #tpu.memory_space<hbm>>) dst(%arg6 : memref<256xi32, #tpu.memory_space<vmem>>)
        tpu.yield
      }) : () -> ()
      %mul3A_93 = arith.constant 25088 : i32
      %mul3A_94 = arith.muli %add3A, %mul3A_93 : i32
      %mul3A_95 = arith.constant 256 : i32
      %mul3A_96 = arith.muli %add3A_84, %mul3A_95 : i32
      %add3A_97 = arith.addi %mul3A_94, %mul3A_96 : i32
      "tpu.region"() ({
        %run_scoped3A = tpu.sem_alloc : memref<!tpu.dma_semaphore, #tpu.memory_space<semaphore_mem>>
        %dma_start3A_121 = arith.constant 0 : i32
        %dma_start3A_122 = tpu.memref_slice %arg2[%add3A_97, %dma_start3A_121] : memref<802816x32xf32, #tpu.memory_space<hbm>> -> memref<256x32xf32, #tpu.memory_space<hbm>>
        %dma_start3A_123 = arith.constant 0 : i32
        %dma_start3A_124 = tpu.memref_slice %arg2[%add3A_97, %dma_start3A_123] : memref<802816x32xf32, #tpu.memory_space<hbm>> -> memref<256x32xf32, #tpu.memory_space<hbm>>
        tpu.enqueue_dma source(%dma_start3A_124 : memref<256x32xf32, #tpu.memory_space<hbm>>) target(%arg8 : memref<256x32xf32, #tpu.memory_space<vmem>>) target_semaphore(%run_scoped3A : memref<!tpu.dma_semaphore, #tpu.memory_space<semaphore_mem>>)
        %dma_wait3A_125 = arith.constant 0 : i32
        %dma_wait3A_126 = tpu.memref_slice %arg2[%add3A_97, %dma_wait3A_125] : memref<802816x32xf32, #tpu.memory_space<hbm>> -> memref<256x32xf32, #tpu.memory_space<hbm>>
        %dma_wait3A_127 = arith.constant 0 : i32
        %dma_wait3A_128 = tpu.memref_slice %arg2[%add3A_97, %dma_wait3A_127] : memref<802816x32xf32, #tpu.memory_space<hbm>> -> memref<256x32xf32, #tpu.memory_space<hbm>>
        tpu.wait_dma2 semaphore(%run_scoped3A : memref<!tpu.dma_semaphore, #tpu.memory_space<semaphore_mem>>) src(%dma_wait3A_128 : memref<256x32xf32, #tpu.memory_space<hbm>>) dst(%arg8 : memref<256x32xf32, #tpu.memory_space<vmem>>)
        tpu.yield
      }) : () -> ()
      %dma_start3A_98 = arith.constant 0 : i32
      %dma_start3A_99 = arith.constant 0 : i32
      %dma_start3A_100 = tpu.memref_slice %arg10[%dma_start3A_98, %dma_start3A_99] : memref<50176x32xf32, #tpu.memory_space<vmem_shared>> -> memref<50176x32xf32, #tpu.memory_space<vmem_shared>>
      tpu.enqueue_indirect_dma source(%arg8 : memref<256x32xf32, #tpu.memory_space<vmem>>) target(%dma_start3A_100 : memref<50176x32xf32, #tpu.memory_space<vmem_shared>>) offsets(%arg6 : memref<256xi32, #tpu.memory_space<vmem>>) semaphore(%arg12 : memref<!tpu.dma_semaphore, #tpu.memory_space<semaphore_mem>>) {add = true}
      %mul3A_101 = arith.constant 2 : i32
      %mul3A_102 = arith.muli %mul3A_101, %scan3A_80 : i32
      %add3A_103 = arith.constant 4 : i32
      %add3A_104 = arith.addi %mul3A_102, %add3A_103 : i32
      %dma_wait3A_105 = arith.constant 0 : i32
      %dma_wait3A_106 = arith.constant 0 : i32
      %dma_wait3A_107 = tpu.memref_slice %arg10[%dma_wait3A_105, %dma_wait3A_106] : memref<50176x32xf32, #tpu.memory_space<vmem_shared>> -> memref<50176x32xf32, #tpu.memory_space<vmem_shared>>
      tpu.wait_indirect_dma semaphore(%arg11 : memref<!tpu.dma_semaphore, #tpu.memory_space<semaphore_mem>>) src(%arg7 : memref<256x32xf32, #tpu.memory_space<vmem>>) dst(%dma_wait3A_107 : memref<50176x32xf32, #tpu.memory_space<vmem_shared>>)
      %mul3A_108 = arith.constant 25088 : i32
      %mul3A_109 = arith.muli %add3A, %mul3A_108 : i32
      %mul3A_110 = arith.constant 256 : i32
      %mul3A_111 = arith.muli %add3A_104, %mul3A_110 : i32
      %add3A_112 = arith.addi %mul3A_109, %mul3A_111 : i32
      "tpu.region"() ({
        %run_scoped3A = tpu.sem_alloc : memref<!tpu.dma_semaphore, #tpu.memory_space<semaphore_mem>>
        %dma_start3A_121 = tpu.memref_slice %arg3[%add3A_112] : memref<802816xi32, #tpu.memory_space<hbm>> -> memref<256xi32, #tpu.memory_space<hbm>>
        %dma_start3A_122 = tpu.memref_slice %arg3[%add3A_112] : memref<802816xi32, #tpu.memory_space<hbm>> -> memref<256xi32, #tpu.memory_space<hbm>>
        tpu.enqueue_dma source(%dma_start3A_122 : memref<256xi32, #tpu.memory_space<hbm>>) target(%arg5 : memref<256xi32, #tpu.memory_space<vmem>>) target_semaphore(%run_scoped3A : memref<!tpu.dma_semaphore, #tpu.memory_space<semaphore_mem>>)
        %dma_wait3A_123 = tpu.memref_slice %arg3[%add3A_112] : memref<802816xi32, #tpu.memory_space<hbm>> -> memref<256xi32, #tpu.memory_space<hbm>>
        %dma_wait3A_124 = tpu.memref_slice %arg3[%add3A_112] : memref<802816xi32, #tpu.memory_space<hbm>> -> memref<256xi32, #tpu.memory_space<hbm>>
        tpu.wait_dma2 semaphore(%run_scoped3A : memref<!tpu.dma_semaphore, #tpu.memory_space<semaphore_mem>>) src(%dma_wait3A_124 : memref<256xi32, #tpu.memory_space<hbm>>) dst(%arg5 : memref<256xi32, #tpu.memory_space<vmem>>)
        tpu.yield
      }) : () -> ()
      %mul3A_113 = arith.constant 25088 : i32
      %mul3A_114 = arith.muli %add3A, %mul3A_113 : i32
      %mul3A_115 = arith.constant 256 : i32
      %mul3A_116 = arith.muli %add3A_104, %mul3A_115 : i32
      %add3A_117 = arith.addi %mul3A_114, %mul3A_116 : i32
      "tpu.region"() ({
        %run_scoped3A = tpu.sem_alloc : memref<!tpu.dma_semaphore, #tpu.memory_space<semaphore_mem>>
        %dma_start3A_121 = arith.constant 0 : i32
        %dma_start3A_122 = tpu.memref_slice %arg2[%add3A_117, %dma_start3A_121] : memref<802816x32xf32, #tpu.memory_space<hbm>> -> memref<256x32xf32, #tpu.memory_space<hbm>>
        %dma_start3A_123 = arith.constant 0 : i32
        %dma_start3A_124 = tpu.memref_slice %arg2[%add3A_117, %dma_start3A_123] : memref<802816x32xf32, #tpu.memory_space<hbm>> -> memref<256x32xf32, #tpu.memory_space<hbm>>
        tpu.enqueue_dma source(%dma_start3A_124 : memref<256x32xf32, #tpu.memory_space<hbm>>) target(%arg7 : memref<256x32xf32, #tpu.memory_space<vmem>>) target_semaphore(%run_scoped3A : memref<!tpu.dma_semaphore, #tpu.memory_space<semaphore_mem>>)
        %dma_wait3A_125 = arith.constant 0 : i32
        %dma_wait3A_126 = tpu.memref_slice %arg2[%add3A_117, %dma_wait3A_125] : memref<802816x32xf32, #tpu.memory_space<hbm>> -> memref<256x32xf32, #tpu.memory_space<hbm>>
        %dma_wait3A_127 = arith.constant 0 : i32
        %dma_wait3A_128 = tpu.memref_slice %arg2[%add3A_117, %dma_wait3A_127] : memref<802816x32xf32, #tpu.memory_space<hbm>> -> memref<256x32xf32, #tpu.memory_space<hbm>>
        tpu.wait_dma2 semaphore(%run_scoped3A : memref<!tpu.dma_semaphore, #tpu.memory_space<semaphore_mem>>) src(%dma_wait3A_128 : memref<256x32xf32, #tpu.memory_space<hbm>>) dst(%arg7 : memref<256x32xf32, #tpu.memory_space<vmem>>)
        tpu.yield
      }) : () -> ()
      %dma_start3A_118 = arith.constant 0 : i32
      %dma_start3A_119 = arith.constant 0 : i32
      %dma_start3A_120 = tpu.memref_slice %arg10[%dma_start3A_118, %dma_start3A_119] : memref<50176x32xf32, #tpu.memory_space<vmem_shared>> -> memref<50176x32xf32, #tpu.memory_space<vmem_shared>>
      tpu.enqueue_indirect_dma source(%arg7 : memref<256x32xf32, #tpu.memory_space<vmem>>) target(%dma_start3A_120 : memref<50176x32xf32, #tpu.memory_space<vmem_shared>>) offsets(%arg5 : memref<256xi32, #tpu.memory_space<vmem>>) semaphore(%arg11 : memref<!tpu.dma_semaphore, #tpu.memory_space<semaphore_mem>>) {add = true}
    }
    %scan3A_52 = arith.constant 47 : i32
    %dma_wait3A_53 = arith.constant 0 : i32
    %dma_wait3A_54 = arith.constant 0 : i32
    %dma_wait3A_55 = tpu.memref_slice %arg10[%dma_wait3A_53, %dma_wait3A_54] : memref<50176x32xf32, #tpu.memory_space<vmem_shared>> -> memref<50176x32xf32, #tpu.memory_space<vmem_shared>>
    tpu.wait_indirect_dma semaphore(%arg12 : memref<!tpu.dma_semaphore, #tpu.memory_space<semaphore_mem>>) src(%arg8 : memref<256x32xf32, #tpu.memory_space<vmem>>) dst(%dma_wait3A_55 : memref<50176x32xf32, #tpu.memory_space<vmem_shared>>)
    %mul3A_56 = arith.constant 25088 : i32
    %mul3A_57 = arith.muli %add3A, %mul3A_56 : i32
    %add3A_58 = arith.constant 24832 : i32
    %add3A_59 = arith.addi %mul3A_57, %add3A_58 : i32
    "tpu.region"() ({
      %run_scoped3A = tpu.sem_alloc : memref<!tpu.dma_semaphore, #tpu.memory_space<semaphore_mem>>
      %dma_start3A_80 = tpu.memref_slice %arg3[%add3A_59] : memref<802816xi32, #tpu.memory_space<hbm>> -> memref<256xi32, #tpu.memory_space<hbm>>
      %dma_start3A_81 = tpu.memref_slice %arg3[%add3A_59] : memref<802816xi32, #tpu.memory_space<hbm>> -> memref<256xi32, #tpu.memory_space<hbm>>
      tpu.enqueue_dma source(%dma_start3A_81 : memref<256xi32, #tpu.memory_space<hbm>>) target(%arg6 : memref<256xi32, #tpu.memory_space<vmem>>) target_semaphore(%run_scoped3A : memref<!tpu.dma_semaphore, #tpu.memory_space<semaphore_mem>>)
      %dma_wait3A_82 = tpu.memref_slice %arg3[%add3A_59] : memref<802816xi32, #tpu.memory_space<hbm>> -> memref<256xi32, #tpu.memory_space<hbm>>
      %dma_wait3A_83 = tpu.memref_slice %arg3[%add3A_59] : memref<802816xi32, #tpu.memory_space<hbm>> -> memref<256xi32, #tpu.memory_space<hbm>>
      tpu.wait_dma2 semaphore(%run_scoped3A : memref<!tpu.dma_semaphore, #tpu.memory_space<semaphore_mem>>) src(%dma_wait3A_83 : memref<256xi32, #tpu.memory_space<hbm>>) dst(%arg6 : memref<256xi32, #tpu.memory_space<vmem>>)
      tpu.yield
    }) : () -> ()
    %mul3A_60 = arith.constant 25088 : i32
    %mul3A_61 = arith.muli %add3A, %mul3A_60 : i32
    %add3A_62 = arith.constant 24832 : i32
    %add3A_63 = arith.addi %mul3A_61, %add3A_62 : i32
    "tpu.region"() ({
      %run_scoped3A = tpu.sem_alloc : memref<!tpu.dma_semaphore, #tpu.memory_space<semaphore_mem>>
      %dma_start3A_80 = arith.constant 0 : i32
      %dma_start3A_81 = tpu.memref_slice %arg2[%add3A_63, %dma_start3A_80] : memref<802816x32xf32, #tpu.memory_space<hbm>> -> memref<256x32xf32, #tpu.memory_space<hbm>>
      %dma_start3A_82 = arith.constant 0 : i32
      %dma_start3A_83 = tpu.memref_slice %arg2[%add3A_63, %dma_start3A_82] : memref<802816x32xf32, #tpu.memory_space<hbm>> -> memref<256x32xf32, #tpu.memory_space<hbm>>
      tpu.enqueue_dma source(%dma_start3A_83 : memref<256x32xf32, #tpu.memory_space<hbm>>) target(%arg8 : memref<256x32xf32, #tpu.memory_space<vmem>>) target_semaphore(%run_scoped3A : memref<!tpu.dma_semaphore, #tpu.memory_space<semaphore_mem>>)
      %dma_wait3A_84 = arith.constant 0 : i32
      %dma_wait3A_85 = tpu.memref_slice %arg2[%add3A_63, %dma_wait3A_84] : memref<802816x32xf32, #tpu.memory_space<hbm>> -> memref<256x32xf32, #tpu.memory_space<hbm>>
      %dma_wait3A_86 = arith.constant 0 : i32
      %dma_wait3A_87 = tpu.memref_slice %arg2[%add3A_63, %dma_wait3A_86] : memref<802816x32xf32, #tpu.memory_space<hbm>> -> memref<256x32xf32, #tpu.memory_space<hbm>>
      tpu.wait_dma2 semaphore(%run_scoped3A : memref<!tpu.dma_semaphore, #tpu.memory_space<semaphore_mem>>) src(%dma_wait3A_87 : memref<256x32xf32, #tpu.memory_space<hbm>>) dst(%arg8 : memref<256x32xf32, #tpu.memory_space<vmem>>)
      tpu.yield
    }) : () -> ()
    %dma_start3A_64 = arith.constant 0 : i32
    %dma_start3A_65 = arith.constant 0 : i32
    %dma_start3A_66 = tpu.memref_slice %arg10[%dma_start3A_64, %dma_start3A_65] : memref<50176x32xf32, #tpu.memory_space<vmem_shared>> -> memref<50176x32xf32, #tpu.memory_space<vmem_shared>>
    tpu.enqueue_indirect_dma source(%arg8 : memref<256x32xf32, #tpu.memory_space<vmem>>) target(%dma_start3A_66 : memref<50176x32xf32, #tpu.memory_space<vmem_shared>>) offsets(%arg6 : memref<256xi32, #tpu.memory_space<vmem>>) semaphore(%arg12 : memref<!tpu.dma_semaphore, #tpu.memory_space<semaphore_mem>>) {add = true}
    %dma_wait3A_67 = arith.constant 0 : i32
    %dma_wait3A_68 = arith.constant 0 : i32
    %dma_wait3A_69 = tpu.memref_slice %arg10[%dma_wait3A_67, %dma_wait3A_68] : memref<50176x32xf32, #tpu.memory_space<vmem_shared>> -> memref<50176x32xf32, #tpu.memory_space<vmem_shared>>
    tpu.wait_indirect_dma semaphore(%arg11 : memref<!tpu.dma_semaphore, #tpu.memory_space<semaphore_mem>>) src(%arg7 : memref<256x32xf32, #tpu.memory_space<vmem>>) dst(%dma_wait3A_69 : memref<50176x32xf32, #tpu.memory_space<vmem_shared>>)
    %dma_wait3A_70 = arith.constant 0 : i32
    %dma_wait3A_71 = arith.constant 0 : i32
    %dma_wait3A_72 = tpu.memref_slice %arg10[%dma_wait3A_70, %dma_wait3A_71] : memref<50176x32xf32, #tpu.memory_space<vmem_shared>> -> memref<50176x32xf32, #tpu.memory_space<vmem_shared>>
    tpu.wait_indirect_dma semaphore(%arg12 : memref<!tpu.dma_semaphore, #tpu.memory_space<semaphore_mem>>) src(%arg8 : memref<256x32xf32, #tpu.memory_space<vmem>>) dst(%dma_wait3A_72 : memref<50176x32xf32, #tpu.memory_space<vmem_shared>>)
    %barrier3A_73 = arith.constant 0 : index
    tpu.barrier barrier_id(%barrier3A_73)
    %scan3A_74 = arith.constant 0 : i32
    %scan3A_75 = arith.constant 0 : i32
    %scan3A_76 = arith.constant 16 : i32
    %scan3A_77 = arith.addi %scan3A_75, %scan3A_76 : i32
    %scan3A_78 = arith.constant 1 : i32
    scf.for %scan3A_80 = %scan3A_75 to %scan3A_77 step %scan3A_78  : i32 {
      %mul3A_81 = arith.constant 3136 : i32
      %mul3A_82 = arith.muli %arg1, %mul3A_81 : i32
      %mul3A_83 = arith.constant 196 : i32
      %mul3A_84 = arith.muli %scan3A_80, %mul3A_83 : i32
      %add3A_85 = arith.addi %mul3A_82, %mul3A_84 : i32
      "tpu.region"() ({
        %run_scoped3A = tpu.sem_alloc : memref<!tpu.dma_semaphore, #tpu.memory_space<semaphore_mem>>
        %dma_start3A_86 = arith.constant 0 : i32
        %dma_start3A_87 = tpu.memref_slice %arg4[%arg0, %add3A_85, %dma_start3A_86] : memref<2x50176x32xf32, #tpu.memory_space<hbm>> -> memref<1x196x32xf32, #tpu.memory_space<hbm>>
        %dma_start3A_88 = tpu.memref_squeeze %dma_start3A_87 : memref<1x196x32xf32, #tpu.memory_space<hbm>> -> memref<196x32xf32, #tpu.memory_space<hbm>>
        %dma_start3A_89 = arith.constant 0 : i32
        %dma_start3A_90 = tpu.memref_slice %arg10[%add3A_85, %dma_start3A_89] : memref<50176x32xf32, #tpu.memory_space<vmem_shared>> -> memref<196x32xf32, #tpu.memory_space<vmem_shared>>
        tpu.enqueue_dma source(%dma_start3A_90 : memref<196x32xf32, #tpu.memory_space<vmem_shared>>) target(%dma_start3A_88 : memref<196x32xf32, #tpu.memory_space<hbm>>) target_semaphore(%run_scoped3A : memref<!tpu.dma_semaphore, #tpu.memory_space<semaphore_mem>>)
        %dma_wait3A_91 = arith.constant 0 : i32
        %dma_wait3A_92 = tpu.memref_slice %arg4[%arg0, %add3A_85, %dma_wait3A_91] : memref<2x50176x32xf32, #tpu.memory_space<hbm>> -> memref<1x196x32xf32, #tpu.memory_space<hbm>>
        %dma_wait3A_93 = tpu.memref_squeeze %dma_wait3A_92 : memref<1x196x32xf32, #tpu.memory_space<hbm>> -> memref<196x32xf32, #tpu.memory_space<hbm>>
        %dma_wait3A_94 = arith.constant 0 : i32
        %dma_wait3A_95 = tpu.memref_slice %arg10[%add3A_85, %dma_wait3A_94] : memref<50176x32xf32, #tpu.memory_space<vmem_shared>> -> memref<196x32xf32, #tpu.memory_space<vmem_shared>>
        tpu.wait_dma2 semaphore(%run_scoped3A : memref<!tpu.dma_semaphore, #tpu.memory_space<semaphore_mem>>) src(%dma_wait3A_95 : memref<196x32xf32, #tpu.memory_space<vmem_shared>>) dst(%dma_wait3A_93 : memref<196x32xf32, #tpu.memory_space<hbm>>)
        tpu.yield
      }) : () -> ()
    }
    %scan3A_79 = arith.constant 16 : i32
    return
  }
}

module attributes {stable_mosaic.version = 14 : i64} {
  func.func @_mlp1_body(%arg0: i32, %arg1: memref<512x128xbf16, #tpu.memory_space<vmem>>, %arg2: memref<512x128xbf16, #tpu.memory_space<vmem>>, %arg3: memref<512x128xbf16, #tpu.memory_space<vmem>>, %arg4: memref<128x256xbf16, #tpu.memory_space<vmem>>, %arg5: memref<128x256xbf16, #tpu.memory_space<vmem>>, %arg6: memref<128x256xbf16, #tpu.memory_space<vmem>>, %arg7: memref<1x256xf32, #tpu.memory_space<vmem>>, %arg8: memref<256x128xbf16, #tpu.memory_space<vmem>>, %arg9: memref<1x128xf32, #tpu.memory_space<vmem>>, %arg10: memref<512x128xf32, #tpu.memory_space<vmem>>) attributes {dimension_semantics = [#tpu.dimension_semantics<arbitrary>], iteration_bounds = array<i64: 392>, scalar_prefetch = 0 : i64, scratch_operands = 0 : i64, tpu.core_type = #tpu.core_type<tc>, window_params = [{transform_indices = @transform_0, window_bounds = array<i64: 512, 128>}, {transform_indices = @transform_1, window_bounds = array<i64: 512, 128>}, {transform_indices = @transform_2, window_bounds = array<i64: 512, 128>}, {pipeline_mode = #tpu.pipeline_mode<synchronous>, transform_indices = @transform_3, window_bounds = array<i64: 128, 256>}, {pipeline_mode = #tpu.pipeline_mode<synchronous>, transform_indices = @transform_4, window_bounds = array<i64: 128, 256>}, {pipeline_mode = #tpu.pipeline_mode<synchronous>, transform_indices = @transform_5, window_bounds = array<i64: 128, 256>}, {pipeline_mode = #tpu.pipeline_mode<synchronous>, transform_indices = @transform_6, window_bounds = array<i64: 1, 256>}, {pipeline_mode = #tpu.pipeline_mode<synchronous>, transform_indices = @transform_7, window_bounds = array<i64: 256, 128>}, {pipeline_mode = #tpu.pipeline_mode<synchronous>, transform_indices = @transform_8, window_bounds = array<i64: 1, 128>}, {transform_indices = @transform_9, window_bounds = array<i64: 512, 128>}]} {
    %get3A = arith.constant 0 : index
    %get3A_0 = arith.constant 0 : index
    %get3A_1 = vector.load %arg1[%get3A, %get3A_0] : memref<512x128xbf16, #tpu.memory_space<vmem>>, vector<512x128xbf16>
    %get3A_2 = arith.constant 0 : index
    %get3A_3 = arith.constant 0 : index
    %get3A_4 = vector.load %arg4[%get3A_2, %get3A_3] : memref<128x256xbf16, #tpu.memory_space<vmem>>, vector<128x256xbf16>
    %dot_general3A = arith.constant dense<0.000000e+00> : vector<512x256xf32>
    %dot_general3A_5 = tpu.matmul %get3A_1, %get3A_4, %dot_general3A {dimension_numbers = #tpu.dot_dimension_numbers<[1], [0], [0], [1], [0, 0, 1, 1], [], []>, transpose_lhs_hint = false} : vector<512x128xbf16>, vector<128x256xbf16>, vector<512x256xf32> -> vector<512x256xf32>
    %get3A_6 = arith.constant 0 : index
    %get3A_7 = arith.constant 0 : index
    %get3A_8 = vector.load %arg2[%get3A_6, %get3A_7] : memref<512x128xbf16, #tpu.memory_space<vmem>>, vector<512x128xbf16>
    %get3A_9 = arith.constant 0 : index
    %get3A_10 = arith.constant 0 : index
    %get3A_11 = vector.load %arg5[%get3A_9, %get3A_10] : memref<128x256xbf16, #tpu.memory_space<vmem>>, vector<128x256xbf16>
    %dot_general3A_12 = arith.constant dense<0.000000e+00> : vector<512x256xf32>
    %dot_general3A_13 = tpu.matmul %get3A_8, %get3A_11, %dot_general3A_12 {dimension_numbers = #tpu.dot_dimension_numbers<[1], [0], [0], [1], [0, 0, 1, 1], [], []>, transpose_lhs_hint = false} : vector<512x128xbf16>, vector<128x256xbf16>, vector<512x256xf32> -> vector<512x256xf32>
    %add3A = arith.addf %dot_general3A_5, %dot_general3A_13 : vector<512x256xf32>
    %get3A_14 = arith.constant 0 : index
    %get3A_15 = arith.constant 0 : index
    %get3A_16 = vector.load %arg3[%get3A_14, %get3A_15] : memref<512x128xbf16, #tpu.memory_space<vmem>>, vector<512x128xbf16>
    %get3A_17 = arith.constant 0 : index
    %get3A_18 = arith.constant 0 : index
    %get3A_19 = vector.load %arg6[%get3A_17, %get3A_18] : memref<128x256xbf16, #tpu.memory_space<vmem>>, vector<128x256xbf16>
    %dot_general3A_20 = arith.constant dense<0.000000e+00> : vector<512x256xf32>
    %dot_general3A_21 = tpu.matmul %get3A_16, %get3A_19, %dot_general3A_20 {dimension_numbers = #tpu.dot_dimension_numbers<[1], [0], [0], [1], [0, 0, 1, 1], [], []>, transpose_lhs_hint = false} : vector<512x128xbf16>, vector<128x256xbf16>, vector<512x256xf32> -> vector<512x256xf32>
    %add3A_22 = arith.addf %add3A, %dot_general3A_21 : vector<512x256xf32>
    %get3A_23 = arith.constant 0 : index
    %get3A_24 = arith.constant 0 : index
    %get3A_25 = vector.load %arg7[%get3A_23, %get3A_24] : memref<1x256xf32, #tpu.memory_space<vmem>>, vector<1x256xf32>
    %add3A_26 = vector.broadcast %get3A_25 : vector<1x256xf32> to vector<512x256xf32>
    %add3A_27 = arith.addf %add3A_22, %add3A_26 : vector<512x256xf32>
    %mul3A = arith.constant 5.000000e-01 : f32
    %mul3A_28 = vector.broadcast %mul3A : f32 to vector<512x256xf32>
    %mul3A_29 = arith.mulf %add3A_27, %mul3A_28 : vector<512x256xf32>
    %mul3A_30 = arith.constant 0.707106769 : f32
    %mul3A_31 = vector.broadcast %mul3A_30 : f32 to vector<512x256xf32>
    %mul3A_32 = arith.mulf %add3A_27, %mul3A_31 : vector<512x256xf32>
    %erf3A = math.erf %mul3A_32 : vector<512x256xf32>
    %add3A_33 = arith.constant 1.000000e+00 : f32
    %add3A_34 = vector.broadcast %add3A_33 : f32 to vector<512x256xf32>
    %add3A_35 = arith.addf %add3A_34, %erf3A : vector<512x256xf32>
    %mul3A_36 = arith.mulf %mul3A_29, %add3A_35 : vector<512x256xf32>
    %convert_element_type3A = arith.truncf %mul3A_36 : vector<512x256xf32> to vector<512x256xbf16>
    %get3A_37 = arith.constant 0 : index
    %get3A_38 = arith.constant 0 : index
    %get3A_39 = vector.load %arg8[%get3A_37, %get3A_38] : memref<256x128xbf16, #tpu.memory_space<vmem>>, vector<256x128xbf16>
    %dot_general3A_40 = arith.constant dense<0.000000e+00> : vector<512x128xf32>
    %dot_general3A_41 = tpu.matmul %convert_element_type3A, %get3A_39, %dot_general3A_40 {dimension_numbers = #tpu.dot_dimension_numbers<[1], [0], [0], [1], [0, 0, 1, 1], [], []>, transpose_lhs_hint = false} : vector<512x256xbf16>, vector<256x128xbf16>, vector<512x128xf32> -> vector<512x128xf32>
    %get3A_42 = arith.constant 0 : index
    %get3A_43 = arith.constant 0 : index
    %get3A_44 = vector.load %arg9[%get3A_42, %get3A_43] : memref<1x128xf32, #tpu.memory_space<vmem>>, vector<1x128xf32>
    %add3A_45 = vector.broadcast %get3A_44 : vector<1x128xf32> to vector<512x128xf32>
    %add3A_46 = arith.addf %dot_general3A_41, %add3A_45 : vector<512x128xf32>
    %swap3A = arith.constant 0 : index
    %swap3A_47 = arith.constant 0 : index
    %swap3A_48 = vector.load %arg10[%swap3A, %swap3A_47] : memref<512x128xf32, #tpu.memory_space<vmem>>, vector<512x128xf32>
    tpu.vector_store %arg10[%swap3A, %swap3A_47], %add3A_46 {strides = array<i32>} : memref<512x128xf32, #tpu.memory_space<vmem>>, vector<512x128xf32>,
    return
  }
  func.func @transform_0(%arg0: i32) -> (i32, i32) {
    %c0_i32 = arith.constant 0 : i32
    %c0_i32_0 = arith.constant 0 : i32
    return %arg0, %c0_i32 : i32, i32
  }
  func.func @transform_1(%arg0: i32) -> (i32, i32) {
    %c0_i32 = arith.constant 0 : i32
    %c0_i32_0 = arith.constant 0 : i32
    return %arg0, %c0_i32 : i32, i32
  }
  func.func @transform_2(%arg0: i32) -> (i32, i32) {
    %c0_i32 = arith.constant 0 : i32
    %c0_i32_0 = arith.constant 0 : i32
    return %arg0, %c0_i32 : i32, i32
  }
  func.func @transform_3(%arg0: i32) -> (i32, i32) {
    %c0_i32 = arith.constant 0 : i32
    %c0_i32_0 = arith.constant 0 : i32
    %c0_i32_1 = arith.constant 0 : i32
    return %c0_i32, %c0_i32_0 : i32, i32
  }
  func.func @transform_4(%arg0: i32) -> (i32, i32) {
    %c0_i32 = arith.constant 0 : i32
    %c0_i32_0 = arith.constant 0 : i32
    %c0_i32_1 = arith.constant 0 : i32
    return %c0_i32, %c0_i32_0 : i32, i32
  }
  func.func @transform_5(%arg0: i32) -> (i32, i32) {
    %c0_i32 = arith.constant 0 : i32
    %c0_i32_0 = arith.constant 0 : i32
    %c0_i32_1 = arith.constant 0 : i32
    return %c0_i32, %c0_i32_0 : i32, i32
  }
  func.func @transform_6(%arg0: i32) -> (i32, i32) {
    %c0_i32 = arith.constant 0 : i32
    %c0_i32_0 = arith.constant 0 : i32
    %c0_i32_1 = arith.constant 0 : i32
    return %c0_i32, %c0_i32_0 : i32, i32
  }
  func.func @transform_7(%arg0: i32) -> (i32, i32) {
    %c0_i32 = arith.constant 0 : i32
    %c0_i32_0 = arith.constant 0 : i32
    %c0_i32_1 = arith.constant 0 : i32
    return %c0_i32, %c0_i32_0 : i32, i32
  }
  func.func @transform_8(%arg0: i32) -> (i32, i32) {
    %c0_i32 = arith.constant 0 : i32
    %c0_i32_0 = arith.constant 0 : i32
    %c0_i32_1 = arith.constant 0 : i32
    return %c0_i32, %c0_i32_0 : i32, i32
  }
  func.func @transform_9(%arg0: i32) -> (i32, i32) {
    %c0_i32 = arith.constant 0 : i32
    %c0_i32_0 = arith.constant 0 : i32
    return %arg0, %c0_i32 : i32, i32
  }
}

module attributes {stable_mosaic.version = 14 : i64} {
  func.func @_prep2_body(%arg0: i32, %arg1: memref<6272x32xf32, #tpu.memory_space<vmem>>, %arg2: memref<6272x32xf32, #tpu.memory_space<vmem>>, %arg3: memref<6272x32xf32, #tpu.memory_space<vmem>>, %arg4: memref<6272x32xbf16, #tpu.memory_space<vmem>>) attributes {dimension_semantics = [#tpu.dimension_semantics<arbitrary>], iteration_bounds = array<i64: 8>, scalar_prefetch = 0 : i64, scratch_operands = 0 : i64, tpu.core_type = #tpu.core_type<tc>, window_params = [{transform_indices = @transform_0, window_bounds = array<i64: 6272, 32>}, {transform_indices = @transform_1, window_bounds = array<i64: 6272, 32>}, {transform_indices = @transform_2, window_bounds = array<i64: 6272, 32>}, {transform_indices = @transform_3, window_bounds = array<i64: 6272, 32>}]} {
    %mul3A = arith.constant 6272 : i32
    %mul3A_0 = arith.muli %arg0, %mul3A : i32
    %iota3A = tpu.iota {dimensions = array<i32: 0>} : vector<6272x1xi32>
    %add3A = vector.broadcast %mul3A_0 : i32 to vector<6272x1xi32>
    %add3A_1 = arith.addi %add3A, %iota3A : vector<6272x1xi32>
    %lt3A = arith.constant 50003 : i32
    %lt3A_2 = vector.broadcast %lt3A : i32 to vector<6272x1xi32>
    %lt3A_3 = arith.cmpi slt, %add3A_1, %lt3A_2 : vector<6272x1xi32>
    %get3A = arith.constant 0 : index
    %get3A_4 = arith.constant 0 : index
    %get3A_5 = vector.load %arg1[%get3A, %get3A_4] : memref<6272x32xf32, #tpu.memory_space<vmem>>, vector<6272x32xf32>
    %get3A_6 = arith.constant 0 : index
    %get3A_7 = arith.constant 0 : index
    %get3A_8 = vector.load %arg2[%get3A_6, %get3A_7] : memref<6272x32xf32, #tpu.memory_space<vmem>>, vector<6272x32xf32>
    %add3A_9 = arith.addf %get3A_5, %get3A_8 : vector<6272x32xf32>
    %get3A_10 = arith.constant 0 : index
    %get3A_11 = arith.constant 0 : index
    %get3A_12 = vector.load %arg3[%get3A_10, %get3A_11] : memref<6272x32xf32, #tpu.memory_space<vmem>>, vector<6272x32xf32>
    %add3A_13 = arith.addf %add3A_9, %get3A_12 : vector<6272x32xf32>
    %jit3A = arith.constant 0.000000e+00 : f32
    %broadcast_in_dim3A = vector.shape_cast %lt3A_3 : vector<6272x1xi1> to vector<6272x1xi1>
    %broadcast_in_dim3A_14 = vector.broadcast %broadcast_in_dim3A : vector<6272x1xi1> to vector<6272x32xi1>
    %broadcast_in_dim3A_15 = vector.broadcast %jit3A : f32 to vector<6272x32xf32>
    %select_n3A = arith.select %broadcast_in_dim3A_14, %add3A_13, %broadcast_in_dim3A_15 : vector<6272x32xi1>, vector<6272x32xf32>
    %convert_element_type3A = arith.truncf %select_n3A : vector<6272x32xf32> to vector<6272x32xbf16>
    %swap3A = arith.constant 0 : index
    %swap3A_16 = arith.constant 0 : index
    %swap3A_17 = vector.load %arg4[%swap3A, %swap3A_16] : memref<6272x32xbf16, #tpu.memory_space<vmem>>, vector<6272x32xbf16>
    tpu.vector_store %arg4[%swap3A, %swap3A_16], %convert_element_type3A {strides = array<i32>} : memref<6272x32xbf16, #tpu.memory_space<vmem>>, vector<6272x32xbf16>,
    return
  }
  func.func @transform_0(%arg0: i32) -> (i32, i32) {
    %c0_i32 = arith.constant 0 : i32
    %c0_i32_0 = arith.constant 0 : i32
    return %arg0, %c0_i32 : i32, i32
  }
  func.func @transform_1(%arg0: i32) -> (i32, i32) {
    %c0_i32 = arith.constant 0 : i32
    %c0_i32_0 = arith.constant 0 : i32
    return %arg0, %c0_i32 : i32, i32
  }
  func.func @transform_2(%arg0: i32) -> (i32, i32) {
    %c0_i32 = arith.constant 0 : i32
    %c0_i32_0 = arith.constant 0 : i32
    return %arg0, %c0_i32 : i32, i32
  }
  func.func @transform_3(%arg0: i32) -> (i32, i32) {
    %c0_i32 = arith.constant 0 : i32
    %c0_i32_0 = arith.constant 0 : i32
    return %arg0, %c0_i32 : i32, i32
  }
}

module attributes {stable_mosaic.version = 14 : i64} {
  func.func @_mlp2_body(%arg0: i32, %arg1: memref<512x128xbf16, #tpu.memory_space<vmem>>, %arg2: memref<512x128xbf16, #tpu.memory_space<vmem>>, %arg3: memref<512x128xbf16, #tpu.memory_space<vmem>>, %arg4: memref<128x256xbf16, #tpu.memory_space<vmem>>, %arg5: memref<128x256xbf16, #tpu.memory_space<vmem>>, %arg6: memref<128x256xbf16, #tpu.memory_space<vmem>>, %arg7: memref<1x256xf32, #tpu.memory_space<vmem>>, %arg8: memref<1x256xf32, #tpu.memory_space<vmem>>) attributes {dimension_semantics = [#tpu.dimension_semantics<arbitrary>], iteration_bounds = array<i64: 392>, scalar_prefetch = 0 : i64, scratch_operands = 0 : i64, tpu.core_type = #tpu.core_type<tc>, window_params = [{transform_indices = @transform_0, window_bounds = array<i64: 512, 128>}, {transform_indices = @transform_1, window_bounds = array<i64: 512, 128>}, {transform_indices = @transform_2, window_bounds = array<i64: 512, 128>}, {pipeline_mode = #tpu.pipeline_mode<synchronous>, transform_indices = @transform_3, window_bounds = array<i64: 128, 256>}, {pipeline_mode = #tpu.pipeline_mode<synchronous>, transform_indices = @transform_4, window_bounds = array<i64: 128, 256>}, {pipeline_mode = #tpu.pipeline_mode<synchronous>, transform_indices = @transform_5, window_bounds = array<i64: 128, 256>}, {pipeline_mode = #tpu.pipeline_mode<synchronous>, transform_indices = @transform_6, window_bounds = array<i64: 1, 256>}, {pipeline_mode = #tpu.pipeline_mode<synchronous>, transform_indices = @transform_7, window_bounds = array<i64: 1, 256>}]} {
    %get3A = arith.constant 0 : index
    %get3A_0 = arith.constant 0 : index
    %get3A_1 = vector.load %arg1[%get3A, %get3A_0] : memref<512x128xbf16, #tpu.memory_space<vmem>>, vector<512x128xbf16>
    %get3A_2 = arith.constant 0 : index
    %get3A_3 = arith.constant 0 : index
    %get3A_4 = vector.load %arg4[%get3A_2, %get3A_3] : memref<128x256xbf16, #tpu.memory_space<vmem>>, vector<128x256xbf16>
    %dot_general3A = arith.constant dense<0.000000e+00> : vector<512x256xf32>
    %dot_general3A_5 = tpu.matmul %get3A_1, %get3A_4, %dot_general3A {dimension_numbers = #tpu.dot_dimension_numbers<[1], [0], [0], [1], [0, 0, 1, 1], [], []>, transpose_lhs_hint = false} : vector<512x128xbf16>, vector<128x256xbf16>, vector<512x256xf32> -> vector<512x256xf32>
    %get3A_6 = arith.constant 0 : index
    %get3A_7 = arith.constant 0 : index
    %get3A_8 = vector.load %arg2[%get3A_6, %get3A_7] : memref<512x128xbf16, #tpu.memory_space<vmem>>, vector<512x128xbf16>
    %get3A_9 = arith.constant 0 : index
    %get3A_10 = arith.constant 0 : index
    %get3A_11 = vector.load %arg5[%get3A_9, %get3A_10] : memref<128x256xbf16, #tpu.memory_space<vmem>>, vector<128x256xbf16>
    %dot_general3A_12 = arith.constant dense<0.000000e+00> : vector<512x256xf32>
    %dot_general3A_13 = tpu.matmul %get3A_8, %get3A_11, %dot_general3A_12 {dimension_numbers = #tpu.dot_dimension_numbers<[1], [0], [0], [1], [0, 0, 1, 1], [], []>, transpose_lhs_hint = false} : vector<512x128xbf16>, vector<128x256xbf16>, vector<512x256xf32> -> vector<512x256xf32>
    %add3A = arith.addf %dot_general3A_5, %dot_general3A_13 : vector<512x256xf32>
    %get3A_14 = arith.constant 0 : index
    %get3A_15 = arith.constant 0 : index
    %get3A_16 = vector.load %arg3[%get3A_14, %get3A_15] : memref<512x128xbf16, #tpu.memory_space<vmem>>, vector<512x128xbf16>
    %get3A_17 = arith.constant 0 : index
    %get3A_18 = arith.constant 0 : index
    %get3A_19 = vector.load %arg6[%get3A_17, %get3A_18] : memref<128x256xbf16, #tpu.memory_space<vmem>>, vector<128x256xbf16>
    %dot_general3A_20 = arith.constant dense<0.000000e+00> : vector<512x256xf32>
    %dot_general3A_21 = tpu.matmul %get3A_16, %get3A_19, %dot_general3A_20 {dimension_numbers = #tpu.dot_dimension_numbers<[1], [0], [0], [1], [0, 0, 1, 1], [], []>, transpose_lhs_hint = false} : vector<512x128xbf16>, vector<128x256xbf16>, vector<512x256xf32> -> vector<512x256xf32>
    %add3A_22 = arith.addf %add3A, %dot_general3A_21 : vector<512x256xf32>
    %get3A_23 = arith.constant 0 : index
    %get3A_24 = arith.constant 0 : index
    %get3A_25 = vector.load %arg7[%get3A_23, %get3A_24] : memref<1x256xf32, #tpu.memory_space<vmem>>, vector<1x256xf32>
    %add3A_26 = vector.broadcast %get3A_25 : vector<1x256xf32> to vector<512x256xf32>
    %add3A_27 = arith.addf %add3A_22, %add3A_26 : vector<512x256xf32>
    %mul3A = arith.constant 5.000000e-01 : f32
    %mul3A_28 = vector.broadcast %mul3A : f32 to vector<512x256xf32>
    %mul3A_29 = arith.mulf %add3A_27, %mul3A_28 : vector<512x256xf32>
    %mul3A_30 = arith.constant 0.707106769 : f32
    %mul3A_31 = vector.broadcast %mul3A_30 : f32 to vector<512x256xf32>
    %mul3A_32 = arith.mulf %add3A_27, %mul3A_31 : vector<512x256xf32>
    %erf3A = math.erf %mul3A_32 : vector<512x256xf32>
    %add3A_33 = arith.constant 1.000000e+00 : f32
    %add3A_34 = vector.broadcast %add3A_33 : f32 to vector<512x256xf32>
    %add3A_35 = arith.addf %add3A_34, %erf3A : vector<512x256xf32>
    %mul3A_36 = arith.mulf %mul3A_29, %add3A_35 : vector<512x256xf32>
    %mul3A_37 = arith.constant 512 : i32
    %mul3A_38 = arith.muli %arg0, %mul3A_37 : i32
    %iota3A = tpu.iota {dimensions = array<i32: 0>} : vector<512x256xi32>
    %add3A_39 = vector.broadcast %mul3A_38 : i32 to vector<512x256xi32>
    %add3A_40 = arith.addi %add3A_39, %iota3A : vector<512x256xi32>
    %mul3A_41 = arith.constant 4 : i32
    %mul3A_42 = vector.broadcast %mul3A_41 : i32 to vector<512x256xi32>
    %mul3A_43 = arith.muli %add3A_40, %mul3A_42 : vector<512x256xi32>
    %iota3A_44 = tpu.iota {dimensions = array<i32: 1>} : vector<512x256xi32>
    %jit3A = arith.constant 64 : i32
    %div3A = vector.broadcast %jit3A : i32 to vector<512x256xi32>
    %div3A_45 = arith.divsi %iota3A_44, %div3A : vector<512x256xi32>
    %sign3A = arith.constant 0 : i32
    %sign3A_46 = vector.broadcast %sign3A : i32 to vector<512x256xi32>
    %sign3A_47 = arith.cmpi sgt, %iota3A_44, %sign3A_46 : vector<512x256xi32>
    %sign3A_48 = arith.extui %sign3A_47 : vector<512x256xi1> to vector<512x256xi32>
    %sign3A_49 = arith.constant 0 : i32
    %sign3A_50 = vector.broadcast %sign3A_49 : i32 to vector<512x256xi32>
    %sign3A_51 = arith.cmpi slt, %iota3A_44, %sign3A_50 : vector<512x256xi32>
    %sign3A_52 = arith.extui %sign3A_51 : vector<512x256xi1> to vector<512x256xi32>
    %sign3A_53 = arith.subi %sign3A_48, %sign3A_52 : vector<512x256xi32>
    %sign3A_54 = arith.constant 0 : i32
    %sign3A_55 = arith.cmpi sgt, %jit3A, %sign3A_54 : i32
    %sign3A_56 = arith.extui %sign3A_55 : i1 to i32
    %sign3A_57 = arith.constant 0 : i32
    %sign3A_58 = arith.cmpi slt, %jit3A, %sign3A_57 : i32
    %sign3A_59 = arith.extui %sign3A_58 : i1 to i32
    %sign3A_60 = arith.subi %sign3A_56, %sign3A_59 : i32
    %ne3A = vector.broadcast %sign3A_60 : i32 to vector<512x256xi32>
    %ne3A_61 = arith.cmpi ne, %sign3A_53, %ne3A : vector<512x256xi32>
    %rem3A = vector.broadcast %jit3A : i32 to vector<512x256xi32>
    %rem3A_62 = arith.remsi %iota3A_44, %rem3A : vector<512x256xi32>
    %ne3A_63 = arith.constant 0 : i32
    %ne3A_64 = vector.broadcast %ne3A_63 : i32 to vector<512x256xi32>
    %ne3A_65 = arith.cmpi ne, %rem3A_62, %ne3A_64 : vector<512x256xi32>
    %and3A = arith.andi %ne3A_61, %ne3A_65 : vector<512x256xi1>
    %sub3A = arith.constant 1 : i32
    %sub3A_66 = vector.broadcast %sub3A : i32 to vector<512x256xi32>
    %sub3A_67 = arith.subi %div3A_45, %sub3A_66 : vector<512x256xi32>
    %select_n3A = arith.select %and3A, %sub3A_67, %div3A_45 : vector<512x256xi1>, vector<512x256xi32>
    %add3A_68 = arith.addi %mul3A_43, %select_n3A : vector<512x256xi32>
    %lt3A = arith.constant 800000 : i32
    %lt3A_69 = vector.broadcast %lt3A : i32 to vector<512x256xi32>
    %lt3A_70 = arith.cmpi slt, %add3A_68, %lt3A_69 : vector<512x256xi32>
    %jit3A_71 = arith.constant 0.000000e+00 : f32
    %broadcast_in_dim3A = vector.broadcast %jit3A_71 : f32 to vector<512x256xf32>
    %select_n3A_72 = arith.select %lt3A_70, %mul3A_36, %broadcast_in_dim3A : vector<512x256xi1>, vector<512x256xf32>
    %reduce_sum3A = arith.constant dense<0.000000e+00> : vector<256xf32>
    %reduce_sum3A_73 = vector.multi_reduction <add>, %select_n3A_72, %reduce_sum3A [0] : vector<512x256xf32> to vector<256xf32>
    %broadcast_in_dim3A_74 = vector.shape_cast %reduce_sum3A_73 : vector<256xf32> to vector<1x256xf32>
    %eq3A = arith.constant 0 : i32
    %eq3A_75 = arith.cmpi eq, %arg0, %eq3A : i32
    %convert_element_type3A = arith.extui %eq3A_75 : i1 to i32
    %cond3A = arith.constant 0 : i32
    %cond3A_76 = arith.cmpi ne, %convert_element_type3A, %cond3A : i32
    scf.if %cond3A_76 {
      %broadcast_in_dim3A_83 = arith.constant 0.000000e+00 : f32
      %broadcast_in_dim3A_84 = vector.broadcast %broadcast_in_dim3A_83 : f32 to vector<1x256xf32>
      %swap3A_85 = arith.constant 0 : index
      %swap3A_86 = arith.constant 0 : index
      %swap3A_87 = vector.load %arg8[%swap3A_85, %swap3A_86] : memref<1x256xf32, #tpu.memory_space<vmem>>, vector<1x256xf32>
      tpu.vector_store %arg8[%swap3A_85, %swap3A_86], %broadcast_in_dim3A_84 {strides = array<i32>} : memref<1x256xf32, #tpu.memory_space<vmem>>, vector<1x256xf32>,
    } else {
    }
    %get3A_77 = arith.constant 0 : index
    %get3A_78 = arith.constant 0 : index
    %get3A_79 = vector.load %arg8[%get3A_77, %get3A_78] : memref<1x256xf32, #tpu.memory_space<vmem>>, vector<1x256xf32>
    %add3A_80 = arith.addf %get3A_79, %broadcast_in_dim3A_74 : vector<1x256xf32>
    %swap3A = arith.constant 0 : index
    %swap3A_81 = arith.constant 0 : index
    %swap3A_82 = vector.load %arg8[%swap3A, %swap3A_81] : memref<1x256xf32, #tpu.memory_space<vmem>>, vector<1x256xf32>
    tpu.vector_store %arg8[%swap3A, %swap3A_81], %add3A_80 {strides = array<i32>} : memref<1x256xf32, #tpu.memory_space<vmem>>, vector<1x256xf32>,
    return
  }
  func.func @transform_0(%arg0: i32) -> (i32, i32) {
    %c0_i32 = arith.constant 0 : i32
    %c0_i32_0 = arith.constant 0 : i32
    return %arg0, %c0_i32 : i32, i32
  }
  func.func @transform_1(%arg0: i32) -> (i32, i32) {
    %c0_i32 = arith.constant 0 : i32
    %c0_i32_0 = arith.constant 0 : i32
    return %arg0, %c0_i32 : i32, i32
  }
  func.func @transform_2(%arg0: i32) -> (i32, i32) {
    %c0_i32 = arith.constant 0 : i32
    %c0_i32_0 = arith.constant 0 : i32
    return %arg0, %c0_i32 : i32, i32
  }
  func.func @transform_3(%arg0: i32) -> (i32, i32) {
    %c0_i32 = arith.constant 0 : i32
    %c0_i32_0 = arith.constant 0 : i32
    %c0_i32_1 = arith.constant 0 : i32
    return %c0_i32, %c0_i32_0 : i32, i32
  }
  func.func @transform_4(%arg0: i32) -> (i32, i32) {
    %c0_i32 = arith.constant 0 : i32
    %c0_i32_0 = arith.constant 0 : i32
    %c0_i32_1 = arith.constant 0 : i32
    return %c0_i32, %c0_i32_0 : i32, i32
  }
  func.func @transform_5(%arg0: i32) -> (i32, i32) {
    %c0_i32 = arith.constant 0 : i32
    %c0_i32_0 = arith.constant 0 : i32
    %c0_i32_1 = arith.constant 0 : i32
    return %c0_i32, %c0_i32_0 : i32, i32
  }
  func.func @transform_6(%arg0: i32) -> (i32, i32) {
    %c0_i32 = arith.constant 0 : i32
    %c0_i32_0 = arith.constant 0 : i32
    %c0_i32_1 = arith.constant 0 : i32
    return %c0_i32, %c0_i32_0 : i32, i32
  }
  func.func @transform_7(%arg0: i32) -> (i32, i32) {
    %c0_i32 = arith.constant 0 : i32
    %c0_i32_0 = arith.constant 0 : i32
    %c0_i32_1 = arith.constant 0 : i32
    return %c0_i32, %c0_i32_0 : i32, i32
  }
}

module attributes {stable_mosaic.version = 14 : i64} {
  func.func @_final_body(%arg0: i32, %arg1: memref<32x6272xf32, #tpu.memory_space<vmem>>, %arg2: memref<6272x32xf32, #tpu.memory_space<vmem>>, %arg3: memref<6272x32xf32, #tpu.memory_space<vmem>>, %arg4: memref<6272x32xf32, #tpu.memory_space<vmem>>, %arg5: memref<1x256xf32, #tpu.memory_space<vmem>>, %arg6: memref<64x32xf32, #tpu.memory_space<vmem>>, %arg7: memref<1x32xf32, #tpu.memory_space<vmem>>, %arg8: memref<32x64xf32, #tpu.memory_space<vmem>>, %arg9: memref<1x64xf32, #tpu.memory_space<vmem>>, %arg10: memref<1x64xf32, #tpu.memory_space<vmem>>, %arg11: memref<1x32xf32, #tpu.memory_space<vmem>>, %arg12: memref<1x1xf32, #tpu.memory_space<vmem>>) attributes {dimension_semantics = [#tpu.dimension_semantics<arbitrary>], iteration_bounds = array<i64: 8>, scalar_prefetch = 0 : i64, scratch_operands = 2 : i64, tpu.core_type = #tpu.core_type<tc>, window_params = [{transform_indices = @transform_0, window_bounds = array<i64: 32, 6272>}, {transform_indices = @transform_1, window_bounds = array<i64: 6272, 32>}, {transform_indices = @transform_2, window_bounds = array<i64: 6272, 32>}, {transform_indices = @transform_3, window_bounds = array<i64: 6272, 32>}, {pipeline_mode = #tpu.pipeline_mode<synchronous>, transform_indices = @transform_4, window_bounds = array<i64: 1, 256>}, {pipeline_mode = #tpu.pipeline_mode<synchronous>, transform_indices = @transform_5, window_bounds = array<i64: 64, 32>}, {pipeline_mode = #tpu.pipeline_mode<synchronous>, transform_indices = @transform_6, window_bounds = array<i64: 1, 32>}, {pipeline_mode = #tpu.pipeline_mode<synchronous>, transform_indices = @transform_7, window_bounds = array<i64: 32, 64>}, {pipeline_mode = #tpu.pipeline_mode<synchronous>, transform_indices = @transform_8, window_bounds = array<i64: 1, 64>}, {pipeline_mode = #tpu.pipeline_mode<synchronous>, transform_indices = @transform_9, window_bounds = array<i64: 1, 64>}]} {
    %mul3A = arith.constant 6272 : i32
    %mul3A_0 = arith.muli %arg0, %mul3A : i32
    %iota3A = tpu.iota {dimensions = array<i32: 1>} : vector<1x6272xi32>
    %add3A = vector.broadcast %mul3A_0 : i32 to vector<1x6272xi32>
    %add3A_1 = arith.addi %add3A, %iota3A : vector<1x6272xi32>
    %lt3A = arith.constant 50003 : i32
    %lt3A_2 = vector.broadcast %lt3A : i32 to vector<1x6272xi32>
    %lt3A_3 = arith.cmpi slt, %add3A_1, %lt3A_2 : vector<1x6272xi32>
    %convert_element_type3A = arith.extui %lt3A_3 : vector<1x6272xi1> to vector<1x6272xi32>
    %convert_element_type3A_4 = arith.sitofp %convert_element_type3A : vector<1x6272xi32> to vector<1x6272xf32>
    %get3A = arith.constant 0 : index
    %get3A_5 = arith.constant 0 : index
    %get3A_6 = vector.load %arg1[%get3A, %get3A_5] : memref<32x6272xf32, #tpu.memory_space<vmem>>, vector<32x6272xf32>
    %reduce_max3A = arith.constant dense<0xFF800000> : vector<6272xf32>
    %reduce_max3A_7 = vector.multi_reduction <maximumf>, %get3A_6, %reduce_max3A [0] : vector<32x6272xf32> to vector<6272xf32>
    %broadcast_in_dim3A = vector.shape_cast %reduce_max3A_7 : vector<6272xf32> to vector<1x6272xf32>
    %gt3A = arith.constant 0.000000e+00 : f32
    %gt3A_8 = vector.broadcast %gt3A : f32 to vector<1x6272xf32>
    %gt3A_9 = arith.cmpf ogt, %broadcast_in_dim3A, %gt3A_8 : vector<1x6272xf32>
    %jit3A = arith.constant 1.000000e+00 : f32
    %jit3A_10 = arith.constant 0.000000e+00 : f32
    %broadcast_in_dim3A_11 = vector.broadcast %jit3A : f32 to vector<1x6272xf32>
    %broadcast_in_dim3A_12 = vector.broadcast %jit3A_10 : f32 to vector<1x6272xf32>
    %select_n3A = arith.select %gt3A_9, %broadcast_in_dim3A_11, %broadcast_in_dim3A_12 : vector<1x6272xi1>, vector<1x6272xf32>
    %mul3A_13 = arith.mulf %select_n3A, %convert_element_type3A_4 : vector<1x6272xf32>
    %get3A_14 = arith.constant 0 : index
    %get3A_15 = arith.constant 0 : index
    %get3A_16 = vector.load %arg2[%get3A_14, %get3A_15] : memref<6272x32xf32, #tpu.memory_space<vmem>>, vector<6272x32xf32>
    %dot_general3A = arith.constant dense<0.000000e+00> : vector<1x32xf32>
    %dot_general3A_17 = tpu.matmul %mul3A_13, %get3A_16, %dot_general3A {dimension_numbers = #tpu.dot_dimension_numbers<[1], [0], [0], [1], [0, 0, 1, 1], [], []>, transpose_lhs_hint = false} : vector<1x6272xf32>, vector<6272x32xf32>, vector<1x32xf32> -> vector<1x32xf32>
    %get3A_18 = arith.constant 0 : index
    %get3A_19 = arith.constant 0 : index
    %get3A_20 = vector.load %arg3[%get3A_18, %get3A_19] : memref<6272x32xf32, #tpu.memory_space<vmem>>, vector<6272x32xf32>
    %get3A_21 = arith.constant 0 : index
    %get3A_22 = arith.constant 0 : index
    %get3A_23 = vector.load %arg4[%get3A_21, %get3A_22] : memref<6272x32xf32, #tpu.memory_space<vmem>>, vector<6272x32xf32>
    %add3A_24 = arith.addf %get3A_20, %get3A_23 : vector<6272x32xf32>
    %dot_general3A_25 = arith.constant dense<0.000000e+00> : vector<1x32xf32>
    %dot_general3A_26 = tpu.matmul %convert_element_type3A_4, %add3A_24, %dot_general3A_25 {dimension_numbers = #tpu.dot_dimension_numbers<[1], [0], [0], [1], [0, 0, 1, 1], [], []>, transpose_lhs_hint = false} : vector<1x6272xf32>, vector<6272x32xf32>, vector<1x32xf32> -> vector<1x32xf32>
    %add3A_27 = arith.addf %dot_general3A_17, %dot_general3A_26 : vector<1x32xf32>
    %eq3A = arith.constant 0 : i32
    %eq3A_28 = arith.cmpi eq, %arg0, %eq3A : i32
    %convert_element_type3A_29 = arith.extui %eq3A_28 : i1 to i32
    %cond3A = arith.constant 0 : i32
    %cond3A_30 = arith.cmpi ne, %convert_element_type3A_29, %cond3A : i32
    scf.if %cond3A_30 {
      %broadcast_in_dim3A_53 = arith.constant 0.000000e+00 : f32
      %broadcast_in_dim3A_54 = vector.broadcast %broadcast_in_dim3A_53 : f32 to vector<1x32xf32>
      %swap3A_55 = arith.constant 0 : index
      %swap3A_56 = arith.constant 0 : index
      %swap3A_57 = vector.load %arg11[%swap3A_55, %swap3A_56] : memref<1x32xf32, #tpu.memory_space<vmem>>, vector<1x32xf32>
      tpu.vector_store %arg11[%swap3A_55, %swap3A_56], %broadcast_in_dim3A_54 {strides = array<i32>} : memref<1x32xf32, #tpu.memory_space<vmem>>, vector<1x32xf32>,
      %broadcast_in_dim3A_58 = arith.constant 0.000000e+00 : f32
      %broadcast_in_dim3A_59 = vector.broadcast %broadcast_in_dim3A_58 : f32 to vector<1x1xf32>
      %swap3A_60 = arith.constant 0 : index
      %swap3A_61 = arith.constant 0 : index
      %swap3A_62 = vector.load %arg12[%swap3A_60, %swap3A_61] : memref<1x1xf32, #tpu.memory_space<vmem>>, vector<1x1xf32>
      tpu.vector_store %arg12[%swap3A_60, %swap3A_61], %broadcast_in_dim3A_59 {strides = array<i32>} : memref<1x1xf32, #tpu.memory_space<vmem>>, vector<1x1xf32>,
    } else {
    }
    %get3A_31 = arith.constant 0 : index
    %get3A_32 = arith.constant 0 : index
    %get3A_33 = vector.load %arg11[%get3A_31, %get3A_32] : memref<1x32xf32, #tpu.memory_space<vmem>>, vector<1x32xf32>
    %add3A_34 = arith.addf %get3A_33, %add3A_27 : vector<1x32xf32>
    %swap3A = arith.constant 0 : index
    %swap3A_35 = arith.constant 0 : index
    %swap3A_36 = vector.load %arg11[%swap3A, %swap3A_35] : memref<1x32xf32, #tpu.memory_space<vmem>>, vector<1x32xf32>
    tpu.vector_store %arg11[%swap3A, %swap3A_35], %add3A_34 {strides = array<i32>} : memref<1x32xf32, #tpu.memory_space<vmem>>, vector<1x32xf32>,
    %get3A_37 = arith.constant 0 : index
    %get3A_38 = arith.constant 0 : index
    %get3A_39 = vector.load %arg12[%get3A_37, %get3A_38] : memref<1x1xf32, #tpu.memory_space<vmem>>, vector<1x1xf32>
    %reduce_sum3A = vector.shape_cast %mul3A_13 : vector<1x6272xf32> to vector<1x1x6272xf32>
    %reduce_sum3A_40 = arith.constant dense<0.000000e+00> : vector<1xf32>
    %reduce_sum3A_41 = vector.multi_reduction <add>, %reduce_sum3A, %reduce_sum3A_40 [1, 2] : vector<1x1x6272xf32> to vector<1xf32>
    %reduce_sum3A_42 = vector.shape_cast %reduce_sum3A_41 : vector<1xf32> to vector<1x1x1xf32>
    %reduce_sum3A_43 = vector.extract %reduce_sum3A_42[0, 0, 0] : f32 from vector<1x1x1xf32>
    %reshape3A = vector.broadcast %reduce_sum3A_43 : f32 to vector<1x1xf32>
    %add3A_44 = arith.addf %get3A_39, %reshape3A : vector<1x1xf32>
    %swap3A_45 = arith.constant 0 : index
    %swap3A_46 = arith.constant 0 : index
    %swap3A_47 = vector.load %arg12[%swap3A_45, %swap3A_46] : memref<1x1xf32, #tpu.memory_space<vmem>>, vector<1x1xf32>
    tpu.vector_store %arg12[%swap3A_45, %swap3A_46], %add3A_44 {strides = array<i32>} : memref<1x1xf32, #tpu.memory_space<vmem>>, vector<1x1xf32>,
    %eq3A_48 = arith.constant 7 : i32
    %eq3A_49 = arith.cmpi eq, %arg0, %eq3A_48 : i32
    %convert_element_type3A_50 = arith.extui %eq3A_49 : i1 to i32
    %cond3A_51 = arith.constant 0 : i32
    %cond3A_52 = arith.cmpi ne, %convert_element_type3A_50, %cond3A_51 : i32
    scf.if %cond3A_52 {
      %get3A_53 = arith.constant 0 : index
      %get3A_54 = arith.constant 0 : index
      %get3A_55 = vector.load %arg5[%get3A_53, %get3A_54] : memref<1x256xf32, #tpu.memory_space<vmem>>, vector<1x256xf32>
      %slice3A = vector.extract_strided_slice %get3A_55 {offsets = [0, 0], sizes = [1, 64], strides = [1, 1]} : vector<1x256xf32> to vector<1x64xf32>
      %slice3A_56 = vector.extract_strided_slice %get3A_55 {offsets = [0, 64], sizes = [1, 64], strides = [1, 1]} : vector<1x256xf32> to vector<1x64xf32>
      %add3A_57 = arith.addf %slice3A, %slice3A_56 : vector<1x64xf32>
      %slice3A_58 = vector.extract_strided_slice %get3A_55 {offsets = [0, 128], sizes = [1, 64], strides = [1, 1]} : vector<1x256xf32> to vector<1x64xf32>
      %add3A_59 = arith.addf %add3A_57, %slice3A_58 : vector<1x64xf32>
      %slice3A_60 = vector.extract_strided_slice %get3A_55 {offsets = [0, 192], sizes = [1, 64], strides = [1, 1]} : vector<1x256xf32> to vector<1x64xf32>
      %add3A_61 = arith.addf %add3A_59, %slice3A_60 : vector<1x64xf32>
      %get3A_62 = arith.constant 0 : index
      %get3A_63 = arith.constant 0 : index
      %get3A_64 = vector.load %arg6[%get3A_62, %get3A_63] : memref<64x32xf32, #tpu.memory_space<vmem>>, vector<64x32xf32>
      %dot_general3A_65 = arith.constant dense<0.000000e+00> : vector<1x32xf32>
      %dot_general3A_66 = tpu.matmul %add3A_61, %get3A_64, %dot_general3A_65 {dimension_numbers = #tpu.dot_dimension_numbers<[1], [0], [0], [1], [0, 0, 1, 1], [], []>, transpose_lhs_hint = false} : vector<1x64xf32>, vector<64x32xf32>, vector<1x32xf32> -> vector<1x32xf32>
      %get3A_67 = arith.constant 0 : index
      %get3A_68 = arith.constant 0 : index
      %get3A_69 = vector.load %arg7[%get3A_67, %get3A_68] : memref<1x32xf32, #tpu.memory_space<vmem>>, vector<1x32xf32>
      %mul3A_70 = arith.constant 8.000000e+05 : f32
      %mul3A_71 = vector.broadcast %mul3A_70 : f32 to vector<1x32xf32>
      %mul3A_72 = arith.mulf %mul3A_71, %get3A_69 : vector<1x32xf32>
      %add3A_73 = arith.addf %dot_general3A_66, %mul3A_72 : vector<1x32xf32>
      %get3A_74 = arith.constant 0 : index
      %get3A_75 = arith.constant 0 : index
      %get3A_76 = vector.load %arg11[%get3A_74, %get3A_75] : memref<1x32xf32, #tpu.memory_space<vmem>>, vector<1x32xf32>
      %add3A_77 = arith.addf %get3A_76, %add3A_73 : vector<1x32xf32>
      %get3A_78 = arith.constant 0 : index
      %get3A_79 = arith.constant 0 : index
      %get3A_80 = vector.load %arg12[%get3A_78, %get3A_79] : memref<1x1xf32, #tpu.memory_space<vmem>>, vector<1x1xf32>
      %div3A = vector.broadcast %get3A_80 : vector<1x1xf32> to vector<1x32xf32>
      %div3A_81 = arith.divf %add3A_77, %div3A : vector<1x32xf32>
      %get3A_82 = arith.constant 0 : index
      %get3A_83 = arith.constant 0 : index
      %get3A_84 = vector.load %arg8[%get3A_82, %get3A_83] : memref<32x64xf32, #tpu.memory_space<vmem>>, vector<32x64xf32>
      %dot_general3A_85 = arith.constant dense<0.000000e+00> : vector<1x64xf32>
      %dot_general3A_86 = tpu.matmul %div3A_81, %get3A_84, %dot_general3A_85 {dimension_numbers = #tpu.dot_dimension_numbers<[1], [0], [0], [1], [0, 0, 1, 1], [], []>, transpose_lhs_hint = false} : vector<1x32xf32>, vector<32x64xf32>, vector<1x64xf32> -> vector<1x64xf32>
      %get3A_87 = arith.constant 0 : index
      %get3A_88 = arith.constant 0 : index
      %get3A_89 = vector.load %arg9[%get3A_87, %get3A_88] : memref<1x64xf32, #tpu.memory_space<vmem>>, vector<1x64xf32>
      %add3A_90 = arith.addf %dot_general3A_86, %get3A_89 : vector<1x64xf32>
      %swap3A_91 = arith.constant 0 : index
      %swap3A_92 = arith.constant 0 : index
      %swap3A_93 = vector.load %arg10[%swap3A_91, %swap3A_92] : memref<1x64xf32, #tpu.memory_space<vmem>>, vector<1x64xf32>
      tpu.vector_store %arg10[%swap3A_91, %swap3A_92], %add3A_90 {strides = array<i32>} : memref<1x64xf32, #tpu.memory_space<vmem>>, vector<1x64xf32>,
    } else {
    }
    return
  }
  func.func @transform_0(%arg0: i32) -> (i32, i32) {
    %c0_i32 = arith.constant 0 : i32
    %c0_i32_0 = arith.constant 0 : i32
    return %c0_i32, %arg0 : i32, i32
  }
  func.func @transform_1(%arg0: i32) -> (i32, i32) {
    %c0_i32 = arith.constant 0 : i32
    %c0_i32_0 = arith.constant 0 : i32
    return %arg0, %c0_i32 : i32, i32
  }
  func.func @transform_2(%arg0: i32) -> (i32, i32) {
    %c0_i32 = arith.constant 0 : i32
    %c0_i32_0 = arith.constant 0 : i32
    return %arg0, %c0_i32 : i32, i32
  }
  func.func @transform_3(%arg0: i32) -> (i32, i32) {
    %c0_i32 = arith.constant 0 : i32
    %c0_i32_0 = arith.constant 0 : i32
    return %arg0, %c0_i32 : i32, i32
  }
  func.func @transform_4(%arg0: i32) -> (i32, i32) {
    %c0_i32 = arith.constant 0 : i32
    %c0_i32_0 = arith.constant 0 : i32
    %c0_i32_1 = arith.constant 0 : i32
    return %c0_i32, %c0_i32_0 : i32, i32
  }
  func.func @transform_5(%arg0: i32) -> (i32, i32) {
    %c0_i32 = arith.constant 0 : i32
    %c0_i32_0 = arith.constant 0 : i32
    %c0_i32_1 = arith.constant 0 : i32
    return %c0_i32, %c0_i32_0 : i32, i32
  }
  func.func @transform_6(%arg0: i32) -> (i32, i32) {
    %c0_i32 = arith.constant 0 : i32
    %c0_i32_0 = arith.constant 0 : i32
    %c0_i32_1 = arith.constant 0 : i32
    return %c0_i32, %c0_i32_0 : i32, i32
  }
  func.func @transform_7(%arg0: i32) -> (i32, i32) {
    %c0_i32 = arith.constant 0 : i32
    %c0_i32_0 = arith.constant 0 : i32
    %c0_i32_1 = arith.constant 0 : i32
    return %c0_i32, %c0_i32_0 : i32, i32
  }
  func.func @transform_8(%arg0: i32) -> (i32, i32) {
    %c0_i32 = arith.constant 0 : i32
    %c0_i32_0 = arith.constant 0 : i32
    %c0_i32_1 = arith.constant 0 : i32
    return %c0_i32, %c0_i32_0 : i32, i32
  }
  func.func @transform_9(%arg0: i32) -> (i32, i32) {
    %c0_i32 = arith.constant 0 : i32
    %c0_i32_0 = arith.constant 0 : i32
    %c0_i32_1 = arith.constant 0 : i32
    return %c0_i32, %c0_i32_0 : i32, i32
  }
}

</mosaic_0001>

<sc_bundles>
// kernel: kernel.10.cloned.1.call-start
scs
__scs_entry_jumppad:
0x0: {  	(pc) =	sbr.rel $0x88, $3  }
0x1: {  	(tag) =	ssettag $0x0;
	lr =	simm.s32 $0x1  }
0x2: {  	[smem:$0x3F94] =	sst lr;
	_ =	strace $0xD0000000  }
0x3: {  	_ = 	snop  }
0x4: {  	_ = 	snop  }
0x5: {  	_ = 	snop  }
0x6: {  	_ = 	snop  }
0x7: {  	_ = 	snop  }
__scs_overlays_trampoline_lowered:
0x8: {  	[smem:$0x3FA3] =	sst s0  }
0x9: {  	[smem:$0x3FA4] =	sst s1  }
0xa: {  	[smem:$0x3FA5] =	sst s2  }
0xb: {  	[smem:$0x3FA6] =	sst s3  }
0xc: {  	[smem:$0x3FA7] =	sst s4  }
0xd: {  	[smem:$0x3FA8] =	sst s5  }
0xe: {  	[smem:$0x3FA9] =	sst s6  }
0xf: {  	[smem:$0x3FAA] =	sst s7  }
0x10: {  	[smem:$0x3FAB] =	sst s8  }
0x11: {  	[smem:$0x3FAC] =	sst s9;
	s0 =	simm.s32 @!p0 $0x0  }
0x12: {  	s1 =	sld [smem:$0x3F92];
	s0 =	simm.s32 @p0 $0x1  }
0x13: {  	[smem:$0x3FAD] =	sst s0;
	s0 =	simm.s32 @!p1 $0x0  }
0x14: {  	s2 =	sld [smem:$0x3F91];
	s0 =	simm.s32 @p1 $0x1  }
0x15: {  	[smem:$0x3FAE] =	sst s0;
	s0 =	simm.s32 @!p2 $0x0  }
0x16: {  	s3 =	sld [smem:$0x3FDB];
	s0 =	simm.s32 @p2 $0x1  }
0x17: {  	s4 =	simm.s32 $0x1BF5;
	[smem:$0x3FB0] =	sst s0  }
0x18: {  	s0 =	sld [smem:$0x3F93];
	_ =	swait.ge [sflag:s4], $0x0  }
0x19: {  	s7 =	sld [smem:$0x3F94]  }
0x1a: {  	s8 =	sadd.s32 $0xFFFFE003, lr  }
0x1b: {  	s9 =	sadd.s32 $0xFFFFFEF7, lr;
	s5 =	simm.s32 $0xFFFFFFFF;
	p2 =	slt.u32 s8, $0xFFFFF086  }
0x1c: {  	p1 =	slt.u32 s9, $0xF7A;
	s5 =	simm.s32 @!p2 $0x0  }
0x1d: {  	s5 =	simm.s32 @p1 $0x1;
	p0 =	seq.s32 s7, s2  }
0x1e: {  	s7 =	smul.u32 @!p0 $0xF7A, s2;
	p2 =	seq.s32 @!p0 s5, $0x0  }
0x1f: {  	s9 =	smul.u32 $0xF7A, s1;
	s8 =	simm.s32 @!p0 $0x1BF5;
	p2 =	por !p2, p0  }
0x20: {  	[sflag:s8] =	ssyncset.s32 @!p0 $0xFFFFF086;
	s6 =	sadd.s32 @!p0 s3, s7;
	s7 =	simm.s32 @!p0 $0x108  }
0x21: {  	s3 =	sadd.s32 s3, s9;
	s6 =	sadd.s32 @!p0 $0x88, s6;
	s7 =	simm.s32 @p2 $0x1082  }
0x22: {  	[simem:s7], [sflag:s8] =	dma.local @!p0 [hbm:s6], $0xF7A  }
0x23: {  	s9 =	sor.u32 $0xD0000000, s2;
	s6 =	simm.s32 $0x108;
	_ =	swait.ge @!p0 [sflag:s8], $0x0  }
0x24: {  	s3 =	sadd.s32 $0x88, s3;
	s6 =	simm.s32 @!p1 $0x1082;
	[sflag:s4] =	ssyncset.s32 $0xFFFFF086  }
0x25: {  	[simem:s6], [sflag:s4] =	dma.local [hbm:s3], $0xF7A  }
0x26: {  	[smem:$0x3F94] =	sst s1;
	(tag) =	ssettag s2;
	_ =	strace s9  }
0x27: {  	s1 =	sld [smem:$0x3FA4]  }
0x28: {  	s2 =	sld [smem:$0x3FA5]  }
0x29: {  	s4 =	sld [smem:$0x3FA7]  }
0x2a: {  	p0 =	seq.s32 s5, $0x0;
	s5 =	sld [smem:$0x3FA8]  }
0x2b: {  	s6 =	sld [smem:$0x3FA9]  }
0x2c: {  	s7 =	sld [smem:$0x3FAA]  }
0x2d: {  	s3 =	simm.s32 $0x108;
	s8 =	sld [smem:$0x3FAB]  }
0x2e: {  	s3 =	simm.s32 @!p0 $0x1082;
	s9 =	sld [smem:$0x3FAC]  }
0x2f: {  	lr =	sadd.s32 s0, s3;
	s0 =	sld [smem:$0x3FA3]  }
0x30: {  	s3 =	sld [smem:$0x3FA6]  }
0x31: {  	[smem:$0x3FAF] =	sst s10  }
0x32: {  	s10 =	sld [smem:$0x3FAD];
	_ =	sdelay $0x3  }
0x33: {  	p0 =	seq.s32 s10, $0x1;
	s10 =	sld [smem:$0x3FAF];
	_ =	sdelay $0x3  }
0x34: {  	[smem:$0x3FAF] =	sst s10  }
0x35: {  	s10 =	sld [smem:$0x3FAE];
	_ =	sdelay $0x3  }
0x36: {  	p1 =	seq.s32 s10, $0x1;
	s10 =	sld [smem:$0x3FAF];
	_ =	sdelay $0x3  }
0x37: {  	[smem:$0x3FAF] =	sst s10  }
0x38: {  	s10 =	sld [smem:$0x3FB0]  }
0x39: {  	_ = 	snop;
	(pc) =	sbr.ind lr, $3  }
0x3a: {  	_ = 	snop  }
0x3b: {  	_ = 	snop  }
0x3c: {  	p2 =	seq.s32 s10, $0x1;
	s10 =	sld [smem:$0x3FAF]  }
0x3d: {  	_ =	shalt  }
0x3e: {  	_ =	shalt  }
0x3f: {  	_ =	shalt  }
0x40: {  	_ =	shalt  }
0x41: {  	_ =	shalt  }
0x42: {  	_ =	shalt  }
0x43: {  	_ =	shalt  }
0x44: {  	_ =	shalt  }
0x45: {  	_ =	shalt  }
0x46: {  	_ =	shalt  }
0x47: {  	_ =	shalt  }
0x48: {  	_ =	shalt  }
0x49: {  	_ =	shalt  }
0x4a: {  	_ =	shalt  }
0x4b: {  	_ =	shalt  }
0x4c: {  	_ =	shalt  }
0x4d: {  	_ =	shalt  }
0x4e: {  	_ =	shalt  }
0x4f: {  	_ =	shalt  }
0x50: {  	_ =	shalt  }
0x51: {  	_ =	shalt  }
0x52: {  	_ =	shalt  }
0x53: {  	_ =	shalt  }
0x54: {  	_ =	shalt  }
0x55: {  	_ =	shalt  }
0x56: {  	_ =	shalt  }
0x57: {  	_ =	shalt  }
0x58: {  	_ =	shalt  }
0x59: {  	_ =	shalt  }
0x5a: {  	_ =	shalt  }
0x5b: {  	_ =	shalt  }
0x5c: {  	_ =	shalt  }
0x5d: {  	_ =	shalt  }
0x5e: {  	_ =	shalt  }
0x5f: {  	_ =	shalt  }
0x60: {  	_ =	shalt  }
0x61: {  	_ =	shalt  }
0x62: {  	_ =	shalt  }
0x63: {  	_ =	shalt  }
0x64: {  	_ =	shalt  }
0x65: {  	_ =	shalt  }
0x66: {  	_ =	shalt  }
0x67: {  	_ =	shalt  }
0x68: {  	_ =	shalt  }
0x69: {  	_ =	shalt  }
0x6a: {  	_ =	shalt  }
0x6b: {  	_ =	shalt  }
0x6c: {  	_ =	shalt  }
0x6d: {  	_ =	shalt  }
0x6e: {  	_ =	shalt  }
0x6f: {  	_ =	shalt  }
0x70: {  	_ =	shalt  }
0x71: {  	_ =	shalt  }
0x72: {  	_ =	shalt  }
0x73: {  	_ =	shalt  }
0x74: {  	_ =	shalt  }
0x75: {  	_ =	shalt  }
0x76: {  	_ =	shalt  }
0x77: {  	_ =	shalt  }
0x78: {  	_ =	shalt  }
0x79: {  	_ =	shalt  }
0x7a: {  	_ =	shalt  }
0x7b: {  	_ =	shalt  }
0x7c: {  	_ =	shalt  }
0x7d: {  	_ =	shalt  }
0x7e: {  	_ =	shalt  }
0x7f: {  	_ =	shalt  }
0x80: {  	_ =	shalt  }
0x81: {  	_ =	shalt  }
0x82: {  	_ =	shalt  }
0x83: {  	_ =	shalt  }
0x84: {  	_ =	shalt  }
0x85: {  	_ =	shalt  }
0x86: {  	_ =	shalt  }
0x87: {  	_ =	shalt  }
.Lfunc_end0:
.L_simem_size_0:
called_computation_lowered:
.L_overlay_start_0:
0x88: {  	s2 =	sld [smem:$0x3FD9]  }
0x89: {  	s3 =	sld [smem:$0x3FFE];
	_ =	sdelay $0x1  }
0x8a: {  	s1 =	srdreg.scid  }
0x8b: {  	s0 =	sand.u32 $0x1, s1  }
0x8c: {  	s16 =	sshll.u32 s0, $0xA;
	s2 =	sadd.s32 s3, s2  }
0x8d: {  	s2 =	sadd.s32 s2, s16  }
0x8e: {  	[smem:$0x3FBB] =	sst s2  }
0x8f: {  	_ = 	snop  }
0x90: {  	(tm) =	ssettm $0x1  }
0x91: {  	s17 =	sld [smem:$0x3FFB];
	_ =	sdelay $0x3  }
0x92: {  	_ =	strace s17  }
0x93: {  	s2 =	sld [smem:$0x3FFC];
	_ =	sdelay $0x3  }
0x94: {  	_ =	strace s2  }
0x95: {  	s2 =	sld [smem:$0x3FFD];
	_ =	sdelay $0x3  }
0x96: {  	_ =	strace s2  }
0x97: {  	_ =	strace $0x8FFFFFFF  }
0x98: {  	s18 =	sld [smem:$0x3FDB];
	_ =	sdelay $0x1  }
0x99: {  	s19 =	simm.s32 $_scs_section_size  }
0x9a: {  	s4 =	simm.s32 $_size__tile_overlayer_lowered;
	s5 =	simm.s32 $_tile_overlayer_lowered  }
0x9b: {  	s22 =	simm.s32 $0x1BFF;
	s21 =	sshll.u32 s5, $0x1;
	s2 =	sadd.s32 s19, s18  }
0x9c: {  	s6 =	simm.s32 $0x0;
	s20 =	sshll.u32 s4, $0x1;
	s4 =	sadd.s32 s21, s2  }
0x9d: {  	[timem:s6], [sflag:s22] =	dma.local [hbm:s4], s20  }
0x9e: {  	_ =	swait.ge [sflag:s22], s20  }
0x9f: {  	s3 =	ssub.s32 $0x0, s20;
	[sflag:s22] =	ssyncset.done $0x0  }
0xa0: {  	[sflag:s22] =	ssyncadd.s32 s3;
	_ =	sdelay $0x1  }
0xa1: {  	s23 =	simm.s32 $0x1B8B  }
0xa2: {  	_ =	swait.ge [sflag:s23], $0x1  }
0xa3: {  	[sflag:s23] =	ssyncset.done $0x0  }
0xa4: {  	s25 =	simm.s32 $0x1B8E;
	s24 =	sld [smem:$0x3FFE];
	[sflag:s23] =	ssyncadd.s32 $0xFFFFFFFF  }
0xa5: {  	s26 =	simm.s32 $execute0_lowered;
	[smem:$0x3FD2] =	sst s25  }
0xa6: {  	s4 =	sshll.u32 s26, $0x1;
	_ =	strace $0x80000046;
	[dreg:$0x1] =	wrdreg $0xFFFFFFFF  }
0xa7: {  	s28 =	simm.s32 $_size_execute0_lowered;
	s2 =	sadd.s32 s2, s4;
	[dreg:$0x0] =	wrdreg $0x0  }
0xa8: {  	s4 =	sshll.u32 s28, $0x1;
	[dreg:$0x2] =	wrdreg s2  }
0xa9: {  	[dreg:$0x3] =	wrdreg s4  }
0xaa: {  	[dreg:$0x4] =	wrdreg $0xC0  }
0xab: {  	_ =	task [dreg:s6], $0x5FFFF  }
0xac: {  	[dreg:$0x1] =	wrdreg $0xFFFFFFFF  }
0xad: {  	[dreg:$0x0] =	wrdreg $0x60  }
0xae: {  	[dreg:$0x2] =	wrdreg s24  }
0xaf: {  	[dreg:$0x3] =	wrdreg $0x0  }
0xb0: {  	[dreg:$0x4] =	wrdreg $0xC4000  }
0xb1: {  	[dreg:$0x5] =	wrdreg $0x9  }
0xb2: {  	_ =	task.clear_ibuf [dreg:s6], $0x6FFFF;
	_ =	strace $0x90000046  }
0xb3: {  	s29 =	simm.s32 $0x9;
	_ =	strace $0x80000048  }
0xb4: {  	_ =	swait.ge [sflag:s29], $0x1  }
0xb5: {  	[sflag:s29] =	ssyncadd.s32 $0xFFFFFFFF  }
0xb6: {  	_ =	strace $0x90000048  }
0xb7: {  	_ =	sfence  }
0xb8: {  	s30 =	sld [smem:$0x0];
	_ =	sdelay $0x2  }
0xb9: {  	s31 =	sshll.u32 s1, $0xD;
	s1 =	sshrl.u32 s1, $0x2  }
0xba: {  	s3 =	sand.u32 $0x4000, s31;
	s1 =	sadd.s32 s1, s30  }
0xbb: {  	s0 =	sor.u32 s3, s0;
	s1 =	sshll.u32 s1, $0x11  }
0xbc: {  	s0 =	sor.u32 s1, s0  }
0xbd: {  	s0 =	sadd.s32 $0x8F2B, s0  }
0xbe: {  	[sflag:s0] =	ssyncadd.remote.s32 $0x1  }
0xbf: {  	_ =	sfence.sel $0xFFFF  }
0xc0: {  	[dreg:$0x0] =	wrdreg $0xFFFFFFFF;
	(pc) =	sbr.abs _section_cstart, $3  }
0xc1: {  	[dreg:$0x1] =	wrdreg $0xFFFFFFFF  }
0xc2: {  	_ =	task.clear_ibuf [dreg:s6], $0x2FFFF;
	_ =	strace $0x9FFFFFFF  }
0xc3: {  	(tm) =	ssettm $0x7FFFFFFF  }
tec
execute0_lowered:
.L_overlay_start_1:
0x0: {  	(tag) =	ssettag $0x1  }
0x1: {  	s0 =	rddreg [dreg:$0x0]  }
0x2: {  	s2 =	rddreg [dreg:$0x1]  }
0x3: {  	s3 =	rddreg [dreg:$0x2];
	s17 =	stileid.u32;
	s4 =	simm.s32 $0x0  }
0x4: {  	s21 =	srdreg.scid;
	s29 =	simm.s32 $0x5;
	s30 =	simm.s32 $0x18800  }
0x5: {  	s31 =	simm.s32 $0x188E0;
	s1 =	smul.u32 $0x18800, s17;
	[smem:$0x7FF] =	sst s4  }
0x6: {  	s9 =	sadd.s32 $0x1F000, s0;
	s10 =	sadd.s32 $0x37800, s0;
	s11 =	sadd.s32 $0x6800, s0  }
0x7: {  	s12 =	sand.u32 $0x1, s21;
	s6 =	sadd.s32 $0x144600, s0;
	s7 =	sadd.s32 $0x454600, s0  }
0x8: {  	s14 =	smul.u32 $0xC400, s17;
	s15 =	sshll.u32 s17, $0x1;
	s23 =	sshll.u32 s17, $0x6  }
0x9: {  	_ =	strace $0x80000047;
	s13 =	ssub.s32 $0x2, s12;
	s16 =	smul.u32 $0x6200, s12  }
0xa: {  	s12 =	sor.u32 s12, s15;
	s15 =	sor.u32 $0x1C05, s23;
	s5 =	sshrl.u32 s1, $0x4  }
0xb: {  	s22 =	sshrl.u32 s13, $0x1;
	s1 =	sshrl.u32 s1, $0x1;
	s24 =	smul.u32 $0x6200, s12  }
0xc: {  	[dreg:$0xb] =	wrdreg s15;
	s8 =	sadd.s32 s5, s0;
	s5 =	sadd.s32 $0x2CC600, s0  }
0xd: {  	s0 =	ssub.s32 s13, s22;
	s13 =	sadd.s32 s1, s2;
	s25 =	sadd.s32 $0x113600, s8  }
0xe: {  	s14 =	sadd.s32 s16, s14;
	s8 =	sadd.s32 $0x12BE00, s8;
	[dreg:$0xa] =	wrdreg s25  }
0xf: {  	s28 =	sshrl.u32 s24, $0x3;
	s0 =	smax.u32 s0, $0x1;
	[dreg:$0xc] =	wrdreg s8  }
0x10: {  	s1 =	sadd.s32 s1, s3;
	s19 =	sadd.s32 s9, s28;
	[dreg:$0x19] =	wrdreg s0  }
0x11: {  	s26 =	sadd.s32 $0x2A0, s14;
	s18 =	sadd.s32 s10, s28;
	[dreg:$0xd] =	wrdreg s19  }
0x12: {  	s15 =	sshrl.u32 s26, $0x3;
	s25 =	sadd.s32 s11, s28;
	[dreg:$0xe] =	wrdreg s18  }
0x13: {  	s17 =	sor.u32 $0x1C0, s14;
	s20 =	sadd.s32 s15, s11;
	[dreg:$0xf] =	wrdreg s25  }
0x14: {  	s23 =	sshrl.u32 s17, $0x3;
	s21 =	sadd.s32 s15, s10;
	[dreg:$0x4] =	wrdreg s20  }
0x15: {  	s16 =	sor.u32 $0x1C, s28;
	s22 =	sadd.s32 s15, s9;
	[dreg:$0x5] =	wrdreg s21  }
0x16: {  	s28 =	smul.u32 $0xC4000, s12;
	s24 =	sadd.s32 s23, s11;
	[dreg:$0x6] =	wrdreg s22  }
0x17: {  	s12 =	smul.u32 $0xC400, s12;
	s26 =	sadd.s32 s23, s10;
	[dreg:$0x7] =	wrdreg s24  }
0x18: {  	s0 =	simm.s32 $0x189C0;
	s10 =	sadd.s32 s10, s16;
	[dreg:$0x8] =	wrdreg s26  }
0x19: {  	s11 =	sadd.s32 s11, s16;
	s16 =	sadd.s32 s9, s16;
	[dreg:$0x10] =	wrdreg s10  }
0x1a: {  	s9 =	sadd.s32 s23, s9;
	s23 =	sshll.u32 s14, $0x1;
	[dreg:$0x11] =	wrdreg s11  }
0x1b: {  	s25 =	sshll.u32 s17, $0x1;
	s14 =	simm.s32 $0x18C60;
	[dreg:$0x12] =	wrdreg s16  }
0x1c: {  	s15 =	simm.s32 $0x1B740;
	s17 =	simm.s32 $0x1D340;
	[dreg:$0x9] =	wrdreg s9  }
0x1d: {  	s8 =	sshrl.u32 s28, $0x4;
	s18 =	sadd.s32 s5, s12;
	[dreg:$0x1b] =	wrdreg s25  }
0x1e: {  	s19 =	sadd.s32 s6, s12;
	s20 =	sadd.s32 s7, s12;
	[dreg:$0x13] =	wrdreg s18  }
0x1f: {  	s24 =	sor.u32 $0x1C0, s23;
	s26 =	sshrl.u32 s13, $0x3;
	[dreg:$0x14] =	wrdreg s19  }
0x20: {  	s28 =	sshrl.u32 s1, $0x3;
	s1 =	simm.s32 $0xE0;
	[dreg:$0x15] =	wrdreg s20  }
0x21: {  	s10 =	simm.s32 $0x19B40;
	s11 =	simm.s32 $0x1A940;
	[dreg:$0x1a] =	wrdreg s24  }
0x22: {  	s12 =	simm.s32 $0x18AA0;
	s8 =	sadd.s32 $0xC240, s8;
	[dreg:$0x1c] =	wrdreg s26  }
0x23: {  	s13 =	simm.s32 $0x18B80;
	[dreg:$0x1d] =	wrdreg s28;
	s21 =	sadd.s32 s5, s8  }
0x24: {  	s16 =	simm.s32 $0x1C540;
	s22 =	sadd.s32 s6, s8;
	[dreg:$0x16] =	wrdreg s21  }
0x25: {  	s18 =	simm.s32 $0x1;
	s8 =	sadd.s32 s7, s8;
	[dreg:$0x17] =	wrdreg s22  }
0x26: {  	s19 =	simm.s32 $0x3;
	s20 =	simm.s32 $0x2;
	[dreg:$0x18] =	wrdreg s8  }
0x27: {  	s8 =	simm.s32 $0x18D40;
	s21 =	simm.s32 $0x4;
	s22 =	simm.s32 $0x0  }
.LBB2_1:
0x28: {  	[dreg:$0x1e] =	wrdreg s22  }
0x29: {  	s9 =	rddreg [dreg:$0xa]  }
0x2a: {  	s24 =	rddreg [dreg:$0xb]  }
0x2b: {  	s23 =	rddreg [dreg:$0x1c]  }
0x2c: {  	[spmem:s23], [sflag:s24] =	dma.local [hbm:s9], $0x1880  }
0x2d: {  	_ =	swait.ge [sflag:s29], $0x1880  }
0x2e: {  	[sflag:s29] =	ssyncset.done $0x0;
	s25 =	rddreg [dreg:$0xc]  }
0x2f: {  	s26 =	rddreg [dreg:$0x1d];
	[sflag:s29] =	ssyncadd.s32 $0xFFFFE780  }
0x30: {  	[spmem:s26], [sflag:s24] =	dma.local [hbm:s25], $0x1880  }
0x31: {  	_ =	swait.ge [sflag:s29], $0x1880  }
0x32: {  	[sflag:s29] =	ssyncset.done $0x0  }
0x33: {  	[sflag:s29] =	ssyncadd.s32 $0xFFFFE780  }
0x34: {  	[bflag:$0x0] =	sbarrier.arrive $0xFFFF  }
0x35: {  	s23 =	rddreg [dreg:$0xd]  }
0x36: {  	[tilespmem:s30], [sflag:$0x5] =	stream.linear.gather [hbm4b:s23+s4], $0xE0, $0x38;
	[tilespmem:$0x1E140] =	vst v63  }
0x37: {  	_ =	swait.ge [sflag:s29], $0xE0  }
0x38: {  	[sflag:s29] =	ssyncset.done $0x0  }
0x39: {  	s24 =	rddreg [dreg:$0xe];
	[sflag:s29] =	ssyncadd.s32 $0xFFFFFF20  }
0x3a: {  	[tilespmem:s31], [sflag:$0x5] =	stream.linear.gather [hbm4b:s24+s4], $0xE0, $0x38;
	[tilespmem:$0x1E140] =	vst v63  }
0x3b: {  	_ =	swait.ge [sflag:s29], $0xE0  }
0x3c: {  	[sflag:s29] =	ssyncset.done $0x0  }
0x3d: {  	s25 =	rddreg [dreg:$0xf];
	[sflag:s29] =	ssyncadd.s32 $0xFFFFFF20  }
0x3e: {  	[tilespmem:s0], [sflag:$0x5] =	stream.linear.gather [hbm4b:s25+s4], $0xE0, $0x38;
	[tilespmem:$0x1E140] =	vst v63  }
0x3f: {  	_ =	swait.ge [sflag:s29], $0xE0  }
0x40: {  	[sflag:s29] =	ssyncset.done $0x0  }
0x41: {  	[sflag:s29] =	ssyncadd.s32 $0xFFFFFF20  }
0x42: {  	[tilespmem:s8], [sflag:$0x1] =	stream.indirect.gather [spmem:s2], $0x10, s30, s1, $0xb8;
	[tilespmem:$0x1E140] =	vst v63  }
0x43: {  	_ = 	snop  }
0x44: {  	[tilespmem:s10], [sflag:$0x1] =	stream.indirect.gather [spmem:s3], $0x10, s31, s1, $0xb8;
	[tilespmem:$0x1E140] =	vst v63  }
0x45: {  	_ = 	snop  }
0x46: {  	[tilespmem:s11], [sflag:$0x1] =	stream.indirect.gather [spmem:s2], $0x10, s0, s1, $0xb8;
	[tilespmem:$0x1E140] =	vst v63  }
0x47: {  	s26 =	rddreg [dreg:$0x12]  }
0x48: {  	[tilespmem:s12], [sflag:$0x5] =	stream.linear.gather [hbm4b:s26+s4], $0xE0, $0x38;
	[tilespmem:$0x1E140] =	vst v63  }
0x49: {  	_ =	swait.ge [sflag:s29], $0xE0  }
0x4a: {  	[sflag:s29] =	ssyncset.done $0x0  }
0x4b: {  	s22 =	rddreg [dreg:$0x10];
	[sflag:s29] =	ssyncadd.s32 $0xFFFFFF20  }
0x4c: {  	[tilespmem:s13], [sflag:$0x5] =	stream.linear.gather [hbm4b:s22+s4], $0xE0, $0x38;
	[tilespmem:$0x1E140] =	vst v63  }
0x4d: {  	_ =	swait.ge [sflag:s29], $0xE0  }
0x4e: {  	[sflag:s29] =	ssyncset.done $0x0  }
0x4f: {  	s23 =	rddreg [dreg:$0x11];
	[sflag:s29] =	ssyncadd.s32 $0xFFFFFF20  }
0x50: {  	[tilespmem:s14], [sflag:$0x5] =	stream.linear.gather [hbm4b:s23+s4], $0xE0, $0x38;
	[tilespmem:$0x1E140] =	vst v63  }
0x51: {  	_ =	swait.ge [sflag:s29], $0xE0  }
0x52: {  	[sflag:s29] =	ssyncset.done $0x0  }
0x53: {  	[sflag:s29] =	ssyncadd.s32 $0xFFFFFF20  }
0x54: {  	[tilespmem:s15], [sflag:$0x2] =	stream.indirect.gather [spmem:s2], $0x10, s12, s1, $0xb8;
	[tilespmem:$0x1E140] =	vst v63  }
0x55: {  	_ = 	snop  }
0x56: {  	[tilespmem:s16], [sflag:$0x2] =	stream.indirect.gather [spmem:s3], $0x10, s13, s1, $0xb8;
	[tilespmem:$0x1E140] =	vst v63  }
0x57: {  	_ = 	snop  }
0x58: {  	[tilespmem:s17], [sflag:$0x2] =	stream.indirect.gather [spmem:s2], $0x10, s14, s1, $0xb8;
	[tilespmem:$0x1E140] =	vst v63  }
0x59: {  	_ =	swait.ge [sflag:s18], $0xE00  }
0x5a: {  	[sflag:s18] =	ssyncset.done $0x0  }
0x5b: {  	[sflag:s18] =	ssyncadd.s32 $0xFFFFF200  }
0x5c: {  	_ =	swait.ge [sflag:s18], $0xE00  }
0x5d: {  	[sflag:s18] =	ssyncset.done $0x0  }
0x5e: {  	[sflag:s18] =	ssyncadd.s32 $0xFFFFF200  }
0x5f: {  	_ =	swait.ge [sflag:s18], $0xE00  }
0x60: {  	[sflag:s18] =	ssyncset.done $0x0;
	s24 =	rddreg [dreg:$0x13]  }
0x61: {  	s25 =	rddreg [dreg:$0x14];
	[sflag:s18] =	ssyncadd.s32 $0xFFFFF200  }
0x62: {  	[hbm4b:s24+s4] =	stream.linear.scatter [tilespmem:s8], [sflag:$0x3], $0xE00, $0x38;
	[tilespmem:$0x1E140] =	vst v63  }
0x63: {  	s26 =	rddreg [dreg:$0x9]  }
0x64: {  	[hbm4b:s25+s4] =	stream.linear.scatter [tilespmem:s10], [sflag:$0x3], $0xE00, $0x38;
	[tilespmem:$0x1E140] =	vst v63  }
0x65: {  	s23 =	rddreg [dreg:$0x15]  }
0x66: {  	[hbm4b:s23+s4] =	stream.linear.scatter [tilespmem:s11], [sflag:$0x3], $0xE00, $0x38;
	[tilespmem:$0x1E140] =	vst v63  }
0x67: {  	s9 =	sadd.s32 $0x0, s26  }
0x68: {  	[tilespmem:s30], [sflag:$0x5] =	stream.linear.gather [hbm4b:s9+s4], $0xE0, $0x38;
	[tilespmem:$0x1E140] =	vst v63  }
0x69: {  	_ =	swait.ge [sflag:s29], $0xE0  }
0x6a: {  	s24 =	rddreg [dreg:$0x8];
	[sflag:s29] =	ssyncset.done $0x0  }
0x6b: {  	[sflag:s29] =	ssyncadd.s32 $0xFFFFFF20;
	s9 =	sadd.s32 $0x0, s24  }
0x6c: {  	[tilespmem:s31], [sflag:$0x5] =	stream.linear.gather [hbm4b:s9+s4], $0xE0, $0x38;
	[tilespmem:$0x1E140] =	vst v63  }
0x6d: {  	_ =	swait.ge [sflag:s29], $0xE0  }
0x6e: {  	s25 =	rddreg [dreg:$0x7];
	[sflag:s29] =	ssyncset.done $0x0  }
0x6f: {  	[sflag:s29] =	ssyncadd.s32 $0xFFFFFF20;
	s9 =	sadd.s32 $0x0, s25  }
0x70: {  	[tilespmem:s0], [sflag:$0x5] =	stream.linear.gather [hbm4b:s9+s4], $0xE0, $0x38;
	[tilespmem:$0x1E140] =	vst v63  }
0x71: {  	_ =	swait.ge [sflag:s29], $0xE0  }
0x72: {  	[sflag:s29] =	ssyncset.done $0x0  }
0x73: {  	[sflag:s29] =	ssyncadd.s32 $0xFFFFFF20  }
0x74: {  	_ =	swait.ge [sflag:s19], $0xE00  }
0x75: {  	[sflag:s19] =	ssyncset.done $0x0  }
0x76: {  	[sflag:s19] =	ssyncadd.s32 $0xFFFFF200  }
0x77: {  	_ =	swait.ge [sflag:s19], $0xE00  }
0x78: {  	[sflag:s19] =	ssyncset.done $0x0  }
0x79: {  	[sflag:s19] =	ssyncadd.s32 $0xFFFFF200  }
0x7a: {  	_ =	swait.ge [sflag:s19], $0xE00  }
0x7b: {  	[sflag:s19] =	ssyncset.done $0x0  }
0x7c: {  	[sflag:s19] =	ssyncadd.s32 $0xFFFFF200  }
0x7d: {  	[tilespmem:s8], [sflag:$0x1] =	stream.indirect.gather [spmem:s2], $0x10, s30, s1, $0xb8;
	[tilespmem:$0x1E140] =	vst v63  }
0x7e: {  	_ = 	snop  }
0x7f: {  	[tilespmem:s10], [sflag:$0x1] =	stream.indirect.gather [spmem:s3], $0x10, s31, s1, $0xb8;
	[tilespmem:$0x1E140] =	vst v63  }
0x80: {  	_ = 	snop  }
0x81: {  	[tilespmem:s11], [sflag:$0x1] =	stream.indirect.gather [spmem:s2], $0x10, s0, s1, $0xb8;
	[tilespmem:$0x1E140] =	vst v63  }
0x82: {  	_ =	swait.ge [sflag:s20], $0xE00  }
0x83: {  	[sflag:s20] =	ssyncset.done $0x0  }
0x84: {  	[sflag:s20] =	ssyncadd.s32 $0xFFFFF200  }
0x85: {  	_ =	swait.ge [sflag:s20], $0xE00  }
0x86: {  	[sflag:s20] =	ssyncset.done $0x0  }
0x87: {  	[sflag:s20] =	ssyncadd.s32 $0xFFFFF200  }
0x88: {  	_ =	swait.ge [sflag:s20], $0xE00  }
0x89: {  	[sflag:s20] =	ssyncset.done $0x0;
	s22 =	rddreg [dreg:$0x1a]  }
0x8a: {  	[sflag:s20] =	ssyncadd.s32 $0xFFFFF200;
	s26 =	sadd.s32 s22, s5  }
0x8b: {  	[hbm4b:s26+s4] =	stream.linear.scatter [tilespmem:s15], [sflag:$0x4], $0xE00, $0x38;
	[tilespmem:$0x1E140] =	vst v63  }
0x8c: {  	s23 =	sadd.s32 s22, s6  }
0x8d: {  	[hbm4b:s23+s4] =	stream.linear.scatter [tilespmem:s16], [sflag:$0x4], $0xE00, $0x38;
	[tilespmem:$0x1E140] =	vst v63  }
0x8e: {  	s24 =	rddreg [dreg:$0x6];
	s25 =	sadd.s32 s22, s7  }
0x8f: {  	[hbm4b:s25+s4] =	stream.linear.scatter [tilespmem:s17], [sflag:$0x4], $0xE00, $0x38;
	[tilespmem:$0x1E140] =	vst v63  }
0x90: {  	s26 =	sadd.s32 $0x0, s24  }
0x91: {  	[tilespmem:s12], [sflag:$0x5] =	stream.linear.gather [hbm4b:s26+s4], $0xE0, $0x38;
	[tilespmem:$0x1E140] =	vst v63  }
0x92: {  	_ =	swait.ge [sflag:s29], $0xE0  }
0x93: {  	s23 =	rddreg [dreg:$0x5];
	[sflag:s29] =	ssyncset.done $0x0  }
0x94: {  	[sflag:s29] =	ssyncadd.s32 $0xFFFFFF20;
	s9 =	sadd.s32 $0x0, s23  }
0x95: {  	[tilespmem:s13], [sflag:$0x5] =	stream.linear.gather [hbm4b:s9+s4], $0xE0, $0x38;
	[tilespmem:$0x1E140] =	vst v63  }
0x96: {  	_ =	swait.ge [sflag:s29], $0xE0  }
0x97: {  	s24 =	rddreg [dreg:$0x4];
	[sflag:s29] =	ssyncset.done $0x0  }
0x98: {  	[sflag:s29] =	ssyncadd.s32 $0xFFFFFF20;
	s9 =	sadd.s32 $0x0, s24  }
0x99: {  	[tilespmem:s14], [sflag:$0x5] =	stream.linear.gather [hbm4b:s9+s4], $0xE0, $0x38;
	[tilespmem:$0x1E140] =	vst v63  }
0x9a: {  	_ =	swait.ge [sflag:s29], $0xE0  }
0x9b: {  	[sflag:s29] =	ssyncset.done $0x0  }
0x9c: {  	[sflag:s29] =	ssyncadd.s32 $0xFFFFFF20  }
0x9d: {  	_ =	swait.ge [sflag:s21], $0xE00  }
0x9e: {  	[sflag:s21] =	ssyncset.done $0x0  }
0x9f: {  	[sflag:s21] =	ssyncadd.s32 $0xFFFFF200  }
0xa0: {  	_ =	swait.ge [sflag:s21], $0xE00  }
0xa1: {  	[sflag:s21] =	ssyncset.done $0x0  }
0xa2: {  	[sflag:s21] =	ssyncadd.s32 $0xFFFFF200  }
0xa3: {  	_ =	swait.ge [sflag:s21], $0xE00  }
0xa4: {  	[sflag:s21] =	ssyncset.done $0x0  }
0xa5: {  	[sflag:s21] =	ssyncadd.s32 $0xFFFFF200  }
0xa6: {  	[tilespmem:s15], [sflag:$0x2] =	stream.indirect.gather [spmem:s2], $0x10, s12, s1, $0xb8;
	[tilespmem:$0x1E140] =	vst v63  }
0xa7: {  	_ = 	snop  }
0xa8: {  	[tilespmem:s16], [sflag:$0x2] =	stream.indirect.gather [spmem:s3], $0x10, s13, s1, $0xb8;
	[tilespmem:$0x1E140] =	vst v63  }
0xa9: {  	_ = 	snop  }
0xaa: {  	[tilespmem:s17], [sflag:$0x2] =	stream.indirect.gather [spmem:s2], $0x10, s14, s1, $0xb8;
	[tilespmem:$0x1E140] =	vst v63  }
0xab: {  	_ =	swait.ge [sflag:s18], $0xE00  }
0xac: {  	[sflag:s18] =	ssyncset.done $0x0  }
0xad: {  	[sflag:s18] =	ssyncadd.s32 $0xFFFFF200  }
0xae: {  	_ =	swait.ge [sflag:s18], $0xE00  }
0xaf: {  	[sflag:s18] =	ssyncset.done $0x0  }
0xb0: {  	[sflag:s18] =	ssyncadd.s32 $0xFFFFF200  }
0xb1: {  	_ =	swait.ge [sflag:s18], $0xE00  }
0xb2: {  	[sflag:s18] =	ssyncset.done $0x0;
	s23 =	rddreg [dreg:$0x1b]  }
0xb3: {  	s28 =	sadd.s32 $0x380, s22;
	[sflag:s18] =	ssyncadd.s32 $0xFFFFF200;
	s25 =	sadd.s32 s23, s5  }
0xb4: {  	[hbm4b:s25+s4] =	stream.linear.scatter [tilespmem:s8], [sflag:$0x3], $0xE00, $0x38;
	[tilespmem:$0x1E140] =	vst v63  }
0xb5: {  	s9 =	simm.s32 $0x70;
	s26 =	sadd.s32 s23, s6;
	s24 =	sadd.s32 s23, s7  }
0xb6: {  	[hbm4b:s26+s4] =	stream.linear.scatter [tilespmem:s10], [sflag:$0x3], $0xE00, $0x38;
	[tilespmem:$0x1E140] =	vst v63  }
0xb7: {  	s23 =	sadd.s32 $0x380, s23;
	s25 =	rddreg [dreg:$0x9];
	s26 =	simm.s32 $0x38  }
.LBB2_2:
0xb8: {  	[hbm4b:s24+s4] =	stream.linear.scatter [tilespmem:s11], [sflag:$0x3], $0xE00, $0x38;
	[tilespmem:$0x1E140] =	vst v63  }
0xb9: {  	s25 =	sadd.s32 s26, s25  }
0xba: {  	[tilespmem:s30], [sflag:$0x5] =	stream.linear.gather [hbm4b:s25+s4], $0xE0, $0x38;
	[tilespmem:$0x1E140] =	vst v63  }
0xbb: {  	_ =	swait.ge [sflag:s29], $0xE0  }
0xbc: {  	s22 =	rddreg [dreg:$0x8];
	[sflag:s29] =	ssyncset.done $0x0  }
0xbd: {  	[sflag:s29] =	ssyncadd.s32 $0xFFFFFF20;
	s25 =	sadd.s32 s26, s22  }
0xbe: {  	[tilespmem:s31], [sflag:$0x5] =	stream.linear.gather [hbm4b:s25+s4], $0xE0, $0x38;
	[tilespmem:$0x1E140] =	vst v63  }
0xbf: {  	_ =	swait.ge [sflag:s29], $0xE0  }
0xc0: {  	s22 =	rddreg [dreg:$0x7];
	[sflag:s29] =	ssyncset.done $0x0  }
0xc1: {  	[sflag:s29] =	ssyncadd.s32 $0xFFFFFF20;
	s25 =	sadd.s32 s26, s22  }
0xc2: {  	[tilespmem:s0], [sflag:$0x5] =	stream.linear.gather [hbm4b:s25+s4], $0xE0, $0x38;
	[tilespmem:$0x1E140] =	vst v63  }
0xc3: {  	_ =	swait.ge [sflag:s29], $0xE0  }
0xc4: {  	[sflag:s29] =	ssyncset.done $0x0  }
0xc5: {  	[sflag:s29] =	ssyncadd.s32 $0xFFFFFF20  }
0xc6: {  	_ =	swait.ge [sflag:s19], $0xE00  }
0xc7: {  	[sflag:s19] =	ssyncset.done $0x0  }
0xc8: {  	[sflag:s19] =	ssyncadd.s32 $0xFFFFF200  }
0xc9: {  	_ =	swait.ge [sflag:s19], $0xE00  }
0xca: {  	[sflag:s19] =	ssyncset.done $0x0  }
0xcb: {  	[sflag:s19] =	ssyncadd.s32 $0xFFFFF200  }
0xcc: {  	_ =	swait.ge [sflag:s19], $0xE00  }
0xcd: {  	[sflag:s19] =	ssyncset.done $0x0  }
0xce: {  	[sflag:s19] =	ssyncadd.s32 $0xFFFFF200  }
0xcf: {  	[tilespmem:s8], [sflag:$0x1] =	stream.indirect.gather [spmem:s2], $0x10, s30, s1, $0xb8;
	[tilespmem:$0x1E140] =	vst v63  }
0xd0: {  	_ = 	snop  }
0xd1: {  	[tilespmem:s10], [sflag:$0x1] =	stream.indirect.gather [spmem:s3], $0x10, s31, s1, $0xb8;
	[tilespmem:$0x1E140] =	vst v63  }
0xd2: {  	_ = 	snop  }
0xd3: {  	[tilespmem:s11], [sflag:$0x1] =	stream.indirect.gather [spmem:s2], $0x10, s0, s1, $0xb8;
	[tilespmem:$0x1E140] =	vst v63  }
0xd4: {  	_ =	swait.ge [sflag:s20], $0xE00  }
0xd5: {  	[sflag:s20] =	ssyncset.done $0x0  }
0xd6: {  	[sflag:s20] =	ssyncadd.s32 $0xFFFFF200  }
0xd7: {  	_ =	swait.ge [sflag:s20], $0xE00  }
0xd8: {  	[sflag:s20] =	ssyncset.done $0x0  }
0xd9: {  	[sflag:s20] =	ssyncadd.s32 $0xFFFFF200  }
0xda: {  	_ =	swait.ge [sflag:s20], $0xE00  }
0xdb: {  	[sflag:s20] =	ssyncset.done $0x0  }
0xdc: {  	s22 =	sadd.s32 s28, s5;
	[sflag:s20] =	ssyncadd.s32 $0xFFFFF200  }
0xdd: {  	[hbm4b:s22+s4] =	stream.linear.scatter [tilespmem:s15], [sflag:$0x4], $0xE00, $0x38;
	[tilespmem:$0x1E140] =	vst v63  }
0xde: {  	s25 =	sadd.s32 s28, s6  }
0xdf: {  	[hbm4b:s25+s4] =	stream.linear.scatter [tilespmem:s16], [sflag:$0x4], $0xE00, $0x38;
	[tilespmem:$0x1E140] =	vst v63  }
0xe0: {  	s22 =	rddreg [dreg:$0x6];
	s25 =	sadd.s32 s28, s7  }
0xe1: {  	[hbm4b:s25+s4] =	stream.linear.scatter [tilespmem:s17], [sflag:$0x4], $0xE00, $0x38;
	[tilespmem:$0x1E140] =	vst v63  }
0xe2: {  	s22 =	sadd.s32 s26, s22  }
0xe3: {  	[tilespmem:s12], [sflag:$0x5] =	stream.linear.gather [hbm4b:s22+s4], $0xE0, $0x38;
	[tilespmem:$0x1E140] =	vst v63  }
0xe4: {  	_ =	swait.ge [sflag:s29], $0xE0  }
0xe5: {  	s25 =	rddreg [dreg:$0x5];
	[sflag:s29] =	ssyncset.done $0x0  }
0xe6: {  	[sflag:s29] =	ssyncadd.s32 $0xFFFFFF20;
	s22 =	sadd.s32 s26, s25  }
0xe7: {  	[tilespmem:s13], [sflag:$0x5] =	stream.linear.gather [hbm4b:s22+s4], $0xE0, $0x38;
	[tilespmem:$0x1E140] =	vst v63  }
0xe8: {  	_ =	swait.ge [sflag:s29], $0xE0  }
0xe9: {  	s25 =	rddreg [dreg:$0x4];
	[sflag:s29] =	ssyncset.done $0x0  }
0xea: {  	[sflag:s29] =	ssyncadd.s32 $0xFFFFFF20;
	s22 =	sadd.s32 s26, s25  }
0xeb: {  	[tilespmem:s14], [sflag:$0x5] =	stream.linear.gather [hbm4b:s22+s4], $0xE0, $0x38;
	[tilespmem:$0x1E140] =	vst v63  }
0xec: {  	_ =	swait.ge [sflag:s29], $0xE0  }
0xed: {  	[sflag:s29] =	ssyncset.done $0x0  }
0xee: {  	[sflag:s29] =	ssyncadd.s32 $0xFFFFFF20  }
0xef: {  	_ =	swait.ge [sflag:s21], $0xE00  }
0xf0: {  	[sflag:s21] =	ssyncset.done $0x0  }
0xf1: {  	[sflag:s21] =	ssyncadd.s32 $0xFFFFF200  }
0xf2: {  	_ =	swait.ge [sflag:s21], $0xE00  }
0xf3: {  	[sflag:s21] =	ssyncset.done $0x0  }
0xf4: {  	[sflag:s21] =	ssyncadd.s32 $0xFFFFF200  }
0xf5: {  	_ =	swait.ge [sflag:s21], $0xE00  }
0xf6: {  	[sflag:s21] =	ssyncset.done $0x0  }
0xf7: {  	[sflag:s21] =	ssyncadd.s32 $0xFFFFF200  }
0xf8: {  	[tilespmem:s15], [sflag:$0x2] =	stream.indirect.gather [spmem:s2], $0x10, s12, s1, $0xb8;
	[tilespmem:$0x1E140] =	vst v63  }
0xf9: {  	_ = 	snop  }
0xfa: {  	[tilespmem:s16], [sflag:$0x2] =	stream.indirect.gather [spmem:s3], $0x10, s13, s1, $0xb8;
	[tilespmem:$0x1E140] =	vst v63  }
0xfb: {  	_ = 	snop  }
0xfc: {  	[tilespmem:s17], [sflag:$0x2] =	stream.indirect.gather [spmem:s2], $0x10, s14, s1, $0xb8;
	[tilespmem:$0x1E140] =	vst v63  }
0xfd: {  	_ =	swait.ge [sflag:s18], $0xE00  }
0xfe: {  	[sflag:s18] =	ssyncset.done $0x0  }
0xff: {  	[sflag:s18] =	ssyncadd.s32 $0xFFFFF200  }
0x100: {  	_ =	swait.ge [sflag:s18], $0xE00  }
0x101: {  	[sflag:s18] =	ssyncset.done $0x0  }
0x102: {  	[sflag:s18] =	ssyncadd.s32 $0xFFFFF200  }
0x103: {  	s24 =	smov.u32 s9;
	_ =	swait.ge [sflag:s18], $0xE00  }
0x104: {  	p0 =	sne.s32 s9, $0xBD0;
	s9 =	sadd.s32 $0x38, s9;
	[sflag:s18] =	ssyncset.done $0x0  }
.Ltmp0:
0x105: {  	s25 =	sadd.s32 s23, s5;
	[sflag:s18] =	ssyncadd.s32 $0xFFFFF200;
	(pc) =	sbr.rel @p0 .LBB2_2-.Ltmp0, $4  }
0x106: {  	[hbm4b:s25+s4] =	stream.linear.scatter [tilespmem:s8], [sflag:$0x3], $0xE00, $0x38;
	[tilespmem:$0x1E140] =	vst v63  }
0x107: {  	s28 =	sadd.s32 $0x380, s28;
	s26 =	smov.u32 s24;
	s24 =	sadd.s32 s23, s6  }
0x108: {  	[hbm4b:s24+s4] =	stream.linear.scatter [tilespmem:s10], [sflag:$0x3], $0xE00, $0x38;
	[tilespmem:$0x1E140] =	vst v63  }
0x109: {  	s25 =	rddreg [dreg:$0x9];
	s24 =	sadd.s32 s23, s7;
	s23 =	sadd.s32 $0x380, s23  }
0x10a: {  	[hbm4b:s24+s4] =	stream.linear.scatter [tilespmem:s11], [sflag:$0x3], $0xE00, $0x38;
	[tilespmem:$0x1E140] =	vst v63  }
0x10b: {  	s9 =	sadd.s32 s26, s25  }
0x10c: {  	[tilespmem:s30], [sflag:$0x5] =	stream.linear.gather [hbm4b:s9+s4], $0xE0, $0x38;
	[tilespmem:$0x1E140] =	vst v63  }
0x10d: {  	_ =	swait.ge [sflag:s29], $0xE0  }
0x10e: {  	s24 =	rddreg [dreg:$0x8];
	[sflag:s29] =	ssyncset.done $0x0  }
0x10f: {  	[sflag:s29] =	ssyncadd.s32 $0xFFFFFF20;
	s9 =	sadd.s32 s26, s24  }
0x110: {  	[tilespmem:s31], [sflag:$0x5] =	stream.linear.gather [hbm4b:s9+s4], $0xE0, $0x38;
	[tilespmem:$0x1E140] =	vst v63  }
0x111: {  	_ =	swait.ge [sflag:s29], $0xE0  }
0x112: {  	s25 =	rddreg [dreg:$0x7];
	[sflag:s29] =	ssyncset.done $0x0  }
0x113: {  	[sflag:s29] =	ssyncadd.s32 $0xFFFFFF20;
	s9 =	sadd.s32 s26, s25  }
0x114: {  	[tilespmem:s0], [sflag:$0x5] =	stream.linear.gather [hbm4b:s9+s4], $0xE0, $0x38;
	[tilespmem:$0x1E140] =	vst v63  }
0x115: {  	_ =	swait.ge [sflag:s29], $0xE0  }
0x116: {  	[sflag:s29] =	ssyncset.done $0x0  }
0x117: {  	[sflag:s29] =	ssyncadd.s32 $0xFFFFFF20  }
0x118: {  	_ =	swait.ge [sflag:s19], $0xE00  }
0x119: {  	[sflag:s19] =	ssyncset.done $0x0  }
0x11a: {  	[sflag:s19] =	ssyncadd.s32 $0xFFFFF200  }
0x11b: {  	_ =	swait.ge [sflag:s19], $0xE00  }
0x11c: {  	[sflag:s19] =	ssyncset.done $0x0  }
0x11d: {  	[sflag:s19] =	ssyncadd.s32 $0xFFFFF200  }
0x11e: {  	_ =	swait.ge [sflag:s19], $0xE00  }
0x11f: {  	[sflag:s19] =	ssyncset.done $0x0  }
0x120: {  	[sflag:s19] =	ssyncadd.s32 $0xFFFFF200  }
0x121: {  	[tilespmem:s8], [sflag:$0x1] =	stream.indirect.gather [spmem:s2], $0x10, s30, s1, $0xb8;
	[tilespmem:$0x1E140] =	vst v63  }
0x122: {  	_ = 	snop  }
0x123: {  	[tilespmem:s10], [sflag:$0x1] =	stream.indirect.gather [spmem:s3], $0x10, s31, s1, $0xb8;
	[tilespmem:$0x1E140] =	vst v63  }
0x124: {  	_ = 	snop  }
0x125: {  	[tilespmem:s11], [sflag:$0x1] =	stream.indirect.gather [spmem:s2], $0x10, s0, s1, $0xb8;
	[tilespmem:$0x1E140] =	vst v63  }
0x126: {  	_ =	swait.ge [sflag:s20], $0xE00  }
0x127: {  	[sflag:s20] =	ssyncset.done $0x0  }
0x128: {  	[sflag:s20] =	ssyncadd.s32 $0xFFFFF200  }
0x129: {  	_ =	swait.ge [sflag:s20], $0xE00  }
0x12a: {  	[sflag:s20] =	ssyncset.done $0x0  }
0x12b: {  	[sflag:s20] =	ssyncadd.s32 $0xFFFFF200  }
0x12c: {  	_ =	swait.ge [sflag:s20], $0xE00  }
0x12d: {  	[sflag:s20] =	ssyncset.done $0x0  }
0x12e: {  	s22 =	sadd.s32 s28, s5;
	[sflag:s20] =	ssyncadd.s32 $0xFFFFF200  }
0x12f: {  	[hbm4b:s22+s4] =	stream.linear.scatter [tilespmem:s15], [sflag:$0x4], $0xE00, $0x38;
	[tilespmem:$0x1E140] =	vst v63  }
0x130: {  	s24 =	sadd.s32 s28, s6  }
0x131: {  	[hbm4b:s24+s4] =	stream.linear.scatter [tilespmem:s16], [sflag:$0x4], $0xE00, $0x38;
	[tilespmem:$0x1E140] =	vst v63  }
0x132: {  	s25 =	rddreg [dreg:$0x6];
	s22 =	sadd.s32 s28, s7  }
0x133: {  	[hbm4b:s22+s4] =	stream.linear.scatter [tilespmem:s17], [sflag:$0x4], $0xE00, $0x38;
	[tilespmem:$0x1E140] =	vst v63  }
0x134: {  	s9 =	sadd.s32 s26, s25  }
0x135: {  	[tilespmem:s12], [sflag:$0x5] =	stream.linear.gather [hbm4b:s9+s4], $0xE0, $0x38;
	[tilespmem:$0x1E140] =	vst v63  }
0x136: {  	_ =	swait.ge [sflag:s29], $0xE0  }
0x137: {  	s24 =	rddreg [dreg:$0x5];
	[sflag:s29] =	ssyncset.done $0x0  }
0x138: {  	[sflag:s29] =	ssyncadd.s32 $0xFFFFFF20;
	s9 =	sadd.s32 s26, s24  }
0x139: {  	[tilespmem:s13], [sflag:$0x5] =	stream.linear.gather [hbm4b:s9+s4], $0xE0, $0x38;
	[tilespmem:$0x1E140] =	vst v63  }
0x13a: {  	_ =	swait.ge [sflag:s29], $0xE0  }
0x13b: {  	s25 =	rddreg [dreg:$0x4];
	[sflag:s29] =	ssyncset.done $0x0  }
0x13c: {  	s9 =	sadd.s32 s26, s25;
	[sflag:s29] =	ssyncadd.s32 $0xFFFFFF20  }
0x13d: {  	[tilespmem:s14], [sflag:$0x5] =	stream.linear.gather [hbm4b:s9+s4], $0xE0, $0x38;
	[tilespmem:$0x1E140] =	vst v63  }
0x13e: {  	_ =	swait.ge [sflag:s29], $0xE0  }
0x13f: {  	[sflag:s29] =	ssyncset.done $0x0  }
0x140: {  	[sflag:s29] =	ssyncadd.s32 $0xFFFFFF20  }
0x141: {  	_ =	swait.ge [sflag:s21], $0xE00  }
0x142: {  	[sflag:s21] =	ssyncset.done $0x0  }
0x143: {  	[sflag:s21] =	ssyncadd.s32 $0xFFFFF200  }
0x144: {  	_ =	swait.ge [sflag:s21], $0xE00  }
0x145: {  	[sflag:s21] =	ssyncset.done $0x0  }
0x146: {  	[sflag:s21] =	ssyncadd.s32 $0xFFFFF200  }
0x147: {  	_ =	swait.ge [sflag:s21], $0xE00  }
0x148: {  	[sflag:s21] =	ssyncset.done $0x0  }
0x149: {  	[sflag:s21] =	ssyncadd.s32 $0xFFFFF200  }
0x14a: {  	[tilespmem:s15], [sflag:$0x2] =	stream.indirect.gather [spmem:s2], $0x10, s12, s1, $0xb8;
	[tilespmem:$0x1E140] =	vst v63  }
0x14b: {  	_ = 	snop  }
0x14c: {  	[tilespmem:s16], [sflag:$0x2] =	stream.indirect.gather [spmem:s3], $0x10, s13, s1, $0xb8;
	[tilespmem:$0x1E140] =	vst v63  }
0x14d: {  	_ = 	snop  }
0x14e: {  	[tilespmem:s17], [sflag:$0x2] =	stream.indirect.gather [spmem:s2], $0x10, s14, s1, $0xb8;
	[tilespmem:$0x1E140] =	vst v63  }
0x14f: {  	_ =	swait.ge [sflag:s18], $0xE00  }
0x150: {  	[sflag:s18] =	ssyncset.done $0x0  }
0x151: {  	[sflag:s18] =	ssyncadd.s32 $0xFFFFF200  }
0x152: {  	_ =	swait.ge [sflag:s18], $0xE00  }
0x153: {  	[sflag:s18] =	ssyncset.done $0x0  }
0x154: {  	[sflag:s18] =	ssyncadd.s32 $0xFFFFF200  }
0x155: {  	_ =	swait.ge [sflag:s18], $0xE00  }
0x156: {  	[sflag:s18] =	ssyncset.done $0x0  }
0x157: {  	s26 =	sadd.s32 s23, s5;
	[sflag:s18] =	ssyncadd.s32 $0xFFFFF200  }
0x158: {  	[hbm4b:s26+s4] =	stream.linear.scatter [tilespmem:s8], [sflag:$0x3], $0xE00, $0x38;
	[tilespmem:$0x1E140] =	vst v63  }
0x159: {  	s28 =	sadd.s32 s23, s6  }
0x15a: {  	[hbm4b:s28+s4] =	stream.linear.scatter [tilespmem:s10], [sflag:$0x3], $0xE00, $0x38;
	[tilespmem:$0x1E140] =	vst v63  }
0x15b: {  	s22 =	sadd.s32 s23, s7  }
0x15c: {  	[hbm4b:s22+s4] =	stream.linear.scatter [tilespmem:s11], [sflag:$0x3], $0xE00, $0x38;
	[tilespmem:$0x1E140] =	vst v63  }
0x15d: {  	_ =	swait.ge [sflag:s20], $0xE00  }
0x15e: {  	[sflag:s20] =	ssyncset.done $0x0  }
0x15f: {  	[sflag:s20] =	ssyncadd.s32 $0xFFFFF200  }
0x160: {  	_ =	swait.ge [sflag:s20], $0xE00  }
0x161: {  	[sflag:s20] =	ssyncset.done $0x0  }
0x162: {  	[sflag:s20] =	ssyncadd.s32 $0xFFFFF200  }
0x163: {  	_ =	swait.ge [sflag:s20], $0xE00  }
0x164: {  	[sflag:s20] =	ssyncset.done $0x0  }
0x165: {  	s23 =	rddreg [dreg:$0x16];
	[sflag:s20] =	ssyncadd.s32 $0xFFFFF200  }
0x166: {  	[hbm4b:s23+s4] =	stream.linear.scatter [tilespmem:s15], [sflag:$0x4], $0xE00, $0x38;
	[tilespmem:$0x1E140] =	vst v63  }
0x167: {  	s24 =	rddreg [dreg:$0x17]  }
0x168: {  	[hbm4b:s24+s4] =	stream.linear.scatter [tilespmem:s16], [sflag:$0x4], $0xE00, $0x38;
	[tilespmem:$0x1E140] =	vst v63  }
0x169: {  	s25 =	rddreg [dreg:$0x18]  }
0x16a: {  	[hbm4b:s25+s4] =	stream.linear.scatter [tilespmem:s17], [sflag:$0x4], $0xE00, $0x38;
	[tilespmem:$0x1E140] =	vst v63  }
0x16b: {  	_ =	swait.ge [sflag:s19], $0xE00  }
0x16c: {  	[sflag:s19] =	ssyncset.done $0x0  }
0x16d: {  	[sflag:s19] =	ssyncadd.s32 $0xFFFFF200  }
0x16e: {  	_ =	swait.ge [sflag:s19], $0xE00  }
0x16f: {  	[sflag:s19] =	ssyncset.done $0x0  }
0x170: {  	[sflag:s19] =	ssyncadd.s32 $0xFFFFF200  }
0x171: {  	_ =	swait.ge [sflag:s19], $0xE00  }
0x172: {  	[sflag:s19] =	ssyncset.done $0x0  }
0x173: {  	[sflag:s19] =	ssyncadd.s32 $0xFFFFF200  }
0x174: {  	_ =	swait.ge [sflag:s21], $0xE00  }
0x175: {  	[sflag:s21] =	ssyncset.done $0x0  }
0x176: {  	[sflag:s21] =	ssyncadd.s32 $0xFFFFF200  }
0x177: {  	_ =	swait.ge [sflag:s21], $0xE00  }
0x178: {  	[sflag:s21] =	ssyncset.done $0x0  }
0x179: {  	[sflag:s21] =	ssyncadd.s32 $0xFFFFF200  }
0x17a: {  	_ =	swait.ge [sflag:s21], $0xE00  }
0x17b: {  	s26 =	rddreg [dreg:$0x1e]  }
0x17c: {  	s28 =	rddreg [dreg:$0x19];
	s22 =	sadd.s32 $0x1, s26  }
0x17d: {  	p0 =	sne.s32 s22, s28  }
.Ltmp1:
0x17e: {  	_ = 	snop;
	(pc) =	sbr.rel @p0 .LBB2_1-.Ltmp1, $3  }
0x17f: {  	_ =	sdelay $0x1  }
0x180: {  	[sflag:s21] =	ssyncset.done $0x0  }
0x181: {  	[sflag:s21] =	ssyncadd.s32 $0xFFFFF200  }
0x182: {  	_ =	sfence.sel $0x180000  }
0x183: {  	[bflag:$0x0] =	sbarrier.arrive $0xFFFF  }
0x184: {  	_ =	strace $0x90000047  }
0x185: {  	s0 =	stileid.u32;
	[bflag:$0x2] =	sbarrier.arrive $0xFFFF  }
0x186: {  	p0 =	sne.s32 s0, $0x0;
	s0 =	rddreg [dreg:$0x3]  }
0x187: {  	s0 =	sadd.s32 @!p0 $0x100000, s0  }
0x188: {  	[sflag:s0] =	ssyncadd.tile.s32 @!p0 $0x1;
	_ =	shalt  }
.Lfunc_end2:
_tile_overlayer_lowered:
.L_overlay_start_2:
0x189: {  	(tag) =	ssettag $0x2  }
0x18a: {  	s0 =	rddreg [dreg:$0x0];
	s2 =	stileid.u32  }
0x18b: {  	s1 =	rddreg [dreg:$0x1];
	p0 =	sne.s32 s2, $0x0  }
0x18c: {  	s3 =	rddreg [dreg:$0x2];
	[bflag:$0x3] =	sbarrier.arrive $0xFFFF;
	s2 =	simm.s32 @!p0 $0x1C05  }
0x18d: {  	[timem:s3], [sflag:s2] =	dma.local @!p0 [hbm:s0], s1  }
0x18e: {  	s0 =	simm.s32 @!p0 $0x5  }
0x18f: {  	_ =	swait.ge @!p0 [sflag:s0], s1  }
0x190: {  	s1 =	ssub.s32 @!p0 $0x0, s1;
	[sflag:s0] =	ssyncset.done @!p0 $0x0  }
0x191: {  	[sflag:s0] =	ssyncadd.s32 @!p0 s1  }
0x192: {  	[bflag:$0x3] =	sbarrier.arrive $0xFFFF  }
0x193: {  	_ =	shalt  }

// kernel: kernel.13.cloned.1.call-start
scs
__scs_entry_jumppad:
0x0: {  	(pc) =	sbr.rel $0x88, $3  }
0x1: {  	(tag) =	ssettag $0x0;
	lr =	simm.s32 $0x1  }
0x2: {  	[smem:$0x3F94] =	sst lr;
	_ =	strace $0xD0000000  }
0x3: {  	_ = 	snop  }
0x4: {  	_ = 	snop  }
0x5: {  	_ = 	snop  }
0x6: {  	_ = 	snop  }
0x7: {  	_ = 	snop  }
__scs_overlays_trampoline_lowered:
0x8: {  	[smem:$0x3FA3] =	sst s0  }
0x9: {  	[smem:$0x3FA4] =	sst s1  }
0xa: {  	[smem:$0x3FA5] =	sst s2  }
0xb: {  	[smem:$0x3FA6] =	sst s3  }
0xc: {  	[smem:$0x3FA7] =	sst s4  }
0xd: {  	[smem:$0x3FA8] =	sst s5  }
0xe: {  	[smem:$0x3FA9] =	sst s6  }
0xf: {  	[smem:$0x3FAA] =	sst s7  }
0x10: {  	[smem:$0x3FAB] =	sst s8  }
0x11: {  	[smem:$0x3FAC] =	sst s9;
	s0 =	simm.s32 @!p0 $0x0  }
0x12: {  	s1 =	sld [smem:$0x3F92];
	s0 =	simm.s32 @p0 $0x1  }
0x13: {  	[smem:$0x3FAD] =	sst s0;
	s0 =	simm.s32 @!p1 $0x0  }
0x14: {  	s2 =	sld [smem:$0x3F91];
	s0 =	simm.s32 @p1 $0x1  }
0x15: {  	[smem:$0x3FAE] =	sst s0;
	s0 =	simm.s32 @!p2 $0x0  }
0x16: {  	s3 =	sld [smem:$0x3FDB];
	s0 =	simm.s32 @p2 $0x1  }
0x17: {  	s4 =	simm.s32 $0x1BF5;
	[smem:$0x3FB0] =	sst s0  }
0x18: {  	s0 =	sld [smem:$0x3F93];
	_ =	swait.ge [sflag:s4], $0x0  }
0x19: {  	s7 =	sld [smem:$0x3F94]  }
0x1a: {  	s8 =	sadd.s32 $0xFFFFE003, lr  }
0x1b: {  	s9 =	sadd.s32 $0xFFFFFEF7, lr;
	s5 =	simm.s32 $0xFFFFFFFF;
	p2 =	slt.u32 s8, $0xFFFFF086  }
0x1c: {  	p1 =	slt.u32 s9, $0xF7A;
	s5 =	simm.s32 @!p2 $0x0  }
0x1d: {  	s5 =	simm.s32 @p1 $0x1;
	p0 =	seq.s32 s7, s2  }
0x1e: {  	s7 =	smul.u32 @!p0 $0xF7A, s2;
	p2 =	seq.s32 @!p0 s5, $0x0  }
0x1f: {  	s9 =	smul.u32 $0xF7A, s1;
	s8 =	simm.s32 @!p0 $0x1BF5;
	p2 =	por !p2, p0  }
0x20: {  	[sflag:s8] =	ssyncset.s32 @!p0 $0xFFFFF086;
	s6 =	sadd.s32 @!p0 s3, s7;
	s7 =	simm.s32 @!p0 $0x108  }
0x21: {  	s3 =	sadd.s32 s3, s9;
	s6 =	sadd.s32 @!p0 $0x88, s6;
	s7 =	simm.s32 @p2 $0x1082  }
0x22: {  	[simem:s7], [sflag:s8] =	dma.local @!p0 [hbm:s6], $0xF7A  }
0x23: {  	s9 =	sor.u32 $0xD0000000, s2;
	s6 =	simm.s32 $0x108;
	_ =	swait.ge @!p0 [sflag:s8], $0x0  }
0x24: {  	s3 =	sadd.s32 $0x88, s3;
	s6 =	simm.s32 @!p1 $0x1082;
	[sflag:s4] =	ssyncset.s32 $0xFFFFF086  }
0x25: {  	[simem:s6], [sflag:s4] =	dma.local [hbm:s3], $0xF7A  }
0x26: {  	[smem:$0x3F94] =	sst s1;
	(tag) =	ssettag s2;
	_ =	strace s9  }
0x27: {  	s1 =	sld [smem:$0x3FA4]  }
0x28: {  	s2 =	sld [smem:$0x3FA5]  }
0x29: {  	s4 =	sld [smem:$0x3FA7]  }
0x2a: {  	p0 =	seq.s32 s5, $0x0;
	s5 =	sld [smem:$0x3FA8]  }
0x2b: {  	s6 =	sld [smem:$0x3FA9]  }
0x2c: {  	s7 =	sld [smem:$0x3FAA]  }
0x2d: {  	s3 =	simm.s32 $0x108;
	s8 =	sld [smem:$0x3FAB]  }
0x2e: {  	s3 =	simm.s32 @!p0 $0x1082;
	s9 =	sld [smem:$0x3FAC]  }
0x2f: {  	lr =	sadd.s32 s0, s3;
	s0 =	sld [smem:$0x3FA3]  }
0x30: {  	s3 =	sld [smem:$0x3FA6]  }
0x31: {  	[smem:$0x3FAF] =	sst s10  }
0x32: {  	s10 =	sld [smem:$0x3FAD];
	_ =	sdelay $0x3  }
0x33: {  	p0 =	seq.s32 s10, $0x1;
	s10 =	sld [smem:$0x3FAF];
	_ =	sdelay $0x3  }
0x34: {  	[smem:$0x3FAF] =	sst s10  }
0x35: {  	s10 =	sld [smem:$0x3FAE];
	_ =	sdelay $0x3  }
0x36: {  	p1 =	seq.s32 s10, $0x1;
	s10 =	sld [smem:$0x3FAF];
	_ =	sdelay $0x3  }
0x37: {  	[smem:$0x3FAF] =	sst s10  }
0x38: {  	s10 =	sld [smem:$0x3FB0]  }
0x39: {  	_ = 	snop;
	(pc) =	sbr.ind lr, $3  }
0x3a: {  	_ = 	snop  }
0x3b: {  	_ = 	snop  }
0x3c: {  	p2 =	seq.s32 s10, $0x1;
	s10 =	sld [smem:$0x3FAF]  }
0x3d: {  	_ =	shalt  }
0x3e: {  	_ =	shalt  }
0x3f: {  	_ =	shalt  }
0x40: {  	_ =	shalt  }
0x41: {  	_ =	shalt  }
0x42: {  	_ =	shalt  }
0x43: {  	_ =	shalt  }
0x44: {  	_ =	shalt  }
0x45: {  	_ =	shalt  }
0x46: {  	_ =	shalt  }
0x47: {  	_ =	shalt  }
0x48: {  	_ =	shalt  }
0x49: {  	_ =	shalt  }
0x4a: {  	_ =	shalt  }
0x4b: {  	_ =	shalt  }
0x4c: {  	_ =	shalt  }
0x4d: {  	_ =	shalt  }
0x4e: {  	_ =	shalt  }
0x4f: {  	_ =	shalt  }
0x50: {  	_ =	shalt  }
0x51: {  	_ =	shalt  }
0x52: {  	_ =	shalt  }
0x53: {  	_ =	shalt  }
0x54: {  	_ =	shalt  }
0x55: {  	_ =	shalt  }
0x56: {  	_ =	shalt  }
0x57: {  	_ =	shalt  }
0x58: {  	_ =	shalt  }
0x59: {  	_ =	shalt  }
0x5a: {  	_ =	shalt  }
0x5b: {  	_ =	shalt  }
0x5c: {  	_ =	shalt  }
0x5d: {  	_ =	shalt  }
0x5e: {  	_ =	shalt  }
0x5f: {  	_ =	shalt  }
0x60: {  	_ =	shalt  }
0x61: {  	_ =	shalt  }
0x62: {  	_ =	shalt  }
0x63: {  	_ =	shalt  }
0x64: {  	_ =	shalt  }
0x65: {  	_ =	shalt  }
0x66: {  	_ =	shalt  }
0x67: {  	_ =	shalt  }
0x68: {  	_ =	shalt  }
0x69: {  	_ =	shalt  }
0x6a: {  	_ =	shalt  }
0x6b: {  	_ =	shalt  }
0x6c: {  	_ =	shalt  }
0x6d: {  	_ =	shalt  }
0x6e: {  	_ =	shalt  }
0x6f: {  	_ =	shalt  }
0x70: {  	_ =	shalt  }
0x71: {  	_ =	shalt  }
0x72: {  	_ =	shalt  }
0x73: {  	_ =	shalt  }
0x74: {  	_ =	shalt  }
0x75: {  	_ =	shalt  }
0x76: {  	_ =	shalt  }
0x77: {  	_ =	shalt  }
0x78: {  	_ =	shalt  }
0x79: {  	_ =	shalt  }
0x7a: {  	_ =	shalt  }
0x7b: {  	_ =	shalt  }
0x7c: {  	_ =	shalt  }
0x7d: {  	_ =	shalt  }
0x7e: {  	_ =	shalt  }
0x7f: {  	_ =	shalt  }
0x80: {  	_ =	shalt  }
0x81: {  	_ =	shalt  }
0x82: {  	_ =	shalt  }
0x83: {  	_ =	shalt  }
0x84: {  	_ =	shalt  }
0x85: {  	_ =	shalt  }
0x86: {  	_ =	shalt  }
0x87: {  	_ =	shalt  }
.Lfunc_end0:
.L_simem_size_0:
called_computation.1_lowered:
.L_overlay_start_0:
0x88: {  	s2 =	sld [smem:$0x3FD9]  }
0x89: {  	s3 =	sld [smem:$0x3FFE];
	_ =	sdelay $0x1  }
0x8a: {  	s1 =	srdreg.scid  }
0x8b: {  	s0 =	sand.u32 $0x1, s1  }
0x8c: {  	s17 =	sshll.u32 s0, $0xA;
	s2 =	sadd.s32 s3, s2  }
0x8d: {  	s2 =	sadd.s32 s2, s17  }
0x8e: {  	[smem:$0x3FBB] =	sst s2  }
0x8f: {  	_ = 	snop  }
0x90: {  	(tm) =	ssettm $0x1  }
0x91: {  	s18 =	sld [smem:$0x3FFB];
	_ =	sdelay $0x3  }
0x92: {  	_ =	strace s18  }
0x93: {  	s2 =	sld [smem:$0x3FFC];
	_ =	sdelay $0x3  }
0x94: {  	_ =	strace s2  }
0x95: {  	s2 =	sld [smem:$0x3FFD];
	_ =	sdelay $0x3  }
0x96: {  	_ =	strace s2  }
0x97: {  	_ =	strace $0x8FFFFFFF  }
0x98: {  	s19 =	sld [smem:$0x3FDB];
	_ =	sdelay $0x1  }
0x99: {  	s20 =	simm.s32 $_scs_section_size  }
0x9a: {  	s4 =	simm.s32 $_size__tile_overlayer_lowered;
	s5 =	simm.s32 $_tile_overlayer_lowered  }
0x9b: {  	s6 =	simm.s32 $0x1BFF;
	s21 =	sshll.u32 s5, $0x1;
	s3 =	sadd.s32 s20, s19  }
0x9c: {  	s22 =	simm.s32 $0x0;
	s4 =	sshll.u32 s4, $0x1;
	s5 =	sadd.s32 s21, s3  }
0x9d: {  	[timem:s22], [sflag:s6] =	dma.local [hbm:s5], s4  }
0x9e: {  	_ =	swait.ge [sflag:s6], s4  }
0x9f: {  	s4 =	ssub.s32 $0x0, s4;
	[sflag:s6] =	ssyncset.done $0x0  }
0xa0: {  	[sflag:s6] =	ssyncadd.s32 s4;
	_ =	sdelay $0x1  }
0xa1: {  	s23 =	simm.s32 $0x1B8B  }
0xa2: {  	_ =	swait.ge [sflag:s23], $0x1  }
0xa3: {  	[sflag:s23] =	ssyncset.done $0x0  }
0xa4: {  	[sflag:s23] =	ssyncadd.s32 $0xFFFFFFFF  }
0xa5: {  	s4 =	sld [smem:$0x0]  }
0xa6: {  	s5 =	sand.u32 $0xFFFFFFFE, s1  }
0xa7: {  	p0 =	sne.s32 s1, s5  }
0xa8: {  	s5 =	sshll.u32 @p0 s5, $0xE  }
0xa9: {  	s5 =	sadd.s32 @p0 $0x11B8D, s5;
	s6 =	sshll.u32 @p0 s4, $0x11  }
0xaa: {  	s5 =	sor.u32 @p0 s6, s5  }
0xab: {  	[sflag:s5] =	ssyncadd.remote.s32 @p0 $0x1;
	_ =	sdelay $0x1  }
0xac: {  	s5 =	simm.s32 @p0 $0x1B8D  }
0xad: {  	_ =	swait.eq @p0 [sflag:s5], $0x1  }
0xae: {  	[sflag:s5] =	ssyncadd.s32 @p0 $0xFFFFFFFF  }
0xaf: {  	s6 =	sshll.u32 @!p0 s1, $0xE  }
0xb0: {  	s6 =	sor.u32 @!p0 $0x4000, s6;
	s5 =	simm.s32 @!p0 $0x1B8D  }
0xb1: {  	s4 =	sshll.u32 @!p0 s4, $0x11;
	s6 =	sadd.s32 @!p0 $0x11B8D, s6;
	_ =	swait.eq @!p0 [sflag:s5], $0x1  }
0xb2: {  	s4 =	sor.u32 @!p0 s4, s6;
	[sflag:s5] =	ssyncadd.s32 @!p0 $0xFFFFFFFF  }
0xb3: {  	s25 =	simm.s32 $0x1B8E;
	s24 =	sld [smem:$0x3FFE];
	[sflag:s4] =	ssyncadd.remote.s32 @!p0 $0x1  }
0xb4: {  	s26 =	simm.s32 $execute0_lowered;
	[smem:$0x3FD2] =	sst s25  }
0xb5: {  	s5 =	sshll.u32 s26, $0x1;
	_ =	strace $0x8000004C;
	[dreg:$0x1] =	wrdreg $0xFFFFFFFF  }
0xb6: {  	s28 =	simm.s32 $_size_execute0_lowered;
	s3 =	sadd.s32 s3, s5;
	[dreg:$0x0] =	wrdreg $0x0  }
0xb7: {  	s5 =	sshll.u32 s28, $0x1;
	[dreg:$0x2] =	wrdreg s3  }
0xb8: {  	[dreg:$0x3] =	wrdreg s5  }
0xb9: {  	[dreg:$0x4] =	wrdreg $0xC0  }
0xba: {  	_ =	task [dreg:s22], $0x5FFFF  }
0xbb: {  	[dreg:$0x1] =	wrdreg $0xFFFFFFFF  }
0xbc: {  	[dreg:$0x0] =	wrdreg $0x60  }
0xbd: {  	[dreg:$0x2] =	wrdreg s24  }
0xbe: {  	[dreg:$0x3] =	wrdreg $0x9  }
0xbf: {  	_ =	task.clear_ibuf [dreg:s22], $0x4FFFF;
	_ =	strace $0x9000004C  }
0xc0: {  	s29 =	simm.s32 $0x9;
	_ =	strace $0x8000004E  }
0xc1: {  	_ =	swait.ge [sflag:s29], $0x1  }
0xc2: {  	[sflag:s29] =	ssyncadd.s32 $0xFFFFFFFF  }
0xc3: {  	_ =	strace $0x9000004E  }
0xc4: {  	_ =	sfence  }
0xc5: {  	s30 =	sld [smem:$0x0];
	_ =	sdelay $0x2  }
0xc6: {  	s31 =	sshll.u32 s1, $0xD;
	s1 =	sshrl.u32 s1, $0x2  }
0xc7: {  	s4 =	sand.u32 $0x4000, s31;
	s1 =	sadd.s32 s1, s30  }
0xc8: {  	s0 =	sor.u32 s4, s0;
	s1 =	sshll.u32 s1, $0x11  }
0xc9: {  	s0 =	sor.u32 s1, s0  }
0xca: {  	s0 =	sadd.s32 $0x8F2B, s0  }
0xcb: {  	[sflag:s0] =	ssyncadd.remote.s32 $0x1  }
0xcc: {  	_ =	sfence.sel $0xFFFF  }
0xcd: {  	[dreg:$0x0] =	wrdreg $0xFFFFFFFF;
	(pc) =	sbr.abs _section_cstart, $3  }
0xce: {  	[dreg:$0x1] =	wrdreg $0xFFFFFFFF  }
0xcf: {  	_ =	task.clear_ibuf [dreg:s22], $0x2FFFF;
	_ =	strace $0x9FFFFFFF  }
0xd0: {  	(tm) =	ssettm $0x7FFFFFFF  }
0xd1: {  	_ =	shalt  }
tec
execute0_lowered:
.L_overlay_start_1:
0x0: {  	(tag) =	ssettag $0x1  }
0x1: {  	s1 =	srdreg.scid  }
0x2: {  	s0 =	stileid.u32;
	s4 =	rddreg [dreg:$0x0];
	s2 =	simm.s32 $0x0  }
0x3: {  	s8 =	simm.s32 $0x1;
	s3 =	sand.u32 $0x1, s1;
	s30 =	sshll.u32 s0, $0x1  }
0x4: {  	s9 =	simm.s32 $0x12600;
	s10 =	simm.s32 $0x0;
	s5 =	sor.u32 s3, s30  }
0x5: {  	s1 =	rddreg [dreg:$0x1];
	s3 =	ssub.s32 $0x2, s3;
	s6 =	smul.u32 $0xC40, s5  }
0x6: {  	[smem:$0x7FF] =	sst s2;
	s5 =	smul.u32 $0x1880, s5;
	s31 =	sshrl.u32 s3, $0x1  }
0x7: {  	_ =	strace $0x8000004D;
	s7 =	ssub.s32 s3, s31;
	s6 =	sadd.s32 s6, s4  }
0x8: {  	s5 =	sadd.s32 s5, s4;
	s3 =	sadd.s32 $0x1F000, s6;
	s4 =	sadd.s32 $0x6800, s6  }
0x9: {  	v0 =	vimm.f32 $0.0e+00;
	v1 =	vimm.f32 $1.000000000e+00;
	s5 =	sadd.s32 $0x175600, s5;
	s6 =	smax.u32 s7, $0x1;
	s7 =	simm.s32 $0xC400  }
.LBB2_1:
0xa: {  	s11 =	simm.s32 $0x0;
	s12 =	simm.s32 $0x200  }
.LBB2_2:
0xb: {  	p0 =	sne.s32 s12, $0x30E00;
	[tilespmem:s11+$0x70] =	vst v0  }
0xc: {  	[tilespmem:s11+$0x0] =	vst v0  }
0xd: {  	[tilespmem:s11+$0x10] =	vst v0  }
.Ltmp0:
0xe: {  	[tilespmem:s11+$0x20] =	vst v0;
	(pc) =	sbr.rel @p0 .LBB2_2-.Ltmp0, $4  }
0xf: {  	[tilespmem:s11+$0x30] =	vst v0  }
0x10: {  	[tilespmem:s11+$0x40] =	vst v0  }
0x11: {  	[tilespmem:s11+$0x50] =	vst v0  }
0x12: {  	[tilespmem:s11+$0x60] =	vst v0;
	s11 =	sshra.s32 s12, $0x2;
	s12 =	sadd.s32 $0x200, s12  }
0x13: {  	[tilespmem:s11+$0x70] =	vst v0  }
0x14: {  	[tilespmem:s11+$0x0] =	vst v0  }
0x15: {  	[tilespmem:s11+$0x10] =	vst v0  }
0x16: {  	[tilespmem:s11+$0x20] =	vst v0  }
0x17: {  	[tilespmem:s11+$0x30] =	vst v0  }
0x18: {  	[tilespmem:s11+$0x40] =	vst v0  }
0x19: {  	[tilespmem:s11+$0x50] =	vst v0  }
0x1a: {  	[tilespmem:s11+$0x60] =	vst v0;
	s11 =	simm.s32 $0x0  }
0x1b: {  	[tilespmem:s7], [sflag:$0x1] =	stream.linear.gather [hbm4b:s3+s11], $0x6200, $0x38;
	[tilespmem:$0x18800] =	vst v63  }
0x1c: {  	_ =	swait.ge [sflag:s8], $0x6200  }
0x1d: {  	[sflag:s8] =	ssyncset.done $0x0  }
0x1e: {  	[sflag:s8] =	ssyncadd.s32 $0xFFFF9E00  }
0x1f: {  	[tilespmem:s9], [sflag:$0x1] =	stream.linear.gather [hbm4b:s4+s11], $0x6200, $0x38;
	[tilespmem:$0x18800] =	vst v63  }
0x20: {  	_ =	swait.ge [sflag:s8], $0x6200  }
0x21: {  	[sflag:s8] =	ssyncset.done $0x0  }
0x22: {  	[sflag:s8] =	ssyncadd.s32 $0xFFFF9E00  }
.LBB2_4:
0x23: {  	s12 =	sshra.s32 s11, $0x2  }
0x24: {  	v2 =	vld [tilespmem:s12+$0xC400];
	_ =	sdelay $0x7  }
0x25: {  	[tilespmem:v2+s2+$0x0] =	vst.idx.msk $0xffff, v1  }
0x26: {  	v2 =	vld [tilespmem:s12+$0x12600];
	_ =	sdelay $0x7  }
0x27: {  	[tilespmem:v2+s2+$0x0] =	vst.idx.msk $0xffff, v1  }
0x28: {  	v2 =	vld [tilespmem:s12+$0xC410];
	_ =	sdelay $0x7  }
0x29: {  	[tilespmem:v2+s2+$0x0] =	vst.idx.msk $0xffff, v1  }
0x2a: {  	v2 =	vld [tilespmem:s12+$0x12610];
	_ =	sdelay $0x7  }
0x2b: {  	[tilespmem:v2+s2+$0x0] =	vst.idx.msk $0xffff, v1  }
0x2c: {  	v2 =	vld [tilespmem:s12+$0xC420];
	_ =	sdelay $0x7  }
0x2d: {  	[tilespmem:v2+s2+$0x0] =	vst.idx.msk $0xffff, v1  }
0x2e: {  	v2 =	vld [tilespmem:s12+$0x12620];
	_ =	sdelay $0x7  }
0x2f: {  	[tilespmem:v2+s2+$0x0] =	vst.idx.msk $0xffff, v1  }
0x30: {  	v2 =	vld [tilespmem:s12+$0xC430];
	_ =	sdelay $0x7  }
0x31: {  	[tilespmem:v2+s2+$0x0] =	vst.idx.msk $0xffff, v1  }
0x32: {  	v2 =	vld [tilespmem:s12+$0x12630];
	_ =	sdelay $0x7  }
0x33: {  	[tilespmem:v2+s2+$0x0] =	vst.idx.msk $0xffff, v1  }
0x34: {  	v2 =	vld [tilespmem:s12+$0xC440];
	_ =	sdelay $0x7  }
0x35: {  	[tilespmem:v2+s2+$0x0] =	vst.idx.msk $0xffff, v1  }
0x36: {  	v2 =	vld [tilespmem:s12+$0x12640];
	_ =	sdelay $0x7  }
0x37: {  	[tilespmem:v2+s2+$0x0] =	vst.idx.msk $0xffff, v1  }
0x38: {  	v2 =	vld [tilespmem:s12+$0xC450];
	_ =	sdelay $0x7  }
0x39: {  	[tilespmem:v2+s2+$0x0] =	vst.idx.msk $0xffff, v1  }
0x3a: {  	v2 =	vld [tilespmem:s12+$0x12650];
	_ =	sdelay $0x7  }
0x3b: {  	[tilespmem:v2+s2+$0x0] =	vst.idx.msk $0xffff, v1  }
0x3c: {  	v2 =	vld [tilespmem:s12+$0xC460];
	_ =	sdelay $0x7  }
0x3d: {  	[tilespmem:v2+s2+$0x0] =	vst.idx.msk $0xffff, v1  }
0x3e: {  	v2 =	vld [tilespmem:s12+$0x12660];
	_ =	sdelay $0x7  }
0x3f: {  	[tilespmem:v2+s2+$0x0] =	vst.idx.msk $0xffff, v1  }
0x40: {  	v2 =	vld [tilespmem:s12+$0xC470];
	_ =	sdelay $0x7  }
0x41: {  	[tilespmem:v2+s2+$0x0] =	vst.idx.msk $0xffff, v1  }
0x42: {  	v2 =	vld [tilespmem:s12+$0x12670];
	_ =	sdelay $0x2  }
0x43: {  	p0 =	sne.s32 s11, $0x18600  }
.Ltmp1:
0x44: {  	_ = 	snop;
	(pc) =	sbr.rel @p0 .LBB2_4-.Ltmp1, $2  }
0x45: {  	_ =	sdelay $0x2  }
0x46: {  	s11 =	sadd.s32 $0x200, s11;
	[tilespmem:v2+s2+$0x0] =	vst.idx.msk $0xffff, v1  }
0x47: {  	s10 =	sadd.s32 $0x1, s10  }
0x48: {  	p0 =	sne.s32 s10, s6  }
.Ltmp2:
0x49: {  	_ = 	snop;
	(pc) =	sbr.rel @p0 .LBB2_1-.Ltmp2, $4  }
0x4a: {  	[hbm4b:s5+s2] =	stream.linear.scatter [tilespmem:s2], [sflag:$0x1], $0xC400, $0x38;
	[tilespmem:$0x18800] =	vst v63  }
0x4b: {  	_ =	swait.ge [sflag:s8], $0xC400  }
0x4c: {  	[sflag:s8] =	ssyncset.done $0x0  }
0x4d: {  	[sflag:s8] =	ssyncadd.s32 $0xFFFF3C00  }
0x4e: {  	_ =	sfence.sel $0x180000  }
0x4f: {  	[bflag:$0x0] =	sbarrier.arrive $0xFFFF  }
0x50: {  	p0 =	sne.s32 s0, $0x0;
	_ =	strace $0x9000004D  }
0x51: {  	s0 =	sadd.s32 @!p0 $0x100000, s1;
	[bflag:$0x2] =	sbarrier.arrive $0xFFFF  }
0x52: {  	[sflag:s0] =	ssyncadd.tile.s32 @!p0 $0x1;
	_ =	shalt  }
.Lfunc_end2:
_tile_overlayer_lowered:
.L_overlay_start_2:
0x53: {  	(tag) =	ssettag $0x2  }
0x54: {  	s0 =	rddreg [dreg:$0x0];
	s2 =	stileid.u32  }
0x55: {  	s1 =	rddreg [dreg:$0x1];
	p0 =	sne.s32 s2, $0x0  }
0x56: {  	s3 =	rddreg [dreg:$0x2];
	[bflag:$0x3] =	sbarrier.arrive $0xFFFF;
	s2 =	simm.s32 @!p0 $0x1C01  }
0x57: {  	[timem:s3], [sflag:s2] =	dma.local @!p0 [hbm:s0], s1  }
0x58: {  	s0 =	simm.s32 @!p0 $0x1  }
0x59: {  	_ =	swait.ge @!p0 [sflag:s0], s1  }
0x5a: {  	s1 =	ssub.s32 @!p0 $0x0, s1;
	[sflag:s0] =	ssyncset.done @!p0 $0x0  }
0x5b: {  	[sflag:s0] =	ssyncadd.s32 @!p0 s1  }
0x5c: {  	[bflag:$0x3] =	sbarrier.arrive $0xFFFF  }
0x5d: {  	_ =	shalt  }

// kernel: kernel.16.cloned.1.call-start
scs
__scs_entry_jumppad:
0x0: {  	(pc) =	sbr.rel $0x88, $3  }
0x1: {  	(tag) =	ssettag $0x0;
	lr =	simm.s32 $0x1  }
0x2: {  	[smem:$0x3F94] =	sst lr;
	_ =	strace $0xD0000000  }
0x3: {  	_ = 	snop  }
0x4: {  	_ = 	snop  }
0x5: {  	_ = 	snop  }
0x6: {  	_ = 	snop  }
0x7: {  	_ = 	snop  }
__scs_overlays_trampoline_lowered:
0x8: {  	[smem:$0x3FA3] =	sst s0  }
0x9: {  	[smem:$0x3FA4] =	sst s1  }
0xa: {  	[smem:$0x3FA5] =	sst s2  }
0xb: {  	[smem:$0x3FA6] =	sst s3  }
0xc: {  	[smem:$0x3FA7] =	sst s4  }
0xd: {  	[smem:$0x3FA8] =	sst s5  }
0xe: {  	[smem:$0x3FA9] =	sst s6  }
0xf: {  	[smem:$0x3FAA] =	sst s7  }
0x10: {  	[smem:$0x3FAB] =	sst s8  }
0x11: {  	[smem:$0x3FAC] =	sst s9;
	s0 =	simm.s32 @!p0 $0x0  }
0x12: {  	s1 =	sld [smem:$0x3F92];
	s0 =	simm.s32 @p0 $0x1  }
0x13: {  	[smem:$0x3FAD] =	sst s0;
	s0 =	simm.s32 @!p1 $0x0  }
0x14: {  	s2 =	sld [smem:$0x3F91];
	s0 =	simm.s32 @p1 $0x1  }
0x15: {  	[smem:$0x3FAE] =	sst s0;
	s0 =	simm.s32 @!p2 $0x0  }
0x16: {  	s3 =	sld [smem:$0x3FDB];
	s0 =	simm.s32 @p2 $0x1  }
0x17: {  	s4 =	simm.s32 $0x1BF5;
	[smem:$0x3FB0] =	sst s0  }
0x18: {  	s0 =	sld [smem:$0x3F93];
	_ =	swait.ge [sflag:s4], $0x0  }
0x19: {  	s7 =	sld [smem:$0x3F94]  }
0x1a: {  	s8 =	sadd.s32 $0xFFFFE003, lr  }
0x1b: {  	s9 =	sadd.s32 $0xFFFFFEF7, lr;
	s5 =	simm.s32 $0xFFFFFFFF;
	p2 =	slt.u32 s8, $0xFFFFF086  }
0x1c: {  	p1 =	slt.u32 s9, $0xF7A;
	s5 =	simm.s32 @!p2 $0x0  }
0x1d: {  	s5 =	simm.s32 @p1 $0x1;
	p0 =	seq.s32 s7, s2  }
0x1e: {  	s7 =	smul.u32 @!p0 $0xF7A, s2;
	p2 =	seq.s32 @!p0 s5, $0x0  }
0x1f: {  	s9 =	smul.u32 $0xF7A, s1;
	s8 =	simm.s32 @!p0 $0x1BF5;
	p2 =	por !p2, p0  }
0x20: {  	[sflag:s8] =	ssyncset.s32 @!p0 $0xFFFFF086;
	s6 =	sadd.s32 @!p0 s3, s7;
	s7 =	simm.s32 @!p0 $0x108  }
0x21: {  	s3 =	sadd.s32 s3, s9;
	s6 =	sadd.s32 @!p0 $0x88, s6;
	s7 =	simm.s32 @p2 $0x1082  }
0x22: {  	[simem:s7], [sflag:s8] =	dma.local @!p0 [hbm:s6], $0xF7A  }
0x23: {  	s9 =	sor.u32 $0xD0000000, s2;
	s6 =	simm.s32 $0x108;
	_ =	swait.ge @!p0 [sflag:s8], $0x0  }
0x24: {  	s3 =	sadd.s32 $0x88, s3;
	s6 =	simm.s32 @!p1 $0x1082;
	[sflag:s4] =	ssyncset.s32 $0xFFFFF086  }
0x25: {  	[simem:s6], [sflag:s4] =	dma.local [hbm:s3], $0xF7A  }
0x26: {  	[smem:$0x3F94] =	sst s1;
	(tag) =	ssettag s2;
	_ =	strace s9  }
0x27: {  	s1 =	sld [smem:$0x3FA4]  }
0x28: {  	s2 =	sld [smem:$0x3FA5]  }
0x29: {  	s4 =	sld [smem:$0x3FA7]  }
0x2a: {  	p0 =	seq.s32 s5, $0x0;
	s5 =	sld [smem:$0x3FA8]  }
0x2b: {  	s6 =	sld [smem:$0x3FA9]  }
0x2c: {  	s7 =	sld [smem:$0x3FAA]  }
0x2d: {  	s3 =	simm.s32 $0x108;
	s8 =	sld [smem:$0x3FAB]  }
0x2e: {  	s3 =	simm.s32 @!p0 $0x1082;
	s9 =	sld [smem:$0x3FAC]  }
0x2f: {  	lr =	sadd.s32 s0, s3;
	s0 =	sld [smem:$0x3FA3]  }
0x30: {  	s3 =	sld [smem:$0x3FA6]  }
0x31: {  	[smem:$0x3FAF] =	sst s10  }
0x32: {  	s10 =	sld [smem:$0x3FAD];
	_ =	sdelay $0x3  }
0x33: {  	p0 =	seq.s32 s10, $0x1;
	s10 =	sld [smem:$0x3FAF];
	_ =	sdelay $0x3  }
0x34: {  	[smem:$0x3FAF] =	sst s10  }
0x35: {  	s10 =	sld [smem:$0x3FAE];
	_ =	sdelay $0x3  }
0x36: {  	p1 =	seq.s32 s10, $0x1;
	s10 =	sld [smem:$0x3FAF];
	_ =	sdelay $0x3  }
0x37: {  	[smem:$0x3FAF] =	sst s10  }
0x38: {  	s10 =	sld [smem:$0x3FB0]  }
0x39: {  	_ = 	snop;
	(pc) =	sbr.ind lr, $3  }
0x3a: {  	_ = 	snop  }
0x3b: {  	_ = 	snop  }
0x3c: {  	p2 =	seq.s32 s10, $0x1;
	s10 =	sld [smem:$0x3FAF]  }
0x3d: {  	_ =	shalt  }
0x3e: {  	_ =	shalt  }
0x3f: {  	_ =	shalt  }
0x40: {  	_ =	shalt  }
0x41: {  	_ =	shalt  }
0x42: {  	_ =	shalt  }
0x43: {  	_ =	shalt  }
0x44: {  	_ =	shalt  }
0x45: {  	_ =	shalt  }
0x46: {  	_ =	shalt  }
0x47: {  	_ =	shalt  }
0x48: {  	_ =	shalt  }
0x49: {  	_ =	shalt  }
0x4a: {  	_ =	shalt  }
0x4b: {  	_ =	shalt  }
0x4c: {  	_ =	shalt  }
0x4d: {  	_ =	shalt  }
0x4e: {  	_ =	shalt  }
0x4f: {  	_ =	shalt  }
0x50: {  	_ =	shalt  }
0x51: {  	_ =	shalt  }
0x52: {  	_ =	shalt  }
0x53: {  	_ =	shalt  }
0x54: {  	_ =	shalt  }
0x55: {  	_ =	shalt  }
0x56: {  	_ =	shalt  }
0x57: {  	_ =	shalt  }
0x58: {  	_ =	shalt  }
0x59: {  	_ =	shalt  }
0x5a: {  	_ =	shalt  }
0x5b: {  	_ =	shalt  }
0x5c: {  	_ =	shalt  }
0x5d: {  	_ =	shalt  }
0x5e: {  	_ =	shalt  }
0x5f: {  	_ =	shalt  }
0x60: {  	_ =	shalt  }
0x61: {  	_ =	shalt  }
0x62: {  	_ =	shalt  }
0x63: {  	_ =	shalt  }
0x64: {  	_ =	shalt  }
0x65: {  	_ =	shalt  }
0x66: {  	_ =	shalt  }
0x67: {  	_ =	shalt  }
0x68: {  	_ =	shalt  }
0x69: {  	_ =	shalt  }
0x6a: {  	_ =	shalt  }
0x6b: {  	_ =	shalt  }
0x6c: {  	_ =	shalt  }
0x6d: {  	_ =	shalt  }
0x6e: {  	_ =	shalt  }
0x6f: {  	_ =	shalt  }
0x70: {  	_ =	shalt  }
0x71: {  	_ =	shalt  }
0x72: {  	_ =	shalt  }
0x73: {  	_ =	shalt  }
0x74: {  	_ =	shalt  }
0x75: {  	_ =	shalt  }
0x76: {  	_ =	shalt  }
0x77: {  	_ =	shalt  }
0x78: {  	_ =	shalt  }
0x79: {  	_ =	shalt  }
0x7a: {  	_ =	shalt  }
0x7b: {  	_ =	shalt  }
0x7c: {  	_ =	shalt  }
0x7d: {  	_ =	shalt  }
0x7e: {  	_ =	shalt  }
0x7f: {  	_ =	shalt  }
0x80: {  	_ =	shalt  }
0x81: {  	_ =	shalt  }
0x82: {  	_ =	shalt  }
0x83: {  	_ =	shalt  }
0x84: {  	_ =	shalt  }
0x85: {  	_ =	shalt  }
0x86: {  	_ =	shalt  }
0x87: {  	_ =	shalt  }
.Lfunc_end0:
.L_simem_size_0:
called_computation.2_lowered:
.L_overlay_start_0:
0x88: {  	s2 =	sld [smem:$0x3FD9]  }
0x89: {  	s3 =	sld [smem:$0x3FFE];
	_ =	sdelay $0x1  }
0x8a: {  	s1 =	srdreg.scid  }
0x8b: {  	s0 =	sand.u32 $0x1, s1  }
0x8c: {  	s16 =	sshll.u32 s0, $0xA;
	s2 =	sadd.s32 s3, s2  }
0x8d: {  	s2 =	sadd.s32 s2, s16  }
0x8e: {  	[smem:$0x3FBB] =	sst s2  }
0x8f: {  	_ = 	snop  }
0x90: {  	(tm) =	ssettm $0x1  }
0x91: {  	s17 =	sld [smem:$0x3FFB];
	_ =	sdelay $0x3  }
0x92: {  	_ =	strace s17  }
0x93: {  	s2 =	sld [smem:$0x3FFC];
	_ =	sdelay $0x3  }
0x94: {  	_ =	strace s2  }
0x95: {  	s2 =	sld [smem:$0x3FFD];
	_ =	sdelay $0x3  }
0x96: {  	_ =	strace s2  }
0x97: {  	_ =	strace $0x8FFFFFFF  }
0x98: {  	s18 =	sld [smem:$0x3FDB];
	_ =	sdelay $0x1  }
0x99: {  	s19 =	simm.s32 $_scs_section_size  }
0x9a: {  	s4 =	simm.s32 $_size__tile_overlayer_lowered;
	s5 =	simm.s32 $_tile_overlayer_lowered  }
0x9b: {  	s22 =	simm.s32 $0x1BFF;
	s21 =	sshll.u32 s5, $0x1;
	s2 =	sadd.s32 s19, s18  }
0x9c: {  	s6 =	simm.s32 $0x0;
	s20 =	sshll.u32 s4, $0x1;
	s4 =	sadd.s32 s21, s2  }
0x9d: {  	[timem:s6], [sflag:s22] =	dma.local [hbm:s4], s20  }
0x9e: {  	_ =	swait.ge [sflag:s22], s20  }
0x9f: {  	s3 =	ssub.s32 $0x0, s20;
	[sflag:s22] =	ssyncset.done $0x0  }
0xa0: {  	[sflag:s22] =	ssyncadd.s32 s3;
	_ =	sdelay $0x1  }
0xa1: {  	s23 =	simm.s32 $0x1B8B  }
0xa2: {  	_ =	swait.ge [sflag:s23], $0x1  }
0xa3: {  	[sflag:s23] =	ssyncset.done $0x0  }
0xa4: {  	s25 =	simm.s32 $0x1B8E;
	s24 =	sld [smem:$0x3FFE];
	[sflag:s23] =	ssyncadd.s32 $0xFFFFFFFF  }
0xa5: {  	s26 =	simm.s32 $execute0_lowered;
	[smem:$0x3FD2] =	sst s25  }
0xa6: {  	s4 =	sshll.u32 s26, $0x1;
	_ =	strace $0x80000049;
	[dreg:$0x1] =	wrdreg $0xFFFFFFFF  }
0xa7: {  	s28 =	simm.s32 $_size_execute0_lowered;
	s2 =	sadd.s32 s2, s4;
	[dreg:$0x0] =	wrdreg $0x0  }
0xa8: {  	s4 =	sshll.u32 s28, $0x1;
	[dreg:$0x2] =	wrdreg s2  }
0xa9: {  	[dreg:$0x3] =	wrdreg s4  }
0xaa: {  	[dreg:$0x4] =	wrdreg $0xC0  }
0xab: {  	_ =	task [dreg:s6], $0x5FFFF  }
0xac: {  	[dreg:$0x1] =	wrdreg $0xFFFFFFFF  }
0xad: {  	[dreg:$0x0] =	wrdreg $0x60  }
0xae: {  	[dreg:$0x2] =	wrdreg s24  }
0xaf: {  	[dreg:$0x3] =	wrdreg $0x5A800  }
0xb0: {  	[dreg:$0x4] =	wrdreg $0xA  }
0xb1: {  	_ =	task.clear_ibuf [dreg:s6], $0x5FFFF;
	_ =	strace $0x90000049  }
0xb2: {  	s29 =	simm.s32 $0xA;
	_ =	strace $0x8000004B  }
0xb3: {  	_ =	swait.ge [sflag:s29], $0x1  }
0xb4: {  	[sflag:s29] =	ssyncadd.s32 $0xFFFFFFFF  }
0xb5: {  	_ =	strace $0x9000004B  }
0xb6: {  	_ =	sfence  }
0xb7: {  	s30 =	sld [smem:$0x0];
	_ =	sdelay $0x2  }
0xb8: {  	s31 =	sshll.u32 s1, $0xD;
	s1 =	sshrl.u32 s1, $0x2  }
0xb9: {  	s3 =	sand.u32 $0x4000, s31;
	s1 =	sadd.s32 s1, s30  }
0xba: {  	s0 =	sor.u32 s3, s0;
	s1 =	sshll.u32 s1, $0x11  }
0xbb: {  	s0 =	sor.u32 s1, s0  }
0xbc: {  	s0 =	sadd.s32 $0x8F2B, s0  }
0xbd: {  	[sflag:s0] =	ssyncadd.remote.s32 $0x1  }
0xbe: {  	_ =	sfence.sel $0xFFFF  }
0xbf: {  	[dreg:$0x0] =	wrdreg $0xFFFFFFFF;
	(pc) =	sbr.abs _section_cstart, $3  }
0xc0: {  	[dreg:$0x1] =	wrdreg $0xFFFFFFFF  }
0xc1: {  	_ =	task.clear_ibuf [dreg:s6], $0x2FFFF;
	_ =	strace $0x9FFFFFFF  }
0xc2: {  	(tm) =	ssettm $0x7FFFFFFF  }
0xc3: {  	_ =	shalt  }
tec
execute0_lowered:
.L_overlay_start_1:
0x0: {  	(tag) =	ssettag $0x1  }
0x1: {  	s0 =	rddreg [dreg:$0x0]  }
0x2: {  	s1 =	rddreg [dreg:$0x1];
	s12 =	stileid.u32  }
0x3: {  	s2 =	srdreg.scid;
	s5 =	smul.u32 $0x18800, s12  }
0x4: {  	s3 =	simm.s32 $0x0;
	s2 =	sand.u32 $0x1, s2;
	s16 =	smul.u32 $0x62000, s12  }
0x5: {  	[smem:$0x7FF] =	sst s3;
	s6 =	sshll.u32 s12, $0x1;
	s18 =	smul.u32 $0xC400, s12  }
0x6: {  	s7 =	sadd.s32 $0x769800, s0;
	s8 =	sadd.s32 $0x6800, s0;
	s4 =	smul.u32 $0x188000, s2  }
0x7: {  	s6 =	sor.u32 s2, s6;
	s9 =	ssub.s32 $0x2, s2;
	s2 =	smul.u32 $0x6200, s2  }
0x8: {  	_ =	strace $0x8000004A;
	s22 =	smul.u32 $0x6200, s6;
	s10 =	sshrl.u32 s9, $0x1  }
0x9: {  	s6 =	smul.u32 $0x18800, s6;
	s4 =	sadd.s32 s5, s4;
	s23 =	ssub.s32 s9, s10  }
0xa: {  	s9 =	sshrl.u32 s16, $0x2;
	s2 =	sadd.s32 s2, s18;
	s4 =	sshrl.u32 s4, $0x3  }
0xb: {  	s11 =	sshrl.u32 s22, $0x3;
	s6 =	sadd.s32 s7, s6;
	s25 =	sor.u32 $0x100, s22  }
0xc: {  	s26 =	sadd.s32 $0x200, s22;
	s5 =	sadd.s32 $0x6100, s22;
	s12 =	sadd.s32 s9, s1  }
0xd: {  	s21 =	sadd.s32 $0x400, s2;
	s2 =	sadd.s32 $0x300, s2;
	s9 =	simm.s32 $0x2200  }
0xe: {  	s0 =	sadd.s32 s4, s0;
	s24 =	sadd.s32 s8, s11;
	[dreg:$0x4] =	wrdreg s6  }
0xf: {  	s11 =	sshrl.u32 s25, $0x3;
	s6 =	sshll.u32 s25, $0x2;
	s13 =	sshrl.u32 s26, $0x3  }
0x10: {  	s15 =	sshll.u32 s26, $0x2;
	s17 =	sshrl.u32 s5, $0x3;
	s5 =	sshll.u32 s5, $0x2  }
0x11: {  	s4 =	smax.u32 s23, $0x1;
	s19 =	sadd.s32 $0x3100, s12;
	s20 =	sadd.s32 $0x4980, s12  }
0x12: {  	s22 =	sadd.s32 $0x6200, s12;
	s23 =	sshll.u32 s21, $0x2;
	s25 =	sshll.u32 s2, $0x2  }
0x13: {  	s2 =	sshrl.u32 s2, $0x3;
	s26 =	sadd.s32 $0x9300, s12;
	[dreg:$0x3] =	wrdreg s24  }
0x14: {  	s28 =	sadd.s32 $0xDC80, s12;
	s29 =	sadd.s32 $0xF500, s12;
	[dreg:$0xb] =	wrdreg s4  }
0x15: {  	s30 =	sadd.s32 $0x10D80, s12;
	s31 =	sadd.s32 $0x12600, s12;
	[dreg:$0xc] =	wrdreg s19  }
0x16: {  	s10 =	sadd.s32 s8, s11;
	s6 =	sadd.s32 s7, s6;
	[dreg:$0xd] =	wrdreg s20  }
0x17: {  	s14 =	sadd.s32 s8, s13;
	s5 =	sadd.s32 s7, s5;
	[dreg:$0xe] =	wrdreg s22  }
0x18: {  	s24 =	sadd.s32 $0x7A80, s12;
	s19 =	sadd.s32 s23, s7;
	s4 =	sshrl.u32 s21, $0x3  }
0x19: {  	s20 =	sadd.s32 s25, s7;
	[dreg:$0x10] =	wrdreg s26;
	s23 =	sadd.s32 s2, s8  }
0x1a: {  	s25 =	sadd.s32 $0x113600, s0;
	s26 =	sadd.s32 $0xC400, s12;
	[dreg:$0x5] =	wrdreg s10  }
0x1b: {  	s0 =	sadd.s32 $0x13E80, s12;
	s2 =	sadd.s32 $0x15700, s12;
	[dreg:$0x6] =	wrdreg s6  }
0x1c: {  	s11 =	simm.s32 $0x2;
	s13 =	simm.s32 $0x0;
	[dreg:$0x7] =	wrdreg s14  }
0x1d: {  	s6 =	sadd.s32 s7, s15;
	[dreg:$0xa] =	wrdreg s5;
	s14 =	sadd.s32 $0x1880, s12  }
0x1e: {  	[dreg:$0xf] =	wrdreg s24;
	s22 =	sadd.s32 s4, s8;
	s24 =	sadd.s32 $0xAB80, s12  }
0x1f: {  	s4 =	sadd.s32 $0x16F80, s12;
	s5 =	simm.s32 $0x4200;
	s7 =	simm.s32 $0x200  }
0x20: {  	s10 =	simm.s32 $0x1;
	[dreg:$0x8] =	wrdreg s6;
	s6 =	sadd.s32 s8, s17  }
0x21: {  	v0 =	vimm.f32 $0.0e+00;
	s8 =	simm.s32 $0x100;
	[dreg:$0x9] =	wrdreg s6;
	s6 =	simm.s32 $0x3  }
.LBB2_1:
0x22: {  	s15 =	simm.s32 $0x80;
	s16 =	simm.s32 $0x0  }
.LBB2_2:
0x23: {  	p0 =	sne.s32 s15, $0x6180;
	[tilespmem:s16+$0x4200] =	vst v0;
	s17 =	smov.u32 s15;
	s15 =	sadd.s32 $0x80, s15  }
.Ltmp0:
0x24: {  	[tilespmem:s16+$0x4210] =	vst v0;
	(pc) =	sbr.rel @p0 .LBB2_2-.Ltmp0, $2  }
0x25: {  	_ =	sdelay $0x2  }
0x26: {  	s16 =	sshra.s32 s17, $0x2  }
0x27: {  	[tilespmem:s16+$0x4200] =	vst v0  }
0x28: {  	[tilespmem:s16+$0x4210] =	vst v0  }
0x29: {  	[spmem:s12] =	stream.linear.scatter [tilespmem:s5], [sflag:$0x3], $0x1880, $0x38;
	[tilespmem:$0x1E280] =	vst v63  }
0x2a: {  	_ =	swait.ge [sflag:s6], $0x1880  }
0x2b: {  	[sflag:s6] =	ssyncset.done $0x0  }
0x2c: {  	[sflag:s6] =	ssyncadd.s32 $0xFFFFE780  }
0x2d: {  	[spmem:s14] =	stream.linear.scatter [tilespmem:s5], [sflag:$0x3], $0x1880, $0x38;
	[tilespmem:$0x1E280] =	vst v63  }
0x2e: {  	_ =	swait.ge [sflag:s6], $0x1880  }
0x2f: {  	[sflag:s6] =	ssyncset.done $0x0  }
0x30: {  	s15 =	rddreg [dreg:$0xc];
	[sflag:s6] =	ssyncadd.s32 $0xFFFFE780  }
0x31: {  	[spmem:s15] =	stream.linear.scatter [tilespmem:s5], [sflag:$0x3], $0x1880, $0x38;
	[tilespmem:$0x1E280] =	vst v63  }
0x32: {  	_ =	swait.ge [sflag:s6], $0x1880  }
0x33: {  	[sflag:s6] =	ssyncset.done $0x0  }
0x34: {  	s18 =	rddreg [dreg:$0xd];
	[sflag:s6] =	ssyncadd.s32 $0xFFFFE780  }
0x35: {  	[spmem:s18] =	stream.linear.scatter [tilespmem:s5], [sflag:$0x3], $0x1880, $0x38;
	[tilespmem:$0x1E280] =	vst v63  }
0x36: {  	_ =	swait.ge [sflag:s6], $0x1880  }
0x37: {  	[sflag:s6] =	ssyncset.done $0x0  }
0x38: {  	s21 =	rddreg [dreg:$0xe];
	[sflag:s6] =	ssyncadd.s32 $0xFFFFE780  }
0x39: {  	[spmem:s21] =	stream.linear.scatter [tilespmem:s5], [sflag:$0x3], $0x1880, $0x38;
	[tilespmem:$0x1E280] =	vst v63  }
0x3a: {  	_ =	swait.ge [sflag:s6], $0x1880  }
0x3b: {  	[sflag:s6] =	ssyncset.done $0x0  }
0x3c: {  	s16 =	rddreg [dreg:$0xf];
	[sflag:s6] =	ssyncadd.s32 $0xFFFFE780  }
0x3d: {  	[spmem:s16] =	stream.linear.scatter [tilespmem:s5], [sflag:$0x3], $0x1880, $0x38;
	[tilespmem:$0x1E280] =	vst v63  }
0x3e: {  	_ =	swait.ge [sflag:s6], $0x1880  }
0x3f: {  	[sflag:s6] =	ssyncset.done $0x0  }
0x40: {  	s17 =	rddreg [dreg:$0x10];
	[sflag:s6] =	ssyncadd.s32 $0xFFFFE780  }
0x41: {  	[spmem:s17] =	stream.linear.scatter [tilespmem:s5], [sflag:$0x3], $0x1880, $0x38;
	[tilespmem:$0x1E280] =	vst v63  }
0x42: {  	_ =	swait.ge [sflag:s6], $0x1880  }
0x43: {  	[sflag:s6] =	ssyncset.done $0x0  }
0x44: {  	[sflag:s6] =	ssyncadd.s32 $0xFFFFE780  }
0x45: {  	[spmem:s24] =	stream.linear.scatter [tilespmem:s5], [sflag:$0x3], $0x1880, $0x38;
	[tilespmem:$0x1E280] =	vst v63  }
0x46: {  	_ =	swait.ge [sflag:s6], $0x1880  }
0x47: {  	[sflag:s6] =	ssyncset.done $0x0  }
0x48: {  	[sflag:s6] =	ssyncadd.s32 $0xFFFFE780  }
0x49: {  	[spmem:s26] =	stream.linear.scatter [tilespmem:s5], [sflag:$0x3], $0x1880, $0x38;
	[tilespmem:$0x1E280] =	vst v63  }
0x4a: {  	_ =	swait.ge [sflag:s6], $0x1880  }
0x4b: {  	[sflag:s6] =	ssyncset.done $0x0  }
0x4c: {  	[sflag:s6] =	ssyncadd.s32 $0xFFFFE780  }
0x4d: {  	[spmem:s28] =	stream.linear.scatter [tilespmem:s5], [sflag:$0x3], $0x1880, $0x38;
	[tilespmem:$0x1E280] =	vst v63  }
0x4e: {  	_ =	swait.ge [sflag:s6], $0x1880  }
0x4f: {  	[sflag:s6] =	ssyncset.done $0x0  }
0x50: {  	[sflag:s6] =	ssyncadd.s32 $0xFFFFE780  }
0x51: {  	[spmem:s29] =	stream.linear.scatter [tilespmem:s5], [sflag:$0x3], $0x1880, $0x38;
	[tilespmem:$0x1E280] =	vst v63  }
0x52: {  	_ =	swait.ge [sflag:s6], $0x1880  }
0x53: {  	[sflag:s6] =	ssyncset.done $0x0  }
0x54: {  	[sflag:s6] =	ssyncadd.s32 $0xFFFFE780  }
0x55: {  	[spmem:s30] =	stream.linear.scatter [tilespmem:s5], [sflag:$0x3], $0x1880, $0x38;
	[tilespmem:$0x1E280] =	vst v63  }
0x56: {  	_ =	swait.ge [sflag:s6], $0x1880  }
0x57: {  	[sflag:s6] =	ssyncset.done $0x0  }
0x58: {  	[sflag:s6] =	ssyncadd.s32 $0xFFFFE780  }
0x59: {  	[spmem:s31] =	stream.linear.scatter [tilespmem:s5], [sflag:$0x3], $0x1880, $0x38;
	[tilespmem:$0x1E280] =	vst v63  }
0x5a: {  	_ =	swait.ge [sflag:s6], $0x1880  }
0x5b: {  	[sflag:s6] =	ssyncset.done $0x0  }
0x5c: {  	[sflag:s6] =	ssyncadd.s32 $0xFFFFE780  }
0x5d: {  	[spmem:s0] =	stream.linear.scatter [tilespmem:s5], [sflag:$0x3], $0x1880, $0x38;
	[tilespmem:$0x1E280] =	vst v63  }
0x5e: {  	_ =	swait.ge [sflag:s6], $0x1880  }
0x5f: {  	[sflag:s6] =	ssyncset.done $0x0  }
0x60: {  	[sflag:s6] =	ssyncadd.s32 $0xFFFFE780  }
0x61: {  	[spmem:s2] =	stream.linear.scatter [tilespmem:s5], [sflag:$0x3], $0x1880, $0x38;
	[tilespmem:$0x1E280] =	vst v63  }
0x62: {  	_ =	swait.ge [sflag:s6], $0x1880  }
0x63: {  	[sflag:s6] =	ssyncset.done $0x0  }
0x64: {  	[sflag:s6] =	ssyncadd.s32 $0xFFFFE780  }
0x65: {  	[spmem:s4] =	stream.linear.scatter [tilespmem:s5], [sflag:$0x3], $0x1880, $0x38;
	[tilespmem:$0x1E280] =	vst v63  }
0x66: {  	_ =	swait.ge [sflag:s6], $0x1880  }
0x67: {  	[sflag:s6] =	ssyncset.done $0x0  }
0x68: {  	[sflag:s6] =	ssyncadd.s32 $0xFFFFE780  }
0x69: {  	[bflag:$0x0] =	sbarrier.arrive $0xFFFF  }
0x6a: {  	s15 =	simm.s32 $0x0;
	s18 =	rddreg [dreg:$0x3]  }
0x6b: {  	[tilespmem:s15], [sflag:$0x3] =	stream.linear.gather [hbm4b:s18+s15], $0x100, $0x38;
	[tilespmem:$0x1E280] =	vst v63  }
0x6c: {  	_ =	swait.ge [sflag:s6], $0x100  }
0x6d: {  	[sflag:s6] =	ssyncset.done $0x0  }
0x6e: {  	s21 =	rddreg [dreg:$0x4];
	[sflag:s6] =	ssyncadd.s32 $0xFFFFFF00  }
0x6f: {  	[tilespmem:s7], [sflag:$0x3] =	stream.linear.gather [hbm4b:s21+s15], $0x2000, $0x38;
	[tilespmem:$0x1E280] =	vst v63  }
0x70: {  	_ =	swait.ge [sflag:s6], $0x2000  }
0x71: {  	[sflag:s6] =	ssyncset.done $0x0  }
0x72: {  	[sflag:s6] =	ssyncadd.s32 $0xFFFFE000  }
0x73: {  	[spmem:s1] =	stream.indirect.scatter.add.f32 [tilespmem:s7], [sflag:$0x1], $0x20, s15, s8, $0xb8;
	[tilespmem:$0x1E280] =	vst v63  }
0x74: {  	s17 =	rddreg [dreg:$0x5]  }
0x75: {  	[tilespmem:s8], [sflag:$0x3] =	stream.linear.gather [hbm4b:s17+s15], $0x100, $0x38;
	[tilespmem:$0x1E280] =	vst v63  }
0x76: {  	_ =	swait.ge [sflag:s6], $0x100  }
0x77: {  	[sflag:s6] =	ssyncset.done $0x0  }
0x78: {  	s18 =	rddreg [dreg:$0x6];
	[sflag:s6] =	ssyncadd.s32 $0xFFFFFF00  }
0x79: {  	[tilespmem:s9], [sflag:$0x3] =	stream.linear.gather [hbm4b:s18+s15], $0x2000, $0x38;
	[tilespmem:$0x1E280] =	vst v63  }
0x7a: {  	_ =	swait.ge [sflag:s6], $0x2000  }
0x7b: {  	[sflag:s6] =	ssyncset.done $0x0  }
0x7c: {  	[sflag:s6] =	ssyncadd.s32 $0xFFFFE000  }
0x7d: {  	[spmem:s1] =	stream.indirect.scatter.add.f32 [tilespmem:s9], [sflag:$0x2], $0x20, s8, s8, $0xb8;
	[tilespmem:$0x1E280] =	vst v63  }
0x7e: {  	_ =	swait.ge [sflag:s10], $0x2000  }
0x7f: {  	[sflag:s10] =	ssyncset.done $0x0  }
0x80: {  	s21 =	rddreg [dreg:$0x7];
	[sflag:s10] =	ssyncadd.s32 $0xFFFFE000  }
0x81: {  	[tilespmem:s15], [sflag:$0x3] =	stream.linear.gather [hbm4b:s21+s15], $0x100, $0x38;
	[tilespmem:$0x1E280] =	vst v63  }
0x82: {  	_ =	swait.ge [sflag:s6], $0x100  }
0x83: {  	[sflag:s6] =	ssyncset.done $0x0  }
0x84: {  	s17 =	rddreg [dreg:$0x8];
	[sflag:s6] =	ssyncadd.s32 $0xFFFFFF00  }
0x85: {  	[tilespmem:s7], [sflag:$0x3] =	stream.linear.gather [hbm4b:s17+s15], $0x2000, $0x38;
	[tilespmem:$0x1E280] =	vst v63  }
0x86: {  	_ =	swait.ge [sflag:s6], $0x2000  }
0x87: {  	[sflag:s6] =	ssyncset.done $0x0  }
0x88: {  	[sflag:s6] =	ssyncadd.s32 $0xFFFFE000  }
0x89: {  	[spmem:s1] =	stream.indirect.scatter.add.f32 [tilespmem:s7], [sflag:$0x1], $0x20, s15, s8, $0xb8;
	[tilespmem:$0x1E280] =	vst v63  }
0x8a: {  	_ =	swait.ge [sflag:s11], $0x2000  }
0x8b: {  	[sflag:s11] =	ssyncset.done $0x0  }
0x8c: {  	s18 =	sadd.s32 $0x0, s23;
	[sflag:s11] =	ssyncadd.s32 $0xFFFFE000  }
0x8d: {  	[tilespmem:s8], [sflag:$0x3] =	stream.linear.gather [hbm4b:s18+s3], $0x100, $0x38;
	[tilespmem:$0x1E280] =	vst v63  }
0x8e: {  	_ =	swait.ge [sflag:s6], $0x100  }
0x8f: {  	[sflag:s6] =	ssyncset.done $0x0  }
0x90: {  	[sflag:s6] =	ssyncadd.s32 $0xFFFFFF00  }
0x91: {  	[tilespmem:s9], [sflag:$0x3] =	stream.linear.gather [hbm4b:s20+s3], $0x2000, $0x38;
	[tilespmem:$0x1E280] =	vst v63  }
0x92: {  	_ =	swait.ge [sflag:s6], $0x2000  }
0x93: {  	[sflag:s6] =	ssyncset.done $0x0  }
0x94: {  	[sflag:s6] =	ssyncadd.s32 $0xFFFFE000  }
0x95: {  	[spmem:s1] =	stream.indirect.scatter.add.f32 [tilespmem:s9], [sflag:$0x2], $0x20, s8, s8, $0xb8;
	[tilespmem:$0x1E280] =	vst v63  }
0x96: {  	_ =	swait.ge [sflag:s10], $0x2000  }
0x97: {  	[sflag:s10] =	ssyncset.done $0x0  }
0x98: {  	s21 =	sadd.s32 $0x0, s22;
	[sflag:s10] =	ssyncadd.s32 $0xFFFFE000  }
0x99: {  	[tilespmem:s3], [sflag:$0x3] =	stream.linear.gather [hbm4b:s21+s3], $0x100, $0x38;
	[tilespmem:$0x1E280] =	vst v63  }
0x9a: {  	_ =	swait.ge [sflag:s6], $0x100  }
0x9b: {  	[sflag:s6] =	ssyncset.done $0x0  }
0x9c: {  	[sflag:s6] =	ssyncadd.s32 $0xFFFFFF00  }
0x9d: {  	[tilespmem:s7], [sflag:$0x3] =	stream.linear.gather [hbm4b:s19+s3], $0x2000, $0x38;
	[tilespmem:$0x1E280] =	vst v63  }
0x9e: {  	_ =	swait.ge [sflag:s6], $0x2000  }
0x9f: {  	s16 =	sadd.s32 $0x800, s19;
	[sflag:s6] =	ssyncset.done $0x0  }
0xa0: {  	s17 =	sadd.s32 $0x800, s20;
	s15 =	simm.s32 $0x40;
	[sflag:s6] =	ssyncadd.s32 $0xFFFFE000  }
.LBB2_4:
0xa1: {  	[spmem:s1] =	stream.indirect.scatter.add.f32 [tilespmem:s7], [sflag:$0x1], $0x20, s3, s8, $0xb8;
	[tilespmem:$0x1E280] =	vst v63  }
0xa2: {  	s18 =	smov.u32 s15  }
0xa3: {  	p0 =	sne.s32 s15, $0xB80;
	s15 =	sadd.s32 $0x40, s15;
	_ =	swait.ge [sflag:s11], $0x2000  }
0xa4: {  	[sflag:s11] =	ssyncset.done $0x0  }
0xa5: {  	s21 =	sadd.s32 s18, s23;
	[sflag:s11] =	ssyncadd.s32 $0xFFFFE000  }
0xa6: {  	[tilespmem:s8], [sflag:$0x3] =	stream.linear.gather [hbm4b:s21+s3], $0x100, $0x38;
	[tilespmem:$0x1E280] =	vst v63  }
0xa7: {  	_ =	swait.ge [sflag:s6], $0x100  }
0xa8: {  	[sflag:s6] =	ssyncset.done $0x0  }
0xa9: {  	[sflag:s6] =	ssyncadd.s32 $0xFFFFFF00  }
0xaa: {  	[tilespmem:s9], [sflag:$0x3] =	stream.linear.gather [hbm4b:s17+s3], $0x2000, $0x38;
	[tilespmem:$0x1E280] =	vst v63  }
0xab: {  	_ =	swait.ge [sflag:s6], $0x2000  }
0xac: {  	[sflag:s6] =	ssyncset.done $0x0  }
0xad: {  	[sflag:s6] =	ssyncadd.s32 $0xFFFFE000  }
0xae: {  	[spmem:s1] =	stream.indirect.scatter.add.f32 [tilespmem:s9], [sflag:$0x2], $0x20, s8, s8, $0xb8;
	[tilespmem:$0x1E280] =	vst v63  }
0xaf: {  	_ =	swait.ge [sflag:s10], $0x2000  }
0xb0: {  	[sflag:s10] =	ssyncset.done $0x0  }
0xb1: {  	s18 =	sadd.s32 s18, s22;
	[sflag:s10] =	ssyncadd.s32 $0xFFFFE000  }
0xb2: {  	[tilespmem:s3], [sflag:$0x3] =	stream.linear.gather [hbm4b:s18+s3], $0x100, $0x38;
	[tilespmem:$0x1E280] =	vst v63  }
0xb3: {  	_ =	swait.ge [sflag:s6], $0x100  }
0xb4: {  	[sflag:s6] =	ssyncset.done $0x0  }
.Ltmp1:
0xb5: {  	[sflag:s6] =	ssyncadd.s32 $0xFFFFFF00;
	(pc) =	sbr.rel @p0 .LBB2_4-.Ltmp1, $4  }
0xb6: {  	[tilespmem:s7], [sflag:$0x3] =	stream.linear.gather [hbm4b:s16+s3], $0x2000, $0x38;
	[tilespmem:$0x1E280] =	vst v63  }
0xb7: {  	_ =	swait.ge [sflag:s6], $0x2000  }
0xb8: {  	[sflag:s6] =	ssyncset.done $0x0  }
0xb9: {  	s17 =	sadd.s32 $0x800, s17;
	s16 =	sadd.s32 $0x800, s16;
	[sflag:s6] =	ssyncadd.s32 $0xFFFFE000  }
0xba: {  	[spmem:s1] =	stream.indirect.scatter.add.f32 [tilespmem:s7], [sflag:$0x1], $0x20, s3, s8, $0xb8;
	[tilespmem:$0x1E280] =	vst v63  }
0xbb: {  	_ =	swait.ge [sflag:s11], $0x2000  }
0xbc: {  	[sflag:s11] =	ssyncset.done $0x0  }
0xbd: {  	s15 =	simm.s32 $0x0;
	s16 =	rddreg [dreg:$0x9];
	[sflag:s11] =	ssyncadd.s32 $0xFFFFE000  }
0xbe: {  	[tilespmem:s8], [sflag:$0x3] =	stream.linear.gather [hbm4b:s16+s15], $0x100, $0x38;
	[tilespmem:$0x1E280] =	vst v63  }
0xbf: {  	_ =	swait.ge [sflag:s6], $0x100  }
0xc0: {  	[sflag:s6] =	ssyncset.done $0x0  }
0xc1: {  	s17 =	rddreg [dreg:$0xa];
	[sflag:s6] =	ssyncadd.s32 $0xFFFFFF00  }
0xc2: {  	[tilespmem:s9], [sflag:$0x3] =	stream.linear.gather [hbm4b:s17+s15], $0x2000, $0x38;
	[tilespmem:$0x1E280] =	vst v63  }
0xc3: {  	_ =	swait.ge [sflag:s6], $0x2000  }
0xc4: {  	[sflag:s6] =	ssyncset.done $0x0  }
0xc5: {  	[sflag:s6] =	ssyncadd.s32 $0xFFFFE000  }
0xc6: {  	[spmem:s1] =	stream.indirect.scatter.add.f32 [tilespmem:s9], [sflag:$0x2], $0x20, s8, s8, $0xb8;
	[tilespmem:$0x1E280] =	vst v63  }
0xc7: {  	_ =	swait.ge [sflag:s10], $0x2000  }
0xc8: {  	[sflag:s10] =	ssyncset.done $0x0  }
0xc9: {  	[sflag:s10] =	ssyncadd.s32 $0xFFFFE000  }
0xca: {  	_ =	swait.ge [sflag:s11], $0x2000  }
0xcb: {  	s18 =	stileid.u32;
	[sflag:s11] =	ssyncset.done $0x0  }
0xcc: {  	s21 =	sadd.s32 $0x0, s25;
	s15 =	sshll.u32 s18, $0x6;
	[sflag:s11] =	ssyncadd.s32 $0xFFFFE000  }
0xcd: {  	s17 =	sshrl.u32 s12, $0x3;
	s15 =	sor.u32 $0x1C03, s15;
	[bflag:$0x0] =	sbarrier.arrive $0xFFFF  }
0xce: {  	[hbm:s21], [sflag:s15] =	dma.local [spmem:s17], $0x310  }
0xcf: {  	s16 =	simm.s32 $0x310;
	s17 =	smov.u32 s14;
	_ =	swait.ge [sflag:s6], $0x310  }
.LBB2_6:
0xd0: {  	s18 =	sadd.s32 s16, s25;
	[sflag:s6] =	ssyncset.done $0x0;
	p0 =	sne.s32 s16, $0x2DF0  }
.Ltmp2:
0xd1: {  	s21 =	sshrl.u32 s17, $0x3;
	[sflag:s6] =	ssyncadd.s32 $0xFFFFFCF0;
	(pc) =	sbr.rel @p0 .LBB2_6-.Ltmp2, $3  }
0xd2: {  	[hbm:s18], [sflag:s15] =	dma.local [spmem:s21], $0x310  }
0xd3: {  	s16 =	sadd.s32 $0x310, s16;
	_ =	sdelay $0x1  }
0xd4: {  	s17 =	sadd.s32 $0x1880, s17;
	_ =	swait.ge [sflag:s6], $0x310  }
0xd5: {  	s13 =	sadd.s32 $0x1, s13;
	s15 =	rddreg [dreg:$0xb]  }
0xd6: {  	p0 =	sne.s32 s13, s15  }
.Ltmp3:
0xd7: {  	_ = 	snop;
	(pc) =	sbr.rel @p0 .LBB2_1-.Ltmp3, $3  }
0xd8: {  	_ =	sdelay $0x1  }
0xd9: {  	[sflag:s6] =	ssyncset.done $0x0  }
0xda: {  	[sflag:s6] =	ssyncadd.s32 $0xFFFFFCF0  }
0xdb: {  	_ =	sfence.sel $0x180000  }
0xdc: {  	[bflag:$0x0] =	sbarrier.arrive $0xFFFF  }
0xdd: {  	_ =	strace $0x9000004A  }
0xde: {  	s0 =	stileid.u32;
	[bflag:$0x2] =	sbarrier.arrive $0xFFFF  }
0xdf: {  	p0 =	sne.s32 s0, $0x0;
	s0 =	rddreg [dreg:$0x2]  }
0xe0: {  	s0 =	sadd.s32 @!p0 $0x100000, s0  }
0xe1: {  	[sflag:s0] =	ssyncadd.tile.s32 @!p0 $0x1;
	_ =	shalt  }
.Lfunc_end2:
_tile_overlayer_lowered:
.L_overlay_start_2:
0xe2: {  	(tag) =	ssettag $0x2  }
0xe3: {  	s0 =	rddreg [dreg:$0x0];
	s2 =	stileid.u32  }
0xe4: {  	s1 =	rddreg [dreg:$0x1];
	p0 =	sne.s32 s2, $0x0  }
0xe5: {  	s3 =	rddreg [dreg:$0x2];
	[bflag:$0x3] =	sbarrier.arrive $0xFFFF;
	s2 =	simm.s32 @!p0 $0x1C03  }
0xe6: {  	[timem:s3], [sflag:s2] =	dma.local @!p0 [hbm:s0], s1  }
0xe7: {  	s0 =	simm.s32 @!p0 $0x3  }
0xe8: {  	_ =	swait.ge @!p0 [sflag:s0], s1  }
0xe9: {  	s1 =	ssub.s32 @!p0 $0x0, s1;
	[sflag:s0] =	ssyncset.done @!p0 $0x0  }
0xea: {  	[sflag:s0] =	ssyncadd.s32 @!p0 s1  }
0xeb: {  	[bflag:$0x3] =	sbarrier.arrive $0xFFFF  }
0xec: {  	_ =	shalt  }

// kernel: kernel.19.cloned.1.call-start
scs
__scs_entry_jumppad:
0x0: {  	(pc) =	sbr.rel $0x88, $3  }
0x1: {  	(tag) =	ssettag $0x0;
	lr =	simm.s32 $0x1  }
0x2: {  	[smem:$0x3F94] =	sst lr;
	_ =	strace $0xD0000000  }
0x3: {  	_ = 	snop  }
0x4: {  	_ = 	snop  }
0x5: {  	_ = 	snop  }
0x6: {  	_ = 	snop  }
0x7: {  	_ = 	snop  }
__scs_overlays_trampoline_lowered:
0x8: {  	[smem:$0x3FA3] =	sst s0  }
0x9: {  	[smem:$0x3FA4] =	sst s1  }
0xa: {  	[smem:$0x3FA5] =	sst s2  }
0xb: {  	[smem:$0x3FA6] =	sst s3  }
0xc: {  	[smem:$0x3FA7] =	sst s4  }
0xd: {  	[smem:$0x3FA8] =	sst s5  }
0xe: {  	[smem:$0x3FA9] =	sst s6  }
0xf: {  	[smem:$0x3FAA] =	sst s7  }
0x10: {  	[smem:$0x3FAB] =	sst s8  }
0x11: {  	[smem:$0x3FAC] =	sst s9;
	s0 =	simm.s32 @!p0 $0x0  }
0x12: {  	s1 =	sld [smem:$0x3F92];
	s0 =	simm.s32 @p0 $0x1  }
0x13: {  	[smem:$0x3FAD] =	sst s0;
	s0 =	simm.s32 @!p1 $0x0  }
0x14: {  	s2 =	sld [smem:$0x3F91];
	s0 =	simm.s32 @p1 $0x1  }
0x15: {  	[smem:$0x3FAE] =	sst s0;
	s0 =	simm.s32 @!p2 $0x0  }
0x16: {  	s3 =	sld [smem:$0x3FDB];
	s0 =	simm.s32 @p2 $0x1  }
0x17: {  	s4 =	simm.s32 $0x1BF5;
	[smem:$0x3FB0] =	sst s0  }
0x18: {  	s0 =	sld [smem:$0x3F93];
	_ =	swait.ge [sflag:s4], $0x0  }
0x19: {  	s7 =	sld [smem:$0x3F94]  }
0x1a: {  	s8 =	sadd.s32 $0xFFFFE003, lr  }
0x1b: {  	s9 =	sadd.s32 $0xFFFFFEF7, lr;
	s5 =	simm.s32 $0xFFFFFFFF;
	p2 =	slt.u32 s8, $0xFFFFF086  }
0x1c: {  	p1 =	slt.u32 s9, $0xF7A;
	s5 =	simm.s32 @!p2 $0x0  }
0x1d: {  	s5 =	simm.s32 @p1 $0x1;
	p0 =	seq.s32 s7, s2  }
0x1e: {  	s7 =	smul.u32 @!p0 $0xF7A, s2;
	p2 =	seq.s32 @!p0 s5, $0x0  }
0x1f: {  	s9 =	smul.u32 $0xF7A, s1;
	s8 =	simm.s32 @!p0 $0x1BF5;
	p2 =	por !p2, p0  }
0x20: {  	[sflag:s8] =	ssyncset.s32 @!p0 $0xFFFFF086;
	s6 =	sadd.s32 @!p0 s3, s7;
	s7 =	simm.s32 @!p0 $0x108  }
0x21: {  	s3 =	sadd.s32 s3, s9;
	s6 =	sadd.s32 @!p0 $0x88, s6;
	s7 =	simm.s32 @p2 $0x1082  }
0x22: {  	[simem:s7], [sflag:s8] =	dma.local @!p0 [hbm:s6], $0xF7A  }
0x23: {  	s9 =	sor.u32 $0xD0000000, s2;
	s6 =	simm.s32 $0x108;
	_ =	swait.ge @!p0 [sflag:s8], $0x0  }
0x24: {  	s3 =	sadd.s32 $0x88, s3;
	s6 =	simm.s32 @!p1 $0x1082;
	[sflag:s4] =	ssyncset.s32 $0xFFFFF086  }
0x25: {  	[simem:s6], [sflag:s4] =	dma.local [hbm:s3], $0xF7A  }
0x26: {  	[smem:$0x3F94] =	sst s1;
	(tag) =	ssettag s2;
	_ =	strace s9  }
0x27: {  	s1 =	sld [smem:$0x3FA4]  }
0x28: {  	s2 =	sld [smem:$0x3FA5]  }
0x29: {  	s4 =	sld [smem:$0x3FA7]  }
0x2a: {  	p0 =	seq.s32 s5, $0x0;
	s5 =	sld [smem:$0x3FA8]  }
0x2b: {  	s6 =	sld [smem:$0x3FA9]  }
0x2c: {  	s7 =	sld [smem:$0x3FAA]  }
0x2d: {  	s3 =	simm.s32 $0x108;
	s8 =	sld [smem:$0x3FAB]  }
0x2e: {  	s3 =	simm.s32 @!p0 $0x1082;
	s9 =	sld [smem:$0x3FAC]  }
0x2f: {  	lr =	sadd.s32 s0, s3;
	s0 =	sld [smem:$0x3FA3]  }
0x30: {  	s3 =	sld [smem:$0x3FA6]  }
0x31: {  	[smem:$0x3FAF] =	sst s10  }
0x32: {  	s10 =	sld [smem:$0x3FAD];
	_ =	sdelay $0x3  }
0x33: {  	p0 =	seq.s32 s10, $0x1;
	s10 =	sld [smem:$0x3FAF];
	_ =	sdelay $0x3  }
0x34: {  	[smem:$0x3FAF] =	sst s10  }
0x35: {  	s10 =	sld [smem:$0x3FAE];
	_ =	sdelay $0x3  }
0x36: {  	p1 =	seq.s32 s10, $0x1;
	s10 =	sld [smem:$0x3FAF];
	_ =	sdelay $0x3  }
0x37: {  	[smem:$0x3FAF] =	sst s10  }
0x38: {  	s10 =	sld [smem:$0x3FB0]  }
0x39: {  	_ = 	snop;
	(pc) =	sbr.ind lr, $3  }
0x3a: {  	_ = 	snop  }
0x3b: {  	_ = 	snop  }
0x3c: {  	p2 =	seq.s32 s10, $0x1;
	s10 =	sld [smem:$0x3FAF]  }
0x3d: {  	_ =	shalt  }
0x3e: {  	_ =	shalt  }
0x3f: {  	_ =	shalt  }
0x40: {  	_ =	shalt  }
0x41: {  	_ =	shalt  }
0x42: {  	_ =	shalt  }
0x43: {  	_ =	shalt  }
0x44: {  	_ =	shalt  }
0x45: {  	_ =	shalt  }
0x46: {  	_ =	shalt  }
0x47: {  	_ =	shalt  }
0x48: {  	_ =	shalt  }
0x49: {  	_ =	shalt  }
0x4a: {  	_ =	shalt  }
0x4b: {  	_ =	shalt  }
0x4c: {  	_ =	shalt  }
0x4d: {  	_ =	shalt  }
0x4e: {  	_ =	shalt  }
0x4f: {  	_ =	shalt  }
0x50: {  	_ =	shalt  }
0x51: {  	_ =	shalt  }
0x52: {  	_ =	shalt  }
0x53: {  	_ =	shalt  }
0x54: {  	_ =	shalt  }
0x55: {  	_ =	shalt  }
0x56: {  	_ =	shalt  }
0x57: {  	_ =	shalt  }
0x58: {  	_ =	shalt  }
0x59: {  	_ =	shalt  }
0x5a: {  	_ =	shalt  }
0x5b: {  	_ =	shalt  }
0x5c: {  	_ =	shalt  }
0x5d: {  	_ =	shalt  }
0x5e: {  	_ =	shalt  }
0x5f: {  	_ =	shalt  }
0x60: {  	_ =	shalt  }
0x61: {  	_ =	shalt  }
0x62: {  	_ =	shalt  }
0x63: {  	_ =	shalt  }
0x64: {  	_ =	shalt  }
0x65: {  	_ =	shalt  }
0x66: {  	_ =	shalt  }
0x67: {  	_ =	shalt  }
0x68: {  	_ =	shalt  }
0x69: {  	_ =	shalt  }
0x6a: {  	_ =	shalt  }
0x6b: {  	_ =	shalt  }
0x6c: {  	_ =	shalt  }
0x6d: {  	_ =	shalt  }
0x6e: {  	_ =	shalt  }
0x6f: {  	_ =	shalt  }
0x70: {  	_ =	shalt  }
0x71: {  	_ =	shalt  }
0x72: {  	_ =	shalt  }
0x73: {  	_ =	shalt  }
0x74: {  	_ =	shalt  }
0x75: {  	_ =	shalt  }
0x76: {  	_ =	shalt  }
0x77: {  	_ =	shalt  }
0x78: {  	_ =	shalt  }
0x79: {  	_ =	shalt  }
0x7a: {  	_ =	shalt  }
0x7b: {  	_ =	shalt  }
0x7c: {  	_ =	shalt  }
0x7d: {  	_ =	shalt  }
0x7e: {  	_ =	shalt  }
0x7f: {  	_ =	shalt  }
0x80: {  	_ =	shalt  }
0x81: {  	_ =	shalt  }
0x82: {  	_ =	shalt  }
0x83: {  	_ =	shalt  }
0x84: {  	_ =	shalt  }
0x85: {  	_ =	shalt  }
0x86: {  	_ =	shalt  }
0x87: {  	_ =	shalt  }
.Lfunc_end0:
.L_simem_size_0:
called_computation.3_lowered:
.L_overlay_start_0:
0x88: {  	s2 =	sld [smem:$0x3FD9]  }
0x89: {  	s3 =	sld [smem:$0x3FFE];
	_ =	sdelay $0x1  }
0x8a: {  	s1 =	srdreg.scid  }
0x8b: {  	s0 =	sand.u32 $0x1, s1  }
0x8c: {  	s17 =	sshll.u32 s0, $0xA;
	s2 =	sadd.s32 s3, s2  }
0x8d: {  	s2 =	sadd.s32 s2, s17  }
0x8e: {  	[smem:$0x3FBB] =	sst s2  }
0x8f: {  	_ = 	snop  }
0x90: {  	(tm) =	ssettm $0x1  }
0x91: {  	s18 =	sld [smem:$0x3FFB];
	_ =	sdelay $0x3  }
0x92: {  	_ =	strace s18  }
0x93: {  	s2 =	sld [smem:$0x3FFC];
	_ =	sdelay $0x3  }
0x94: {  	_ =	strace s2  }
0x95: {  	s2 =	sld [smem:$0x3FFD];
	_ =	sdelay $0x3  }
0x96: {  	_ =	strace s2  }
0x97: {  	_ =	strace $0x8FFFFFFF  }
0x98: {  	s19 =	sld [smem:$0x3FDB];
	_ =	sdelay $0x1  }
0x99: {  	s20 =	simm.s32 $_scs_section_size  }
0x9a: {  	s4 =	simm.s32 $_size__tile_overlayer_lowered;
	s5 =	simm.s32 $_tile_overlayer_lowered  }
0x9b: {  	s6 =	simm.s32 $0x1BFF;
	s21 =	sshll.u32 s5, $0x1;
	s3 =	sadd.s32 s20, s19  }
0x9c: {  	s22 =	simm.s32 $0x0;
	s4 =	sshll.u32 s4, $0x1;
	s5 =	sadd.s32 s21, s3  }
0x9d: {  	[timem:s22], [sflag:s6] =	dma.local [hbm:s5], s4  }
0x9e: {  	_ =	swait.ge [sflag:s6], s4  }
0x9f: {  	s4 =	ssub.s32 $0x0, s4;
	[sflag:s6] =	ssyncset.done $0x0  }
0xa0: {  	[sflag:s6] =	ssyncadd.s32 s4;
	_ =	sdelay $0x1  }
0xa1: {  	s23 =	simm.s32 $0x1B8B  }
0xa2: {  	_ =	swait.ge [sflag:s23], $0x1  }
0xa3: {  	[sflag:s23] =	ssyncset.done $0x0  }
0xa4: {  	[sflag:s23] =	ssyncadd.s32 $0xFFFFFFFF  }
0xa5: {  	s4 =	sld [smem:$0x0]  }
0xa6: {  	s5 =	sand.u32 $0xFFFFFFFE, s1  }
0xa7: {  	p0 =	sne.s32 s1, s5  }
0xa8: {  	s5 =	sshll.u32 @p0 s5, $0xE  }
0xa9: {  	s5 =	sadd.s32 @p0 $0x11B8D, s5;
	s6 =	sshll.u32 @p0 s4, $0x11  }
0xaa: {  	s5 =	sor.u32 @p0 s6, s5  }
0xab: {  	[sflag:s5] =	ssyncadd.remote.s32 @p0 $0x1;
	_ =	sdelay $0x1  }
0xac: {  	s5 =	simm.s32 @p0 $0x1B8D  }
0xad: {  	_ =	swait.eq @p0 [sflag:s5], $0x1  }
0xae: {  	[sflag:s5] =	ssyncadd.s32 @p0 $0xFFFFFFFF  }
0xaf: {  	s6 =	sshll.u32 @!p0 s1, $0xE  }
0xb0: {  	s6 =	sor.u32 @!p0 $0x4000, s6;
	s5 =	simm.s32 @!p0 $0x1B8D  }
0xb1: {  	s4 =	sshll.u32 @!p0 s4, $0x11;
	s6 =	sadd.s32 @!p0 $0x11B8D, s6;
	_ =	swait.eq @!p0 [sflag:s5], $0x1  }
0xb2: {  	s4 =	sor.u32 @!p0 s4, s6;
	[sflag:s5] =	ssyncadd.s32 @!p0 $0xFFFFFFFF  }
0xb3: {  	s25 =	simm.s32 $0x1B8E;
	s24 =	sld [smem:$0x3FFE];
	[sflag:s4] =	ssyncadd.remote.s32 @!p0 $0x1  }
0xb4: {  	s26 =	simm.s32 $execute0_lowered;
	[smem:$0x3FD2] =	sst s25  }
0xb5: {  	s5 =	sshll.u32 s26, $0x1;
	_ =	strace $0x8000004F;
	[dreg:$0x1] =	wrdreg $0xFFFFFFFF  }
0xb6: {  	s28 =	simm.s32 $_size_execute0_lowered;
	s3 =	sadd.s32 s3, s5;
	[dreg:$0x0] =	wrdreg $0x0  }
0xb7: {  	s5 =	sshll.u32 s28, $0x1;
	[dreg:$0x2] =	wrdreg s3  }
0xb8: {  	[dreg:$0x3] =	wrdreg s5  }
0xb9: {  	[dreg:$0x4] =	wrdreg $0xC0  }
0xba: {  	_ =	task [dreg:s22], $0x5FFFF  }
0xbb: {  	[dreg:$0x1] =	wrdreg $0xFFFFFFFF  }
0xbc: {  	[dreg:$0x0] =	wrdreg $0x60  }
0xbd: {  	[dreg:$0x2] =	wrdreg s24  }
0xbe: {  	[dreg:$0x3] =	wrdreg $0x0  }
0xbf: {  	[dreg:$0x4] =	wrdreg $0xA  }
0xc0: {  	_ =	task.clear_ibuf [dreg:s22], $0x5FFFF;
	_ =	strace $0x9000004F  }
0xc1: {  	s29 =	simm.s32 $0xA;
	_ =	strace $0x80000051  }
0xc2: {  	_ =	swait.ge [sflag:s29], $0x1  }
0xc3: {  	[sflag:s29] =	ssyncadd.s32 $0xFFFFFFFF  }
0xc4: {  	_ =	strace $0x90000051  }
0xc5: {  	_ =	sfence  }
0xc6: {  	s30 =	sld [smem:$0x0];
	_ =	sdelay $0x2  }
0xc7: {  	s31 =	sshll.u32 s1, $0xD;
	s1 =	sshrl.u32 s1, $0x2  }
0xc8: {  	s4 =	sand.u32 $0x4000, s31;
	s1 =	sadd.s32 s1, s30  }
0xc9: {  	s0 =	sor.u32 s4, s0;
	s1 =	sshll.u32 s1, $0x11  }
0xca: {  	s0 =	sor.u32 s1, s0  }
0xcb: {  	s0 =	sadd.s32 $0x8F2B, s0  }
0xcc: {  	[sflag:s0] =	ssyncadd.remote.s32 $0x1  }
0xcd: {  	_ =	sfence.sel $0xFFFF  }
0xce: {  	[dreg:$0x0] =	wrdreg $0xFFFFFFFF;
	(pc) =	sbr.abs _section_cstart, $3  }
0xcf: {  	[dreg:$0x1] =	wrdreg $0xFFFFFFFF  }
0xd0: {  	_ =	task.clear_ibuf [dreg:s22], $0x2FFFF;
	_ =	strace $0x9FFFFFFF  }
0xd1: {  	(tm) =	ssettm $0x7FFFFFFF  }
tec
execute0_lowered:
.L_overlay_start_1:
0x0: {  	(tag) =	ssettag $0x1  }
0x1: {  	s0 =	rddreg [dreg:$0x0]  }
0x2: {  	s2 =	rddreg [dreg:$0x1]  }
0x3: {  	s13 =	stileid.u32;
	s3 =	simm.s32 $0x0;
	s5 =	srdreg.scid  }
0x4: {  	s28 =	simm.s32 $0xC5C0;
	s29 =	simm.s32 $0xC6A0;
	s30 =	simm.s32 $0xE380  }
0x5: {  	s31 =	simm.s32 $0xF180;
	s1 =	smul.u32 $0x18800, s13;
	[smem:$0x7FF] =	sst s3  }
0x6: {  	s7 =	sadd.s32 $0x1F000, s0;
	s8 =	sadd.s32 $0x6800, s0;
	s9 =	sand.u32 $0x1, s5  }
0x7: {  	s5 =	sadd.s32 $0x769800, s0;
	s10 =	sshll.u32 s13, $0x1;
	s23 =	smul.u32 $0xC400, s13  }
0x8: {  	s19 =	ssub.s32 $0x2, s9;
	s10 =	sor.u32 s9, s10;
	s9 =	smul.u32 $0x6200, s9  }
0x9: {  	s21 =	sshll.u32 s13, $0x6;
	_ =	strace $0x80000050;
	s20 =	smul.u32 $0x6200, s10  }
0xa: {  	s4 =	sshrl.u32 s1, $0x4;
	s11 =	sshrl.u32 s19, $0x1;
	s12 =	smul.u32 $0xC4000, s10  }
0xb: {  	s1 =	sshrl.u32 s1, $0x1;
	s14 =	smul.u32 $0xC400, s10;
	s6 =	sadd.s32 s4, s0  }
0xc: {  	s4 =	sadd.s32 $0x1A6600, s0;
	s0 =	ssub.s32 s19, s11;
	s1 =	sadd.s32 s1, s2  }
0xd: {  	s9 =	sadd.s32 s9, s23;
	s6 =	sadd.s32 $0xFB800, s6;
	s22 =	sshrl.u32 s20, $0x3  }
0xe: {  	s16 =	sshrl.u32 s12, $0x4;
	s17 =	sadd.s32 s4, s14;
	s18 =	sadd.s32 $0x2A0, s9  }
0xf: {  	s23 =	sor.u32 $0x1C0, s9;
	[dreg:$0x6] =	wrdreg s6;
	s6 =	sor.u32 $0x1C05, s21  }
0x10: {  	s24 =	sadd.s32 s7, s22;
	s25 =	sor.u32 $0x1C, s22;
	[dreg:$0xc] =	wrdreg s17  }
0x11: {  	s10 =	sadd.s32 $0xC240, s16;
	s20 =	sshrl.u32 s18, $0x3;
	s16 =	smax.u32 s0, $0x1  }
0x12: {  	s18 =	sshll.u32 s23, $0x1;
	s0 =	simm.s32 $0x1;
	[dreg:$0x7] =	wrdreg s6  }
0x13: {  	[dreg:$0x8] =	wrdreg s24;
	s6 =	sadd.s32 s8, s22;
	s26 =	sadd.s32 s7, s25  }
0x14: {  	s15 =	sadd.s32 s8, s25;
	s19 =	sadd.s32 s4, s10;
	[dreg:$0x9] =	wrdreg s6  }
0x15: {  	s21 =	sadd.s32 s20, s8;
	s22 =	sadd.s32 s20, s7;
	[dreg:$0xa] =	wrdreg s26  }
0x16: {  	s24 =	sshll.u32 s9, $0x1;
	s25 =	sshrl.u32 s23, $0x3;
	[dreg:$0xb] =	wrdreg s15  }
0x17: {  	s20 =	sshrl.u32 s1, $0x3;
	s23 =	simm.s32 $0xC4E0;
	[dreg:$0xe] =	wrdreg s19  }
0x18: {  	s1 =	simm.s32 $0x3;
	s6 =	sadd.s32 s5, s14;
	[dreg:$0x3] =	wrdreg s21  }
0x19: {  	s15 =	sadd.s32 s5, s10;
	[dreg:$0x4] =	wrdreg s22;
	s17 =	sor.u32 $0x1C0, s24  }
0x1a: {  	s26 =	sadd.s32 s25, s8;
	s19 =	sadd.s32 s25, s7;
	s21 =	simm.s32 $0x5  }
0x1b: {  	s22 =	simm.s32 $0xC400;
	s24 =	simm.s32 $0xE0;
	s25 =	simm.s32 $0xC780  }
0x1c: {  	s7 =	simm.s32 $0x4;
	s8 =	simm.s32 $0x0;
	[dreg:$0xd] =	wrdreg s6  }
0x1d: {  	[dreg:$0x5] =	wrdreg s26;
	s26 =	simm.s32 $0xD580;
	s6 =	simm.s32 $0x2  }
.LBB2_1:
0x1e: {  	s9 =	rddreg [dreg:$0x6]  }
0x1f: {  	s10 =	rddreg [dreg:$0x7]  }
0x20: {  	[spmem:s20], [sflag:s10] =	dma.local [hbm:s9], $0x1880  }
0x21: {  	_ =	swait.ge [sflag:s21], $0x1880  }
0x22: {  	[sflag:s21] =	ssyncset.done $0x0  }
0x23: {  	[sflag:s21] =	ssyncadd.s32 $0xFFFFE780  }
0x24: {  	[bflag:$0x0] =	sbarrier.arrive $0xFFFF  }
0x25: {  	s10 =	rddreg [dreg:$0x8]  }
0x26: {  	[tilespmem:s22], [sflag:$0x5] =	stream.linear.gather [hbm4b:s10+s3], $0xE0, $0x38;
	[tilespmem:$0xFF80] =	vst v63  }
0x27: {  	_ =	swait.ge [sflag:s21], $0xE0  }
0x28: {  	[sflag:s21] =	ssyncset.done $0x0  }
0x29: {  	s11 =	rddreg [dreg:$0x9];
	[sflag:s21] =	ssyncadd.s32 $0xFFFFFF20  }
0x2a: {  	[tilespmem:s23], [sflag:$0x5] =	stream.linear.gather [hbm4b:s11+s3], $0xE0, $0x38;
	[tilespmem:$0xFF80] =	vst v63  }
0x2b: {  	_ =	swait.ge [sflag:s21], $0xE0  }
0x2c: {  	[sflag:s21] =	ssyncset.done $0x0  }
0x2d: {  	[sflag:s21] =	ssyncadd.s32 $0xFFFFFF20  }
0x2e: {  	[tilespmem:s25], [sflag:$0x1] =	stream.indirect.gather [spmem:s2], $0x10, s22, s24, $0xb8;
	[tilespmem:$0xFF80] =	vst v63  }
0x2f: {  	_ = 	snop  }
0x30: {  	[tilespmem:s26], [sflag:$0x1] =	stream.indirect.gather [spmem:s2], $0x10, s23, s24, $0xb8;
	[tilespmem:$0xFF80] =	vst v63  }
0x31: {  	s12 =	rddreg [dreg:$0xa]  }
0x32: {  	[tilespmem:s28], [sflag:$0x5] =	stream.linear.gather [hbm4b:s12+s3], $0xE0, $0x38;
	[tilespmem:$0xFF80] =	vst v63  }
0x33: {  	_ =	swait.ge [sflag:s21], $0xE0  }
0x34: {  	[sflag:s21] =	ssyncset.done $0x0  }
0x35: {  	s13 =	rddreg [dreg:$0xb];
	[sflag:s21] =	ssyncadd.s32 $0xFFFFFF20  }
0x36: {  	[tilespmem:s29], [sflag:$0x5] =	stream.linear.gather [hbm4b:s13+s3], $0xE0, $0x38;
	[tilespmem:$0xFF80] =	vst v63  }
0x37: {  	_ =	swait.ge [sflag:s21], $0xE0  }
0x38: {  	[sflag:s21] =	ssyncset.done $0x0  }
0x39: {  	[sflag:s21] =	ssyncadd.s32 $0xFFFFFF20  }
0x3a: {  	[tilespmem:s30], [sflag:$0x2] =	stream.indirect.gather [spmem:s2], $0x10, s28, s24, $0xb8;
	[tilespmem:$0xFF80] =	vst v63  }
0x3b: {  	_ = 	snop  }
0x3c: {  	[tilespmem:s31], [sflag:$0x2] =	stream.indirect.gather [spmem:s2], $0x10, s29, s24, $0xb8;
	[tilespmem:$0xFF80] =	vst v63  }
0x3d: {  	_ =	swait.ge [sflag:s0], $0xE00  }
0x3e: {  	[sflag:s0] =	ssyncset.done $0x0  }
0x3f: {  	[sflag:s0] =	ssyncadd.s32 $0xFFFFF200  }
0x40: {  	_ =	swait.ge [sflag:s0], $0xE00  }
0x41: {  	[sflag:s0] =	ssyncset.done $0x0  }
0x42: {  	s14 =	rddreg [dreg:$0xc];
	[sflag:s0] =	ssyncadd.s32 $0xFFFFF200  }
0x43: {  	[hbm4b:s14+s3] =	stream.linear.scatter [tilespmem:s25], [sflag:$0x3], $0xE00, $0x38;
	[tilespmem:$0xFF80] =	vst v63  }
0x44: {  	s10 =	rddreg [dreg:$0xd]  }
0x45: {  	[hbm4b:s10+s3] =	stream.linear.scatter [tilespmem:s26], [sflag:$0x3], $0xE00, $0x38;
	[tilespmem:$0xFF80] =	vst v63  }
0x46: {  	s11 =	sadd.s32 $0x0, s19  }
0x47: {  	[tilespmem:s22], [sflag:$0x5] =	stream.linear.gather [hbm4b:s11+s3], $0xE0, $0x38;
	[tilespmem:$0xFF80] =	vst v63  }
0x48: {  	_ =	swait.ge [sflag:s21], $0xE0  }
0x49: {  	s12 =	rddreg [dreg:$0x5];
	[sflag:s21] =	ssyncset.done $0x0  }
0x4a: {  	[sflag:s21] =	ssyncadd.s32 $0xFFFFFF20;
	s9 =	sadd.s32 $0x0, s12  }
0x4b: {  	[tilespmem:s23], [sflag:$0x5] =	stream.linear.gather [hbm4b:s9+s3], $0xE0, $0x38;
	[tilespmem:$0xFF80] =	vst v63  }
0x4c: {  	_ =	swait.ge [sflag:s21], $0xE0  }
0x4d: {  	[sflag:s21] =	ssyncset.done $0x0  }
0x4e: {  	[sflag:s21] =	ssyncadd.s32 $0xFFFFFF20  }
0x4f: {  	_ =	swait.ge [sflag:s1], $0xE00  }
0x50: {  	[sflag:s1] =	ssyncset.done $0x0  }
0x51: {  	[sflag:s1] =	ssyncadd.s32 $0xFFFFF200  }
0x52: {  	_ =	swait.ge [sflag:s1], $0xE00  }
0x53: {  	[sflag:s1] =	ssyncset.done $0x0  }
0x54: {  	[sflag:s1] =	ssyncadd.s32 $0xFFFFF200  }
0x55: {  	[tilespmem:s25], [sflag:$0x1] =	stream.indirect.gather [spmem:s2], $0x10, s22, s24, $0xb8;
	[tilespmem:$0xFF80] =	vst v63  }
0x56: {  	_ = 	snop  }
0x57: {  	[tilespmem:s26], [sflag:$0x1] =	stream.indirect.gather [spmem:s2], $0x10, s23, s24, $0xb8;
	[tilespmem:$0xFF80] =	vst v63  }
0x58: {  	_ =	swait.ge [sflag:s6], $0xE00  }
0x59: {  	[sflag:s6] =	ssyncset.done $0x0  }
0x5a: {  	[sflag:s6] =	ssyncadd.s32 $0xFFFFF200  }
0x5b: {  	_ =	swait.ge [sflag:s6], $0xE00  }
0x5c: {  	[sflag:s6] =	ssyncset.done $0x0  }
0x5d: {  	s13 =	sadd.s32 s4, s17;
	[sflag:s6] =	ssyncadd.s32 $0xFFFFF200  }
0x5e: {  	[hbm4b:s13+s3] =	stream.linear.scatter [tilespmem:s30], [sflag:$0x4], $0xE00, $0x38;
	[tilespmem:$0xFF80] =	vst v63  }
0x5f: {  	s11 =	sadd.s32 s5, s17;
	s14 =	rddreg [dreg:$0x4]  }
0x60: {  	[hbm4b:s11+s3] =	stream.linear.scatter [tilespmem:s31], [sflag:$0x4], $0xE00, $0x38;
	[tilespmem:$0xFF80] =	vst v63  }
0x61: {  	s12 =	sadd.s32 $0x0, s14  }
0x62: {  	[tilespmem:s28], [sflag:$0x5] =	stream.linear.gather [hbm4b:s12+s3], $0xE0, $0x38;
	[tilespmem:$0xFF80] =	vst v63  }
0x63: {  	_ =	swait.ge [sflag:s21], $0xE0  }
0x64: {  	s13 =	rddreg [dreg:$0x3];
	[sflag:s21] =	ssyncset.done $0x0  }
0x65: {  	[sflag:s21] =	ssyncadd.s32 $0xFFFFFF20;
	s9 =	sadd.s32 $0x0, s13  }
0x66: {  	[tilespmem:s29], [sflag:$0x5] =	stream.linear.gather [hbm4b:s9+s3], $0xE0, $0x38;
	[tilespmem:$0xFF80] =	vst v63  }
0x67: {  	_ =	swait.ge [sflag:s21], $0xE0  }
0x68: {  	[sflag:s21] =	ssyncset.done $0x0  }
0x69: {  	[sflag:s21] =	ssyncadd.s32 $0xFFFFFF20  }
0x6a: {  	_ =	swait.ge [sflag:s7], $0xE00  }
0x6b: {  	[sflag:s7] =	ssyncset.done $0x0  }
0x6c: {  	[sflag:s7] =	ssyncadd.s32 $0xFFFFF200  }
0x6d: {  	_ =	swait.ge [sflag:s7], $0xE00  }
0x6e: {  	[sflag:s7] =	ssyncset.done $0x0  }
0x6f: {  	[sflag:s7] =	ssyncadd.s32 $0xFFFFF200  }
0x70: {  	[tilespmem:s30], [sflag:$0x2] =	stream.indirect.gather [spmem:s2], $0x10, s28, s24, $0xb8;
	[tilespmem:$0xFF80] =	vst v63  }
0x71: {  	_ = 	snop  }
0x72: {  	[tilespmem:s31], [sflag:$0x2] =	stream.indirect.gather [spmem:s2], $0x10, s29, s24, $0xb8;
	[tilespmem:$0xFF80] =	vst v63  }
0x73: {  	_ =	swait.ge [sflag:s0], $0xE00  }
0x74: {  	[sflag:s0] =	ssyncset.done $0x0  }
0x75: {  	[sflag:s0] =	ssyncadd.s32 $0xFFFFF200  }
0x76: {  	s10 =	sadd.s32 $0x380, s4;
	_ =	swait.ge [sflag:s0], $0xE00  }
0x77: {  	s14 =	sadd.s32 s4, s18;
	s11 =	sadd.s32 $0x380, s5;
	[sflag:s0] =	ssyncset.done $0x0  }
0x78: {  	s12 =	sadd.s32 s5, s18;
	s9 =	simm.s32 $0x38;
	[sflag:s0] =	ssyncadd.s32 $0xFFFFF200  }
0x79: {  	[hbm4b:s14+s3] =	stream.linear.scatter [tilespmem:s25], [sflag:$0x3], $0xE00, $0x38;
	[tilespmem:$0xFF80] =	vst v63  }
.LBB2_2:
0x7a: {  	[hbm4b:s12+s3] =	stream.linear.scatter [tilespmem:s26], [sflag:$0x3], $0xE00, $0x38;
	[tilespmem:$0xFF80] =	vst v63  }
0x7b: {  	s12 =	smov.u32 s9  }
0x7c: {  	s13 =	sadd.s32 s12, s19  }
0x7d: {  	[tilespmem:s22], [sflag:$0x5] =	stream.linear.gather [hbm4b:s13+s3], $0xE0, $0x38;
	[tilespmem:$0xFF80] =	vst v63  }
0x7e: {  	_ =	swait.ge [sflag:s21], $0xE0  }
0x7f: {  	s14 =	rddreg [dreg:$0x5];
	[sflag:s21] =	ssyncset.done $0x0  }
0x80: {  	[sflag:s21] =	ssyncadd.s32 $0xFFFFFF20;
	s13 =	sadd.s32 s12, s14  }
0x81: {  	[tilespmem:s23], [sflag:$0x5] =	stream.linear.gather [hbm4b:s13+s3], $0xE0, $0x38;
	[tilespmem:$0xFF80] =	vst v63  }
0x82: {  	_ =	swait.ge [sflag:s21], $0xE0  }
0x83: {  	[sflag:s21] =	ssyncset.done $0x0  }
0x84: {  	[sflag:s21] =	ssyncadd.s32 $0xFFFFFF20  }
0x85: {  	_ =	swait.ge [sflag:s1], $0xE00  }
0x86: {  	[sflag:s1] =	ssyncset.done $0x0  }
0x87: {  	[sflag:s1] =	ssyncadd.s32 $0xFFFFF200  }
0x88: {  	_ =	swait.ge [sflag:s1], $0xE00  }
0x89: {  	[sflag:s1] =	ssyncset.done $0x0  }
0x8a: {  	[sflag:s1] =	ssyncadd.s32 $0xFFFFF200  }
0x8b: {  	[tilespmem:s25], [sflag:$0x1] =	stream.indirect.gather [spmem:s2], $0x10, s22, s24, $0xb8;
	[tilespmem:$0xFF80] =	vst v63  }
0x8c: {  	_ = 	snop  }
0x8d: {  	[tilespmem:s26], [sflag:$0x1] =	stream.indirect.gather [spmem:s2], $0x10, s23, s24, $0xb8;
	[tilespmem:$0xFF80] =	vst v63  }
0x8e: {  	_ =	swait.ge [sflag:s6], $0xE00  }
0x8f: {  	[sflag:s6] =	ssyncset.done $0x0  }
0x90: {  	[sflag:s6] =	ssyncadd.s32 $0xFFFFF200  }
0x91: {  	_ =	swait.ge [sflag:s6], $0xE00  }
0x92: {  	[sflag:s6] =	ssyncset.done $0x0  }
0x93: {  	s13 =	sadd.s32 s10, s17;
	[sflag:s6] =	ssyncadd.s32 $0xFFFFF200  }
0x94: {  	[hbm4b:s13+s3] =	stream.linear.scatter [tilespmem:s30], [sflag:$0x4], $0xE00, $0x38;
	[tilespmem:$0xFF80] =	vst v63  }
0x95: {  	s14 =	rddreg [dreg:$0x4];
	s13 =	sadd.s32 s11, s17  }
0x96: {  	[hbm4b:s13+s3] =	stream.linear.scatter [tilespmem:s31], [sflag:$0x4], $0xE00, $0x38;
	[tilespmem:$0xFF80] =	vst v63  }
0x97: {  	s14 =	sadd.s32 s12, s14  }
0x98: {  	[tilespmem:s28], [sflag:$0x5] =	stream.linear.gather [hbm4b:s14+s3], $0xE0, $0x38;
	[tilespmem:$0xFF80] =	vst v63  }
0x99: {  	_ =	swait.ge [sflag:s21], $0xE0  }
0x9a: {  	s14 =	rddreg [dreg:$0x3];
	[sflag:s21] =	ssyncset.done $0x0  }
0x9b: {  	[sflag:s21] =	ssyncadd.s32 $0xFFFFFF20;
	s12 =	sadd.s32 s12, s14  }
0x9c: {  	[tilespmem:s29], [sflag:$0x5] =	stream.linear.gather [hbm4b:s12+s3], $0xE0, $0x38;
	[tilespmem:$0xFF80] =	vst v63  }
0x9d: {  	_ =	swait.ge [sflag:s21], $0xE0  }
0x9e: {  	[sflag:s21] =	ssyncset.done $0x0  }
0x9f: {  	[sflag:s21] =	ssyncadd.s32 $0xFFFFFF20  }
0xa0: {  	_ =	swait.ge [sflag:s7], $0xE00  }
0xa1: {  	[sflag:s7] =	ssyncset.done $0x0  }
0xa2: {  	[sflag:s7] =	ssyncadd.s32 $0xFFFFF200  }
0xa3: {  	_ =	swait.ge [sflag:s7], $0xE00  }
0xa4: {  	[sflag:s7] =	ssyncset.done $0x0  }
0xa5: {  	[sflag:s7] =	ssyncadd.s32 $0xFFFFF200  }
0xa6: {  	[tilespmem:s30], [sflag:$0x2] =	stream.indirect.gather [spmem:s2], $0x10, s28, s24, $0xb8;
	[tilespmem:$0xFF80] =	vst v63  }
0xa7: {  	_ = 	snop  }
0xa8: {  	[tilespmem:s31], [sflag:$0x2] =	stream.indirect.gather [spmem:s2], $0x10, s29, s24, $0xb8;
	[tilespmem:$0xFF80] =	vst v63  }
0xa9: {  	_ =	swait.ge [sflag:s0], $0xE00  }
0xaa: {  	p0 =	sne.s32 s9, $0xBD0;
	[sflag:s0] =	ssyncset.done $0x0  }
.Ltmp0:
0xab: {  	[sflag:s0] =	ssyncadd.s32 $0xFFFFF200;
	(pc) =	sbr.rel @p0 .LBB2_2-.Ltmp0, $4  }
0xac: {  	s9 =	sadd.s32 $0x38, s9;
	_ =	swait.ge [sflag:s0], $0xE00  }
0xad: {  	s14 =	sadd.s32 s10, s18;
	s10 =	sadd.s32 $0x380, s10;
	[sflag:s0] =	ssyncset.done $0x0  }
0xae: {  	s12 =	sadd.s32 s11, s18;
	s11 =	sadd.s32 $0x380, s11;
	[sflag:s0] =	ssyncadd.s32 $0xFFFFF200  }
0xaf: {  	[hbm4b:s14+s3] =	stream.linear.scatter [tilespmem:s25], [sflag:$0x3], $0xE00, $0x38;
	[tilespmem:$0xFF80] =	vst v63  }
0xb0: {  	[hbm4b:s12+s3] =	stream.linear.scatter [tilespmem:s26], [sflag:$0x3], $0xE00, $0x38;
	[tilespmem:$0xFF80] =	vst v63  }
0xb1: {  	_ =	swait.ge [sflag:s6], $0xE00  }
0xb2: {  	[sflag:s6] =	ssyncset.done $0x0  }
0xb3: {  	[sflag:s6] =	ssyncadd.s32 $0xFFFFF200  }
0xb4: {  	_ =	swait.ge [sflag:s6], $0xE00  }
0xb5: {  	[sflag:s6] =	ssyncset.done $0x0  }
0xb6: {  	s9 =	rddreg [dreg:$0xe];
	[sflag:s6] =	ssyncadd.s32 $0xFFFFF200  }
0xb7: {  	[hbm4b:s9+s3] =	stream.linear.scatter [tilespmem:s30], [sflag:$0x4], $0xE00, $0x38;
	[tilespmem:$0xFF80] =	vst v63  }
0xb8: {  	_ = 	snop  }
0xb9: {  	[hbm4b:s15+s3] =	stream.linear.scatter [tilespmem:s31], [sflag:$0x4], $0xE00, $0x38;
	[tilespmem:$0xFF80] =	vst v63  }
0xba: {  	_ =	swait.ge [sflag:s1], $0xE00  }
0xbb: {  	[sflag:s1] =	ssyncset.done $0x0  }
0xbc: {  	[sflag:s1] =	ssyncadd.s32 $0xFFFFF200  }
0xbd: {  	_ =	swait.ge [sflag:s1], $0xE00  }
0xbe: {  	[sflag:s1] =	ssyncset.done $0x0  }
0xbf: {  	s8 =	sadd.s32 $0x1, s8;
	[sflag:s1] =	ssyncadd.s32 $0xFFFFF200  }
0xc0: {  	p0 =	sne.s32 s8, s16;
	_ =	swait.ge [sflag:s7], $0xE00  }
.Ltmp1:
0xc1: {  	[sflag:s7] =	ssyncset.done $0x0;
	(pc) =	sbr.rel @p0 .LBB2_1-.Ltmp1, $4  }
0xc2: {  	[sflag:s7] =	ssyncadd.s32 $0xFFFFF200  }
0xc3: {  	_ =	swait.ge [sflag:s7], $0xE00  }
0xc4: {  	[sflag:s7] =	ssyncset.done $0x0  }
0xc5: {  	[sflag:s7] =	ssyncadd.s32 $0xFFFFF200  }
0xc6: {  	_ =	sfence.sel $0x180000  }
0xc7: {  	[bflag:$0x0] =	sbarrier.arrive $0xFFFF  }
0xc8: {  	_ =	strace $0x90000050  }
0xc9: {  	s0 =	stileid.u32;
	[bflag:$0x2] =	sbarrier.arrive $0xFFFF  }
0xca: {  	p0 =	sne.s32 s0, $0x0;
	s0 =	rddreg [dreg:$0x2]  }
0xcb: {  	s0 =	sadd.s32 @!p0 $0x100000, s0  }
0xcc: {  	[sflag:s0] =	ssyncadd.tile.s32 @!p0 $0x1;
	_ =	shalt  }
.Lfunc_end2:
_tile_overlayer_lowered:
.L_overlay_start_2:
0xcd: {  	(tag) =	ssettag $0x2  }
0xce: {  	s0 =	rddreg [dreg:$0x0];
	s2 =	stileid.u32  }
0xcf: {  	s1 =	rddreg [dreg:$0x1];
	p0 =	sne.s32 s2, $0x0  }
0xd0: {  	s3 =	rddreg [dreg:$0x2];
	[bflag:$0x3] =	sbarrier.arrive $0xFFFF;
	s2 =	simm.s32 @!p0 $0x1C05  }
0xd1: {  	[timem:s3], [sflag:s2] =	dma.local @!p0 [hbm:s0], s1  }
0xd2: {  	s0 =	simm.s32 @!p0 $0x5  }
0xd3: {  	_ =	swait.ge @!p0 [sflag:s0], s1  }
0xd4: {  	s1 =	ssub.s32 @!p0 $0x0, s1;
	[sflag:s0] =	ssyncset.done @!p0 $0x0  }
0xd5: {  	[sflag:s0] =	ssyncadd.s32 @!p0 s1  }
0xd6: {  	[bflag:$0x3] =	sbarrier.arrive $0xFFFF  }
0xd7: {  	_ =	shalt  }

</sc_bundles>
